<compile_context>
chip_gen: v7x
topology: tpu7x:2x2x1
jax: 0.10.2.dev20260603
libtpu: 0.0.44.dev20260713+nightly
codegen_flags: <defaults>
</compile_context>

<pallas_src>
import functools

import jax
import jax.numpy as jnp
from jax import lax
from jax.experimental import pallas as pl
from jax.experimental.pallas import tpu as pltpu
from jax.experimental.pallas import tpu_sc as plsc

DIM = 64
BW = 128
SB = 2
NSEQ = 50
NBLK = NSEQ // SB


@functools.lru_cache(maxsize=None)
def _make_gather():
    mesh = plsc.VectorSubcoreMesh(core_axis_name="c", subcore_axis_name="s")

    @functools.partial(
        pl.kernel,
        mesh=mesh,
        compiler_params=pltpu.CompilerParams(
            use_tc_tiling_on_sc=False, needs_layout_passes=False
        ),
        out_type=jax.ShapeDtypeStruct((NSEQ, 8, 32, 8, BW), jnp.float32),
        scratch_types=[
            pltpu.VMEM((NSEQ, BW), jnp.int32),
            pltpu.VMEM((SB, BW, DIM), jnp.float32),
            pltpu.VMEM((SB, BW, DIM), jnp.float32),
            pltpu.VMEM((SB * DIM, BW + 1), jnp.float32),
            pltpu.VMEM((SB * DIM, BW + 1), jnp.float32),
            pltpu.SemaphoreType.DMA,
            pltpu.SemaphoreType.DMA,
            pltpu.SemaphoreType.DMA,
            pltpu.SemaphoreType.DMA,
            pltpu.SemaphoreType.DMA,
        ],
    )
    def gather_kernel(x_hbm, w_hbm, out_hbm, idx_v, g0, g1, t0, t1, sem_i,
                      sg0, sg1, sw0, sw1):
        wid = lax.axis_index("s") * 2 + lax.axis_index("c")
        gbuf = (g0, g1)
        gsem = (sg0, sg1)
        tbuf = (t0, t1)
        wsem = (sw0, sw1)

        pltpu.async_copy(x_hbm.at[wid], idx_v, sem_i).wait()

        iota = lax.broadcasted_iota(jnp.int32, (16,), 0)

        def fire(blk, b):
            for s_l in range(SB):
                pltpu.async_copy(
                    w_hbm.at[idx_v.at[blk * SB + s_l]],
                    gbuf[b].at[s_l],
                    gsem[b],
                )

        def drain(b):
            for s_l in range(SB):
                pltpu.make_async_copy(
                    w_hbm.at[pl.ds(0, BW)], gbuf[b].at[s_l], gsem[b]
                ).wait()

        def transpose_block(b):
            @plsc.parallel_loop(0, SB * BW, unroll=8)
            def _t(k):
                s_l = k // BW
                tok = k % BW
                src = gbuf[b].at[s_l, tok]
                col = jnp.zeros((16,), jnp.int32) + tok
                base = s_l * DIM
                for q in range(4):
                    v = src[pl.ds(16 * q, 16)]
                    plsc.store_scatter(
                        tbuf[b], [iota + (base + 16 * q), col], v
                    )

        def _write_slices(blk, b):
            for s_l in range(SB):
                for i in range(8):
                    yield (
                        tbuf[b].at[pl.ds(s_l * DIM + 8 * i, 8),
                                   pl.ds(0, BW)],
                        out_hbm.at[blk * SB + s_l, i, wid],
                    )

        def start_write(blk, b):
            for src, dst in _write_slices(blk, b):
                pltpu.async_copy(src, dst, wsem[b])

        def drain_write(b):
            for src, dst in _write_slices(0, b):
                pltpu.make_async_copy(src, dst, wsem[b]).wait()

        fire(0, 0)

        @pl.loop(0, NBLK - 1, step=2)
        def _main(t):
            for b in range(2):
                blk = t + b
                fire(blk + 1, 1 - b)
                drain(b)

                @pl.when(blk >= 2)
                def _():
                    drain_write(b)

                transpose_block(b)
                start_write(blk, b)

        drain(0)
        drain_write(0)
        transpose_block(0)
        start_write(NBLK - 1, 0)
        drain_write(1)
        drain_write(0)

    return gather_kernel


def kernel(x, weight):
    b0, s = x.shape
    v, dim = weight.shape
    xr = x.astype(jnp.int32).T.reshape(s, 32, BW).transpose(1, 0, 2)
    out5 = _make_gather()(xr, weight)
    return out5.transpose(2, 4, 0, 1, 3).reshape(b0, s, dim)

# --- scband reference (transcript-rebuilt; emitter-appended) ---
"""Pipeline reference for scband-parallel-embedding-30485677867936 (READ-ONLY COPY).

The authoritative reference and input builder live on the scoring server;
editing this copy changes nothing except your own understanding.
"""

import jax, jax.numpy as jnp
import numpy as np

PART_VOCAB = 1000000 // 8  # 125000
DIM = 64

def setup_inputs(seed: int = 0) -> dict:
    key = jax.random.key(seed)
    k1, k2 = jax.random.split(key)
    x = jax.random.randint(k1, (4096, 50), 0, PART_VOCAB, dtype=jnp.int64)
    weight = jax.random.normal(k2, (PART_VOCAB, DIM), dtype=jnp.float32) * 0.02
    return {"x": x, "weight": weight}

def reference(x, weight):
    part_vocab_size = weight.shape[0]
    mask = (x < 0) | (x >= part_vocab_size)
    x_clamped = jnp.clip(x, 0, part_vocab_size - 1)
    y = jnp.take(weight, x_clamped, axis=0)
    y = jnp.where(mask[..., None], 0.0, y)
    return y

if __name__ == "__main__":
    import jax
    _d = setup_inputs()
    print(jax.jit(kernel)(*tuple(_d.values())))

</pallas_src>

<mosaic_0001>
#map = affine_map<(d0, d1) -> (0, 0, 0)>
#map1 = affine_map<(d0, d1) -> (0, 0)>
#map2 = affine_map<(d0, d1) -> (0, 0, 0, 0, 0)>
module attributes {stable_mosaic.version = 14 : i64} {
  func.func @gather_kernel(%arg0: i32, %arg1: i32, %arg2: memref<32x50x128xi32, #tpu.memory_space<hbm>>, %arg3: memref<125000x64xf32, #tpu.memory_space<hbm>>, %arg4: memref<50x8x32x8x128xf32, #tpu.memory_space<hbm>>, %arg5: memref<50x128xi32, #tpu.memory_space<vmem>>, %arg6: memref<2x128x64xf32, #tpu.memory_space<vmem>>, %arg7: memref<2x128x64xf32, #tpu.memory_space<vmem>>, %arg8: memref<128x129xf32, #tpu.memory_space<vmem>>, %arg9: memref<128x129xf32, #tpu.memory_space<vmem>>, %arg10: memref<!tpu.dma_semaphore, #tpu.memory_space<semaphore_mem>>, %arg11: memref<!tpu.dma_semaphore, #tpu.memory_space<semaphore_mem>>, %arg12: memref<!tpu.dma_semaphore, #tpu.memory_space<semaphore_mem>>, %arg13: memref<!tpu.dma_semaphore, #tpu.memory_space<semaphore_mem>>, %arg14: memref<!tpu.dma_semaphore, #tpu.memory_space<semaphore_mem>>) attributes {dimension_semantics = [#tpu.dimension_semantics<core_parallel>, #tpu.dimension_semantics<subcore_parallel>], iteration_bounds = array<i64: 2, 16>, scalar_prefetch = 0 : i64, scratch_operands = 10 : i64, tpu.core_type = #tpu.core_type<sc_vector_subcore>, window_params = [{transform_indices = #map}, {transform_indices = #map1}, {transform_indices = #map2}]} {
    %mul3A = arith.constant 2 : i32
    %mul3A_0 = arith.muli %arg1, %mul3A : i32
    %add3A = arith.addi %mul3A_0, %arg0 : i32
    %dma_start3A = arith.constant 0 : i32
    %dma_start3A_1 = arith.constant 0 : i32
    %dma_start3A_2 = tpu.memref_slice %arg2[%add3A, %dma_start3A, %dma_start3A_1] : memref<32x50x128xi32, #tpu.memory_space<hbm>> -> memref<1x50x128xi32, #tpu.memory_space<hbm>>
    %dma_start3A_3 = tpu.memref_squeeze %dma_start3A_2 : memref<1x50x128xi32, #tpu.memory_space<hbm>> -> memref<50x128xi32, #tpu.memory_space<hbm>>
    %dma_start3A_4 = arith.constant 0 : i32
    %dma_start3A_5 = arith.constant 0 : i32
    %dma_start3A_6 = tpu.memref_slice %arg2[%add3A, %dma_start3A_4, %dma_start3A_5] : memref<32x50x128xi32, #tpu.memory_space<hbm>> -> memref<1x50x128xi32, #tpu.memory_space<hbm>>
    %dma_start3A_7 = tpu.memref_squeeze %dma_start3A_6 : memref<1x50x128xi32, #tpu.memory_space<hbm>> -> memref<50x128xi32, #tpu.memory_space<hbm>>
    tpu.enqueue_dma source(%dma_start3A_7 : memref<50x128xi32, #tpu.memory_space<hbm>>) target(%arg5 : memref<50x128xi32, #tpu.memory_space<vmem>>) target_semaphore(%arg10 : memref<!tpu.dma_semaphore, #tpu.memory_space<semaphore_mem>>)
    %dma_wait3A = arith.constant 0 : i32
    %dma_wait3A_8 = arith.constant 0 : i32
    %dma_wait3A_9 = tpu.memref_slice %arg2[%add3A, %dma_wait3A, %dma_wait3A_8] : memref<32x50x128xi32, #tpu.memory_space<hbm>> -> memref<1x50x128xi32, #tpu.memory_space<hbm>>
    %dma_wait3A_10 = tpu.memref_squeeze %dma_wait3A_9 : memref<1x50x128xi32, #tpu.memory_space<hbm>> -> memref<50x128xi32, #tpu.memory_space<hbm>>
    %dma_wait3A_11 = arith.constant 0 : i32
    %dma_wait3A_12 = arith.constant 0 : i32
    %dma_wait3A_13 = tpu.memref_slice %arg2[%add3A, %dma_wait3A_11, %dma_wait3A_12] : memref<32x50x128xi32, #tpu.memory_space<hbm>> -> memref<1x50x128xi32, #tpu.memory_space<hbm>>
    %dma_wait3A_14 = tpu.memref_squeeze %dma_wait3A_13 : memref<1x50x128xi32, #tpu.memory_space<hbm>> -> memref<50x128xi32, #tpu.memory_space<hbm>>
    tpu.wait_dma2 semaphore(%arg10 : memref<!tpu.dma_semaphore, #tpu.memory_space<semaphore_mem>>) src(%dma_wait3A_14 : memref<50x128xi32, #tpu.memory_space<hbm>>) dst(%arg5 : memref<50x128xi32, #tpu.memory_space<vmem>>)
    %iota3A = tpu.iota {dimensions = array<i32: 0>} : vector<16xi32>
    %dma_start3A_15 = arith.constant 0 : i32
    %dma_start3A_16 = arith.constant 0 : i32
    %dma_start3A_17 = arith.constant 0 : i32
    %dma_start3A_18 = arith.constant 0 : i32
    %dma_start3A_19 = tpu.memref_slice %arg6[%dma_start3A_16, %dma_start3A_17, %dma_start3A_18] : memref<2x128x64xf32, #tpu.memory_space<vmem>> -> memref<1x128x64xf32, #tpu.memory_space<vmem>>
    %dma_start3A_20 = tpu.memref_squeeze %dma_start3A_19 : memref<1x128x64xf32, #tpu.memory_space<vmem>> -> memref<128x64xf32, #tpu.memory_space<vmem>>
    %dma_start3A_21 = arith.constant 0 : i32
    %dma_start3A_22 = tpu.memref_slice %arg5[%dma_start3A_15, %dma_start3A_21] : memref<50x128xi32, #tpu.memory_space<vmem>> -> memref<1x128xi32, #tpu.memory_space<vmem>>
    %dma_start3A_23 = tpu.memref_squeeze %dma_start3A_22 : memref<1x128xi32, #tpu.memory_space<vmem>> -> memref<128xi32, #tpu.memory_space<vmem>>
    %dma_start3A_24 = arith.constant 0 : i32
    %dma_start3A_25 = arith.constant 0 : i32
    %dma_start3A_26 = tpu.memref_slice %arg3[%dma_start3A_24, %dma_start3A_25] : memref<125000x64xf32, #tpu.memory_space<hbm>> -> memref<125000x64xf32, #tpu.memory_space<hbm>>
    tpu.enqueue_indirect_dma source(%dma_start3A_26 : memref<125000x64xf32, #tpu.memory_space<hbm>>) target(%dma_start3A_20 : memref<128x64xf32, #tpu.memory_space<vmem>>) offsets(%dma_start3A_23 : memref<128xi32, #tpu.memory_space<vmem>>) semaphore(%arg11 : memref<!tpu.dma_semaphore, #tpu.memory_space<semaphore_mem>>)
    %dma_start3A_27 = arith.constant 1 : i32
    %dma_start3A_28 = arith.constant 1 : i32
    %dma_start3A_29 = arith.constant 0 : i32
    %dma_start3A_30 = arith.constant 0 : i32
    %dma_start3A_31 = tpu.memref_slice %arg6[%dma_start3A_28, %dma_start3A_29, %dma_start3A_30] : memref<2x128x64xf32, #tpu.memory_space<vmem>> -> memref<1x128x64xf32, #tpu.memory_space<vmem>>
    %dma_start3A_32 = tpu.memref_squeeze %dma_start3A_31 : memref<1x128x64xf32, #tpu.memory_space<vmem>> -> memref<128x64xf32, #tpu.memory_space<vmem>>
    %dma_start3A_33 = arith.constant 0 : i32
    %dma_start3A_34 = tpu.memref_slice %arg5[%dma_start3A_27, %dma_start3A_33] : memref<50x128xi32, #tpu.memory_space<vmem>> -> memref<1x128xi32, #tpu.memory_space<vmem>>
    %dma_start3A_35 = tpu.memref_squeeze %dma_start3A_34 : memref<1x128xi32, #tpu.memory_space<vmem>> -> memref<128xi32, #tpu.memory_space<vmem>>
    %dma_start3A_36 = arith.constant 0 : i32
    %dma_start3A_37 = arith.constant 0 : i32
    %dma_start3A_38 = tpu.memref_slice %arg3[%dma_start3A_36, %dma_start3A_37] : memref<125000x64xf32, #tpu.memory_space<hbm>> -> memref<125000x64xf32, #tpu.memory_space<hbm>>
    tpu.enqueue_indirect_dma source(%dma_start3A_38 : memref<125000x64xf32, #tpu.memory_space<hbm>>) target(%dma_start3A_32 : memref<128x64xf32, #tpu.memory_space<vmem>>) offsets(%dma_start3A_35 : memref<128xi32, #tpu.memory_space<vmem>>) semaphore(%arg11 : memref<!tpu.dma_semaphore, #tpu.memory_space<semaphore_mem>>)
    %scan3A = arith.constant 0 : i32
    %scan3A_39 = arith.constant 12 : i32
    %scan3A_40 = arith.addi %scan3A, %scan3A_39 : i32
    %scan3A_41 = arith.constant 1 : i32
    scf.for %scan3A_1099 = %scan3A to %scan3A_40 step %scan3A_41  : i32 {
      %mul3A_1100 = arith.constant 2 : i32
      %mul3A_1101 = arith.muli %scan3A_1099, %mul3A_1100 : i32
      %add3A_1102 = arith.constant 0 : i32
      %add3A_1103 = arith.addi %add3A_1102, %mul3A_1101 : i32
      %add3A_1104 = arith.constant 0 : i32
      %add3A_1105 = arith.addi %add3A_1103, %add3A_1104 : i32
      %add3A_1106 = arith.constant 1 : i32
      %add3A_1107 = arith.addi %add3A_1105, %add3A_1106 : i32
      %mul3A_1108 = arith.constant 2 : i32
      %mul3A_1109 = arith.muli %add3A_1107, %mul3A_1108 : i32
      %add3A_1110 = arith.constant 0 : i32
      %add3A_1111 = arith.addi %mul3A_1109, %add3A_1110 : i32
      %dma_start3A_1112 = arith.constant 0 : i32
      %dma_start3A_1113 = arith.constant 0 : i32
      %dma_start3A_1114 = arith.constant 0 : i32
      %dma_start3A_1115 = tpu.memref_slice %arg7[%dma_start3A_1112, %dma_start3A_1113, %dma_start3A_1114] : memref<2x128x64xf32, #tpu.memory_space<vmem>> -> memref<1x128x64xf32, #tpu.memory_space<vmem>>
      %dma_start3A_1116 = tpu.memref_squeeze %dma_start3A_1115 : memref<1x128x64xf32, #tpu.memory_space<vmem>> -> memref<128x64xf32, #tpu.memory_space<vmem>>
      %dma_start3A_1117 = arith.constant 0 : i32
      %dma_start3A_1118 = tpu.memref_slice %arg5[%add3A_1111, %dma_start3A_1117] : memref<50x128xi32, #tpu.memory_space<vmem>> -> memref<1x128xi32, #tpu.memory_space<vmem>>
      %dma_start3A_1119 = tpu.memref_squeeze %dma_start3A_1118 : memref<1x128xi32, #tpu.memory_space<vmem>> -> memref<128xi32, #tpu.memory_space<vmem>>
      %dma_start3A_1120 = arith.constant 0 : i32
      %dma_start3A_1121 = arith.constant 0 : i32
      %dma_start3A_1122 = tpu.memref_slice %arg3[%dma_start3A_1120, %dma_start3A_1121] : memref<125000x64xf32, #tpu.memory_space<hbm>> -> memref<125000x64xf32, #tpu.memory_space<hbm>>
      tpu.enqueue_indirect_dma source(%dma_start3A_1122 : memref<125000x64xf32, #tpu.memory_space<hbm>>) target(%dma_start3A_1116 : memref<128x64xf32, #tpu.memory_space<vmem>>) offsets(%dma_start3A_1119 : memref<128xi32, #tpu.memory_space<vmem>>) semaphore(%arg12 : memref<!tpu.dma_semaphore, #tpu.memory_space<semaphore_mem>>)
      %mul3A_1123 = arith.constant 2 : i32
      %mul3A_1124 = arith.muli %add3A_1107, %mul3A_1123 : i32
      %add3A_1125 = arith.constant 1 : i32
      %add3A_1126 = arith.addi %mul3A_1124, %add3A_1125 : i32
      %dma_start3A_1127 = arith.constant 1 : i32
      %dma_start3A_1128 = arith.constant 0 : i32
      %dma_start3A_1129 = arith.constant 0 : i32
      %dma_start3A_1130 = tpu.memref_slice %arg7[%dma_start3A_1127, %dma_start3A_1128, %dma_start3A_1129] : memref<2x128x64xf32, #tpu.memory_space<vmem>> -> memref<1x128x64xf32, #tpu.memory_space<vmem>>
      %dma_start3A_1131 = tpu.memref_squeeze %dma_start3A_1130 : memref<1x128x64xf32, #tpu.memory_space<vmem>> -> memref<128x64xf32, #tpu.memory_space<vmem>>
      %dma_start3A_1132 = arith.constant 0 : i32
      %dma_start3A_1133 = tpu.memref_slice %arg5[%add3A_1126, %dma_start3A_1132] : memref<50x128xi32, #tpu.memory_space<vmem>> -> memref<1x128xi32, #tpu.memory_space<vmem>>
      %dma_start3A_1134 = tpu.memref_squeeze %dma_start3A_1133 : memref<1x128xi32, #tpu.memory_space<vmem>> -> memref<128xi32, #tpu.memory_space<vmem>>
      %dma_start3A_1135 = arith.constant 0 : i32
      %dma_start3A_1136 = arith.constant 0 : i32
      %dma_start3A_1137 = tpu.memref_slice %arg3[%dma_start3A_1135, %dma_start3A_1136] : memref<125000x64xf32, #tpu.memory_space<hbm>> -> memref<125000x64xf32, #tpu.memory_space<hbm>>
      tpu.enqueue_indirect_dma source(%dma_start3A_1137 : memref<125000x64xf32, #tpu.memory_space<hbm>>) target(%dma_start3A_1131 : memref<128x64xf32, #tpu.memory_space<vmem>>) offsets(%dma_start3A_1134 : memref<128xi32, #tpu.memory_space<vmem>>) semaphore(%arg12 : memref<!tpu.dma_semaphore, #tpu.memory_space<semaphore_mem>>)
      %dma_wait3A_1138 = arith.constant 0 : i32
      %dma_wait3A_1139 = arith.constant 0 : i32
      %dma_wait3A_1140 = arith.constant 0 : i32
      %dma_wait3A_1141 = tpu.memref_slice %arg6[%dma_wait3A_1138, %dma_wait3A_1139, %dma_wait3A_1140] : memref<2x128x64xf32, #tpu.memory_space<vmem>> -> memref<1x128x64xf32, #tpu.memory_space<vmem>>
      %dma_wait3A_1142 = tpu.memref_squeeze %dma_wait3A_1141 : memref<1x128x64xf32, #tpu.memory_space<vmem>> -> memref<128x64xf32, #tpu.memory_space<vmem>>
      %dma_wait3A_1143 = arith.constant 0 : i32
      %dma_wait3A_1144 = arith.constant 0 : i32
      %dma_wait3A_1145 = tpu.memref_slice %arg3[%dma_wait3A_1143, %dma_wait3A_1144] : memref<125000x64xf32, #tpu.memory_space<hbm>> -> memref<128x64xf32, #tpu.memory_space<hbm>>
      %dma_wait3A_1146 = arith.constant 0 : i32
      %dma_wait3A_1147 = arith.constant 0 : i32
      %dma_wait3A_1148 = tpu.memref_slice %arg6[%dma_wait3A_1138, %dma_wait3A_1146, %dma_wait3A_1147] : memref<2x128x64xf32, #tpu.memory_space<vmem>> -> memref<1x128x64xf32, #tpu.memory_space<vmem>>
      %dma_wait3A_1149 = tpu.memref_squeeze %dma_wait3A_1148 : memref<1x128x64xf32, #tpu.memory_space<vmem>> -> memref<128x64xf32, #tpu.memory_space<vmem>>
      %dma_wait3A_1150 = arith.constant 0 : i32
      %dma_wait3A_1151 = arith.constant 0 : i32
      %dma_wait3A_1152 = tpu.memref_slice %arg3[%dma_wait3A_1150, %dma_wait3A_1151] : memref<125000x64xf32, #tpu.memory_space<hbm>> -> memref<128x64xf32, #tpu.memory_space<hbm>>
      tpu.wait_dma2 semaphore(%arg11 : memref<!tpu.dma_semaphore, #tpu.memory_space<semaphore_mem>>) src(%dma_wait3A_1152 : memref<128x64xf32, #tpu.memory_space<hbm>>) dst(%dma_wait3A_1149 : memref<128x64xf32, #tpu.memory_space<vmem>>)
      %dma_wait3A_1153 = arith.constant 1 : i32
      %dma_wait3A_1154 = arith.constant 0 : i32
      %dma_wait3A_1155 = arith.constant 0 : i32
      %dma_wait3A_1156 = tpu.memref_slice %arg6[%dma_wait3A_1153, %dma_wait3A_1154, %dma_wait3A_1155] : memref<2x128x64xf32, #tpu.memory_space<vmem>> -> memref<1x128x64xf32, #tpu.memory_space<vmem>>
      %dma_wait3A_1157 = tpu.memref_squeeze %dma_wait3A_1156 : memref<1x128x64xf32, #tpu.memory_space<vmem>> -> memref<128x64xf32, #tpu.memory_space<vmem>>
      %dma_wait3A_1158 = arith.constant 0 : i32
      %dma_wait3A_1159 = arith.constant 0 : i32
      %dma_wait3A_1160 = tpu.memref_slice %arg3[%dma_wait3A_1158, %dma_wait3A_1159] : memref<125000x64xf32, #tpu.memory_space<hbm>> -> memref<128x64xf32, #tpu.memory_space<hbm>>
      %dma_wait3A_1161 = arith.constant 0 : i32
      %dma_wait3A_1162 = arith.constant 0 : i32
      %dma_wait3A_1163 = tpu.memref_slice %arg6[%dma_wait3A_1153, %dma_wait3A_1161, %dma_wait3A_1162] : memref<2x128x64xf32, #tpu.memory_space<vmem>> -> memref<1x128x64xf32, #tpu.memory_space<vmem>>
      %dma_wait3A_1164 = tpu.memref_squeeze %dma_wait3A_1163 : memref<1x128x64xf32, #tpu.memory_space<vmem>> -> memref<128x64xf32, #tpu.memory_space<vmem>>
      %dma_wait3A_1165 = arith.constant 0 : i32
      %dma_wait3A_1166 = arith.constant 0 : i32
      %dma_wait3A_1167 = tpu.memref_slice %arg3[%dma_wait3A_1165, %dma_wait3A_1166] : memref<125000x64xf32, #tpu.memory_space<hbm>> -> memref<128x64xf32, #tpu.memory_space<hbm>>
      tpu.wait_dma2 semaphore(%arg11 : memref<!tpu.dma_semaphore, #tpu.memory_space<semaphore_mem>>) src(%dma_wait3A_1167 : memref<128x64xf32, #tpu.memory_space<hbm>>) dst(%dma_wait3A_1164 : memref<128x64xf32, #tpu.memory_space<vmem>>)
      %ge3A = arith.constant 2 : i32
      %ge3A_1168 = arith.cmpi sge, %add3A_1105, %ge3A : i32
      %convert_element_type3A = arith.extui %ge3A_1168 : i1 to i32
      %cond3A = arith.constant 0 : i32
      %cond3A_1169 = arith.cmpi ne, %convert_element_type3A, %cond3A : i32
      scf.if %cond3A_1169 {
        %dma_wait3A_1853 = arith.constant 0 : i32
        %dma_wait3A_1854 = arith.constant 0 : i32
        %dma_wait3A_1855 = arith.constant 0 : i32
        %dma_wait3A_1856 = arith.constant 0 : i32
        %dma_wait3A_1857 = tpu.memref_slice %arg8[%dma_wait3A_1855, %dma_wait3A_1856] : memref<128x129xf32, #tpu.memory_space<vmem>> -> memref<8x128xf32, #tpu.memory_space<vmem>>
        %dma_wait3A_1858 = arith.constant 0 : i32
        %dma_wait3A_1859 = arith.constant 0 : i32
        %dma_wait3A_1860 = tpu.memref_slice %arg4[%dma_wait3A_1853, %dma_wait3A_1854, %add3A, %dma_wait3A_1858, %dma_wait3A_1859] : memref<50x8x32x8x128xf32, #tpu.memory_space<hbm>> -> memref<1x1x1x8x128xf32, #tpu.memory_space<hbm>>
        %dma_wait3A_1861 = tpu.memref_squeeze %dma_wait3A_1860 : memref<1x1x1x8x128xf32, #tpu.memory_space<hbm>> -> memref<8x128xf32, #tpu.memory_space<hbm>>
        %dma_wait3A_1862 = arith.constant 0 : i32
        %dma_wait3A_1863 = arith.constant 0 : i32
        %dma_wait3A_1864 = tpu.memref_slice %arg4[%dma_wait3A_1853, %dma_wait3A_1854, %add3A, %dma_wait3A_1862, %dma_wait3A_1863] : memref<50x8x32x8x128xf32, #tpu.memory_space<hbm>> -> memref<1x1x1x8x128xf32, #tpu.memory_space<hbm>>
        %dma_wait3A_1865 = tpu.memref_squeeze %dma_wait3A_1864 : memref<1x1x1x8x128xf32, #tpu.memory_space<hbm>> -> memref<8x128xf32, #tpu.memory_space<hbm>>
        %dma_wait3A_1866 = arith.constant 0 : i32
        %dma_wait3A_1867 = arith.constant 0 : i32
        %dma_wait3A_1868 = tpu.memref_slice %arg8[%dma_wait3A_1866, %dma_wait3A_1867] : memref<128x129xf32, #tpu.memory_space<vmem>> -> memref<8x128xf32, #tpu.memory_space<vmem>>
        tpu.wait_dma2 semaphore(%arg13 : memref<!tpu.dma_semaphore, #tpu.memory_space<semaphore_mem>>) src(%dma_wait3A_1868 : memref<8x128xf32, #tpu.memory_space<vmem>>) dst(%dma_wait3A_1865 : memref<8x128xf32, #tpu.memory_space<hbm>>)
        %dma_wait3A_1869 = arith.constant 0 : i32
        %dma_wait3A_1870 = arith.constant 1 : i32
        %dma_wait3A_1871 = arith.constant 8 : i32
        %dma_wait3A_1872 = arith.constant 0 : i32
        %dma_wait3A_1873 = tpu.memref_slice %arg8[%dma_wait3A_1871, %dma_wait3A_1872] : memref<128x129xf32, #tpu.memory_space<vmem>> -> memref<8x128xf32, #tpu.memory_space<vmem>>
        %dma_wait3A_1874 = arith.constant 0 : i32
        %dma_wait3A_1875 = arith.constant 0 : i32
        %dma_wait3A_1876 = tpu.memref_slice %arg4[%dma_wait3A_1869, %dma_wait3A_1870, %add3A, %dma_wait3A_1874, %dma_wait3A_1875] : memref<50x8x32x8x128xf32, #tpu.memory_space<hbm>> -> memref<1x1x1x8x128xf32, #tpu.memory_space<hbm>>
        %dma_wait3A_1877 = tpu.memref_squeeze %dma_wait3A_1876 : memref<1x1x1x8x128xf32, #tpu.memory_space<hbm>> -> memref<8x128xf32, #tpu.memory_space<hbm>>
        %dma_wait3A_1878 = arith.constant 0 : i32
        %dma_wait3A_1879 = arith.constant 0 : i32
        %dma_wait3A_1880 = tpu.memref_slice %arg4[%dma_wait3A_1869, %dma_wait3A_1870, %add3A, %dma_wait3A_1878, %dma_wait3A_1879] : memref<50x8x32x8x128xf32, #tpu.memory_space<hbm>> -> memref<1x1x1x8x128xf32, #tpu.memory_space<hbm>>
        %dma_wait3A_1881 = tpu.memref_squeeze %dma_wait3A_1880 : memref<1x1x1x8x128xf32, #tpu.memory_space<hbm>> -> memref<8x128xf32, #tpu.memory_space<hbm>>
        %dma_wait3A_1882 = arith.constant 8 : i32
        %dma_wait3A_1883 = arith.constant 0 : i32
        %dma_wait3A_1884 = tpu.memref_slice %arg8[%dma_wait3A_1882, %dma_wait3A_1883] : memref<128x129xf32, #tpu.memory_space<vmem>> -> memref<8x128xf32, #tpu.memory_space<vmem>>
        tpu.wait_dma2 semaphore(%arg13 : memref<!tpu.dma_semaphore, #tpu.memory_space<semaphore_mem>>) src(%dma_wait3A_1884 : memref<8x128xf32, #tpu.memory_space<vmem>>) dst(%dma_wait3A_1881 : memref<8x128xf32, #tpu.memory_space<hbm>>)
        %dma_wait3A_1885 = arith.constant 0 : i32
        %dma_wait3A_1886 = arith.constant 2 : i32
        %dma_wait3A_1887 = arith.constant 16 : i32
        %dma_wait3A_1888 = arith.constant 0 : i32
        %dma_wait3A_1889 = tpu.memref_slice %arg8[%dma_wait3A_1887, %dma_wait3A_1888] : memref<128x129xf32, #tpu.memory_space<vmem>> -> memref<8x128xf32, #tpu.memory_space<vmem>>
        %dma_wait3A_1890 = arith.constant 0 : i32
        %dma_wait3A_1891 = arith.constant 0 : i32
        %dma_wait3A_1892 = tpu.memref_slice %arg4[%dma_wait3A_1885, %dma_wait3A_1886, %add3A, %dma_wait3A_1890, %dma_wait3A_1891] : memref<50x8x32x8x128xf32, #tpu.memory_space<hbm>> -> memref<1x1x1x8x128xf32, #tpu.memory_space<hbm>>
        %dma_wait3A_1893 = tpu.memref_squeeze %dma_wait3A_1892 : memref<1x1x1x8x128xf32, #tpu.memory_space<hbm>> -> memref<8x128xf32, #tpu.memory_space<hbm>>
        %dma_wait3A_1894 = arith.constant 0 : i32
        %dma_wait3A_1895 = arith.constant 0 : i32
        %dma_wait3A_1896 = tpu.memref_slice %arg4[%dma_wait3A_1885, %dma_wait3A_1886, %add3A, %dma_wait3A_1894, %dma_wait3A_1895] : memref<50x8x32x8x128xf32, #tpu.memory_space<hbm>> -> memref<1x1x1x8x128xf32, #tpu.memory_space<hbm>>
        %dma_wait3A_1897 = tpu.memref_squeeze %dma_wait3A_1896 : memref<1x1x1x8x128xf32, #tpu.memory_space<hbm>> -> memref<8x128xf32, #tpu.memory_space<hbm>>
        %dma_wait3A_1898 = arith.constant 16 : i32
        %dma_wait3A_1899 = arith.constant 0 : i32
        %dma_wait3A_1900 = tpu.memref_slice %arg8[%dma_wait3A_1898, %dma_wait3A_1899] : memref<128x129xf32, #tpu.memory_space<vmem>> -> memref<8x128xf32, #tpu.memory_space<vmem>>
        tpu.wait_dma2 semaphore(%arg13 : memref<!tpu.dma_semaphore, #tpu.memory_space<semaphore_mem>>) src(%dma_wait3A_1900 : memref<8x128xf32, #tpu.memory_space<vmem>>) dst(%dma_wait3A_1897 : memref<8x128xf32, #tpu.memory_space<hbm>>)
        %dma_wait3A_1901 = arith.constant 0 : i32
        %dma_wait3A_1902 = arith.constant 3 : i32
        %dma_wait3A_1903 = arith.constant 24 : i32
        %dma_wait3A_1904 = arith.constant 0 : i32
        %dma_wait3A_1905 = tpu.memref_slice %arg8[%dma_wait3A_1903, %dma_wait3A_1904] : memref<128x129xf32, #tpu.memory_space<vmem>> -> memref<8x128xf32, #tpu.memory_space<vmem>>
        %dma_wait3A_1906 = arith.constant 0 : i32
        %dma_wait3A_1907 = arith.constant 0 : i32
        %dma_wait3A_1908 = tpu.memref_slice %arg4[%dma_wait3A_1901, %dma_wait3A_1902, %add3A, %dma_wait3A_1906, %dma_wait3A_1907] : memref<50x8x32x8x128xf32, #tpu.memory_space<hbm>> -> memref<1x1x1x8x128xf32, #tpu.memory_space<hbm>>
        %dma_wait3A_1909 = tpu.memref_squeeze %dma_wait3A_1908 : memref<1x1x1x8x128xf32, #tpu.memory_space<hbm>> -> memref<8x128xf32, #tpu.memory_space<hbm>>
        %dma_wait3A_1910 = arith.constant 0 : i32
        %dma_wait3A_1911 = arith.constant 0 : i32
        %dma_wait3A_1912 = tpu.memref_slice %arg4[%dma_wait3A_1901, %dma_wait3A_1902, %add3A, %dma_wait3A_1910, %dma_wait3A_1911] : memref<50x8x32x8x128xf32, #tpu.memory_space<hbm>> -> memref<1x1x1x8x128xf32, #tpu.memory_space<hbm>>
        %dma_wait3A_1913 = tpu.memref_squeeze %dma_wait3A_1912 : memref<1x1x1x8x128xf32, #tpu.memory_space<hbm>> -> memref<8x128xf32, #tpu.memory_space<hbm>>
        %dma_wait3A_1914 = arith.constant 24 : i32
        %dma_wait3A_1915 = arith.constant 0 : i32
        %dma_wait3A_1916 = tpu.memref_slice %arg8[%dma_wait3A_1914, %dma_wait3A_1915] : memref<128x129xf32, #tpu.memory_space<vmem>> -> memref<8x128xf32, #tpu.memory_space<vmem>>
        tpu.wait_dma2 semaphore(%arg13 : memref<!tpu.dma_semaphore, #tpu.memory_space<semaphore_mem>>) src(%dma_wait3A_1916 : memref<8x128xf32, #tpu.memory_space<vmem>>) dst(%dma_wait3A_1913 : memref<8x128xf32, #tpu.memory_space<hbm>>)
        %dma_wait3A_1917 = arith.constant 0 : i32
        %dma_wait3A_1918 = arith.constant 4 : i32
        %dma_wait3A_1919 = arith.constant 32 : i32
        %dma_wait3A_1920 = arith.constant 0 : i32
        %dma_wait3A_1921 = tpu.memref_slice %arg8[%dma_wait3A_1919, %dma_wait3A_1920] : memref<128x129xf32, #tpu.memory_space<vmem>> -> memref<8x128xf32, #tpu.memory_space<vmem>>
        %dma_wait3A_1922 = arith.constant 0 : i32
        %dma_wait3A_1923 = arith.constant 0 : i32
        %dma_wait3A_1924 = tpu.memref_slice %arg4[%dma_wait3A_1917, %dma_wait3A_1918, %add3A, %dma_wait3A_1922, %dma_wait3A_1923] : memref<50x8x32x8x128xf32, #tpu.memory_space<hbm>> -> memref<1x1x1x8x128xf32, #tpu.memory_space<hbm>>
        %dma_wait3A_1925 = tpu.memref_squeeze %dma_wait3A_1924 : memref<1x1x1x8x128xf32, #tpu.memory_space<hbm>> -> memref<8x128xf32, #tpu.memory_space<hbm>>
        %dma_wait3A_1926 = arith.constant 0 : i32
        %dma_wait3A_1927 = arith.constant 0 : i32
        %dma_wait3A_1928 = tpu.memref_slice %arg4[%dma_wait3A_1917, %dma_wait3A_1918, %add3A, %dma_wait3A_1926, %dma_wait3A_1927] : memref<50x8x32x8x128xf32, #tpu.memory_space<hbm>> -> memref<1x1x1x8x128xf32, #tpu.memory_space<hbm>>
        %dma_wait3A_1929 = tpu.memref_squeeze %dma_wait3A_1928 : memref<1x1x1x8x128xf32, #tpu.memory_space<hbm>> -> memref<8x128xf32, #tpu.memory_space<hbm>>
        %dma_wait3A_1930 = arith.constant 32 : i32
        %dma_wait3A_1931 = arith.constant 0 : i32
        %dma_wait3A_1932 = tpu.memref_slice %arg8[%dma_wait3A_1930, %dma_wait3A_1931] : memref<128x129xf32, #tpu.memory_space<vmem>> -> memref<8x128xf32, #tpu.memory_space<vmem>>
        tpu.wait_dma2 semaphore(%arg13 : memref<!tpu.dma_semaphore, #tpu.memory_space<semaphore_mem>>) src(%dma_wait3A_1932 : memref<8x128xf32, #tpu.memory_space<vmem>>) dst(%dma_wait3A_1929 : memref<8x128xf32, #tpu.memory_space<hbm>>)
        %dma_wait3A_1933 = arith.constant 0 : i32
        %dma_wait3A_1934 = arith.constant 5 : i32
        %dma_wait3A_1935 = arith.constant 40 : i32
        %dma_wait3A_1936 = arith.constant 0 : i32
        %dma_wait3A_1937 = tpu.memref_slice %arg8[%dma_wait3A_1935, %dma_wait3A_1936] : memref<128x129xf32, #tpu.memory_space<vmem>> -> memref<8x128xf32, #tpu.memory_space<vmem>>
        %dma_wait3A_1938 = arith.constant 0 : i32
        %dma_wait3A_1939 = arith.constant 0 : i32
        %dma_wait3A_1940 = tpu.memref_slice %arg4[%dma_wait3A_1933, %dma_wait3A_1934, %add3A, %dma_wait3A_1938, %dma_wait3A_1939] : memref<50x8x32x8x128xf32, #tpu.memory_space<hbm>> -> memref<1x1x1x8x128xf32, #tpu.memory_space<hbm>>
        %dma_wait3A_1941 = tpu.memref_squeeze %dma_wait3A_1940 : memref<1x1x1x8x128xf32, #tpu.memory_space<hbm>> -> memref<8x128xf32, #tpu.memory_space<hbm>>
        %dma_wait3A_1942 = arith.constant 0 : i32
        %dma_wait3A_1943 = arith.constant 0 : i32
        %dma_wait3A_1944 = tpu.memref_slice %arg4[%dma_wait3A_1933, %dma_wait3A_1934, %add3A, %dma_wait3A_1942, %dma_wait3A_1943] : memref<50x8x32x8x128xf32, #tpu.memory_space<hbm>> -> memref<1x1x1x8x128xf32, #tpu.memory_space<hbm>>
        %dma_wait3A_1945 = tpu.memref_squeeze %dma_wait3A_1944 : memref<1x1x1x8x128xf32, #tpu.memory_space<hbm>> -> memref<8x128xf32, #tpu.memory_space<hbm>>
        %dma_wait3A_1946 = arith.constant 40 : i32
        %dma_wait3A_1947 = arith.constant 0 : i32
        %dma_wait3A_1948 = tpu.memref_slice %arg8[%dma_wait3A_1946, %dma_wait3A_1947] : memref<128x129xf32, #tpu.memory_space<vmem>> -> memref<8x128xf32, #tpu.memory_space<vmem>>
        tpu.wait_dma2 semaphore(%arg13 : memref<!tpu.dma_semaphore, #tpu.memory_space<semaphore_mem>>) src(%dma_wait3A_1948 : memref<8x128xf32, #tpu.memory_space<vmem>>) dst(%dma_wait3A_1945 : memref<8x128xf32, #tpu.memory_space<hbm>>)
        %dma_wait3A_1949 = arith.constant 0 : i32
        %dma_wait3A_1950 = arith.constant 6 : i32
        %dma_wait3A_1951 = arith.constant 48 : i32
        %dma_wait3A_1952 = arith.constant 0 : i32
        %dma_wait3A_1953 = tpu.memref_slice %arg8[%dma_wait3A_1951, %dma_wait3A_1952] : memref<128x129xf32, #tpu.memory_space<vmem>> -> memref<8x128xf32, #tpu.memory_space<vmem>>
        %dma_wait3A_1954 = arith.constant 0 : i32
        %dma_wait3A_1955 = arith.constant 0 : i32
        %dma_wait3A_1956 = tpu.memref_slice %arg4[%dma_wait3A_1949, %dma_wait3A_1950, %add3A, %dma_wait3A_1954, %dma_wait3A_1955] : memref<50x8x32x8x128xf32, #tpu.memory_space<hbm>> -> memref<1x1x1x8x128xf32, #tpu.memory_space<hbm>>
        %dma_wait3A_1957 = tpu.memref_squeeze %dma_wait3A_1956 : memref<1x1x1x8x128xf32, #tpu.memory_space<hbm>> -> memref<8x128xf32, #tpu.memory_space<hbm>>
        %dma_wait3A_1958 = arith.constant 0 : i32
        %dma_wait3A_1959 = arith.constant 0 : i32
        %dma_wait3A_1960 = tpu.memref_slice %arg4[%dma_wait3A_1949, %dma_wait3A_1950, %add3A, %dma_wait3A_1958, %dma_wait3A_1959] : memref<50x8x32x8x128xf32, #tpu.memory_space<hbm>> -> memref<1x1x1x8x128xf32, #tpu.memory_space<hbm>>
        %dma_wait3A_1961 = tpu.memref_squeeze %dma_wait3A_1960 : memref<1x1x1x8x128xf32, #tpu.memory_space<hbm>> -> memref<8x128xf32, #tpu.memory_space<hbm>>
        %dma_wait3A_1962 = arith.constant 48 : i32
        %dma_wait3A_1963 = arith.constant 0 : i32
        %dma_wait3A_1964 = tpu.memref_slice %arg8[%dma_wait3A_1962, %dma_wait3A_1963] : memref<128x129xf32, #tpu.memory_space<vmem>> -> memref<8x128xf32, #tpu.memory_space<vmem>>
        tpu.wait_dma2 semaphore(%arg13 : memref<!tpu.dma_semaphore, #tpu.memory_space<semaphore_mem>>) src(%dma_wait3A_1964 : memref<8x128xf32, #tpu.memory_space<vmem>>) dst(%dma_wait3A_1961 : memref<8x128xf32, #tpu.memory_space<hbm>>)
        %dma_wait3A_1965 = arith.constant 0 : i32
        %dma_wait3A_1966 = arith.constant 7 : i32
        %dma_wait3A_1967 = arith.constant 56 : i32
        %dma_wait3A_1968 = arith.constant 0 : i32
        %dma_wait3A_1969 = tpu.memref_slice %arg8[%dma_wait3A_1967, %dma_wait3A_1968] : memref<128x129xf32, #tpu.memory_space<vmem>> -> memref<8x128xf32, #tpu.memory_space<vmem>>
        %dma_wait3A_1970 = arith.constant 0 : i32
        %dma_wait3A_1971 = arith.constant 0 : i32
        %dma_wait3A_1972 = tpu.memref_slice %arg4[%dma_wait3A_1965, %dma_wait3A_1966, %add3A, %dma_wait3A_1970, %dma_wait3A_1971] : memref<50x8x32x8x128xf32, #tpu.memory_space<hbm>> -> memref<1x1x1x8x128xf32, #tpu.memory_space<hbm>>
        %dma_wait3A_1973 = tpu.memref_squeeze %dma_wait3A_1972 : memref<1x1x1x8x128xf32, #tpu.memory_space<hbm>> -> memref<8x128xf32, #tpu.memory_space<hbm>>
        %dma_wait3A_1974 = arith.constant 0 : i32
        %dma_wait3A_1975 = arith.constant 0 : i32
        %dma_wait3A_1976 = tpu.memref_slice %arg4[%dma_wait3A_1965, %dma_wait3A_1966, %add3A, %dma_wait3A_1974, %dma_wait3A_1975] : memref<50x8x32x8x128xf32, #tpu.memory_space<hbm>> -> memref<1x1x1x8x128xf32, #tpu.memory_space<hbm>>
        %dma_wait3A_1977 = tpu.memref_squeeze %dma_wait3A_1976 : memref<1x1x1x8x128xf32, #tpu.memory_space<hbm>> -> memref<8x128xf32, #tpu.memory_space<hbm>>
        %dma_wait3A_1978 = arith.constant 56 : i32
        %dma_wait3A_1979 = arith.constant 0 : i32
        %dma_wait3A_1980 = tpu.memref_slice %arg8[%dma_wait3A_1978, %dma_wait3A_1979] : memref<128x129xf32, #tpu.memory_space<vmem>> -> memref<8x128xf32, #tpu.memory_space<vmem>>
        tpu.wait_dma2 semaphore(%arg13 : memref<!tpu.dma_semaphore, #tpu.memory_space<semaphore_mem>>) src(%dma_wait3A_1980 : memref<8x128xf32, #tpu.memory_space<vmem>>) dst(%dma_wait3A_1977 : memref<8x128xf32, #tpu.memory_space<hbm>>)
        %dma_wait3A_1981 = arith.constant 1 : i32
        %dma_wait3A_1982 = arith.constant 0 : i32
        %dma_wait3A_1983 = arith.constant 64 : i32
        %dma_wait3A_1984 = arith.constant 0 : i32
        %dma_wait3A_1985 = tpu.memref_slice %arg8[%dma_wait3A_1983, %dma_wait3A_1984] : memref<128x129xf32, #tpu.memory_space<vmem>> -> memref<8x128xf32, #tpu.memory_space<vmem>>
        %dma_wait3A_1986 = arith.constant 0 : i32
        %dma_wait3A_1987 = arith.constant 0 : i32
        %dma_wait3A_1988 = tpu.memref_slice %arg4[%dma_wait3A_1981, %dma_wait3A_1982, %add3A, %dma_wait3A_1986, %dma_wait3A_1987] : memref<50x8x32x8x128xf32, #tpu.memory_space<hbm>> -> memref<1x1x1x8x128xf32, #tpu.memory_space<hbm>>
        %dma_wait3A_1989 = tpu.memref_squeeze %dma_wait3A_1988 : memref<1x1x1x8x128xf32, #tpu.memory_space<hbm>> -> memref<8x128xf32, #tpu.memory_space<hbm>>
        %dma_wait3A_1990 = arith.constant 0 : i32
        %dma_wait3A_1991 = arith.constant 0 : i32
        %dma_wait3A_1992 = tpu.memref_slice %arg4[%dma_wait3A_1981, %dma_wait3A_1982, %add3A, %dma_wait3A_1990, %dma_wait3A_1991] : memref<50x8x32x8x128xf32, #tpu.memory_space<hbm>> -> memref<1x1x1x8x128xf32, #tpu.memory_space<hbm>>
        %dma_wait3A_1993 = tpu.memref_squeeze %dma_wait3A_1992 : memref<1x1x1x8x128xf32, #tpu.memory_space<hbm>> -> memref<8x128xf32, #tpu.memory_space<hbm>>
        %dma_wait3A_1994 = arith.constant 64 : i32
        %dma_wait3A_1995 = arith.constant 0 : i32
        %dma_wait3A_1996 = tpu.memref_slice %arg8[%dma_wait3A_1994, %dma_wait3A_1995] : memref<128x129xf32, #tpu.memory_space<vmem>> -> memref<8x128xf32, #tpu.memory_space<vmem>>
        tpu.wait_dma2 semaphore(%arg13 : memref<!tpu.dma_semaphore, #tpu.memory_space<semaphore_mem>>) src(%dma_wait3A_1996 : memref<8x128xf32, #tpu.memory_space<vmem>>) dst(%dma_wait3A_1993 : memref<8x128xf32, #tpu.memory_space<hbm>>)
        %dma_wait3A_1997 = arith.constant 1 : i32
        %dma_wait3A_1998 = arith.constant 1 : i32
        %dma_wait3A_1999 = arith.constant 72 : i32
        %dma_wait3A_2000 = arith.constant 0 : i32
        %dma_wait3A_2001 = tpu.memref_slice %arg8[%dma_wait3A_1999, %dma_wait3A_2000] : memref<128x129xf32, #tpu.memory_space<vmem>> -> memref<8x128xf32, #tpu.memory_space<vmem>>
        %dma_wait3A_2002 = arith.constant 0 : i32
        %dma_wait3A_2003 = arith.constant 0 : i32
        %dma_wait3A_2004 = tpu.memref_slice %arg4[%dma_wait3A_1997, %dma_wait3A_1998, %add3A, %dma_wait3A_2002, %dma_wait3A_2003] : memref<50x8x32x8x128xf32, #tpu.memory_space<hbm>> -> memref<1x1x1x8x128xf32, #tpu.memory_space<hbm>>
        %dma_wait3A_2005 = tpu.memref_squeeze %dma_wait3A_2004 : memref<1x1x1x8x128xf32, #tpu.memory_space<hbm>> -> memref<8x128xf32, #tpu.memory_space<hbm>>
        %dma_wait3A_2006 = arith.constant 0 : i32
        %dma_wait3A_2007 = arith.constant 0 : i32
        %dma_wait3A_2008 = tpu.memref_slice %arg4[%dma_wait3A_1997, %dma_wait3A_1998, %add3A, %dma_wait3A_2006, %dma_wait3A_2007] : memref<50x8x32x8x128xf32, #tpu.memory_space<hbm>> -> memref<1x1x1x8x128xf32, #tpu.memory_space<hbm>>
        %dma_wait3A_2009 = tpu.memref_squeeze %dma_wait3A_2008 : memref<1x1x1x8x128xf32, #tpu.memory_space<hbm>> -> memref<8x128xf32, #tpu.memory_space<hbm>>
        %dma_wait3A_2010 = arith.constant 72 : i32
        %dma_wait3A_2011 = arith.constant 0 : i32
        %dma_wait3A_2012 = tpu.memref_slice %arg8[%dma_wait3A_2010, %dma_wait3A_2011] : memref<128x129xf32, #tpu.memory_space<vmem>> -> memref<8x128xf32, #tpu.memory_space<vmem>>
        tpu.wait_dma2 semaphore(%arg13 : memref<!tpu.dma_semaphore, #tpu.memory_space<semaphore_mem>>) src(%dma_wait3A_2012 : memref<8x128xf32, #tpu.memory_space<vmem>>) dst(%dma_wait3A_2009 : memref<8x128xf32, #tpu.memory_space<hbm>>)
        %dma_wait3A_2013 = arith.constant 1 : i32
        %dma_wait3A_2014 = arith.constant 2 : i32
        %dma_wait3A_2015 = arith.constant 80 : i32
        %dma_wait3A_2016 = arith.constant 0 : i32
        %dma_wait3A_2017 = tpu.memref_slice %arg8[%dma_wait3A_2015, %dma_wait3A_2016] : memref<128x129xf32, #tpu.memory_space<vmem>> -> memref<8x128xf32, #tpu.memory_space<vmem>>
        %dma_wait3A_2018 = arith.constant 0 : i32
        %dma_wait3A_2019 = arith.constant 0 : i32
        %dma_wait3A_2020 = tpu.memref_slice %arg4[%dma_wait3A_2013, %dma_wait3A_2014, %add3A, %dma_wait3A_2018, %dma_wait3A_2019] : memref<50x8x32x8x128xf32, #tpu.memory_space<hbm>> -> memref<1x1x1x8x128xf32, #tpu.memory_space<hbm>>
        %dma_wait3A_2021 = tpu.memref_squeeze %dma_wait3A_2020 : memref<1x1x1x8x128xf32, #tpu.memory_space<hbm>> -> memref<8x128xf32, #tpu.memory_space<hbm>>
        %dma_wait3A_2022 = arith.constant 0 : i32
        %dma_wait3A_2023 = arith.constant 0 : i32
        %dma_wait3A_2024 = tpu.memref_slice %arg4[%dma_wait3A_2013, %dma_wait3A_2014, %add3A, %dma_wait3A_2022, %dma_wait3A_2023] : memref<50x8x32x8x128xf32, #tpu.memory_space<hbm>> -> memref<1x1x1x8x128xf32, #tpu.memory_space<hbm>>
        %dma_wait3A_2025 = tpu.memref_squeeze %dma_wait3A_2024 : memref<1x1x1x8x128xf32, #tpu.memory_space<hbm>> -> memref<8x128xf32, #tpu.memory_space<hbm>>
        %dma_wait3A_2026 = arith.constant 80 : i32
        %dma_wait3A_2027 = arith.constant 0 : i32
        %dma_wait3A_2028 = tpu.memref_slice %arg8[%dma_wait3A_2026, %dma_wait3A_2027] : memref<128x129xf32, #tpu.memory_space<vmem>> -> memref<8x128xf32, #tpu.memory_space<vmem>>
        tpu.wait_dma2 semaphore(%arg13 : memref<!tpu.dma_semaphore, #tpu.memory_space<semaphore_mem>>) src(%dma_wait3A_2028 : memref<8x128xf32, #tpu.memory_space<vmem>>) dst(%dma_wait3A_2025 : memref<8x128xf32, #tpu.memory_space<hbm>>)
        %dma_wait3A_2029 = arith.constant 1 : i32
        %dma_wait3A_2030 = arith.constant 3 : i32
        %dma_wait3A_2031 = arith.constant 88 : i32
        %dma_wait3A_2032 = arith.constant 0 : i32
        %dma_wait3A_2033 = tpu.memref_slice %arg8[%dma_wait3A_2031, %dma_wait3A_2032] : memref<128x129xf32, #tpu.memory_space<vmem>> -> memref<8x128xf32, #tpu.memory_space<vmem>>
        %dma_wait3A_2034 = arith.constant 0 : i32
        %dma_wait3A_2035 = arith.constant 0 : i32
        %dma_wait3A_2036 = tpu.memref_slice %arg4[%dma_wait3A_2029, %dma_wait3A_2030, %add3A, %dma_wait3A_2034, %dma_wait3A_2035] : memref<50x8x32x8x128xf32, #tpu.memory_space<hbm>> -> memref<1x1x1x8x128xf32, #tpu.memory_space<hbm>>
        %dma_wait3A_2037 = tpu.memref_squeeze %dma_wait3A_2036 : memref<1x1x1x8x128xf32, #tpu.memory_space<hbm>> -> memref<8x128xf32, #tpu.memory_space<hbm>>
        %dma_wait3A_2038 = arith.constant 0 : i32
        %dma_wait3A_2039 = arith.constant 0 : i32
        %dma_wait3A_2040 = tpu.memref_slice %arg4[%dma_wait3A_2029, %dma_wait3A_2030, %add3A, %dma_wait3A_2038, %dma_wait3A_2039] : memref<50x8x32x8x128xf32, #tpu.memory_space<hbm>> -> memref<1x1x1x8x128xf32, #tpu.memory_space<hbm>>
        %dma_wait3A_2041 = tpu.memref_squeeze %dma_wait3A_2040 : memref<1x1x1x8x128xf32, #tpu.memory_space<hbm>> -> memref<8x128xf32, #tpu.memory_space<hbm>>
        %dma_wait3A_2042 = arith.constant 88 : i32
        %dma_wait3A_2043 = arith.constant 0 : i32
        %dma_wait3A_2044 = tpu.memref_slice %arg8[%dma_wait3A_2042, %dma_wait3A_2043] : memref<128x129xf32, #tpu.memory_space<vmem>> -> memref<8x128xf32, #tpu.memory_space<vmem>>
        tpu.wait_dma2 semaphore(%arg13 : memref<!tpu.dma_semaphore, #tpu.memory_space<semaphore_mem>>) src(%dma_wait3A_2044 : memref<8x128xf32, #tpu.memory_space<vmem>>) dst(%dma_wait3A_2041 : memref<8x128xf32, #tpu.memory_space<hbm>>)
        %dma_wait3A_2045 = arith.constant 1 : i32
        %dma_wait3A_2046 = arith.constant 4 : i32
        %dma_wait3A_2047 = arith.constant 96 : i32
        %dma_wait3A_2048 = arith.constant 0 : i32
        %dma_wait3A_2049 = tpu.memref_slice %arg8[%dma_wait3A_2047, %dma_wait3A_2048] : memref<128x129xf32, #tpu.memory_space<vmem>> -> memref<8x128xf32, #tpu.memory_space<vmem>>
        %dma_wait3A_2050 = arith.constant 0 : i32
        %dma_wait3A_2051 = arith.constant 0 : i32
        %dma_wait3A_2052 = tpu.memref_slice %arg4[%dma_wait3A_2045, %dma_wait3A_2046, %add3A, %dma_wait3A_2050, %dma_wait3A_2051] : memref<50x8x32x8x128xf32, #tpu.memory_space<hbm>> -> memref<1x1x1x8x128xf32, #tpu.memory_space<hbm>>
        %dma_wait3A_2053 = tpu.memref_squeeze %dma_wait3A_2052 : memref<1x1x1x8x128xf32, #tpu.memory_space<hbm>> -> memref<8x128xf32, #tpu.memory_space<hbm>>
        %dma_wait3A_2054 = arith.constant 0 : i32
        %dma_wait3A_2055 = arith.constant 0 : i32
        %dma_wait3A_2056 = tpu.memref_slice %arg4[%dma_wait3A_2045, %dma_wait3A_2046, %add3A, %dma_wait3A_2054, %dma_wait3A_2055] : memref<50x8x32x8x128xf32, #tpu.memory_space<hbm>> -> memref<1x1x1x8x128xf32, #tpu.memory_space<hbm>>
        %dma_wait3A_2057 = tpu.memref_squeeze %dma_wait3A_2056 : memref<1x1x1x8x128xf32, #tpu.memory_space<hbm>> -> memref<8x128xf32, #tpu.memory_space<hbm>>
        %dma_wait3A_2058 = arith.constant 96 : i32
        %dma_wait3A_2059 = arith.constant 0 : i32
        %dma_wait3A_2060 = tpu.memref_slice %arg8[%dma_wait3A_2058, %dma_wait3A_2059] : memref<128x129xf32, #tpu.memory_space<vmem>> -> memref<8x128xf32, #tpu.memory_space<vmem>>
        tpu.wait_dma2 semaphore(%arg13 : memref<!tpu.dma_semaphore, #tpu.memory_space<semaphore_mem>>) src(%dma_wait3A_2060 : memref<8x128xf32, #tpu.memory_space<vmem>>) dst(%dma_wait3A_2057 : memref<8x128xf32, #tpu.memory_space<hbm>>)
        %dma_wait3A_2061 = arith.constant 1 : i32
        %dma_wait3A_2062 = arith.constant 5 : i32
        %dma_wait3A_2063 = arith.constant 104 : i32
        %dma_wait3A_2064 = arith.constant 0 : i32
        %dma_wait3A_2065 = tpu.memref_slice %arg8[%dma_wait3A_2063, %dma_wait3A_2064] : memref<128x129xf32, #tpu.memory_space<vmem>> -> memref<8x128xf32, #tpu.memory_space<vmem>>
        %dma_wait3A_2066 = arith.constant 0 : i32
        %dma_wait3A_2067 = arith.constant 0 : i32
        %dma_wait3A_2068 = tpu.memref_slice %arg4[%dma_wait3A_2061, %dma_wait3A_2062, %add3A, %dma_wait3A_2066, %dma_wait3A_2067] : memref<50x8x32x8x128xf32, #tpu.memory_space<hbm>> -> memref<1x1x1x8x128xf32, #tpu.memory_space<hbm>>
        %dma_wait3A_2069 = tpu.memref_squeeze %dma_wait3A_2068 : memref<1x1x1x8x128xf32, #tpu.memory_space<hbm>> -> memref<8x128xf32, #tpu.memory_space<hbm>>
        %dma_wait3A_2070 = arith.constant 0 : i32
        %dma_wait3A_2071 = arith.constant 0 : i32
        %dma_wait3A_2072 = tpu.memref_slice %arg4[%dma_wait3A_2061, %dma_wait3A_2062, %add3A, %dma_wait3A_2070, %dma_wait3A_2071] : memref<50x8x32x8x128xf32, #tpu.memory_space<hbm>> -> memref<1x1x1x8x128xf32, #tpu.memory_space<hbm>>
        %dma_wait3A_2073 = tpu.memref_squeeze %dma_wait3A_2072 : memref<1x1x1x8x128xf32, #tpu.memory_space<hbm>> -> memref<8x128xf32, #tpu.memory_space<hbm>>
        %dma_wait3A_2074 = arith.constant 104 : i32
        %dma_wait3A_2075 = arith.constant 0 : i32
        %dma_wait3A_2076 = tpu.memref_slice %arg8[%dma_wait3A_2074, %dma_wait3A_2075] : memref<128x129xf32, #tpu.memory_space<vmem>> -> memref<8x128xf32, #tpu.memory_space<vmem>>
        tpu.wait_dma2 semaphore(%arg13 : memref<!tpu.dma_semaphore, #tpu.memory_space<semaphore_mem>>) src(%dma_wait3A_2076 : memref<8x128xf32, #tpu.memory_space<vmem>>) dst(%dma_wait3A_2073 : memref<8x128xf32, #tpu.memory_space<hbm>>)
        %dma_wait3A_2077 = arith.constant 1 : i32
        %dma_wait3A_2078 = arith.constant 6 : i32
        %dma_wait3A_2079 = arith.constant 112 : i32
        %dma_wait3A_2080 = arith.constant 0 : i32
        %dma_wait3A_2081 = tpu.memref_slice %arg8[%dma_wait3A_2079, %dma_wait3A_2080] : memref<128x129xf32, #tpu.memory_space<vmem>> -> memref<8x128xf32, #tpu.memory_space<vmem>>
        %dma_wait3A_2082 = arith.constant 0 : i32
        %dma_wait3A_2083 = arith.constant 0 : i32
        %dma_wait3A_2084 = tpu.memref_slice %arg4[%dma_wait3A_2077, %dma_wait3A_2078, %add3A, %dma_wait3A_2082, %dma_wait3A_2083] : memref<50x8x32x8x128xf32, #tpu.memory_space<hbm>> -> memref<1x1x1x8x128xf32, #tpu.memory_space<hbm>>
        %dma_wait3A_2085 = tpu.memref_squeeze %dma_wait3A_2084 : memref<1x1x1x8x128xf32, #tpu.memory_space<hbm>> -> memref<8x128xf32, #tpu.memory_space<hbm>>
        %dma_wait3A_2086 = arith.constant 0 : i32
        %dma_wait3A_2087 = arith.constant 0 : i32
        %dma_wait3A_2088 = tpu.memref_slice %arg4[%dma_wait3A_2077, %dma_wait3A_2078, %add3A, %dma_wait3A_2086, %dma_wait3A_2087] : memref<50x8x32x8x128xf32, #tpu.memory_space<hbm>> -> memref<1x1x1x8x128xf32, #tpu.memory_space<hbm>>
        %dma_wait3A_2089 = tpu.memref_squeeze %dma_wait3A_2088 : memref<1x1x1x8x128xf32, #tpu.memory_space<hbm>> -> memref<8x128xf32, #tpu.memory_space<hbm>>
        %dma_wait3A_2090 = arith.constant 112 : i32
        %dma_wait3A_2091 = arith.constant 0 : i32
        %dma_wait3A_2092 = tpu.memref_slice %arg8[%dma_wait3A_2090, %dma_wait3A_2091] : memref<128x129xf32, #tpu.memory_space<vmem>> -> memref<8x128xf32, #tpu.memory_space<vmem>>
        tpu.wait_dma2 semaphore(%arg13 : memref<!tpu.dma_semaphore, #tpu.memory_space<semaphore_mem>>) src(%dma_wait3A_2092 : memref<8x128xf32, #tpu.memory_space<vmem>>) dst(%dma_wait3A_2089 : memref<8x128xf32, #tpu.memory_space<hbm>>)
        %dma_wait3A_2093 = arith.constant 1 : i32
        %dma_wait3A_2094 = arith.constant 7 : i32
        %dma_wait3A_2095 = arith.constant 120 : i32
        %dma_wait3A_2096 = arith.constant 0 : i32
        %dma_wait3A_2097 = tpu.memref_slice %arg8[%dma_wait3A_2095, %dma_wait3A_2096] : memref<128x129xf32, #tpu.memory_space<vmem>> -> memref<8x128xf32, #tpu.memory_space<vmem>>
        %dma_wait3A_2098 = arith.constant 0 : i32
        %dma_wait3A_2099 = arith.constant 0 : i32
        %dma_wait3A_2100 = tpu.memref_slice %arg4[%dma_wait3A_2093, %dma_wait3A_2094, %add3A, %dma_wait3A_2098, %dma_wait3A_2099] : memref<50x8x32x8x128xf32, #tpu.memory_space<hbm>> -> memref<1x1x1x8x128xf32, #tpu.memory_space<hbm>>
        %dma_wait3A_2101 = tpu.memref_squeeze %dma_wait3A_2100 : memref<1x1x1x8x128xf32, #tpu.memory_space<hbm>> -> memref<8x128xf32, #tpu.memory_space<hbm>>
        %dma_wait3A_2102 = arith.constant 0 : i32
        %dma_wait3A_2103 = arith.constant 0 : i32
        %dma_wait3A_2104 = tpu.memref_slice %arg4[%dma_wait3A_2093, %dma_wait3A_2094, %add3A, %dma_wait3A_2102, %dma_wait3A_2103] : memref<50x8x32x8x128xf32, #tpu.memory_space<hbm>> -> memref<1x1x1x8x128xf32, #tpu.memory_space<hbm>>
        %dma_wait3A_2105 = tpu.memref_squeeze %dma_wait3A_2104 : memref<1x1x1x8x128xf32, #tpu.memory_space<hbm>> -> memref<8x128xf32, #tpu.memory_space<hbm>>
        %dma_wait3A_2106 = arith.constant 120 : i32
        %dma_wait3A_2107 = arith.constant 0 : i32
        %dma_wait3A_2108 = tpu.memref_slice %arg8[%dma_wait3A_2106, %dma_wait3A_2107] : memref<128x129xf32, #tpu.memory_space<vmem>> -> memref<8x128xf32, #tpu.memory_space<vmem>>
        tpu.wait_dma2 semaphore(%arg13 : memref<!tpu.dma_semaphore, #tpu.memory_space<semaphore_mem>>) src(%dma_wait3A_2108 : memref<8x128xf32, #tpu.memory_space<vmem>>) dst(%dma_wait3A_2105 : memref<8x128xf32, #tpu.memory_space<hbm>>)
      } else {
      }
      %parallel_loop3A_1170 = arith.constant 0 : i32
      %parallel_loop3A_1171 = arith.constant 256 : i32
      %parallel_loop3A_1172 = arith.constant 1 : i32
      scf.for %parallel_loop3A_1853 = %parallel_loop3A_1170 to %parallel_loop3A_1171 step %parallel_loop3A_1172  : i32 {
        %parallel_loop3A_1854 = arith.constant 128 : i32
        %parallel_loop3A_1855 = arith.divsi %parallel_loop3A_1853, %parallel_loop3A_1854 : i32
        %parallel_loop3A_1856 = arith.constant 0 : i32
        %parallel_loop3A_1857 = arith.cmpi sgt, %parallel_loop3A_1853, %parallel_loop3A_1856 : i32
        %parallel_loop3A_1858 = arith.extui %parallel_loop3A_1857 : i1 to i32
        %parallel_loop3A_1859 = arith.constant 0 : i32
        %parallel_loop3A_1860 = arith.cmpi slt, %parallel_loop3A_1853, %parallel_loop3A_1859 : i32
        %parallel_loop3A_1861 = arith.extui %parallel_loop3A_1860 : i1 to i32
        %parallel_loop3A_1862 = arith.subi %parallel_loop3A_1858, %parallel_loop3A_1861 : i32
        %parallel_loop3A_1863 = arith.constant 0 : i32
        %parallel_loop3A_1864 = arith.cmpi sgt, %parallel_loop3A_1854, %parallel_loop3A_1863 : i32
        %parallel_loop3A_1865 = arith.extui %parallel_loop3A_1864 : i1 to i32
        %parallel_loop3A_1866 = arith.constant 0 : i32
        %parallel_loop3A_1867 = arith.cmpi slt, %parallel_loop3A_1854, %parallel_loop3A_1866 : i32
        %parallel_loop3A_1868 = arith.extui %parallel_loop3A_1867 : i1 to i32
        %parallel_loop3A_1869 = arith.subi %parallel_loop3A_1865, %parallel_loop3A_1868 : i32
        %parallel_loop3A_1870 = arith.cmpi ne, %parallel_loop3A_1862, %parallel_loop3A_1869 : i32
        %parallel_loop3A_1871 = arith.remsi %parallel_loop3A_1853, %parallel_loop3A_1854 : i32
        %parallel_loop3A_1872 = arith.constant 0 : i32
        %parallel_loop3A_1873 = arith.cmpi ne, %parallel_loop3A_1871, %parallel_loop3A_1872 : i32
        %parallel_loop3A_1874 = arith.andi %parallel_loop3A_1870, %parallel_loop3A_1873 : i1
        %parallel_loop3A_1875 = arith.constant 1 : i32
        %parallel_loop3A_1876 = arith.subi %parallel_loop3A_1855, %parallel_loop3A_1875 : i32
        %parallel_loop3A_1877 = arith.select %parallel_loop3A_1874, %parallel_loop3A_1876, %parallel_loop3A_1855 : i32
        %parallel_loop3A_1878 = arith.constant 128 : i32
        %parallel_loop3A_1879 = arith.constant 0 : i32
        %parallel_loop3A_1880 = arith.cmpi eq, %parallel_loop3A_1878, %parallel_loop3A_1879 : i32
        %parallel_loop3A_1881 = arith.constant 1 : i32
        %parallel_loop3A_1882 = arith.select %parallel_loop3A_1880, %parallel_loop3A_1881, %parallel_loop3A_1878 : i32
        %parallel_loop3A_1883 = arith.remsi %parallel_loop3A_1853, %parallel_loop3A_1882 : i32
        %parallel_loop3A_1884 = arith.constant 0 : i32
        %parallel_loop3A_1885 = arith.cmpi ne, %parallel_loop3A_1883, %parallel_loop3A_1884 : i32
        %parallel_loop3A_1886 = arith.constant 0 : i32
        %parallel_loop3A_1887 = arith.cmpi slt, %parallel_loop3A_1883, %parallel_loop3A_1886 : i32
        %parallel_loop3A_1888 = arith.constant 0 : i32
        %parallel_loop3A_1889 = arith.cmpi slt, %parallel_loop3A_1882, %parallel_loop3A_1888 : i32
        %parallel_loop3A_1890 = arith.xori %parallel_loop3A_1887, %parallel_loop3A_1889 : i1
        %parallel_loop3A_1891 = arith.andi %parallel_loop3A_1890, %parallel_loop3A_1885 : i1
        %parallel_loop3A_1892 = arith.addi %parallel_loop3A_1883, %parallel_loop3A_1882 : i32
        %parallel_loop3A_1893 = arith.select %parallel_loop3A_1891, %parallel_loop3A_1892, %parallel_loop3A_1883 : i32
        %parallel_loop3A_1894 = arith.constant 0 : i32
        %parallel_loop3A_1895 = vector.broadcast %parallel_loop3A_1894 : i32 to vector<16xi32>
        %parallel_loop3A_1896 = vector.broadcast %parallel_loop3A_1893 : i32 to vector<16xi32>
        %parallel_loop3A_1897 = arith.addi %parallel_loop3A_1895, %parallel_loop3A_1896 : vector<16xi32>
        %parallel_loop3A_1898 = arith.constant 64 : i32
        %parallel_loop3A_1899 = arith.muli %parallel_loop3A_1877, %parallel_loop3A_1898 : i32
        %parallel_loop3A_1900 = arith.constant 0 : i32
        %parallel_loop3A_1901 = tpu.memref_slice %arg6[%parallel_loop3A_1877, %parallel_loop3A_1893, %parallel_loop3A_1900] : memref<2x128x64xf32, #tpu.memory_space<vmem>> -> memref<1x1x64xf32, #tpu.memory_space<vmem>>
        %parallel_loop3A_1902 = tpu.memref_squeeze %parallel_loop3A_1901 : memref<1x1x64xf32, #tpu.memory_space<vmem>> -> memref<64xf32, #tpu.memory_space<vmem>>
        %parallel_loop3A_1903 = arith.constant 0 : index
        %parallel_loop3A_1904 = tpu.vector_load %parallel_loop3A_1902[%parallel_loop3A_1903] {strides = array<i32>} : memref<64xf32, #tpu.memory_space<vmem>>, vector<16xf32>,
        %parallel_loop3A_1905 = arith.constant 0 : i32
        %parallel_loop3A_1906 = arith.addi %parallel_loop3A_1899, %parallel_loop3A_1905 : i32
        %parallel_loop3A_1907 = vector.broadcast %parallel_loop3A_1906 : i32 to vector<16xi32>
        %parallel_loop3A_1908 = arith.addi %iota3A, %parallel_loop3A_1907 : vector<16xi32>
        tpu.vector_store_idx %arg8[%parallel_loop3A_1908, %parallel_loop3A_1897], %parallel_loop3A_1904 : memref<128x129xf32, #tpu.memory_space<vmem>>[vector<16xi32>, vector<16xi32>], vector<16xf32>,
        %parallel_loop3A_1909 = arith.constant 0 : i32
        %parallel_loop3A_1910 = tpu.memref_slice %arg6[%parallel_loop3A_1877, %parallel_loop3A_1893, %parallel_loop3A_1909] : memref<2x128x64xf32, #tpu.memory_space<vmem>> -> memref<1x1x64xf32, #tpu.memory_space<vmem>>
        %parallel_loop3A_1911 = tpu.memref_squeeze %parallel_loop3A_1910 : memref<1x1x64xf32, #tpu.memory_space<vmem>> -> memref<64xf32, #tpu.memory_space<vmem>>
        %parallel_loop3A_1912 = arith.constant 16 : index
        %parallel_loop3A_1913 = tpu.vector_load %parallel_loop3A_1911[%parallel_loop3A_1912] {strides = array<i32>} : memref<64xf32, #tpu.memory_space<vmem>>, vector<16xf32>,
        %parallel_loop3A_1914 = arith.constant 16 : i32
        %parallel_loop3A_1915 = arith.addi %parallel_loop3A_1899, %parallel_loop3A_1914 : i32
        %parallel_loop3A_1916 = vector.broadcast %parallel_loop3A_1915 : i32 to vector<16xi32>
        %parallel_loop3A_1917 = arith.addi %iota3A, %parallel_loop3A_1916 : vector<16xi32>
        tpu.vector_store_idx %arg8[%parallel_loop3A_1917, %parallel_loop3A_1897], %parallel_loop3A_1913 : memref<128x129xf32, #tpu.memory_space<vmem>>[vector<16xi32>, vector<16xi32>], vector<16xf32>,
        %parallel_loop3A_1918 = arith.constant 0 : i32
        %parallel_loop3A_1919 = tpu.memref_slice %arg6[%parallel_loop3A_1877, %parallel_loop3A_1893, %parallel_loop3A_1918] : memref<2x128x64xf32, #tpu.memory_space<vmem>> -> memref<1x1x64xf32, #tpu.memory_space<vmem>>
        %parallel_loop3A_1920 = tpu.memref_squeeze %parallel_loop3A_1919 : memref<1x1x64xf32, #tpu.memory_space<vmem>> -> memref<64xf32, #tpu.memory_space<vmem>>
        %parallel_loop3A_1921 = arith.constant 32 : index
        %parallel_loop3A_1922 = tpu.vector_load %parallel_loop3A_1920[%parallel_loop3A_1921] {strides = array<i32>} : memref<64xf32, #tpu.memory_space<vmem>>, vector<16xf32>,
        %parallel_loop3A_1923 = arith.constant 32 : i32
        %parallel_loop3A_1924 = arith.addi %parallel_loop3A_1899, %parallel_loop3A_1923 : i32
        %parallel_loop3A_1925 = vector.broadcast %parallel_loop3A_1924 : i32 to vector<16xi32>
        %parallel_loop3A_1926 = arith.addi %iota3A, %parallel_loop3A_1925 : vector<16xi32>
        tpu.vector_store_idx %arg8[%parallel_loop3A_1926, %parallel_loop3A_1897], %parallel_loop3A_1922 : memref<128x129xf32, #tpu.memory_space<vmem>>[vector<16xi32>, vector<16xi32>], vector<16xf32>,
        %parallel_loop3A_1927 = arith.constant 0 : i32
        %parallel_loop3A_1928 = tpu.memref_slice %arg6[%parallel_loop3A_1877, %parallel_loop3A_1893, %parallel_loop3A_1927] : memref<2x128x64xf32, #tpu.memory_space<vmem>> -> memref<1x1x64xf32, #tpu.memory_space<vmem>>
        %parallel_loop3A_1929 = tpu.memref_squeeze %parallel_loop3A_1928 : memref<1x1x64xf32, #tpu.memory_space<vmem>> -> memref<64xf32, #tpu.memory_space<vmem>>
        %parallel_loop3A_1930 = arith.constant 48 : index
        %parallel_loop3A_1931 = tpu.vector_load %parallel_loop3A_1929[%parallel_loop3A_1930] {strides = array<i32>} : memref<64xf32, #tpu.memory_space<vmem>>, vector<16xf32>,
        %parallel_loop3A_1932 = arith.constant 48 : i32
        %parallel_loop3A_1933 = arith.addi %parallel_loop3A_1899, %parallel_loop3A_1932 : i32
        %parallel_loop3A_1934 = vector.broadcast %parallel_loop3A_1933 : i32 to vector<16xi32>
        %parallel_loop3A_1935 = arith.addi %iota3A, %parallel_loop3A_1934 : vector<16xi32>
        tpu.vector_store_idx %arg8[%parallel_loop3A_1935, %parallel_loop3A_1897], %parallel_loop3A_1931 : memref<128x129xf32, #tpu.memory_space<vmem>>[vector<16xi32>, vector<16xi32>], vector<16xf32>,
      } {sc.loop_unroll_factor = 8 : i64, sc.parallel_access}
      %mul3A_1173 = arith.constant 2 : i32
      %mul3A_1174 = arith.muli %add3A_1105, %mul3A_1173 : i32
      %add3A_1175 = arith.constant 0 : i32
      %add3A_1176 = arith.addi %mul3A_1174, %add3A_1175 : i32
      %dma_start3A_1177 = arith.constant 0 : i32
      %dma_start3A_1178 = arith.constant 0 : i32
      %dma_start3A_1179 = arith.constant 0 : i32
      %dma_start3A_1180 = tpu.memref_slice %arg8[%dma_start3A_1178, %dma_start3A_1179] : memref<128x129xf32, #tpu.memory_space<vmem>> -> memref<8x128xf32, #tpu.memory_space<vmem>>
      %dma_start3A_1181 = arith.constant 0 : i32
      %dma_start3A_1182 = arith.constant 0 : i32
      %dma_start3A_1183 = tpu.memref_slice %arg4[%add3A_1176, %dma_start3A_1177, %add3A, %dma_start3A_1181, %dma_start3A_1182] : memref<50x8x32x8x128xf32, #tpu.memory_space<hbm>> -> memref<1x1x1x8x128xf32, #tpu.memory_space<hbm>>
      %dma_start3A_1184 = tpu.memref_squeeze %dma_start3A_1183 : memref<1x1x1x8x128xf32, #tpu.memory_space<hbm>> -> memref<8x128xf32, #tpu.memory_space<hbm>>
      %dma_start3A_1185 = arith.constant 0 : i32
      %dma_start3A_1186 = arith.constant 0 : i32
      %dma_start3A_1187 = tpu.memref_slice %arg4[%add3A_1176, %dma_start3A_1177, %add3A, %dma_start3A_1185, %dma_start3A_1186] : memref<50x8x32x8x128xf32, #tpu.memory_space<hbm>> -> memref<1x1x1x8x128xf32, #tpu.memory_space<hbm>>
      %dma_start3A_1188 = tpu.memref_squeeze %dma_start3A_1187 : memref<1x1x1x8x128xf32, #tpu.memory_space<hbm>> -> memref<8x128xf32, #tpu.memory_space<hbm>>
      %dma_start3A_1189 = arith.constant 0 : i32
      %dma_start3A_1190 = arith.constant 0 : i32
      %dma_start3A_1191 = tpu.memref_slice %arg8[%dma_start3A_1189, %dma_start3A_1190] : memref<128x129xf32, #tpu.memory_space<vmem>> -> memref<8x128xf32, #tpu.memory_space<vmem>>
      tpu.enqueue_dma source(%dma_start3A_1191 : memref<8x128xf32, #tpu.memory_space<vmem>>) target(%dma_start3A_1188 : memref<8x128xf32, #tpu.memory_space<hbm>>) target_semaphore(%arg13 : memref<!tpu.dma_semaphore, #tpu.memory_space<semaphore_mem>>)
      %mul3A_1192 = arith.constant 2 : i32
      %mul3A_1193 = arith.muli %add3A_1105, %mul3A_1192 : i32
      %add3A_1194 = arith.constant 0 : i32
      %add3A_1195 = arith.addi %mul3A_1193, %add3A_1194 : i32
      %dma_start3A_1196 = arith.constant 1 : i32
      %dma_start3A_1197 = arith.constant 8 : i32
      %dma_start3A_1198 = arith.constant 0 : i32
      %dma_start3A_1199 = tpu.memref_slice %arg8[%dma_start3A_1197, %dma_start3A_1198] : memref<128x129xf32, #tpu.memory_space<vmem>> -> memref<8x128xf32, #tpu.memory_space<vmem>>
      %dma_start3A_1200 = arith.constant 0 : i32
      %dma_start3A_1201 = arith.constant 0 : i32
      %dma_start3A_1202 = tpu.memref_slice %arg4[%add3A_1195, %dma_start3A_1196, %add3A, %dma_start3A_1200, %dma_start3A_1201] : memref<50x8x32x8x128xf32, #tpu.memory_space<hbm>> -> memref<1x1x1x8x128xf32, #tpu.memory_space<hbm>>
      %dma_start3A_1203 = tpu.memref_squeeze %dma_start3A_1202 : memref<1x1x1x8x128xf32, #tpu.memory_space<hbm>> -> memref<8x128xf32, #tpu.memory_space<hbm>>
      %dma_start3A_1204 = arith.constant 0 : i32
      %dma_start3A_1205 = arith.constant 0 : i32
      %dma_start3A_1206 = tpu.memref_slice %arg4[%add3A_1195, %dma_start3A_1196, %add3A, %dma_start3A_1204, %dma_start3A_1205] : memref<50x8x32x8x128xf32, #tpu.memory_space<hbm>> -> memref<1x1x1x8x128xf32, #tpu.memory_space<hbm>>
      %dma_start3A_1207 = tpu.memref_squeeze %dma_start3A_1206 : memref<1x1x1x8x128xf32, #tpu.memory_space<hbm>> -> memref<8x128xf32, #tpu.memory_space<hbm>>
      %dma_start3A_1208 = arith.constant 8 : i32
      %dma_start3A_1209 = arith.constant 0 : i32
      %dma_start3A_1210 = tpu.memref_slice %arg8[%dma_start3A_1208, %dma_start3A_1209] : memref<128x129xf32, #tpu.memory_space<vmem>> -> memref<8x128xf32, #tpu.memory_space<vmem>>
      tpu.enqueue_dma source(%dma_start3A_1210 : memref<8x128xf32, #tpu.memory_space<vmem>>) target(%dma_start3A_1207 : memref<8x128xf32, #tpu.memory_space<hbm>>) target_semaphore(%arg13 : memref<!tpu.dma_semaphore, #tpu.memory_space<semaphore_mem>>)
      %mul3A_1211 = arith.constant 2 : i32
      %mul3A_1212 = arith.muli %add3A_1105, %mul3A_1211 : i32
      %add3A_1213 = arith.constant 0 : i32
      %add3A_1214 = arith.addi %mul3A_1212, %add3A_1213 : i32
      %dma_start3A_1215 = arith.constant 2 : i32
      %dma_start3A_1216 = arith.constant 16 : i32
      %dma_start3A_1217 = arith.constant 0 : i32
      %dma_start3A_1218 = tpu.memref_slice %arg8[%dma_start3A_1216, %dma_start3A_1217] : memref<128x129xf32, #tpu.memory_space<vmem>> -> memref<8x128xf32, #tpu.memory_space<vmem>>
      %dma_start3A_1219 = arith.constant 0 : i32
      %dma_start3A_1220 = arith.constant 0 : i32
      %dma_start3A_1221 = tpu.memref_slice %arg4[%add3A_1214, %dma_start3A_1215, %add3A, %dma_start3A_1219, %dma_start3A_1220] : memref<50x8x32x8x128xf32, #tpu.memory_space<hbm>> -> memref<1x1x1x8x128xf32, #tpu.memory_space<hbm>>
      %dma_start3A_1222 = tpu.memref_squeeze %dma_start3A_1221 : memref<1x1x1x8x128xf32, #tpu.memory_space<hbm>> -> memref<8x128xf32, #tpu.memory_space<hbm>>
      %dma_start3A_1223 = arith.constant 0 : i32
      %dma_start3A_1224 = arith.constant 0 : i32
      %dma_start3A_1225 = tpu.memref_slice %arg4[%add3A_1214, %dma_start3A_1215, %add3A, %dma_start3A_1223, %dma_start3A_1224] : memref<50x8x32x8x128xf32, #tpu.memory_space<hbm>> -> memref<1x1x1x8x128xf32, #tpu.memory_space<hbm>>
      %dma_start3A_1226 = tpu.memref_squeeze %dma_start3A_1225 : memref<1x1x1x8x128xf32, #tpu.memory_space<hbm>> -> memref<8x128xf32, #tpu.memory_space<hbm>>
      %dma_start3A_1227 = arith.constant 16 : i32
      %dma_start3A_1228 = arith.constant 0 : i32
      %dma_start3A_1229 = tpu.memref_slice %arg8[%dma_start3A_1227, %dma_start3A_1228] : memref<128x129xf32, #tpu.memory_space<vmem>> -> memref<8x128xf32, #tpu.memory_space<vmem>>
      tpu.enqueue_dma source(%dma_start3A_1229 : memref<8x128xf32, #tpu.memory_space<vmem>>) target(%dma_start3A_1226 : memref<8x128xf32, #tpu.memory_space<hbm>>) target_semaphore(%arg13 : memref<!tpu.dma_semaphore, #tpu.memory_space<semaphore_mem>>)
      %mul3A_1230 = arith.constant 2 : i32
      %mul3A_1231 = arith.muli %add3A_1105, %mul3A_1230 : i32
      %add3A_1232 = arith.constant 0 : i32
      %add3A_1233 = arith.addi %mul3A_1231, %add3A_1232 : i32
      %dma_start3A_1234 = arith.constant 3 : i32
      %dma_start3A_1235 = arith.constant 24 : i32
      %dma_start3A_1236 = arith.constant 0 : i32
      %dma_start3A_1237 = tpu.memref_slice %arg8[%dma_start3A_1235, %dma_start3A_1236] : memref<128x129xf32, #tpu.memory_space<vmem>> -> memref<8x128xf32, #tpu.memory_space<vmem>>
      %dma_start3A_1238 = arith.constant 0 : i32
      %dma_start3A_1239 = arith.constant 0 : i32
      %dma_start3A_1240 = tpu.memref_slice %arg4[%add3A_1233, %dma_start3A_1234, %add3A, %dma_start3A_1238, %dma_start3A_1239] : memref<50x8x32x8x128xf32, #tpu.memory_space<hbm>> -> memref<1x1x1x8x128xf32, #tpu.memory_space<hbm>>
      %dma_start3A_1241 = tpu.memref_squeeze %dma_start3A_1240 : memref<1x1x1x8x128xf32, #tpu.memory_space<hbm>> -> memref<8x128xf32, #tpu.memory_space<hbm>>
      %dma_start3A_1242 = arith.constant 0 : i32
      %dma_start3A_1243 = arith.constant 0 : i32
      %dma_start3A_1244 = tpu.memref_slice %arg4[%add3A_1233, %dma_start3A_1234, %add3A, %dma_start3A_1242, %dma_start3A_1243] : memref<50x8x32x8x128xf32, #tpu.memory_space<hbm>> -> memref<1x1x1x8x128xf32, #tpu.memory_space<hbm>>
      %dma_start3A_1245 = tpu.memref_squeeze %dma_start3A_1244 : memref<1x1x1x8x128xf32, #tpu.memory_space<hbm>> -> memref<8x128xf32, #tpu.memory_space<hbm>>
      %dma_start3A_1246 = arith.constant 24 : i32
      %dma_start3A_1247 = arith.constant 0 : i32
      %dma_start3A_1248 = tpu.memref_slice %arg8[%dma_start3A_1246, %dma_start3A_1247] : memref<128x129xf32, #tpu.memory_space<vmem>> -> memref<8x128xf32, #tpu.memory_space<vmem>>
      tpu.enqueue_dma source(%dma_start3A_1248 : memref<8x128xf32, #tpu.memory_space<vmem>>) target(%dma_start3A_1245 : memref<8x128xf32, #tpu.memory_space<hbm>>) target_semaphore(%arg13 : memref<!tpu.dma_semaphore, #tpu.memory_space<semaphore_mem>>)
      %mul3A_1249 = arith.constant 2 : i32
      %mul3A_1250 = arith.muli %add3A_1105, %mul3A_1249 : i32
      %add3A_1251 = arith.constant 0 : i32
      %add3A_1252 = arith.addi %mul3A_1250, %add3A_1251 : i32
      %dma_start3A_1253 = arith.constant 4 : i32
      %dma_start3A_1254 = arith.constant 32 : i32
      %dma_start3A_1255 = arith.constant 0 : i32
      %dma_start3A_1256 = tpu.memref_slice %arg8[%dma_start3A_1254, %dma_start3A_1255] : memref<128x129xf32, #tpu.memory_space<vmem>> -> memref<8x128xf32, #tpu.memory_space<vmem>>
      %dma_start3A_1257 = arith.constant 0 : i32
      %dma_start3A_1258 = arith.constant 0 : i32
      %dma_start3A_1259 = tpu.memref_slice %arg4[%add3A_1252, %dma_start3A_1253, %add3A, %dma_start3A_1257, %dma_start3A_1258] : memref<50x8x32x8x128xf32, #tpu.memory_space<hbm>> -> memref<1x1x1x8x128xf32, #tpu.memory_space<hbm>>
      %dma_start3A_1260 = tpu.memref_squeeze %dma_start3A_1259 : memref<1x1x1x8x128xf32, #tpu.memory_space<hbm>> -> memref<8x128xf32, #tpu.memory_space<hbm>>
      %dma_start3A_1261 = arith.constant 0 : i32
      %dma_start3A_1262 = arith.constant 0 : i32
      %dma_start3A_1263 = tpu.memref_slice %arg4[%add3A_1252, %dma_start3A_1253, %add3A, %dma_start3A_1261, %dma_start3A_1262] : memref<50x8x32x8x128xf32, #tpu.memory_space<hbm>> -> memref<1x1x1x8x128xf32, #tpu.memory_space<hbm>>
      %dma_start3A_1264 = tpu.memref_squeeze %dma_start3A_1263 : memref<1x1x1x8x128xf32, #tpu.memory_space<hbm>> -> memref<8x128xf32, #tpu.memory_space<hbm>>
      %dma_start3A_1265 = arith.constant 32 : i32
      %dma_start3A_1266 = arith.constant 0 : i32
      %dma_start3A_1267 = tpu.memref_slice %arg8[%dma_start3A_1265, %dma_start3A_1266] : memref<128x129xf32, #tpu.memory_space<vmem>> -> memref<8x128xf32, #tpu.memory_space<vmem>>
      tpu.enqueue_dma source(%dma_start3A_1267 : memref<8x128xf32, #tpu.memory_space<vmem>>) target(%dma_start3A_1264 : memref<8x128xf32, #tpu.memory_space<hbm>>) target_semaphore(%arg13 : memref<!tpu.dma_semaphore, #tpu.memory_space<semaphore_mem>>)
      %mul3A_1268 = arith.constant 2 : i32
      %mul3A_1269 = arith.muli %add3A_1105, %mul3A_1268 : i32
      %add3A_1270 = arith.constant 0 : i32
      %add3A_1271 = arith.addi %mul3A_1269, %add3A_1270 : i32
      %dma_start3A_1272 = arith.constant 5 : i32
      %dma_start3A_1273 = arith.constant 40 : i32
      %dma_start3A_1274 = arith.constant 0 : i32
      %dma_start3A_1275 = tpu.memref_slice %arg8[%dma_start3A_1273, %dma_start3A_1274] : memref<128x129xf32, #tpu.memory_space<vmem>> -> memref<8x128xf32, #tpu.memory_space<vmem>>
      %dma_start3A_1276 = arith.constant 0 : i32
      %dma_start3A_1277 = arith.constant 0 : i32
      %dma_start3A_1278 = tpu.memref_slice %arg4[%add3A_1271, %dma_start3A_1272, %add3A, %dma_start3A_1276, %dma_start3A_1277] : memref<50x8x32x8x128xf32, #tpu.memory_space<hbm>> -> memref<1x1x1x8x128xf32, #tpu.memory_space<hbm>>
      %dma_start3A_1279 = tpu.memref_squeeze %dma_start3A_1278 : memref<1x1x1x8x128xf32, #tpu.memory_space<hbm>> -> memref<8x128xf32, #tpu.memory_space<hbm>>
      %dma_start3A_1280 = arith.constant 0 : i32
      %dma_start3A_1281 = arith.constant 0 : i32
      %dma_start3A_1282 = tpu.memref_slice %arg4[%add3A_1271, %dma_start3A_1272, %add3A, %dma_start3A_1280, %dma_start3A_1281] : memref<50x8x32x8x128xf32, #tpu.memory_space<hbm>> -> memref<1x1x1x8x128xf32, #tpu.memory_space<hbm>>
      %dma_start3A_1283 = tpu.memref_squeeze %dma_start3A_1282 : memref<1x1x1x8x128xf32, #tpu.memory_space<hbm>> -> memref<8x128xf32, #tpu.memory_space<hbm>>
      %dma_start3A_1284 = arith.constant 40 : i32
      %dma_start3A_1285 = arith.constant 0 : i32
      %dma_start3A_1286 = tpu.memref_slice %arg8[%dma_start3A_1284, %dma_start3A_1285] : memref<128x129xf32, #tpu.memory_space<vmem>> -> memref<8x128xf32, #tpu.memory_space<vmem>>
      tpu.enqueue_dma source(%dma_start3A_1286 : memref<8x128xf32, #tpu.memory_space<vmem>>) target(%dma_start3A_1283 : memref<8x128xf32, #tpu.memory_space<hbm>>) target_semaphore(%arg13 : memref<!tpu.dma_semaphore, #tpu.memory_space<semaphore_mem>>)
      %mul3A_1287 = arith.constant 2 : i32
      %mul3A_1288 = arith.muli %add3A_1105, %mul3A_1287 : i32
      %add3A_1289 = arith.constant 0 : i32
      %add3A_1290 = arith.addi %mul3A_1288, %add3A_1289 : i32
      %dma_start3A_1291 = arith.constant 6 : i32
      %dma_start3A_1292 = arith.constant 48 : i32
      %dma_start3A_1293 = arith.constant 0 : i32
      %dma_start3A_1294 = tpu.memref_slice %arg8[%dma_start3A_1292, %dma_start3A_1293] : memref<128x129xf32, #tpu.memory_space<vmem>> -> memref<8x128xf32, #tpu.memory_space<vmem>>
      %dma_start3A_1295 = arith.constant 0 : i32
      %dma_start3A_1296 = arith.constant 0 : i32
      %dma_start3A_1297 = tpu.memref_slice %arg4[%add3A_1290, %dma_start3A_1291, %add3A, %dma_start3A_1295, %dma_start3A_1296] : memref<50x8x32x8x128xf32, #tpu.memory_space<hbm>> -> memref<1x1x1x8x128xf32, #tpu.memory_space<hbm>>
      %dma_start3A_1298 = tpu.memref_squeeze %dma_start3A_1297 : memref<1x1x1x8x128xf32, #tpu.memory_space<hbm>> -> memref<8x128xf32, #tpu.memory_space<hbm>>
      %dma_start3A_1299 = arith.constant 0 : i32
      %dma_start3A_1300 = arith.constant 0 : i32
      %dma_start3A_1301 = tpu.memref_slice %arg4[%add3A_1290, %dma_start3A_1291, %add3A, %dma_start3A_1299, %dma_start3A_1300] : memref<50x8x32x8x128xf32, #tpu.memory_space<hbm>> -> memref<1x1x1x8x128xf32, #tpu.memory_space<hbm>>
      %dma_start3A_1302 = tpu.memref_squeeze %dma_start3A_1301 : memref<1x1x1x8x128xf32, #tpu.memory_space<hbm>> -> memref<8x128xf32, #tpu.memory_space<hbm>>
      %dma_start3A_1303 = arith.constant 48 : i32
      %dma_start3A_1304 = arith.constant 0 : i32
      %dma_start3A_1305 = tpu.memref_slice %arg8[%dma_start3A_1303, %dma_start3A_1304] : memref<128x129xf32, #tpu.memory_space<vmem>> -> memref<8x128xf32, #tpu.memory_space<vmem>>
      tpu.enqueue_dma source(%dma_start3A_1305 : memref<8x128xf32, #tpu.memory_space<vmem>>) target(%dma_start3A_1302 : memref<8x128xf32, #tpu.memory_space<hbm>>) target_semaphore(%arg13 : memref<!tpu.dma_semaphore, #tpu.memory_space<semaphore_mem>>)
      %mul3A_1306 = arith.constant 2 : i32
      %mul3A_1307 = arith.muli %add3A_1105, %mul3A_1306 : i32
      %add3A_1308 = arith.constant 0 : i32
      %add3A_1309 = arith.addi %mul3A_1307, %add3A_1308 : i32
      %dma_start3A_1310 = arith.constant 7 : i32
      %dma_start3A_1311 = arith.constant 56 : i32
      %dma_start3A_1312 = arith.constant 0 : i32
      %dma_start3A_1313 = tpu.memref_slice %arg8[%dma_start3A_1311, %dma_start3A_1312] : memref<128x129xf32, #tpu.memory_space<vmem>> -> memref<8x128xf32, #tpu.memory_space<vmem>>
      %dma_start3A_1314 = arith.constant 0 : i32
      %dma_start3A_1315 = arith.constant 0 : i32
      %dma_start3A_1316 = tpu.memref_slice %arg4[%add3A_1309, %dma_start3A_1310, %add3A, %dma_start3A_1314, %dma_start3A_1315] : memref<50x8x32x8x128xf32, #tpu.memory_space<hbm>> -> memref<1x1x1x8x128xf32, #tpu.memory_space<hbm>>
      %dma_start3A_1317 = tpu.memref_squeeze %dma_start3A_1316 : memref<1x1x1x8x128xf32, #tpu.memory_space<hbm>> -> memref<8x128xf32, #tpu.memory_space<hbm>>
      %dma_start3A_1318 = arith.constant 0 : i32
      %dma_start3A_1319 = arith.constant 0 : i32
      %dma_start3A_1320 = tpu.memref_slice %arg4[%add3A_1309, %dma_start3A_1310, %add3A, %dma_start3A_1318, %dma_start3A_1319] : memref<50x8x32x8x128xf32, #tpu.memory_space<hbm>> -> memref<1x1x1x8x128xf32, #tpu.memory_space<hbm>>
      %dma_start3A_1321 = tpu.memref_squeeze %dma_start3A_1320 : memref<1x1x1x8x128xf32, #tpu.memory_space<hbm>> -> memref<8x128xf32, #tpu.memory_space<hbm>>
      %dma_start3A_1322 = arith.constant 56 : i32
      %dma_start3A_1323 = arith.constant 0 : i32
      %dma_start3A_1324 = tpu.memref_slice %arg8[%dma_start3A_1322, %dma_start3A_1323] : memref<128x129xf32, #tpu.memory_space<vmem>> -> memref<8x128xf32, #tpu.memory_space<vmem>>
      tpu.enqueue_dma source(%dma_start3A_1324 : memref<8x128xf32, #tpu.memory_space<vmem>>) target(%dma_start3A_1321 : memref<8x128xf32, #tpu.memory_space<hbm>>) target_semaphore(%arg13 : memref<!tpu.dma_semaphore, #tpu.memory_space<semaphore_mem>>)
      %mul3A_1325 = arith.constant 2 : i32
      %mul3A_1326 = arith.muli %add3A_1105, %mul3A_1325 : i32
      %add3A_1327 = arith.constant 1 : i32
      %add3A_1328 = arith.addi %mul3A_1326, %add3A_1327 : i32
      %dma_start3A_1329 = arith.constant 0 : i32
      %dma_start3A_1330 = arith.constant 64 : i32
      %dma_start3A_1331 = arith.constant 0 : i32
      %dma_start3A_1332 = tpu.memref_slice %arg8[%dma_start3A_1330, %dma_start3A_1331] : memref<128x129xf32, #tpu.memory_space<vmem>> -> memref<8x128xf32, #tpu.memory_space<vmem>>
      %dma_start3A_1333 = arith.constant 0 : i32
      %dma_start3A_1334 = arith.constant 0 : i32
      %dma_start3A_1335 = tpu.memref_slice %arg4[%add3A_1328, %dma_start3A_1329, %add3A, %dma_start3A_1333, %dma_start3A_1334] : memref<50x8x32x8x128xf32, #tpu.memory_space<hbm>> -> memref<1x1x1x8x128xf32, #tpu.memory_space<hbm>>
      %dma_start3A_1336 = tpu.memref_squeeze %dma_start3A_1335 : memref<1x1x1x8x128xf32, #tpu.memory_space<hbm>> -> memref<8x128xf32, #tpu.memory_space<hbm>>
      %dma_start3A_1337 = arith.constant 0 : i32
      %dma_start3A_1338 = arith.constant 0 : i32
      %dma_start3A_1339 = tpu.memref_slice %arg4[%add3A_1328, %dma_start3A_1329, %add3A, %dma_start3A_1337, %dma_start3A_1338] : memref<50x8x32x8x128xf32, #tpu.memory_space<hbm>> -> memref<1x1x1x8x128xf32, #tpu.memory_space<hbm>>
      %dma_start3A_1340 = tpu.memref_squeeze %dma_start3A_1339 : memref<1x1x1x8x128xf32, #tpu.memory_space<hbm>> -> memref<8x128xf32, #tpu.memory_space<hbm>>
      %dma_start3A_1341 = arith.constant 64 : i32
      %dma_start3A_1342 = arith.constant 0 : i32
      %dma_start3A_1343 = tpu.memref_slice %arg8[%dma_start3A_1341, %dma_start3A_1342] : memref<128x129xf32, #tpu.memory_space<vmem>> -> memref<8x128xf32, #tpu.memory_space<vmem>>
      tpu.enqueue_dma source(%dma_start3A_1343 : memref<8x128xf32, #tpu.memory_space<vmem>>) target(%dma_start3A_1340 : memref<8x128xf32, #tpu.memory_space<hbm>>) target_semaphore(%arg13 : memref<!tpu.dma_semaphore, #tpu.memory_space<semaphore_mem>>)
      %mul3A_1344 = arith.constant 2 : i32
      %mul3A_1345 = arith.muli %add3A_1105, %mul3A_1344 : i32
      %add3A_1346 = arith.constant 1 : i32
      %add3A_1347 = arith.addi %mul3A_1345, %add3A_1346 : i32
      %dma_start3A_1348 = arith.constant 1 : i32
      %dma_start3A_1349 = arith.constant 72 : i32
      %dma_start3A_1350 = arith.constant 0 : i32
      %dma_start3A_1351 = tpu.memref_slice %arg8[%dma_start3A_1349, %dma_start3A_1350] : memref<128x129xf32, #tpu.memory_space<vmem>> -> memref<8x128xf32, #tpu.memory_space<vmem>>
      %dma_start3A_1352 = arith.constant 0 : i32
      %dma_start3A_1353 = arith.constant 0 : i32
      %dma_start3A_1354 = tpu.memref_slice %arg4[%add3A_1347, %dma_start3A_1348, %add3A, %dma_start3A_1352, %dma_start3A_1353] : memref<50x8x32x8x128xf32, #tpu.memory_space<hbm>> -> memref<1x1x1x8x128xf32, #tpu.memory_space<hbm>>
      %dma_start3A_1355 = tpu.memref_squeeze %dma_start3A_1354 : memref<1x1x1x8x128xf32, #tpu.memory_space<hbm>> -> memref<8x128xf32, #tpu.memory_space<hbm>>
      %dma_start3A_1356 = arith.constant 0 : i32
      %dma_start3A_1357 = arith.constant 0 : i32
      %dma_start3A_1358 = tpu.memref_slice %arg4[%add3A_1347, %dma_start3A_1348, %add3A, %dma_start3A_1356, %dma_start3A_1357] : memref<50x8x32x8x128xf32, #tpu.memory_space<hbm>> -> memref<1x1x1x8x128xf32, #tpu.memory_space<hbm>>
      %dma_start3A_1359 = tpu.memref_squeeze %dma_start3A_1358 : memref<1x1x1x8x128xf32, #tpu.memory_space<hbm>> -> memref<8x128xf32, #tpu.memory_space<hbm>>
      %dma_start3A_1360 = arith.constant 72 : i32
      %dma_start3A_1361 = arith.constant 0 : i32
      %dma_start3A_1362 = tpu.memref_slice %arg8[%dma_start3A_1360, %dma_start3A_1361] : memref<128x129xf32, #tpu.memory_space<vmem>> -> memref<8x128xf32, #tpu.memory_space<vmem>>
      tpu.enqueue_dma source(%dma_start3A_1362 : memref<8x128xf32, #tpu.memory_space<vmem>>) target(%dma_start3A_1359 : memref<8x128xf32, #tpu.memory_space<hbm>>) target_semaphore(%arg13 : memref<!tpu.dma_semaphore, #tpu.memory_space<semaphore_mem>>)
      %mul3A_1363 = arith.constant 2 : i32
      %mul3A_1364 = arith.muli %add3A_1105, %mul3A_1363 : i32
      %add3A_1365 = arith.constant 1 : i32
      %add3A_1366 = arith.addi %mul3A_1364, %add3A_1365 : i32
      %dma_start3A_1367 = arith.constant 2 : i32
      %dma_start3A_1368 = arith.constant 80 : i32
      %dma_start3A_1369 = arith.constant 0 : i32
      %dma_start3A_1370 = tpu.memref_slice %arg8[%dma_start3A_1368, %dma_start3A_1369] : memref<128x129xf32, #tpu.memory_space<vmem>> -> memref<8x128xf32, #tpu.memory_space<vmem>>
      %dma_start3A_1371 = arith.constant 0 : i32
      %dma_start3A_1372 = arith.constant 0 : i32
      %dma_start3A_1373 = tpu.memref_slice %arg4[%add3A_1366, %dma_start3A_1367, %add3A, %dma_start3A_1371, %dma_start3A_1372] : memref<50x8x32x8x128xf32, #tpu.memory_space<hbm>> -> memref<1x1x1x8x128xf32, #tpu.memory_space<hbm>>
      %dma_start3A_1374 = tpu.memref_squeeze %dma_start3A_1373 : memref<1x1x1x8x128xf32, #tpu.memory_space<hbm>> -> memref<8x128xf32, #tpu.memory_space<hbm>>
      %dma_start3A_1375 = arith.constant 0 : i32
      %dma_start3A_1376 = arith.constant 0 : i32
      %dma_start3A_1377 = tpu.memref_slice %arg4[%add3A_1366, %dma_start3A_1367, %add3A, %dma_start3A_1375, %dma_start3A_1376] : memref<50x8x32x8x128xf32, #tpu.memory_space<hbm>> -> memref<1x1x1x8x128xf32, #tpu.memory_space<hbm>>
      %dma_start3A_1378 = tpu.memref_squeeze %dma_start3A_1377 : memref<1x1x1x8x128xf32, #tpu.memory_space<hbm>> -> memref<8x128xf32, #tpu.memory_space<hbm>>
      %dma_start3A_1379 = arith.constant 80 : i32
      %dma_start3A_1380 = arith.constant 0 : i32
      %dma_start3A_1381 = tpu.memref_slice %arg8[%dma_start3A_1379, %dma_start3A_1380] : memref<128x129xf32, #tpu.memory_space<vmem>> -> memref<8x128xf32, #tpu.memory_space<vmem>>
      tpu.enqueue_dma source(%dma_start3A_1381 : memref<8x128xf32, #tpu.memory_space<vmem>>) target(%dma_start3A_1378 : memref<8x128xf32, #tpu.memory_space<hbm>>) target_semaphore(%arg13 : memref<!tpu.dma_semaphore, #tpu.memory_space<semaphore_mem>>)
      %mul3A_1382 = arith.constant 2 : i32
      %mul3A_1383 = arith.muli %add3A_1105, %mul3A_1382 : i32
      %add3A_1384 = arith.constant 1 : i32
      %add3A_1385 = arith.addi %mul3A_1383, %add3A_1384 : i32
      %dma_start3A_1386 = arith.constant 3 : i32
      %dma_start3A_1387 = arith.constant 88 : i32
      %dma_start3A_1388 = arith.constant 0 : i32
      %dma_start3A_1389 = tpu.memref_slice %arg8[%dma_start3A_1387, %dma_start3A_1388] : memref<128x129xf32, #tpu.memory_space<vmem>> -> memref<8x128xf32, #tpu.memory_space<vmem>>
      %dma_start3A_1390 = arith.constant 0 : i32
      %dma_start3A_1391 = arith.constant 0 : i32
      %dma_start3A_1392 = tpu.memref_slice %arg4[%add3A_1385, %dma_start3A_1386, %add3A, %dma_start3A_1390, %dma_start3A_1391] : memref<50x8x32x8x128xf32, #tpu.memory_space<hbm>> -> memref<1x1x1x8x128xf32, #tpu.memory_space<hbm>>
      %dma_start3A_1393 = tpu.memref_squeeze %dma_start3A_1392 : memref<1x1x1x8x128xf32, #tpu.memory_space<hbm>> -> memref<8x128xf32, #tpu.memory_space<hbm>>
      %dma_start3A_1394 = arith.constant 0 : i32
      %dma_start3A_1395 = arith.constant 0 : i32
      %dma_start3A_1396 = tpu.memref_slice %arg4[%add3A_1385, %dma_start3A_1386, %add3A, %dma_start3A_1394, %dma_start3A_1395] : memref<50x8x32x8x128xf32, #tpu.memory_space<hbm>> -> memref<1x1x1x8x128xf32, #tpu.memory_space<hbm>>
      %dma_start3A_1397 = tpu.memref_squeeze %dma_start3A_1396 : memref<1x1x1x8x128xf32, #tpu.memory_space<hbm>> -> memref<8x128xf32, #tpu.memory_space<hbm>>
      %dma_start3A_1398 = arith.constant 88 : i32
      %dma_start3A_1399 = arith.constant 0 : i32
      %dma_start3A_1400 = tpu.memref_slice %arg8[%dma_start3A_1398, %dma_start3A_1399] : memref<128x129xf32, #tpu.memory_space<vmem>> -> memref<8x128xf32, #tpu.memory_space<vmem>>
      tpu.enqueue_dma source(%dma_start3A_1400 : memref<8x128xf32, #tpu.memory_space<vmem>>) target(%dma_start3A_1397 : memref<8x128xf32, #tpu.memory_space<hbm>>) target_semaphore(%arg13 : memref<!tpu.dma_semaphore, #tpu.memory_space<semaphore_mem>>)
      %mul3A_1401 = arith.constant 2 : i32
      %mul3A_1402 = arith.muli %add3A_1105, %mul3A_1401 : i32
      %add3A_1403 = arith.constant 1 : i32
      %add3A_1404 = arith.addi %mul3A_1402, %add3A_1403 : i32
      %dma_start3A_1405 = arith.constant 4 : i32
      %dma_start3A_1406 = arith.constant 96 : i32
      %dma_start3A_1407 = arith.constant 0 : i32
      %dma_start3A_1408 = tpu.memref_slice %arg8[%dma_start3A_1406, %dma_start3A_1407] : memref<128x129xf32, #tpu.memory_space<vmem>> -> memref<8x128xf32, #tpu.memory_space<vmem>>
      %dma_start3A_1409 = arith.constant 0 : i32
      %dma_start3A_1410 = arith.constant 0 : i32
      %dma_start3A_1411 = tpu.memref_slice %arg4[%add3A_1404, %dma_start3A_1405, %add3A, %dma_start3A_1409, %dma_start3A_1410] : memref<50x8x32x8x128xf32, #tpu.memory_space<hbm>> -> memref<1x1x1x8x128xf32, #tpu.memory_space<hbm>>
      %dma_start3A_1412 = tpu.memref_squeeze %dma_start3A_1411 : memref<1x1x1x8x128xf32, #tpu.memory_space<hbm>> -> memref<8x128xf32, #tpu.memory_space<hbm>>
      %dma_start3A_1413 = arith.constant 0 : i32
      %dma_start3A_1414 = arith.constant 0 : i32
      %dma_start3A_1415 = tpu.memref_slice %arg4[%add3A_1404, %dma_start3A_1405, %add3A, %dma_start3A_1413, %dma_start3A_1414] : memref<50x8x32x8x128xf32, #tpu.memory_space<hbm>> -> memref<1x1x1x8x128xf32, #tpu.memory_space<hbm>>
      %dma_start3A_1416 = tpu.memref_squeeze %dma_start3A_1415 : memref<1x1x1x8x128xf32, #tpu.memory_space<hbm>> -> memref<8x128xf32, #tpu.memory_space<hbm>>
      %dma_start3A_1417 = arith.constant 96 : i32
      %dma_start3A_1418 = arith.constant 0 : i32
      %dma_start3A_1419 = tpu.memref_slice %arg8[%dma_start3A_1417, %dma_start3A_1418] : memref<128x129xf32, #tpu.memory_space<vmem>> -> memref<8x128xf32, #tpu.memory_space<vmem>>
      tpu.enqueue_dma source(%dma_start3A_1419 : memref<8x128xf32, #tpu.memory_space<vmem>>) target(%dma_start3A_1416 : memref<8x128xf32, #tpu.memory_space<hbm>>) target_semaphore(%arg13 : memref<!tpu.dma_semaphore, #tpu.memory_space<semaphore_mem>>)
      %mul3A_1420 = arith.constant 2 : i32
      %mul3A_1421 = arith.muli %add3A_1105, %mul3A_1420 : i32
      %add3A_1422 = arith.constant 1 : i32
      %add3A_1423 = arith.addi %mul3A_1421, %add3A_1422 : i32
      %dma_start3A_1424 = arith.constant 5 : i32
      %dma_start3A_1425 = arith.constant 104 : i32
      %dma_start3A_1426 = arith.constant 0 : i32
      %dma_start3A_1427 = tpu.memref_slice %arg8[%dma_start3A_1425, %dma_start3A_1426] : memref<128x129xf32, #tpu.memory_space<vmem>> -> memref<8x128xf32, #tpu.memory_space<vmem>>
      %dma_start3A_1428 = arith.constant 0 : i32
      %dma_start3A_1429 = arith.constant 0 : i32
      %dma_start3A_1430 = tpu.memref_slice %arg4[%add3A_1423, %dma_start3A_1424, %add3A, %dma_start3A_1428, %dma_start3A_1429] : memref<50x8x32x8x128xf32, #tpu.memory_space<hbm>> -> memref<1x1x1x8x128xf32, #tpu.memory_space<hbm>>
      %dma_start3A_1431 = tpu.memref_squeeze %dma_start3A_1430 : memref<1x1x1x8x128xf32, #tpu.memory_space<hbm>> -> memref<8x128xf32, #tpu.memory_space<hbm>>
      %dma_start3A_1432 = arith.constant 0 : i32
      %dma_start3A_1433 = arith.constant 0 : i32
      %dma_start3A_1434 = tpu.memref_slice %arg4[%add3A_1423, %dma_start3A_1424, %add3A, %dma_start3A_1432, %dma_start3A_1433] : memref<50x8x32x8x128xf32, #tpu.memory_space<hbm>> -> memref<1x1x1x8x128xf32, #tpu.memory_space<hbm>>
      %dma_start3A_1435 = tpu.memref_squeeze %dma_start3A_1434 : memref<1x1x1x8x128xf32, #tpu.memory_space<hbm>> -> memref<8x128xf32, #tpu.memory_space<hbm>>
      %dma_start3A_1436 = arith.constant 104 : i32
      %dma_start3A_1437 = arith.constant 0 : i32
      %dma_start3A_1438 = tpu.memref_slice %arg8[%dma_start3A_1436, %dma_start3A_1437] : memref<128x129xf32, #tpu.memory_space<vmem>> -> memref<8x128xf32, #tpu.memory_space<vmem>>
      tpu.enqueue_dma source(%dma_start3A_1438 : memref<8x128xf32, #tpu.memory_space<vmem>>) target(%dma_start3A_1435 : memref<8x128xf32, #tpu.memory_space<hbm>>) target_semaphore(%arg13 : memref<!tpu.dma_semaphore, #tpu.memory_space<semaphore_mem>>)
      %mul3A_1439 = arith.constant 2 : i32
      %mul3A_1440 = arith.muli %add3A_1105, %mul3A_1439 : i32
      %add3A_1441 = arith.constant 1 : i32
      %add3A_1442 = arith.addi %mul3A_1440, %add3A_1441 : i32
      %dma_start3A_1443 = arith.constant 6 : i32
      %dma_start3A_1444 = arith.constant 112 : i32
      %dma_start3A_1445 = arith.constant 0 : i32
      %dma_start3A_1446 = tpu.memref_slice %arg8[%dma_start3A_1444, %dma_start3A_1445] : memref<128x129xf32, #tpu.memory_space<vmem>> -> memref<8x128xf32, #tpu.memory_space<vmem>>
      %dma_start3A_1447 = arith.constant 0 : i32
      %dma_start3A_1448 = arith.constant 0 : i32
      %dma_start3A_1449 = tpu.memref_slice %arg4[%add3A_1442, %dma_start3A_1443, %add3A, %dma_start3A_1447, %dma_start3A_1448] : memref<50x8x32x8x128xf32, #tpu.memory_space<hbm>> -> memref<1x1x1x8x128xf32, #tpu.memory_space<hbm>>
      %dma_start3A_1450 = tpu.memref_squeeze %dma_start3A_1449 : memref<1x1x1x8x128xf32, #tpu.memory_space<hbm>> -> memref<8x128xf32, #tpu.memory_space<hbm>>
      %dma_start3A_1451 = arith.constant 0 : i32
      %dma_start3A_1452 = arith.constant 0 : i32
      %dma_start3A_1453 = tpu.memref_slice %arg4[%add3A_1442, %dma_start3A_1443, %add3A, %dma_start3A_1451, %dma_start3A_1452] : memref<50x8x32x8x128xf32, #tpu.memory_space<hbm>> -> memref<1x1x1x8x128xf32, #tpu.memory_space<hbm>>
      %dma_start3A_1454 = tpu.memref_squeeze %dma_start3A_1453 : memref<1x1x1x8x128xf32, #tpu.memory_space<hbm>> -> memref<8x128xf32, #tpu.memory_space<hbm>>
      %dma_start3A_1455 = arith.constant 112 : i32
      %dma_start3A_1456 = arith.constant 0 : i32
      %dma_start3A_1457 = tpu.memref_slice %arg8[%dma_start3A_1455, %dma_start3A_1456] : memref<128x129xf32, #tpu.memory_space<vmem>> -> memref<8x128xf32, #tpu.memory_space<vmem>>
      tpu.enqueue_dma source(%dma_start3A_1457 : memref<8x128xf32, #tpu.memory_space<vmem>>) target(%dma_start3A_1454 : memref<8x128xf32, #tpu.memory_space<hbm>>) target_semaphore(%arg13 : memref<!tpu.dma_semaphore, #tpu.memory_space<semaphore_mem>>)
      %mul3A_1458 = arith.constant 2 : i32
      %mul3A_1459 = arith.muli %add3A_1105, %mul3A_1458 : i32
      %add3A_1460 = arith.constant 1 : i32
      %add3A_1461 = arith.addi %mul3A_1459, %add3A_1460 : i32
      %dma_start3A_1462 = arith.constant 7 : i32
      %dma_start3A_1463 = arith.constant 120 : i32
      %dma_start3A_1464 = arith.constant 0 : i32
      %dma_start3A_1465 = tpu.memref_slice %arg8[%dma_start3A_1463, %dma_start3A_1464] : memref<128x129xf32, #tpu.memory_space<vmem>> -> memref<8x128xf32, #tpu.memory_space<vmem>>
      %dma_start3A_1466 = arith.constant 0 : i32
      %dma_start3A_1467 = arith.constant 0 : i32
      %dma_start3A_1468 = tpu.memref_slice %arg4[%add3A_1461, %dma_start3A_1462, %add3A, %dma_start3A_1466, %dma_start3A_1467] : memref<50x8x32x8x128xf32, #tpu.memory_space<hbm>> -> memref<1x1x1x8x128xf32, #tpu.memory_space<hbm>>
      %dma_start3A_1469 = tpu.memref_squeeze %dma_start3A_1468 : memref<1x1x1x8x128xf32, #tpu.memory_space<hbm>> -> memref<8x128xf32, #tpu.memory_space<hbm>>
      %dma_start3A_1470 = arith.constant 0 : i32
      %dma_start3A_1471 = arith.constant 0 : i32
      %dma_start3A_1472 = tpu.memref_slice %arg4[%add3A_1461, %dma_start3A_1462, %add3A, %dma_start3A_1470, %dma_start3A_1471] : memref<50x8x32x8x128xf32, #tpu.memory_space<hbm>> -> memref<1x1x1x8x128xf32, #tpu.memory_space<hbm>>
      %dma_start3A_1473 = tpu.memref_squeeze %dma_start3A_1472 : memref<1x1x1x8x128xf32, #tpu.memory_space<hbm>> -> memref<8x128xf32, #tpu.memory_space<hbm>>
      %dma_start3A_1474 = arith.constant 120 : i32
      %dma_start3A_1475 = arith.constant 0 : i32
      %dma_start3A_1476 = tpu.memref_slice %arg8[%dma_start3A_1474, %dma_start3A_1475] : memref<128x129xf32, #tpu.memory_space<vmem>> -> memref<8x128xf32, #tpu.memory_space<vmem>>
      tpu.enqueue_dma source(%dma_start3A_1476 : memref<8x128xf32, #tpu.memory_space<vmem>>) target(%dma_start3A_1473 : memref<8x128xf32, #tpu.memory_space<hbm>>) target_semaphore(%arg13 : memref<!tpu.dma_semaphore, #tpu.memory_space<semaphore_mem>>)
      %add3A_1477 = arith.constant 1 : i32
      %add3A_1478 = arith.addi %add3A_1103, %add3A_1477 : i32
      %add3A_1479 = arith.constant 1 : i32
      %add3A_1480 = arith.addi %add3A_1478, %add3A_1479 : i32
      %mul3A_1481 = arith.constant 2 : i32
      %mul3A_1482 = arith.muli %add3A_1480, %mul3A_1481 : i32
      %add3A_1483 = arith.constant 0 : i32
      %add3A_1484 = arith.addi %mul3A_1482, %add3A_1483 : i32
      %dma_start3A_1485 = arith.constant 0 : i32
      %dma_start3A_1486 = arith.constant 0 : i32
      %dma_start3A_1487 = arith.constant 0 : i32
      %dma_start3A_1488 = tpu.memref_slice %arg6[%dma_start3A_1485, %dma_start3A_1486, %dma_start3A_1487] : memref<2x128x64xf32, #tpu.memory_space<vmem>> -> memref<1x128x64xf32, #tpu.memory_space<vmem>>
      %dma_start3A_1489 = tpu.memref_squeeze %dma_start3A_1488 : memref<1x128x64xf32, #tpu.memory_space<vmem>> -> memref<128x64xf32, #tpu.memory_space<vmem>>
      %dma_start3A_1490 = arith.constant 0 : i32
      %dma_start3A_1491 = tpu.memref_slice %arg5[%add3A_1484, %dma_start3A_1490] : memref<50x128xi32, #tpu.memory_space<vmem>> -> memref<1x128xi32, #tpu.memory_space<vmem>>
      %dma_start3A_1492 = tpu.memref_squeeze %dma_start3A_1491 : memref<1x128xi32, #tpu.memory_space<vmem>> -> memref<128xi32, #tpu.memory_space<vmem>>
      %dma_start3A_1493 = arith.constant 0 : i32
      %dma_start3A_1494 = arith.constant 0 : i32
      %dma_start3A_1495 = tpu.memref_slice %arg3[%dma_start3A_1493, %dma_start3A_1494] : memref<125000x64xf32, #tpu.memory_space<hbm>> -> memref<125000x64xf32, #tpu.memory_space<hbm>>
      tpu.enqueue_indirect_dma source(%dma_start3A_1495 : memref<125000x64xf32, #tpu.memory_space<hbm>>) target(%dma_start3A_1489 : memref<128x64xf32, #tpu.memory_space<vmem>>) offsets(%dma_start3A_1492 : memref<128xi32, #tpu.memory_space<vmem>>) semaphore(%arg11 : memref<!tpu.dma_semaphore, #tpu.memory_space<semaphore_mem>>)
      %mul3A_1496 = arith.constant 2 : i32
      %mul3A_1497 = arith.muli %add3A_1480, %mul3A_1496 : i32
      %add3A_1498 = arith.constant 1 : i32
      %add3A_1499 = arith.addi %mul3A_1497, %add3A_1498 : i32
      %dma_start3A_1500 = arith.constant 1 : i32
      %dma_start3A_1501 = arith.constant 0 : i32
      %dma_start3A_1502 = arith.constant 0 : i32
      %dma_start3A_1503 = tpu.memref_slice %arg6[%dma_start3A_1500, %dma_start3A_1501, %dma_start3A_1502] : memref<2x128x64xf32, #tpu.memory_space<vmem>> -> memref<1x128x64xf32, #tpu.memory_space<vmem>>
      %dma_start3A_1504 = tpu.memref_squeeze %dma_start3A_1503 : memref<1x128x64xf32, #tpu.memory_space<vmem>> -> memref<128x64xf32, #tpu.memory_space<vmem>>
      %dma_start3A_1505 = arith.constant 0 : i32
      %dma_start3A_1506 = tpu.memref_slice %arg5[%add3A_1499, %dma_start3A_1505] : memref<50x128xi32, #tpu.memory_space<vmem>> -> memref<1x128xi32, #tpu.memory_space<vmem>>
      %dma_start3A_1507 = tpu.memref_squeeze %dma_start3A_1506 : memref<1x128xi32, #tpu.memory_space<vmem>> -> memref<128xi32, #tpu.memory_space<vmem>>
      %dma_start3A_1508 = arith.constant 0 : i32
      %dma_start3A_1509 = arith.constant 0 : i32
      %dma_start3A_1510 = tpu.memref_slice %arg3[%dma_start3A_1508, %dma_start3A_1509] : memref<125000x64xf32, #tpu.memory_space<hbm>> -> memref<125000x64xf32, #tpu.memory_space<hbm>>
      tpu.enqueue_indirect_dma source(%dma_start3A_1510 : memref<125000x64xf32, #tpu.memory_space<hbm>>) target(%dma_start3A_1504 : memref<128x64xf32, #tpu.memory_space<vmem>>) offsets(%dma_start3A_1507 : memref<128xi32, #tpu.memory_space<vmem>>) semaphore(%arg11 : memref<!tpu.dma_semaphore, #tpu.memory_space<semaphore_mem>>)
      %dma_wait3A_1511 = arith.constant 0 : i32
      %dma_wait3A_1512 = arith.constant 0 : i32
      %dma_wait3A_1513 = arith.constant 0 : i32
      %dma_wait3A_1514 = tpu.memref_slice %arg7[%dma_wait3A_1511, %dma_wait3A_1512, %dma_wait3A_1513] : memref<2x128x64xf32, #tpu.memory_space<vmem>> -> memref<1x128x64xf32, #tpu.memory_space<vmem>>
      %dma_wait3A_1515 = tpu.memref_squeeze %dma_wait3A_1514 : memref<1x128x64xf32, #tpu.memory_space<vmem>> -> memref<128x64xf32, #tpu.memory_space<vmem>>
      %dma_wait3A_1516 = arith.constant 0 : i32
      %dma_wait3A_1517 = arith.constant 0 : i32
      %dma_wait3A_1518 = tpu.memref_slice %arg3[%dma_wait3A_1516, %dma_wait3A_1517] : memref<125000x64xf32, #tpu.memory_space<hbm>> -> memref<128x64xf32, #tpu.memory_space<hbm>>
      %dma_wait3A_1519 = arith.constant 0 : i32
      %dma_wait3A_1520 = arith.constant 0 : i32
      %dma_wait3A_1521 = tpu.memref_slice %arg7[%dma_wait3A_1511, %dma_wait3A_1519, %dma_wait3A_1520] : memref<2x128x64xf32, #tpu.memory_space<vmem>> -> memref<1x128x64xf32, #tpu.memory_space<vmem>>
      %dma_wait3A_1522 = tpu.memref_squeeze %dma_wait3A_1521 : memref<1x128x64xf32, #tpu.memory_space<vmem>> -> memref<128x64xf32, #tpu.memory_space<vmem>>
      %dma_wait3A_1523 = arith.constant 0 : i32
      %dma_wait3A_1524 = arith.constant 0 : i32
      %dma_wait3A_1525 = tpu.memref_slice %arg3[%dma_wait3A_1523, %dma_wait3A_1524] : memref<125000x64xf32, #tpu.memory_space<hbm>> -> memref<128x64xf32, #tpu.memory_space<hbm>>
      tpu.wait_dma2 semaphore(%arg12 : memref<!tpu.dma_semaphore, #tpu.memory_space<semaphore_mem>>) src(%dma_wait3A_1525 : memref<128x64xf32, #tpu.memory_space<hbm>>) dst(%dma_wait3A_1522 : memref<128x64xf32, #tpu.memory_space<vmem>>)
      %dma_wait3A_1526 = arith.constant 1 : i32
      %dma_wait3A_1527 = arith.constant 0 : i32
      %dma_wait3A_1528 = arith.constant 0 : i32
      %dma_wait3A_1529 = tpu.memref_slice %arg7[%dma_wait3A_1526, %dma_wait3A_1527, %dma_wait3A_1528] : memref<2x128x64xf32, #tpu.memory_space<vmem>> -> memref<1x128x64xf32, #tpu.memory_space<vmem>>
      %dma_wait3A_1530 = tpu.memref_squeeze %dma_wait3A_1529 : memref<1x128x64xf32, #tpu.memory_space<vmem>> -> memref<128x64xf32, #tpu.memory_space<vmem>>
      %dma_wait3A_1531 = arith.constant 0 : i32
      %dma_wait3A_1532 = arith.constant 0 : i32
      %dma_wait3A_1533 = tpu.memref_slice %arg3[%dma_wait3A_1531, %dma_wait3A_1532] : memref<125000x64xf32, #tpu.memory_space<hbm>> -> memref<128x64xf32, #tpu.memory_space<hbm>>
      %dma_wait3A_1534 = arith.constant 0 : i32
      %dma_wait3A_1535 = arith.constant 0 : i32
      %dma_wait3A_1536 = tpu.memref_slice %arg7[%dma_wait3A_1526, %dma_wait3A_1534, %dma_wait3A_1535] : memref<2x128x64xf32, #tpu.memory_space<vmem>> -> memref<1x128x64xf32, #tpu.memory_space<vmem>>
      %dma_wait3A_1537 = tpu.memref_squeeze %dma_wait3A_1536 : memref<1x128x64xf32, #tpu.memory_space<vmem>> -> memref<128x64xf32, #tpu.memory_space<vmem>>
      %dma_wait3A_1538 = arith.constant 0 : i32
      %dma_wait3A_1539 = arith.constant 0 : i32
      %dma_wait3A_1540 = tpu.memref_slice %arg3[%dma_wait3A_1538, %dma_wait3A_1539] : memref<125000x64xf32, #tpu.memory_space<hbm>> -> memref<128x64xf32, #tpu.memory_space<hbm>>
      tpu.wait_dma2 semaphore(%arg12 : memref<!tpu.dma_semaphore, #tpu.memory_space<semaphore_mem>>) src(%dma_wait3A_1540 : memref<128x64xf32, #tpu.memory_space<hbm>>) dst(%dma_wait3A_1537 : memref<128x64xf32, #tpu.memory_space<vmem>>)
      %ge3A_1541 = arith.constant 2 : i32
      %ge3A_1542 = arith.cmpi sge, %add3A_1478, %ge3A_1541 : i32
      %convert_element_type3A_1543 = arith.extui %ge3A_1542 : i1 to i32
      %cond3A_1544 = arith.constant 0 : i32
      %cond3A_1545 = arith.cmpi ne, %convert_element_type3A_1543, %cond3A_1544 : i32
      scf.if %cond3A_1545 {
        %dma_wait3A_1853 = arith.constant 0 : i32
        %dma_wait3A_1854 = arith.constant 0 : i32
        %dma_wait3A_1855 = arith.constant 0 : i32
        %dma_wait3A_1856 = arith.constant 0 : i32
        %dma_wait3A_1857 = tpu.memref_slice %arg9[%dma_wait3A_1855, %dma_wait3A_1856] : memref<128x129xf32, #tpu.memory_space<vmem>> -> memref<8x128xf32, #tpu.memory_space<vmem>>
        %dma_wait3A_1858 = arith.constant 0 : i32
        %dma_wait3A_1859 = arith.constant 0 : i32
        %dma_wait3A_1860 = tpu.memref_slice %arg4[%dma_wait3A_1853, %dma_wait3A_1854, %add3A, %dma_wait3A_1858, %dma_wait3A_1859] : memref<50x8x32x8x128xf32, #tpu.memory_space<hbm>> -> memref<1x1x1x8x128xf32, #tpu.memory_space<hbm>>
        %dma_wait3A_1861 = tpu.memref_squeeze %dma_wait3A_1860 : memref<1x1x1x8x128xf32, #tpu.memory_space<hbm>> -> memref<8x128xf32, #tpu.memory_space<hbm>>
        %dma_wait3A_1862 = arith.constant 0 : i32
        %dma_wait3A_1863 = arith.constant 0 : i32
        %dma_wait3A_1864 = tpu.memref_slice %arg4[%dma_wait3A_1853, %dma_wait3A_1854, %add3A, %dma_wait3A_1862, %dma_wait3A_1863] : memref<50x8x32x8x128xf32, #tpu.memory_space<hbm>> -> memref<1x1x1x8x128xf32, #tpu.memory_space<hbm>>
        %dma_wait3A_1865 = tpu.memref_squeeze %dma_wait3A_1864 : memref<1x1x1x8x128xf32, #tpu.memory_space<hbm>> -> memref<8x128xf32, #tpu.memory_space<hbm>>
        %dma_wait3A_1866 = arith.constant 0 : i32
        %dma_wait3A_1867 = arith.constant 0 : i32
        %dma_wait3A_1868 = tpu.memref_slice %arg9[%dma_wait3A_1866, %dma_wait3A_1867] : memref<128x129xf32, #tpu.memory_space<vmem>> -> memref<8x128xf32, #tpu.memory_space<vmem>>
        tpu.wait_dma2 semaphore(%arg14 : memref<!tpu.dma_semaphore, #tpu.memory_space<semaphore_mem>>) src(%dma_wait3A_1868 : memref<8x128xf32, #tpu.memory_space<vmem>>) dst(%dma_wait3A_1865 : memref<8x128xf32, #tpu.memory_space<hbm>>)
        %dma_wait3A_1869 = arith.constant 0 : i32
        %dma_wait3A_1870 = arith.constant 1 : i32
        %dma_wait3A_1871 = arith.constant 8 : i32
        %dma_wait3A_1872 = arith.constant 0 : i32
        %dma_wait3A_1873 = tpu.memref_slice %arg9[%dma_wait3A_1871, %dma_wait3A_1872] : memref<128x129xf32, #tpu.memory_space<vmem>> -> memref<8x128xf32, #tpu.memory_space<vmem>>
        %dma_wait3A_1874 = arith.constant 0 : i32
        %dma_wait3A_1875 = arith.constant 0 : i32
        %dma_wait3A_1876 = tpu.memref_slice %arg4[%dma_wait3A_1869, %dma_wait3A_1870, %add3A, %dma_wait3A_1874, %dma_wait3A_1875] : memref<50x8x32x8x128xf32, #tpu.memory_space<hbm>> -> memref<1x1x1x8x128xf32, #tpu.memory_space<hbm>>
        %dma_wait3A_1877 = tpu.memref_squeeze %dma_wait3A_1876 : memref<1x1x1x8x128xf32, #tpu.memory_space<hbm>> -> memref<8x128xf32, #tpu.memory_space<hbm>>
        %dma_wait3A_1878 = arith.constant 0 : i32
        %dma_wait3A_1879 = arith.constant 0 : i32
        %dma_wait3A_1880 = tpu.memref_slice %arg4[%dma_wait3A_1869, %dma_wait3A_1870, %add3A, %dma_wait3A_1878, %dma_wait3A_1879] : memref<50x8x32x8x128xf32, #tpu.memory_space<hbm>> -> memref<1x1x1x8x128xf32, #tpu.memory_space<hbm>>
        %dma_wait3A_1881 = tpu.memref_squeeze %dma_wait3A_1880 : memref<1x1x1x8x128xf32, #tpu.memory_space<hbm>> -> memref<8x128xf32, #tpu.memory_space<hbm>>
        %dma_wait3A_1882 = arith.constant 8 : i32
        %dma_wait3A_1883 = arith.constant 0 : i32
        %dma_wait3A_1884 = tpu.memref_slice %arg9[%dma_wait3A_1882, %dma_wait3A_1883] : memref<128x129xf32, #tpu.memory_space<vmem>> -> memref<8x128xf32, #tpu.memory_space<vmem>>
        tpu.wait_dma2 semaphore(%arg14 : memref<!tpu.dma_semaphore, #tpu.memory_space<semaphore_mem>>) src(%dma_wait3A_1884 : memref<8x128xf32, #tpu.memory_space<vmem>>) dst(%dma_wait3A_1881 : memref<8x128xf32, #tpu.memory_space<hbm>>)
        %dma_wait3A_1885 = arith.constant 0 : i32
        %dma_wait3A_1886 = arith.constant 2 : i32
        %dma_wait3A_1887 = arith.constant 16 : i32
        %dma_wait3A_1888 = arith.constant 0 : i32
        %dma_wait3A_1889 = tpu.memref_slice %arg9[%dma_wait3A_1887, %dma_wait3A_1888] : memref<128x129xf32, #tpu.memory_space<vmem>> -> memref<8x128xf32, #tpu.memory_space<vmem>>
        %dma_wait3A_1890 = arith.constant 0 : i32
        %dma_wait3A_1891 = arith.constant 0 : i32
        %dma_wait3A_1892 = tpu.memref_slice %arg4[%dma_wait3A_1885, %dma_wait3A_1886, %add3A, %dma_wait3A_1890, %dma_wait3A_1891] : memref<50x8x32x8x128xf32, #tpu.memory_space<hbm>> -> memref<1x1x1x8x128xf32, #tpu.memory_space<hbm>>
        %dma_wait3A_1893 = tpu.memref_squeeze %dma_wait3A_1892 : memref<1x1x1x8x128xf32, #tpu.memory_space<hbm>> -> memref<8x128xf32, #tpu.memory_space<hbm>>
        %dma_wait3A_1894 = arith.constant 0 : i32
        %dma_wait3A_1895 = arith.constant 0 : i32
        %dma_wait3A_1896 = tpu.memref_slice %arg4[%dma_wait3A_1885, %dma_wait3A_1886, %add3A, %dma_wait3A_1894, %dma_wait3A_1895] : memref<50x8x32x8x128xf32, #tpu.memory_space<hbm>> -> memref<1x1x1x8x128xf32, #tpu.memory_space<hbm>>
        %dma_wait3A_1897 = tpu.memref_squeeze %dma_wait3A_1896 : memref<1x1x1x8x128xf32, #tpu.memory_space<hbm>> -> memref<8x128xf32, #tpu.memory_space<hbm>>
        %dma_wait3A_1898 = arith.constant 16 : i32
        %dma_wait3A_1899 = arith.constant 0 : i32
        %dma_wait3A_1900 = tpu.memref_slice %arg9[%dma_wait3A_1898, %dma_wait3A_1899] : memref<128x129xf32, #tpu.memory_space<vmem>> -> memref<8x128xf32, #tpu.memory_space<vmem>>
        tpu.wait_dma2 semaphore(%arg14 : memref<!tpu.dma_semaphore, #tpu.memory_space<semaphore_mem>>) src(%dma_wait3A_1900 : memref<8x128xf32, #tpu.memory_space<vmem>>) dst(%dma_wait3A_1897 : memref<8x128xf32, #tpu.memory_space<hbm>>)
        %dma_wait3A_1901 = arith.constant 0 : i32
        %dma_wait3A_1902 = arith.constant 3 : i32
        %dma_wait3A_1903 = arith.constant 24 : i32
        %dma_wait3A_1904 = arith.constant 0 : i32
        %dma_wait3A_1905 = tpu.memref_slice %arg9[%dma_wait3A_1903, %dma_wait3A_1904] : memref<128x129xf32, #tpu.memory_space<vmem>> -> memref<8x128xf32, #tpu.memory_space<vmem>>
        %dma_wait3A_1906 = arith.constant 0 : i32
        %dma_wait3A_1907 = arith.constant 0 : i32
        %dma_wait3A_1908 = tpu.memref_slice %arg4[%dma_wait3A_1901, %dma_wait3A_1902, %add3A, %dma_wait3A_1906, %dma_wait3A_1907] : memref<50x8x32x8x128xf32, #tpu.memory_space<hbm>> -> memref<1x1x1x8x128xf32, #tpu.memory_space<hbm>>
        %dma_wait3A_1909 = tpu.memref_squeeze %dma_wait3A_1908 : memref<1x1x1x8x128xf32, #tpu.memory_space<hbm>> -> memref<8x128xf32, #tpu.memory_space<hbm>>
        %dma_wait3A_1910 = arith.constant 0 : i32
        %dma_wait3A_1911 = arith.constant 0 : i32
        %dma_wait3A_1912 = tpu.memref_slice %arg4[%dma_wait3A_1901, %dma_wait3A_1902, %add3A, %dma_wait3A_1910, %dma_wait3A_1911] : memref<50x8x32x8x128xf32, #tpu.memory_space<hbm>> -> memref<1x1x1x8x128xf32, #tpu.memory_space<hbm>>
        %dma_wait3A_1913 = tpu.memref_squeeze %dma_wait3A_1912 : memref<1x1x1x8x128xf32, #tpu.memory_space<hbm>> -> memref<8x128xf32, #tpu.memory_space<hbm>>
        %dma_wait3A_1914 = arith.constant 24 : i32
        %dma_wait3A_1915 = arith.constant 0 : i32
        %dma_wait3A_1916 = tpu.memref_slice %arg9[%dma_wait3A_1914, %dma_wait3A_1915] : memref<128x129xf32, #tpu.memory_space<vmem>> -> memref<8x128xf32, #tpu.memory_space<vmem>>
        tpu.wait_dma2 semaphore(%arg14 : memref<!tpu.dma_semaphore, #tpu.memory_space<semaphore_mem>>) src(%dma_wait3A_1916 : memref<8x128xf32, #tpu.memory_space<vmem>>) dst(%dma_wait3A_1913 : memref<8x128xf32, #tpu.memory_space<hbm>>)
        %dma_wait3A_1917 = arith.constant 0 : i32
        %dma_wait3A_1918 = arith.constant 4 : i32
        %dma_wait3A_1919 = arith.constant 32 : i32
        %dma_wait3A_1920 = arith.constant 0 : i32
        %dma_wait3A_1921 = tpu.memref_slice %arg9[%dma_wait3A_1919, %dma_wait3A_1920] : memref<128x129xf32, #tpu.memory_space<vmem>> -> memref<8x128xf32, #tpu.memory_space<vmem>>
        %dma_wait3A_1922 = arith.constant 0 : i32
        %dma_wait3A_1923 = arith.constant 0 : i32
        %dma_wait3A_1924 = tpu.memref_slice %arg4[%dma_wait3A_1917, %dma_wait3A_1918, %add3A, %dma_wait3A_1922, %dma_wait3A_1923] : memref<50x8x32x8x128xf32, #tpu.memory_space<hbm>> -> memref<1x1x1x8x128xf32, #tpu.memory_space<hbm>>
        %dma_wait3A_1925 = tpu.memref_squeeze %dma_wait3A_1924 : memref<1x1x1x8x128xf32, #tpu.memory_space<hbm>> -> memref<8x128xf32, #tpu.memory_space<hbm>>
        %dma_wait3A_1926 = arith.constant 0 : i32
        %dma_wait3A_1927 = arith.constant 0 : i32
        %dma_wait3A_1928 = tpu.memref_slice %arg4[%dma_wait3A_1917, %dma_wait3A_1918, %add3A, %dma_wait3A_1926, %dma_wait3A_1927] : memref<50x8x32x8x128xf32, #tpu.memory_space<hbm>> -> memref<1x1x1x8x128xf32, #tpu.memory_space<hbm>>
        %dma_wait3A_1929 = tpu.memref_squeeze %dma_wait3A_1928 : memref<1x1x1x8x128xf32, #tpu.memory_space<hbm>> -> memref<8x128xf32, #tpu.memory_space<hbm>>
        %dma_wait3A_1930 = arith.constant 32 : i32
        %dma_wait3A_1931 = arith.constant 0 : i32
        %dma_wait3A_1932 = tpu.memref_slice %arg9[%dma_wait3A_1930, %dma_wait3A_1931] : memref<128x129xf32, #tpu.memory_space<vmem>> -> memref<8x128xf32, #tpu.memory_space<vmem>>
        tpu.wait_dma2 semaphore(%arg14 : memref<!tpu.dma_semaphore, #tpu.memory_space<semaphore_mem>>) src(%dma_wait3A_1932 : memref<8x128xf32, #tpu.memory_space<vmem>>) dst(%dma_wait3A_1929 : memref<8x128xf32, #tpu.memory_space<hbm>>)
        %dma_wait3A_1933 = arith.constant 0 : i32
        %dma_wait3A_1934 = arith.constant 5 : i32
        %dma_wait3A_1935 = arith.constant 40 : i32
        %dma_wait3A_1936 = arith.constant 0 : i32
        %dma_wait3A_1937 = tpu.memref_slice %arg9[%dma_wait3A_1935, %dma_wait3A_1936] : memref<128x129xf32, #tpu.memory_space<vmem>> -> memref<8x128xf32, #tpu.memory_space<vmem>>
        %dma_wait3A_1938 = arith.constant 0 : i32
        %dma_wait3A_1939 = arith.constant 0 : i32
        %dma_wait3A_1940 = tpu.memref_slice %arg4[%dma_wait3A_1933, %dma_wait3A_1934, %add3A, %dma_wait3A_1938, %dma_wait3A_1939] : memref<50x8x32x8x128xf32, #tpu.memory_space<hbm>> -> memref<1x1x1x8x128xf32, #tpu.memory_space<hbm>>
        %dma_wait3A_1941 = tpu.memref_squeeze %dma_wait3A_1940 : memref<1x1x1x8x128xf32, #tpu.memory_space<hbm>> -> memref<8x128xf32, #tpu.memory_space<hbm>>
        %dma_wait3A_1942 = arith.constant 0 : i32
        %dma_wait3A_1943 = arith.constant 0 : i32
        %dma_wait3A_1944 = tpu.memref_slice %arg4[%dma_wait3A_1933, %dma_wait3A_1934, %add3A, %dma_wait3A_1942, %dma_wait3A_1943] : memref<50x8x32x8x128xf32, #tpu.memory_space<hbm>> -> memref<1x1x1x8x128xf32, #tpu.memory_space<hbm>>
        %dma_wait3A_1945 = tpu.memref_squeeze %dma_wait3A_1944 : memref<1x1x1x8x128xf32, #tpu.memory_space<hbm>> -> memref<8x128xf32, #tpu.memory_space<hbm>>
        %dma_wait3A_1946 = arith.constant 40 : i32
        %dma_wait3A_1947 = arith.constant 0 : i32
        %dma_wait3A_1948 = tpu.memref_slice %arg9[%dma_wait3A_1946, %dma_wait3A_1947] : memref<128x129xf32, #tpu.memory_space<vmem>> -> memref<8x128xf32, #tpu.memory_space<vmem>>
        tpu.wait_dma2 semaphore(%arg14 : memref<!tpu.dma_semaphore, #tpu.memory_space<semaphore_mem>>) src(%dma_wait3A_1948 : memref<8x128xf32, #tpu.memory_space<vmem>>) dst(%dma_wait3A_1945 : memref<8x128xf32, #tpu.memory_space<hbm>>)
        %dma_wait3A_1949 = arith.constant 0 : i32
        %dma_wait3A_1950 = arith.constant 6 : i32
        %dma_wait3A_1951 = arith.constant 48 : i32
        %dma_wait3A_1952 = arith.constant 0 : i32
        %dma_wait3A_1953 = tpu.memref_slice %arg9[%dma_wait3A_1951, %dma_wait3A_1952] : memref<128x129xf32, #tpu.memory_space<vmem>> -> memref<8x128xf32, #tpu.memory_space<vmem>>
        %dma_wait3A_1954 = arith.constant 0 : i32
        %dma_wait3A_1955 = arith.constant 0 : i32
        %dma_wait3A_1956 = tpu.memref_slice %arg4[%dma_wait3A_1949, %dma_wait3A_1950, %add3A, %dma_wait3A_1954, %dma_wait3A_1955] : memref<50x8x32x8x128xf32, #tpu.memory_space<hbm>> -> memref<1x1x1x8x128xf32, #tpu.memory_space<hbm>>
        %dma_wait3A_1957 = tpu.memref_squeeze %dma_wait3A_1956 : memref<1x1x1x8x128xf32, #tpu.memory_space<hbm>> -> memref<8x128xf32, #tpu.memory_space<hbm>>
        %dma_wait3A_1958 = arith.constant 0 : i32
        %dma_wait3A_1959 = arith.constant 0 : i32
        %dma_wait3A_1960 = tpu.memref_slice %arg4[%dma_wait3A_1949, %dma_wait3A_1950, %add3A, %dma_wait3A_1958, %dma_wait3A_1959] : memref<50x8x32x8x128xf32, #tpu.memory_space<hbm>> -> memref<1x1x1x8x128xf32, #tpu.memory_space<hbm>>
        %dma_wait3A_1961 = tpu.memref_squeeze %dma_wait3A_1960 : memref<1x1x1x8x128xf32, #tpu.memory_space<hbm>> -> memref<8x128xf32, #tpu.memory_space<hbm>>
        %dma_wait3A_1962 = arith.constant 48 : i32
        %dma_wait3A_1963 = arith.constant 0 : i32
        %dma_wait3A_1964 = tpu.memref_slice %arg9[%dma_wait3A_1962, %dma_wait3A_1963] : memref<128x129xf32, #tpu.memory_space<vmem>> -> memref<8x128xf32, #tpu.memory_space<vmem>>
        tpu.wait_dma2 semaphore(%arg14 : memref<!tpu.dma_semaphore, #tpu.memory_space<semaphore_mem>>) src(%dma_wait3A_1964 : memref<8x128xf32, #tpu.memory_space<vmem>>) dst(%dma_wait3A_1961 : memref<8x128xf32, #tpu.memory_space<hbm>>)
        %dma_wait3A_1965 = arith.constant 0 : i32
        %dma_wait3A_1966 = arith.constant 7 : i32
        %dma_wait3A_1967 = arith.constant 56 : i32
        %dma_wait3A_1968 = arith.constant 0 : i32
        %dma_wait3A_1969 = tpu.memref_slice %arg9[%dma_wait3A_1967, %dma_wait3A_1968] : memref<128x129xf32, #tpu.memory_space<vmem>> -> memref<8x128xf32, #tpu.memory_space<vmem>>
        %dma_wait3A_1970 = arith.constant 0 : i32
        %dma_wait3A_1971 = arith.constant 0 : i32
        %dma_wait3A_1972 = tpu.memref_slice %arg4[%dma_wait3A_1965, %dma_wait3A_1966, %add3A, %dma_wait3A_1970, %dma_wait3A_1971] : memref<50x8x32x8x128xf32, #tpu.memory_space<hbm>> -> memref<1x1x1x8x128xf32, #tpu.memory_space<hbm>>
        %dma_wait3A_1973 = tpu.memref_squeeze %dma_wait3A_1972 : memref<1x1x1x8x128xf32, #tpu.memory_space<hbm>> -> memref<8x128xf32, #tpu.memory_space<hbm>>
        %dma_wait3A_1974 = arith.constant 0 : i32
        %dma_wait3A_1975 = arith.constant 0 : i32
        %dma_wait3A_1976 = tpu.memref_slice %arg4[%dma_wait3A_1965, %dma_wait3A_1966, %add3A, %dma_wait3A_1974, %dma_wait3A_1975] : memref<50x8x32x8x128xf32, #tpu.memory_space<hbm>> -> memref<1x1x1x8x128xf32, #tpu.memory_space<hbm>>
        %dma_wait3A_1977 = tpu.memref_squeeze %dma_wait3A_1976 : memref<1x1x1x8x128xf32, #tpu.memory_space<hbm>> -> memref<8x128xf32, #tpu.memory_space<hbm>>
        %dma_wait3A_1978 = arith.constant 56 : i32
        %dma_wait3A_1979 = arith.constant 0 : i32
        %dma_wait3A_1980 = tpu.memref_slice %arg9[%dma_wait3A_1978, %dma_wait3A_1979] : memref<128x129xf32, #tpu.memory_space<vmem>> -> memref<8x128xf32, #tpu.memory_space<vmem>>
        tpu.wait_dma2 semaphore(%arg14 : memref<!tpu.dma_semaphore, #tpu.memory_space<semaphore_mem>>) src(%dma_wait3A_1980 : memref<8x128xf32, #tpu.memory_space<vmem>>) dst(%dma_wait3A_1977 : memref<8x128xf32, #tpu.memory_space<hbm>>)
        %dma_wait3A_1981 = arith.constant 1 : i32
        %dma_wait3A_1982 = arith.constant 0 : i32
        %dma_wait3A_1983 = arith.constant 64 : i32
        %dma_wait3A_1984 = arith.constant 0 : i32
        %dma_wait3A_1985 = tpu.memref_slice %arg9[%dma_wait3A_1983, %dma_wait3A_1984] : memref<128x129xf32, #tpu.memory_space<vmem>> -> memref<8x128xf32, #tpu.memory_space<vmem>>
        %dma_wait3A_1986 = arith.constant 0 : i32
        %dma_wait3A_1987 = arith.constant 0 : i32
        %dma_wait3A_1988 = tpu.memref_slice %arg4[%dma_wait3A_1981, %dma_wait3A_1982, %add3A, %dma_wait3A_1986, %dma_wait3A_1987] : memref<50x8x32x8x128xf32, #tpu.memory_space<hbm>> -> memref<1x1x1x8x128xf32, #tpu.memory_space<hbm>>
        %dma_wait3A_1989 = tpu.memref_squeeze %dma_wait3A_1988 : memref<1x1x1x8x128xf32, #tpu.memory_space<hbm>> -> memref<8x128xf32, #tpu.memory_space<hbm>>
        %dma_wait3A_1990 = arith.constant 0 : i32
        %dma_wait3A_1991 = arith.constant 0 : i32
        %dma_wait3A_1992 = tpu.memref_slice %arg4[%dma_wait3A_1981, %dma_wait3A_1982, %add3A, %dma_wait3A_1990, %dma_wait3A_1991] : memref<50x8x32x8x128xf32, #tpu.memory_space<hbm>> -> memref<1x1x1x8x128xf32, #tpu.memory_space<hbm>>
        %dma_wait3A_1993 = tpu.memref_squeeze %dma_wait3A_1992 : memref<1x1x1x8x128xf32, #tpu.memory_space<hbm>> -> memref<8x128xf32, #tpu.memory_space<hbm>>
        %dma_wait3A_1994 = arith.constant 64 : i32
        %dma_wait3A_1995 = arith.constant 0 : i32
        %dma_wait3A_1996 = tpu.memref_slice %arg9[%dma_wait3A_1994, %dma_wait3A_1995] : memref<128x129xf32, #tpu.memory_space<vmem>> -> memref<8x128xf32, #tpu.memory_space<vmem>>
        tpu.wait_dma2 semaphore(%arg14 : memref<!tpu.dma_semaphore, #tpu.memory_space<semaphore_mem>>) src(%dma_wait3A_1996 : memref<8x128xf32, #tpu.memory_space<vmem>>) dst(%dma_wait3A_1993 : memref<8x128xf32, #tpu.memory_space<hbm>>)
        %dma_wait3A_1997 = arith.constant 1 : i32
        %dma_wait3A_1998 = arith.constant 1 : i32
        %dma_wait3A_1999 = arith.constant 72 : i32
        %dma_wait3A_2000 = arith.constant 0 : i32
        %dma_wait3A_2001 = tpu.memref_slice %arg9[%dma_wait3A_1999, %dma_wait3A_2000] : memref<128x129xf32, #tpu.memory_space<vmem>> -> memref<8x128xf32, #tpu.memory_space<vmem>>
        %dma_wait3A_2002 = arith.constant 0 : i32
        %dma_wait3A_2003 = arith.constant 0 : i32
        %dma_wait3A_2004 = tpu.memref_slice %arg4[%dma_wait3A_1997, %dma_wait3A_1998, %add3A, %dma_wait3A_2002, %dma_wait3A_2003] : memref<50x8x32x8x128xf32, #tpu.memory_space<hbm>> -> memref<1x1x1x8x128xf32, #tpu.memory_space<hbm>>
        %dma_wait3A_2005 = tpu.memref_squeeze %dma_wait3A_2004 : memref<1x1x1x8x128xf32, #tpu.memory_space<hbm>> -> memref<8x128xf32, #tpu.memory_space<hbm>>
        %dma_wait3A_2006 = arith.constant 0 : i32
        %dma_wait3A_2007 = arith.constant 0 : i32
        %dma_wait3A_2008 = tpu.memref_slice %arg4[%dma_wait3A_1997, %dma_wait3A_1998, %add3A, %dma_wait3A_2006, %dma_wait3A_2007] : memref<50x8x32x8x128xf32, #tpu.memory_space<hbm>> -> memref<1x1x1x8x128xf32, #tpu.memory_space<hbm>>
        %dma_wait3A_2009 = tpu.memref_squeeze %dma_wait3A_2008 : memref<1x1x1x8x128xf32, #tpu.memory_space<hbm>> -> memref<8x128xf32, #tpu.memory_space<hbm>>
        %dma_wait3A_2010 = arith.constant 72 : i32
        %dma_wait3A_2011 = arith.constant 0 : i32
        %dma_wait3A_2012 = tpu.memref_slice %arg9[%dma_wait3A_2010, %dma_wait3A_2011] : memref<128x129xf32, #tpu.memory_space<vmem>> -> memref<8x128xf32, #tpu.memory_space<vmem>>
        tpu.wait_dma2 semaphore(%arg14 : memref<!tpu.dma_semaphore, #tpu.memory_space<semaphore_mem>>) src(%dma_wait3A_2012 : memref<8x128xf32, #tpu.memory_space<vmem>>) dst(%dma_wait3A_2009 : memref<8x128xf32, #tpu.memory_space<hbm>>)
        %dma_wait3A_2013 = arith.constant 1 : i32
        %dma_wait3A_2014 = arith.constant 2 : i32
        %dma_wait3A_2015 = arith.constant 80 : i32
        %dma_wait3A_2016 = arith.constant 0 : i32
        %dma_wait3A_2017 = tpu.memref_slice %arg9[%dma_wait3A_2015, %dma_wait3A_2016] : memref<128x129xf32, #tpu.memory_space<vmem>> -> memref<8x128xf32, #tpu.memory_space<vmem>>
        %dma_wait3A_2018 = arith.constant 0 : i32
        %dma_wait3A_2019 = arith.constant 0 : i32
        %dma_wait3A_2020 = tpu.memref_slice %arg4[%dma_wait3A_2013, %dma_wait3A_2014, %add3A, %dma_wait3A_2018, %dma_wait3A_2019] : memref<50x8x32x8x128xf32, #tpu.memory_space<hbm>> -> memref<1x1x1x8x128xf32, #tpu.memory_space<hbm>>
        %dma_wait3A_2021 = tpu.memref_squeeze %dma_wait3A_2020 : memref<1x1x1x8x128xf32, #tpu.memory_space<hbm>> -> memref<8x128xf32, #tpu.memory_space<hbm>>
        %dma_wait3A_2022 = arith.constant 0 : i32
        %dma_wait3A_2023 = arith.constant 0 : i32
        %dma_wait3A_2024 = tpu.memref_slice %arg4[%dma_wait3A_2013, %dma_wait3A_2014, %add3A, %dma_wait3A_2022, %dma_wait3A_2023] : memref<50x8x32x8x128xf32, #tpu.memory_space<hbm>> -> memref<1x1x1x8x128xf32, #tpu.memory_space<hbm>>
        %dma_wait3A_2025 = tpu.memref_squeeze %dma_wait3A_2024 : memref<1x1x1x8x128xf32, #tpu.memory_space<hbm>> -> memref<8x128xf32, #tpu.memory_space<hbm>>
        %dma_wait3A_2026 = arith.constant 80 : i32
        %dma_wait3A_2027 = arith.constant 0 : i32
        %dma_wait3A_2028 = tpu.memref_slice %arg9[%dma_wait3A_2026, %dma_wait3A_2027] : memref<128x129xf32, #tpu.memory_space<vmem>> -> memref<8x128xf32, #tpu.memory_space<vmem>>
        tpu.wait_dma2 semaphore(%arg14 : memref<!tpu.dma_semaphore, #tpu.memory_space<semaphore_mem>>) src(%dma_wait3A_2028 : memref<8x128xf32, #tpu.memory_space<vmem>>) dst(%dma_wait3A_2025 : memref<8x128xf32, #tpu.memory_space<hbm>>)
        %dma_wait3A_2029 = arith.constant 1 : i32
        %dma_wait3A_2030 = arith.constant 3 : i32
        %dma_wait3A_2031 = arith.constant 88 : i32
        %dma_wait3A_2032 = arith.constant 0 : i32
        %dma_wait3A_2033 = tpu.memref_slice %arg9[%dma_wait3A_2031, %dma_wait3A_2032] : memref<128x129xf32, #tpu.memory_space<vmem>> -> memref<8x128xf32, #tpu.memory_space<vmem>>
        %dma_wait3A_2034 = arith.constant 0 : i32
        %dma_wait3A_2035 = arith.constant 0 : i32
        %dma_wait3A_2036 = tpu.memref_slice %arg4[%dma_wait3A_2029, %dma_wait3A_2030, %add3A, %dma_wait3A_2034, %dma_wait3A_2035] : memref<50x8x32x8x128xf32, #tpu.memory_space<hbm>> -> memref<1x1x1x8x128xf32, #tpu.memory_space<hbm>>
        %dma_wait3A_2037 = tpu.memref_squeeze %dma_wait3A_2036 : memref<1x1x1x8x128xf32, #tpu.memory_space<hbm>> -> memref<8x128xf32, #tpu.memory_space<hbm>>
        %dma_wait3A_2038 = arith.constant 0 : i32
        %dma_wait3A_2039 = arith.constant 0 : i32
        %dma_wait3A_2040 = tpu.memref_slice %arg4[%dma_wait3A_2029, %dma_wait3A_2030, %add3A, %dma_wait3A_2038, %dma_wait3A_2039] : memref<50x8x32x8x128xf32, #tpu.memory_space<hbm>> -> memref<1x1x1x8x128xf32, #tpu.memory_space<hbm>>
        %dma_wait3A_2041 = tpu.memref_squeeze %dma_wait3A_2040 : memref<1x1x1x8x128xf32, #tpu.memory_space<hbm>> -> memref<8x128xf32, #tpu.memory_space<hbm>>
        %dma_wait3A_2042 = arith.constant 88 : i32
        %dma_wait3A_2043 = arith.constant 0 : i32
        %dma_wait3A_2044 = tpu.memref_slice %arg9[%dma_wait3A_2042, %dma_wait3A_2043] : memref<128x129xf32, #tpu.memory_space<vmem>> -> memref<8x128xf32, #tpu.memory_space<vmem>>
        tpu.wait_dma2 semaphore(%arg14 : memref<!tpu.dma_semaphore, #tpu.memory_space<semaphore_mem>>) src(%dma_wait3A_2044 : memref<8x128xf32, #tpu.memory_space<vmem>>) dst(%dma_wait3A_2041 : memref<8x128xf32, #tpu.memory_space<hbm>>)
        %dma_wait3A_2045 = arith.constant 1 : i32
        %dma_wait3A_2046 = arith.constant 4 : i32
        %dma_wait3A_2047 = arith.constant 96 : i32
        %dma_wait3A_2048 = arith.constant 0 : i32
        %dma_wait3A_2049 = tpu.memref_slice %arg9[%dma_wait3A_2047, %dma_wait3A_2048] : memref<128x129xf32, #tpu.memory_space<vmem>> -> memref<8x128xf32, #tpu.memory_space<vmem>>
        %dma_wait3A_2050 = arith.constant 0 : i32
        %dma_wait3A_2051 = arith.constant 0 : i32
        %dma_wait3A_2052 = tpu.memref_slice %arg4[%dma_wait3A_2045, %dma_wait3A_2046, %add3A, %dma_wait3A_2050, %dma_wait3A_2051] : memref<50x8x32x8x128xf32, #tpu.memory_space<hbm>> -> memref<1x1x1x8x128xf32, #tpu.memory_space<hbm>>
        %dma_wait3A_2053 = tpu.memref_squeeze %dma_wait3A_2052 : memref<1x1x1x8x128xf32, #tpu.memory_space<hbm>> -> memref<8x128xf32, #tpu.memory_space<hbm>>
        %dma_wait3A_2054 = arith.constant 0 : i32
        %dma_wait3A_2055 = arith.constant 0 : i32
        %dma_wait3A_2056 = tpu.memref_slice %arg4[%dma_wait3A_2045, %dma_wait3A_2046, %add3A, %dma_wait3A_2054, %dma_wait3A_2055] : memref<50x8x32x8x128xf32, #tpu.memory_space<hbm>> -> memref<1x1x1x8x128xf32, #tpu.memory_space<hbm>>
        %dma_wait3A_2057 = tpu.memref_squeeze %dma_wait3A_2056 : memref<1x1x1x8x128xf32, #tpu.memory_space<hbm>> -> memref<8x128xf32, #tpu.memory_space<hbm>>
        %dma_wait3A_2058 = arith.constant 96 : i32
        %dma_wait3A_2059 = arith.constant 0 : i32
        %dma_wait3A_2060 = tpu.memref_slice %arg9[%dma_wait3A_2058, %dma_wait3A_2059] : memref<128x129xf32, #tpu.memory_space<vmem>> -> memref<8x128xf32, #tpu.memory_space<vmem>>
        tpu.wait_dma2 semaphore(%arg14 : memref<!tpu.dma_semaphore, #tpu.memory_space<semaphore_mem>>) src(%dma_wait3A_2060 : memref<8x128xf32, #tpu.memory_space<vmem>>) dst(%dma_wait3A_2057 : memref<8x128xf32, #tpu.memory_space<hbm>>)
        %dma_wait3A_2061 = arith.constant 1 : i32
        %dma_wait3A_2062 = arith.constant 5 : i32
        %dma_wait3A_2063 = arith.constant 104 : i32
        %dma_wait3A_2064 = arith.constant 0 : i32
        %dma_wait3A_2065 = tpu.memref_slice %arg9[%dma_wait3A_2063, %dma_wait3A_2064] : memref<128x129xf32, #tpu.memory_space<vmem>> -> memref<8x128xf32, #tpu.memory_space<vmem>>
        %dma_wait3A_2066 = arith.constant 0 : i32
        %dma_wait3A_2067 = arith.constant 0 : i32
        %dma_wait3A_2068 = tpu.memref_slice %arg4[%dma_wait3A_2061, %dma_wait3A_2062, %add3A, %dma_wait3A_2066, %dma_wait3A_2067] : memref<50x8x32x8x128xf32, #tpu.memory_space<hbm>> -> memref<1x1x1x8x128xf32, #tpu.memory_space<hbm>>
        %dma_wait3A_2069 = tpu.memref_squeeze %dma_wait3A_2068 : memref<1x1x1x8x128xf32, #tpu.memory_space<hbm>> -> memref<8x128xf32, #tpu.memory_space<hbm>>
        %dma_wait3A_2070 = arith.constant 0 : i32
        %dma_wait3A_2071 = arith.constant 0 : i32
        %dma_wait3A_2072 = tpu.memref_slice %arg4[%dma_wait3A_2061, %dma_wait3A_2062, %add3A, %dma_wait3A_2070, %dma_wait3A_2071] : memref<50x8x32x8x128xf32, #tpu.memory_space<hbm>> -> memref<1x1x1x8x128xf32, #tpu.memory_space<hbm>>
        %dma_wait3A_2073 = tpu.memref_squeeze %dma_wait3A_2072 : memref<1x1x1x8x128xf32, #tpu.memory_space<hbm>> -> memref<8x128xf32, #tpu.memory_space<hbm>>
        %dma_wait3A_2074 = arith.constant 104 : i32
        %dma_wait3A_2075 = arith.constant 0 : i32
        %dma_wait3A_2076 = tpu.memref_slice %arg9[%dma_wait3A_2074, %dma_wait3A_2075] : memref<128x129xf32, #tpu.memory_space<vmem>> -> memref<8x128xf32, #tpu.memory_space<vmem>>
        tpu.wait_dma2 semaphore(%arg14 : memref<!tpu.dma_semaphore, #tpu.memory_space<semaphore_mem>>) src(%dma_wait3A_2076 : memref<8x128xf32, #tpu.memory_space<vmem>>) dst(%dma_wait3A_2073 : memref<8x128xf32, #tpu.memory_space<hbm>>)
        %dma_wait3A_2077 = arith.constant 1 : i32
        %dma_wait3A_2078 = arith.constant 6 : i32
        %dma_wait3A_2079 = arith.constant 112 : i32
        %dma_wait3A_2080 = arith.constant 0 : i32
        %dma_wait3A_2081 = tpu.memref_slice %arg9[%dma_wait3A_2079, %dma_wait3A_2080] : memref<128x129xf32, #tpu.memory_space<vmem>> -> memref<8x128xf32, #tpu.memory_space<vmem>>
        %dma_wait3A_2082 = arith.constant 0 : i32
        %dma_wait3A_2083 = arith.constant 0 : i32
        %dma_wait3A_2084 = tpu.memref_slice %arg4[%dma_wait3A_2077, %dma_wait3A_2078, %add3A, %dma_wait3A_2082, %dma_wait3A_2083] : memref<50x8x32x8x128xf32, #tpu.memory_space<hbm>> -> memref<1x1x1x8x128xf32, #tpu.memory_space<hbm>>
        %dma_wait3A_2085 = tpu.memref_squeeze %dma_wait3A_2084 : memref<1x1x1x8x128xf32, #tpu.memory_space<hbm>> -> memref<8x128xf32, #tpu.memory_space<hbm>>
        %dma_wait3A_2086 = arith.constant 0 : i32
        %dma_wait3A_2087 = arith.constant 0 : i32
        %dma_wait3A_2088 = tpu.memref_slice %arg4[%dma_wait3A_2077, %dma_wait3A_2078, %add3A, %dma_wait3A_2086, %dma_wait3A_2087] : memref<50x8x32x8x128xf32, #tpu.memory_space<hbm>> -> memref<1x1x1x8x128xf32, #tpu.memory_space<hbm>>
        %dma_wait3A_2089 = tpu.memref_squeeze %dma_wait3A_2088 : memref<1x1x1x8x128xf32, #tpu.memory_space<hbm>> -> memref<8x128xf32, #tpu.memory_space<hbm>>
        %dma_wait3A_2090 = arith.constant 112 : i32
        %dma_wait3A_2091 = arith.constant 0 : i32
        %dma_wait3A_2092 = tpu.memref_slice %arg9[%dma_wait3A_2090, %dma_wait3A_2091] : memref<128x129xf32, #tpu.memory_space<vmem>> -> memref<8x128xf32, #tpu.memory_space<vmem>>
        tpu.wait_dma2 semaphore(%arg14 : memref<!tpu.dma_semaphore, #tpu.memory_space<semaphore_mem>>) src(%dma_wait3A_2092 : memref<8x128xf32, #tpu.memory_space<vmem>>) dst(%dma_wait3A_2089 : memref<8x128xf32, #tpu.memory_space<hbm>>)
        %dma_wait3A_2093 = arith.constant 1 : i32
        %dma_wait3A_2094 = arith.constant 7 : i32
        %dma_wait3A_2095 = arith.constant 120 : i32
        %dma_wait3A_2096 = arith.constant 0 : i32
        %dma_wait3A_2097 = tpu.memref_slice %arg9[%dma_wait3A_2095, %dma_wait3A_2096] : memref<128x129xf32, #tpu.memory_space<vmem>> -> memref<8x128xf32, #tpu.memory_space<vmem>>
        %dma_wait3A_2098 = arith.constant 0 : i32
        %dma_wait3A_2099 = arith.constant 0 : i32
        %dma_wait3A_2100 = tpu.memref_slice %arg4[%dma_wait3A_2093, %dma_wait3A_2094, %add3A, %dma_wait3A_2098, %dma_wait3A_2099] : memref<50x8x32x8x128xf32, #tpu.memory_space<hbm>> -> memref<1x1x1x8x128xf32, #tpu.memory_space<hbm>>
        %dma_wait3A_2101 = tpu.memref_squeeze %dma_wait3A_2100 : memref<1x1x1x8x128xf32, #tpu.memory_space<hbm>> -> memref<8x128xf32, #tpu.memory_space<hbm>>
        %dma_wait3A_2102 = arith.constant 0 : i32
        %dma_wait3A_2103 = arith.constant 0 : i32
        %dma_wait3A_2104 = tpu.memref_slice %arg4[%dma_wait3A_2093, %dma_wait3A_2094, %add3A, %dma_wait3A_2102, %dma_wait3A_2103] : memref<50x8x32x8x128xf32, #tpu.memory_space<hbm>> -> memref<1x1x1x8x128xf32, #tpu.memory_space<hbm>>
        %dma_wait3A_2105 = tpu.memref_squeeze %dma_wait3A_2104 : memref<1x1x1x8x128xf32, #tpu.memory_space<hbm>> -> memref<8x128xf32, #tpu.memory_space<hbm>>
        %dma_wait3A_2106 = arith.constant 120 : i32
        %dma_wait3A_2107 = arith.constant 0 : i32
        %dma_wait3A_2108 = tpu.memref_slice %arg9[%dma_wait3A_2106, %dma_wait3A_2107] : memref<128x129xf32, #tpu.memory_space<vmem>> -> memref<8x128xf32, #tpu.memory_space<vmem>>
        tpu.wait_dma2 semaphore(%arg14 : memref<!tpu.dma_semaphore, #tpu.memory_space<semaphore_mem>>) src(%dma_wait3A_2108 : memref<8x128xf32, #tpu.memory_space<vmem>>) dst(%dma_wait3A_2105 : memref<8x128xf32, #tpu.memory_space<hbm>>)
      } else {
      }
      %parallel_loop3A_1546 = arith.constant 0 : i32
      %parallel_loop3A_1547 = arith.constant 256 : i32
      %parallel_loop3A_1548 = arith.constant 1 : i32
      scf.for %parallel_loop3A_1853 = %parallel_loop3A_1546 to %parallel_loop3A_1547 step %parallel_loop3A_1548  : i32 {
        %parallel_loop3A_1854 = arith.constant 128 : i32
        %parallel_loop3A_1855 = arith.divsi %parallel_loop3A_1853, %parallel_loop3A_1854 : i32
        %parallel_loop3A_1856 = arith.constant 0 : i32
        %parallel_loop3A_1857 = arith.cmpi sgt, %parallel_loop3A_1853, %parallel_loop3A_1856 : i32
        %parallel_loop3A_1858 = arith.extui %parallel_loop3A_1857 : i1 to i32
        %parallel_loop3A_1859 = arith.constant 0 : i32
        %parallel_loop3A_1860 = arith.cmpi slt, %parallel_loop3A_1853, %parallel_loop3A_1859 : i32
        %parallel_loop3A_1861 = arith.extui %parallel_loop3A_1860 : i1 to i32
        %parallel_loop3A_1862 = arith.subi %parallel_loop3A_1858, %parallel_loop3A_1861 : i32
        %parallel_loop3A_1863 = arith.constant 0 : i32
        %parallel_loop3A_1864 = arith.cmpi sgt, %parallel_loop3A_1854, %parallel_loop3A_1863 : i32
        %parallel_loop3A_1865 = arith.extui %parallel_loop3A_1864 : i1 to i32
        %parallel_loop3A_1866 = arith.constant 0 : i32
        %parallel_loop3A_1867 = arith.cmpi slt, %parallel_loop3A_1854, %parallel_loop3A_1866 : i32
        %parallel_loop3A_1868 = arith.extui %parallel_loop3A_1867 : i1 to i32
        %parallel_loop3A_1869 = arith.subi %parallel_loop3A_1865, %parallel_loop3A_1868 : i32
        %parallel_loop3A_1870 = arith.cmpi ne, %parallel_loop3A_1862, %parallel_loop3A_1869 : i32
        %parallel_loop3A_1871 = arith.remsi %parallel_loop3A_1853, %parallel_loop3A_1854 : i32
        %parallel_loop3A_1872 = arith.constant 0 : i32
        %parallel_loop3A_1873 = arith.cmpi ne, %parallel_loop3A_1871, %parallel_loop3A_1872 : i32
        %parallel_loop3A_1874 = arith.andi %parallel_loop3A_1870, %parallel_loop3A_1873 : i1
        %parallel_loop3A_1875 = arith.constant 1 : i32
        %parallel_loop3A_1876 = arith.subi %parallel_loop3A_1855, %parallel_loop3A_1875 : i32
        %parallel_loop3A_1877 = arith.select %parallel_loop3A_1874, %parallel_loop3A_1876, %parallel_loop3A_1855 : i32
        %parallel_loop3A_1878 = arith.constant 128 : i32
        %parallel_loop3A_1879 = arith.constant 0 : i32
        %parallel_loop3A_1880 = arith.cmpi eq, %parallel_loop3A_1878, %parallel_loop3A_1879 : i32
        %parallel_loop3A_1881 = arith.constant 1 : i32
        %parallel_loop3A_1882 = arith.select %parallel_loop3A_1880, %parallel_loop3A_1881, %parallel_loop3A_1878 : i32
        %parallel_loop3A_1883 = arith.remsi %parallel_loop3A_1853, %parallel_loop3A_1882 : i32
        %parallel_loop3A_1884 = arith.constant 0 : i32
        %parallel_loop3A_1885 = arith.cmpi ne, %parallel_loop3A_1883, %parallel_loop3A_1884 : i32
        %parallel_loop3A_1886 = arith.constant 0 : i32
        %parallel_loop3A_1887 = arith.cmpi slt, %parallel_loop3A_1883, %parallel_loop3A_1886 : i32
        %parallel_loop3A_1888 = arith.constant 0 : i32
        %parallel_loop3A_1889 = arith.cmpi slt, %parallel_loop3A_1882, %parallel_loop3A_1888 : i32
        %parallel_loop3A_1890 = arith.xori %parallel_loop3A_1887, %parallel_loop3A_1889 : i1
        %parallel_loop3A_1891 = arith.andi %parallel_loop3A_1890, %parallel_loop3A_1885 : i1
        %parallel_loop3A_1892 = arith.addi %parallel_loop3A_1883, %parallel_loop3A_1882 : i32
        %parallel_loop3A_1893 = arith.select %parallel_loop3A_1891, %parallel_loop3A_1892, %parallel_loop3A_1883 : i32
        %parallel_loop3A_1894 = arith.constant 0 : i32
        %parallel_loop3A_1895 = vector.broadcast %parallel_loop3A_1894 : i32 to vector<16xi32>
        %parallel_loop3A_1896 = vector.broadcast %parallel_loop3A_1893 : i32 to vector<16xi32>
        %parallel_loop3A_1897 = arith.addi %parallel_loop3A_1895, %parallel_loop3A_1896 : vector<16xi32>
        %parallel_loop3A_1898 = arith.constant 64 : i32
        %parallel_loop3A_1899 = arith.muli %parallel_loop3A_1877, %parallel_loop3A_1898 : i32
        %parallel_loop3A_1900 = arith.constant 0 : i32
        %parallel_loop3A_1901 = tpu.memref_slice %arg7[%parallel_loop3A_1877, %parallel_loop3A_1893, %parallel_loop3A_1900] : memref<2x128x64xf32, #tpu.memory_space<vmem>> -> memref<1x1x64xf32, #tpu.memory_space<vmem>>
        %parallel_loop3A_1902 = tpu.memref_squeeze %parallel_loop3A_1901 : memref<1x1x64xf32, #tpu.memory_space<vmem>> -> memref<64xf32, #tpu.memory_space<vmem>>
        %parallel_loop3A_1903 = arith.constant 0 : index
        %parallel_loop3A_1904 = tpu.vector_load %parallel_loop3A_1902[%parallel_loop3A_1903] {strides = array<i32>} : memref<64xf32, #tpu.memory_space<vmem>>, vector<16xf32>,
        %parallel_loop3A_1905 = arith.constant 0 : i32
        %parallel_loop3A_1906 = arith.addi %parallel_loop3A_1899, %parallel_loop3A_1905 : i32
        %parallel_loop3A_1907 = vector.broadcast %parallel_loop3A_1906 : i32 to vector<16xi32>
        %parallel_loop3A_1908 = arith.addi %iota3A, %parallel_loop3A_1907 : vector<16xi32>
        tpu.vector_store_idx %arg9[%parallel_loop3A_1908, %parallel_loop3A_1897], %parallel_loop3A_1904 : memref<128x129xf32, #tpu.memory_space<vmem>>[vector<16xi32>, vector<16xi32>], vector<16xf32>,
        %parallel_loop3A_1909 = arith.constant 0 : i32
        %parallel_loop3A_1910 = tpu.memref_slice %arg7[%parallel_loop3A_1877, %parallel_loop3A_1893, %parallel_loop3A_1909] : memref<2x128x64xf32, #tpu.memory_space<vmem>> -> memref<1x1x64xf32, #tpu.memory_space<vmem>>
        %parallel_loop3A_1911 = tpu.memref_squeeze %parallel_loop3A_1910 : memref<1x1x64xf32, #tpu.memory_space<vmem>> -> memref<64xf32, #tpu.memory_space<vmem>>
        %parallel_loop3A_1912 = arith.constant 16 : index
        %parallel_loop3A_1913 = tpu.vector_load %parallel_loop3A_1911[%parallel_loop3A_1912] {strides = array<i32>} : memref<64xf32, #tpu.memory_space<vmem>>, vector<16xf32>,
        %parallel_loop3A_1914 = arith.constant 16 : i32
        %parallel_loop3A_1915 = arith.addi %parallel_loop3A_1899, %parallel_loop3A_1914 : i32
        %parallel_loop3A_1916 = vector.broadcast %parallel_loop3A_1915 : i32 to vector<16xi32>
        %parallel_loop3A_1917 = arith.addi %iota3A, %parallel_loop3A_1916 : vector<16xi32>
        tpu.vector_store_idx %arg9[%parallel_loop3A_1917, %parallel_loop3A_1897], %parallel_loop3A_1913 : memref<128x129xf32, #tpu.memory_space<vmem>>[vector<16xi32>, vector<16xi32>], vector<16xf32>,
        %parallel_loop3A_1918 = arith.constant 0 : i32
        %parallel_loop3A_1919 = tpu.memref_slice %arg7[%parallel_loop3A_1877, %parallel_loop3A_1893, %parallel_loop3A_1918] : memref<2x128x64xf32, #tpu.memory_space<vmem>> -> memref<1x1x64xf32, #tpu.memory_space<vmem>>
        %parallel_loop3A_1920 = tpu.memref_squeeze %parallel_loop3A_1919 : memref<1x1x64xf32, #tpu.memory_space<vmem>> -> memref<64xf32, #tpu.memory_space<vmem>>
        %parallel_loop3A_1921 = arith.constant 32 : index
        %parallel_loop3A_1922 = tpu.vector_load %parallel_loop3A_1920[%parallel_loop3A_1921] {strides = array<i32>} : memref<64xf32, #tpu.memory_space<vmem>>, vector<16xf32>,
        %parallel_loop3A_1923 = arith.constant 32 : i32
        %parallel_loop3A_1924 = arith.addi %parallel_loop3A_1899, %parallel_loop3A_1923 : i32
        %parallel_loop3A_1925 = vector.broadcast %parallel_loop3A_1924 : i32 to vector<16xi32>
        %parallel_loop3A_1926 = arith.addi %iota3A, %parallel_loop3A_1925 : vector<16xi32>
        tpu.vector_store_idx %arg9[%parallel_loop3A_1926, %parallel_loop3A_1897], %parallel_loop3A_1922 : memref<128x129xf32, #tpu.memory_space<vmem>>[vector<16xi32>, vector<16xi32>], vector<16xf32>,
        %parallel_loop3A_1927 = arith.constant 0 : i32
        %parallel_loop3A_1928 = tpu.memref_slice %arg7[%parallel_loop3A_1877, %parallel_loop3A_1893, %parallel_loop3A_1927] : memref<2x128x64xf32, #tpu.memory_space<vmem>> -> memref<1x1x64xf32, #tpu.memory_space<vmem>>
        %parallel_loop3A_1929 = tpu.memref_squeeze %parallel_loop3A_1928 : memref<1x1x64xf32, #tpu.memory_space<vmem>> -> memref<64xf32, #tpu.memory_space<vmem>>
        %parallel_loop3A_1930 = arith.constant 48 : index
        %parallel_loop3A_1931 = tpu.vector_load %parallel_loop3A_1929[%parallel_loop3A_1930] {strides = array<i32>} : memref<64xf32, #tpu.memory_space<vmem>>, vector<16xf32>,
        %parallel_loop3A_1932 = arith.constant 48 : i32
        %parallel_loop3A_1933 = arith.addi %parallel_loop3A_1899, %parallel_loop3A_1932 : i32
        %parallel_loop3A_1934 = vector.broadcast %parallel_loop3A_1933 : i32 to vector<16xi32>
        %parallel_loop3A_1935 = arith.addi %iota3A, %parallel_loop3A_1934 : vector<16xi32>
        tpu.vector_store_idx %arg9[%parallel_loop3A_1935, %parallel_loop3A_1897], %parallel_loop3A_1931 : memref<128x129xf32, #tpu.memory_space<vmem>>[vector<16xi32>, vector<16xi32>], vector<16xf32>,
      } {sc.loop_unroll_factor = 8 : i64, sc.parallel_access}
      %mul3A_1549 = arith.constant 2 : i32
      %mul3A_1550 = arith.muli %add3A_1478, %mul3A_1549 : i32
      %add3A_1551 = arith.constant 0 : i32
      %add3A_1552 = arith.addi %mul3A_1550, %add3A_1551 : i32
      %dma_start3A_1553 = arith.constant 0 : i32
      %dma_start3A_1554 = arith.constant 0 : i32
      %dma_start3A_1555 = arith.constant 0 : i32
      %dma_start3A_1556 = tpu.memref_slice %arg9[%dma_start3A_1554, %dma_start3A_1555] : memref<128x129xf32, #tpu.memory_space<vmem>> -> memref<8x128xf32, #tpu.memory_space<vmem>>
      %dma_start3A_1557 = arith.constant 0 : i32
      %dma_start3A_1558 = arith.constant 0 : i32
      %dma_start3A_1559 = tpu.memref_slice %arg4[%add3A_1552, %dma_start3A_1553, %add3A, %dma_start3A_1557, %dma_start3A_1558] : memref<50x8x32x8x128xf32, #tpu.memory_space<hbm>> -> memref<1x1x1x8x128xf32, #tpu.memory_space<hbm>>
      %dma_start3A_1560 = tpu.memref_squeeze %dma_start3A_1559 : memref<1x1x1x8x128xf32, #tpu.memory_space<hbm>> -> memref<8x128xf32, #tpu.memory_space<hbm>>
      %dma_start3A_1561 = arith.constant 0 : i32
      %dma_start3A_1562 = arith.constant 0 : i32
      %dma_start3A_1563 = tpu.memref_slice %arg4[%add3A_1552, %dma_start3A_1553, %add3A, %dma_start3A_1561, %dma_start3A_1562] : memref<50x8x32x8x128xf32, #tpu.memory_space<hbm>> -> memref<1x1x1x8x128xf32, #tpu.memory_space<hbm>>
      %dma_start3A_1564 = tpu.memref_squeeze %dma_start3A_1563 : memref<1x1x1x8x128xf32, #tpu.memory_space<hbm>> -> memref<8x128xf32, #tpu.memory_space<hbm>>
      %dma_start3A_1565 = arith.constant 0 : i32
      %dma_start3A_1566 = arith.constant 0 : i32
      %dma_start3A_1567 = tpu.memref_slice %arg9[%dma_start3A_1565, %dma_start3A_1566] : memref<128x129xf32, #tpu.memory_space<vmem>> -> memref<8x128xf32, #tpu.memory_space<vmem>>
      tpu.enqueue_dma source(%dma_start3A_1567 : memref<8x128xf32, #tpu.memory_space<vmem>>) target(%dma_start3A_1564 : memref<8x128xf32, #tpu.memory_space<hbm>>) target_semaphore(%arg14 : memref<!tpu.dma_semaphore, #tpu.memory_space<semaphore_mem>>)
      %mul3A_1568 = arith.constant 2 : i32
      %mul3A_1569 = arith.muli %add3A_1478, %mul3A_1568 : i32
      %add3A_1570 = arith.constant 0 : i32
      %add3A_1571 = arith.addi %mul3A_1569, %add3A_1570 : i32
      %dma_start3A_1572 = arith.constant 1 : i32
      %dma_start3A_1573 = arith.constant 8 : i32
      %dma_start3A_1574 = arith.constant 0 : i32
      %dma_start3A_1575 = tpu.memref_slice %arg9[%dma_start3A_1573, %dma_start3A_1574] : memref<128x129xf32, #tpu.memory_space<vmem>> -> memref<8x128xf32, #tpu.memory_space<vmem>>
      %dma_start3A_1576 = arith.constant 0 : i32
      %dma_start3A_1577 = arith.constant 0 : i32
      %dma_start3A_1578 = tpu.memref_slice %arg4[%add3A_1571, %dma_start3A_1572, %add3A, %dma_start3A_1576, %dma_start3A_1577] : memref<50x8x32x8x128xf32, #tpu.memory_space<hbm>> -> memref<1x1x1x8x128xf32, #tpu.memory_space<hbm>>
      %dma_start3A_1579 = tpu.memref_squeeze %dma_start3A_1578 : memref<1x1x1x8x128xf32, #tpu.memory_space<hbm>> -> memref<8x128xf32, #tpu.memory_space<hbm>>
      %dma_start3A_1580 = arith.constant 0 : i32
      %dma_start3A_1581 = arith.constant 0 : i32
      %dma_start3A_1582 = tpu.memref_slice %arg4[%add3A_1571, %dma_start3A_1572, %add3A, %dma_start3A_1580, %dma_start3A_1581] : memref<50x8x32x8x128xf32, #tpu.memory_space<hbm>> -> memref<1x1x1x8x128xf32, #tpu.memory_space<hbm>>
      %dma_start3A_1583 = tpu.memref_squeeze %dma_start3A_1582 : memref<1x1x1x8x128xf32, #tpu.memory_space<hbm>> -> memref<8x128xf32, #tpu.memory_space<hbm>>
      %dma_start3A_1584 = arith.constant 8 : i32
      %dma_start3A_1585 = arith.constant 0 : i32
      %dma_start3A_1586 = tpu.memref_slice %arg9[%dma_start3A_1584, %dma_start3A_1585] : memref<128x129xf32, #tpu.memory_space<vmem>> -> memref<8x128xf32, #tpu.memory_space<vmem>>
      tpu.enqueue_dma source(%dma_start3A_1586 : memref<8x128xf32, #tpu.memory_space<vmem>>) target(%dma_start3A_1583 : memref<8x128xf32, #tpu.memory_space<hbm>>) target_semaphore(%arg14 : memref<!tpu.dma_semaphore, #tpu.memory_space<semaphore_mem>>)
      %mul3A_1587 = arith.constant 2 : i32
      %mul3A_1588 = arith.muli %add3A_1478, %mul3A_1587 : i32
      %add3A_1589 = arith.constant 0 : i32
      %add3A_1590 = arith.addi %mul3A_1588, %add3A_1589 : i32
      %dma_start3A_1591 = arith.constant 2 : i32
      %dma_start3A_1592 = arith.constant 16 : i32
      %dma_start3A_1593 = arith.constant 0 : i32
      %dma_start3A_1594 = tpu.memref_slice %arg9[%dma_start3A_1592, %dma_start3A_1593] : memref<128x129xf32, #tpu.memory_space<vmem>> -> memref<8x128xf32, #tpu.memory_space<vmem>>
      %dma_start3A_1595 = arith.constant 0 : i32
      %dma_start3A_1596 = arith.constant 0 : i32
      %dma_start3A_1597 = tpu.memref_slice %arg4[%add3A_1590, %dma_start3A_1591, %add3A, %dma_start3A_1595, %dma_start3A_1596] : memref<50x8x32x8x128xf32, #tpu.memory_space<hbm>> -> memref<1x1x1x8x128xf32, #tpu.memory_space<hbm>>
      %dma_start3A_1598 = tpu.memref_squeeze %dma_start3A_1597 : memref<1x1x1x8x128xf32, #tpu.memory_space<hbm>> -> memref<8x128xf32, #tpu.memory_space<hbm>>
      %dma_start3A_1599 = arith.constant 0 : i32
      %dma_start3A_1600 = arith.constant 0 : i32
      %dma_start3A_1601 = tpu.memref_slice %arg4[%add3A_1590, %dma_start3A_1591, %add3A, %dma_start3A_1599, %dma_start3A_1600] : memref<50x8x32x8x128xf32, #tpu.memory_space<hbm>> -> memref<1x1x1x8x128xf32, #tpu.memory_space<hbm>>
      %dma_start3A_1602 = tpu.memref_squeeze %dma_start3A_1601 : memref<1x1x1x8x128xf32, #tpu.memory_space<hbm>> -> memref<8x128xf32, #tpu.memory_space<hbm>>
      %dma_start3A_1603 = arith.constant 16 : i32
      %dma_start3A_1604 = arith.constant 0 : i32
      %dma_start3A_1605 = tpu.memref_slice %arg9[%dma_start3A_1603, %dma_start3A_1604] : memref<128x129xf32, #tpu.memory_space<vmem>> -> memref<8x128xf32, #tpu.memory_space<vmem>>
      tpu.enqueue_dma source(%dma_start3A_1605 : memref<8x128xf32, #tpu.memory_space<vmem>>) target(%dma_start3A_1602 : memref<8x128xf32, #tpu.memory_space<hbm>>) target_semaphore(%arg14 : memref<!tpu.dma_semaphore, #tpu.memory_space<semaphore_mem>>)
      %mul3A_1606 = arith.constant 2 : i32
      %mul3A_1607 = arith.muli %add3A_1478, %mul3A_1606 : i32
      %add3A_1608 = arith.constant 0 : i32
      %add3A_1609 = arith.addi %mul3A_1607, %add3A_1608 : i32
      %dma_start3A_1610 = arith.constant 3 : i32
      %dma_start3A_1611 = arith.constant 24 : i32
      %dma_start3A_1612 = arith.constant 0 : i32
      %dma_start3A_1613 = tpu.memref_slice %arg9[%dma_start3A_1611, %dma_start3A_1612] : memref<128x129xf32, #tpu.memory_space<vmem>> -> memref<8x128xf32, #tpu.memory_space<vmem>>
      %dma_start3A_1614 = arith.constant 0 : i32
      %dma_start3A_1615 = arith.constant 0 : i32
      %dma_start3A_1616 = tpu.memref_slice %arg4[%add3A_1609, %dma_start3A_1610, %add3A, %dma_start3A_1614, %dma_start3A_1615] : memref<50x8x32x8x128xf32, #tpu.memory_space<hbm>> -> memref<1x1x1x8x128xf32, #tpu.memory_space<hbm>>
      %dma_start3A_1617 = tpu.memref_squeeze %dma_start3A_1616 : memref<1x1x1x8x128xf32, #tpu.memory_space<hbm>> -> memref<8x128xf32, #tpu.memory_space<hbm>>
      %dma_start3A_1618 = arith.constant 0 : i32
      %dma_start3A_1619 = arith.constant 0 : i32
      %dma_start3A_1620 = tpu.memref_slice %arg4[%add3A_1609, %dma_start3A_1610, %add3A, %dma_start3A_1618, %dma_start3A_1619] : memref<50x8x32x8x128xf32, #tpu.memory_space<hbm>> -> memref<1x1x1x8x128xf32, #tpu.memory_space<hbm>>
      %dma_start3A_1621 = tpu.memref_squeeze %dma_start3A_1620 : memref<1x1x1x8x128xf32, #tpu.memory_space<hbm>> -> memref<8x128xf32, #tpu.memory_space<hbm>>
      %dma_start3A_1622 = arith.constant 24 : i32
      %dma_start3A_1623 = arith.constant 0 : i32
      %dma_start3A_1624 = tpu.memref_slice %arg9[%dma_start3A_1622, %dma_start3A_1623] : memref<128x129xf32, #tpu.memory_space<vmem>> -> memref<8x128xf32, #tpu.memory_space<vmem>>
      tpu.enqueue_dma source(%dma_start3A_1624 : memref<8x128xf32, #tpu.memory_space<vmem>>) target(%dma_start3A_1621 : memref<8x128xf32, #tpu.memory_space<hbm>>) target_semaphore(%arg14 : memref<!tpu.dma_semaphore, #tpu.memory_space<semaphore_mem>>)
      %mul3A_1625 = arith.constant 2 : i32
      %mul3A_1626 = arith.muli %add3A_1478, %mul3A_1625 : i32
      %add3A_1627 = arith.constant 0 : i32
      %add3A_1628 = arith.addi %mul3A_1626, %add3A_1627 : i32
      %dma_start3A_1629 = arith.constant 4 : i32
      %dma_start3A_1630 = arith.constant 32 : i32
      %dma_start3A_1631 = arith.constant 0 : i32
      %dma_start3A_1632 = tpu.memref_slice %arg9[%dma_start3A_1630, %dma_start3A_1631] : memref<128x129xf32, #tpu.memory_space<vmem>> -> memref<8x128xf32, #tpu.memory_space<vmem>>
      %dma_start3A_1633 = arith.constant 0 : i32
      %dma_start3A_1634 = arith.constant 0 : i32
      %dma_start3A_1635 = tpu.memref_slice %arg4[%add3A_1628, %dma_start3A_1629, %add3A, %dma_start3A_1633, %dma_start3A_1634] : memref<50x8x32x8x128xf32, #tpu.memory_space<hbm>> -> memref<1x1x1x8x128xf32, #tpu.memory_space<hbm>>
      %dma_start3A_1636 = tpu.memref_squeeze %dma_start3A_1635 : memref<1x1x1x8x128xf32, #tpu.memory_space<hbm>> -> memref<8x128xf32, #tpu.memory_space<hbm>>
      %dma_start3A_1637 = arith.constant 0 : i32
      %dma_start3A_1638 = arith.constant 0 : i32
      %dma_start3A_1639 = tpu.memref_slice %arg4[%add3A_1628, %dma_start3A_1629, %add3A, %dma_start3A_1637, %dma_start3A_1638] : memref<50x8x32x8x128xf32, #tpu.memory_space<hbm>> -> memref<1x1x1x8x128xf32, #tpu.memory_space<hbm>>
      %dma_start3A_1640 = tpu.memref_squeeze %dma_start3A_1639 : memref<1x1x1x8x128xf32, #tpu.memory_space<hbm>> -> memref<8x128xf32, #tpu.memory_space<hbm>>
      %dma_start3A_1641 = arith.constant 32 : i32
      %dma_start3A_1642 = arith.constant 0 : i32
      %dma_start3A_1643 = tpu.memref_slice %arg9[%dma_start3A_1641, %dma_start3A_1642] : memref<128x129xf32, #tpu.memory_space<vmem>> -> memref<8x128xf32, #tpu.memory_space<vmem>>
      tpu.enqueue_dma source(%dma_start3A_1643 : memref<8x128xf32, #tpu.memory_space<vmem>>) target(%dma_start3A_1640 : memref<8x128xf32, #tpu.memory_space<hbm>>) target_semaphore(%arg14 : memref<!tpu.dma_semaphore, #tpu.memory_space<semaphore_mem>>)
      %mul3A_1644 = arith.constant 2 : i32
      %mul3A_1645 = arith.muli %add3A_1478, %mul3A_1644 : i32
      %add3A_1646 = arith.constant 0 : i32
      %add3A_1647 = arith.addi %mul3A_1645, %add3A_1646 : i32
      %dma_start3A_1648 = arith.constant 5 : i32
      %dma_start3A_1649 = arith.constant 40 : i32
      %dma_start3A_1650 = arith.constant 0 : i32
      %dma_start3A_1651 = tpu.memref_slice %arg9[%dma_start3A_1649, %dma_start3A_1650] : memref<128x129xf32, #tpu.memory_space<vmem>> -> memref<8x128xf32, #tpu.memory_space<vmem>>
      %dma_start3A_1652 = arith.constant 0 : i32
      %dma_start3A_1653 = arith.constant 0 : i32
      %dma_start3A_1654 = tpu.memref_slice %arg4[%add3A_1647, %dma_start3A_1648, %add3A, %dma_start3A_1652, %dma_start3A_1653] : memref<50x8x32x8x128xf32, #tpu.memory_space<hbm>> -> memref<1x1x1x8x128xf32, #tpu.memory_space<hbm>>
      %dma_start3A_1655 = tpu.memref_squeeze %dma_start3A_1654 : memref<1x1x1x8x128xf32, #tpu.memory_space<hbm>> -> memref<8x128xf32, #tpu.memory_space<hbm>>
      %dma_start3A_1656 = arith.constant 0 : i32
      %dma_start3A_1657 = arith.constant 0 : i32
      %dma_start3A_1658 = tpu.memref_slice %arg4[%add3A_1647, %dma_start3A_1648, %add3A, %dma_start3A_1656, %dma_start3A_1657] : memref<50x8x32x8x128xf32, #tpu.memory_space<hbm>> -> memref<1x1x1x8x128xf32, #tpu.memory_space<hbm>>
      %dma_start3A_1659 = tpu.memref_squeeze %dma_start3A_1658 : memref<1x1x1x8x128xf32, #tpu.memory_space<hbm>> -> memref<8x128xf32, #tpu.memory_space<hbm>>
      %dma_start3A_1660 = arith.constant 40 : i32
      %dma_start3A_1661 = arith.constant 0 : i32
      %dma_start3A_1662 = tpu.memref_slice %arg9[%dma_start3A_1660, %dma_start3A_1661] : memref<128x129xf32, #tpu.memory_space<vmem>> -> memref<8x128xf32, #tpu.memory_space<vmem>>
      tpu.enqueue_dma source(%dma_start3A_1662 : memref<8x128xf32, #tpu.memory_space<vmem>>) target(%dma_start3A_1659 : memref<8x128xf32, #tpu.memory_space<hbm>>) target_semaphore(%arg14 : memref<!tpu.dma_semaphore, #tpu.memory_space<semaphore_mem>>)
      %mul3A_1663 = arith.constant 2 : i32
      %mul3A_1664 = arith.muli %add3A_1478, %mul3A_1663 : i32
      %add3A_1665 = arith.constant 0 : i32
      %add3A_1666 = arith.addi %mul3A_1664, %add3A_1665 : i32
      %dma_start3A_1667 = arith.constant 6 : i32
      %dma_start3A_1668 = arith.constant 48 : i32
      %dma_start3A_1669 = arith.constant 0 : i32
      %dma_start3A_1670 = tpu.memref_slice %arg9[%dma_start3A_1668, %dma_start3A_1669] : memref<128x129xf32, #tpu.memory_space<vmem>> -> memref<8x128xf32, #tpu.memory_space<vmem>>
      %dma_start3A_1671 = arith.constant 0 : i32
      %dma_start3A_1672 = arith.constant 0 : i32
      %dma_start3A_1673 = tpu.memref_slice %arg4[%add3A_1666, %dma_start3A_1667, %add3A, %dma_start3A_1671, %dma_start3A_1672] : memref<50x8x32x8x128xf32, #tpu.memory_space<hbm>> -> memref<1x1x1x8x128xf32, #tpu.memory_space<hbm>>
      %dma_start3A_1674 = tpu.memref_squeeze %dma_start3A_1673 : memref<1x1x1x8x128xf32, #tpu.memory_space<hbm>> -> memref<8x128xf32, #tpu.memory_space<hbm>>
      %dma_start3A_1675 = arith.constant 0 : i32
      %dma_start3A_1676 = arith.constant 0 : i32
      %dma_start3A_1677 = tpu.memref_slice %arg4[%add3A_1666, %dma_start3A_1667, %add3A, %dma_start3A_1675, %dma_start3A_1676] : memref<50x8x32x8x128xf32, #tpu.memory_space<hbm>> -> memref<1x1x1x8x128xf32, #tpu.memory_space<hbm>>
      %dma_start3A_1678 = tpu.memref_squeeze %dma_start3A_1677 : memref<1x1x1x8x128xf32, #tpu.memory_space<hbm>> -> memref<8x128xf32, #tpu.memory_space<hbm>>
      %dma_start3A_1679 = arith.constant 48 : i32
      %dma_start3A_1680 = arith.constant 0 : i32
      %dma_start3A_1681 = tpu.memref_slice %arg9[%dma_start3A_1679, %dma_start3A_1680] : memref<128x129xf32, #tpu.memory_space<vmem>> -> memref<8x128xf32, #tpu.memory_space<vmem>>
      tpu.enqueue_dma source(%dma_start3A_1681 : memref<8x128xf32, #tpu.memory_space<vmem>>) target(%dma_start3A_1678 : memref<8x128xf32, #tpu.memory_space<hbm>>) target_semaphore(%arg14 : memref<!tpu.dma_semaphore, #tpu.memory_space<semaphore_mem>>)
      %mul3A_1682 = arith.constant 2 : i32
      %mul3A_1683 = arith.muli %add3A_1478, %mul3A_1682 : i32
      %add3A_1684 = arith.constant 0 : i32
      %add3A_1685 = arith.addi %mul3A_1683, %add3A_1684 : i32
      %dma_start3A_1686 = arith.constant 7 : i32
      %dma_start3A_1687 = arith.constant 56 : i32
      %dma_start3A_1688 = arith.constant 0 : i32
      %dma_start3A_1689 = tpu.memref_slice %arg9[%dma_start3A_1687, %dma_start3A_1688] : memref<128x129xf32, #tpu.memory_space<vmem>> -> memref<8x128xf32, #tpu.memory_space<vmem>>
      %dma_start3A_1690 = arith.constant 0 : i32
      %dma_start3A_1691 = arith.constant 0 : i32
      %dma_start3A_1692 = tpu.memref_slice %arg4[%add3A_1685, %dma_start3A_1686, %add3A, %dma_start3A_1690, %dma_start3A_1691] : memref<50x8x32x8x128xf32, #tpu.memory_space<hbm>> -> memref<1x1x1x8x128xf32, #tpu.memory_space<hbm>>
      %dma_start3A_1693 = tpu.memref_squeeze %dma_start3A_1692 : memref<1x1x1x8x128xf32, #tpu.memory_space<hbm>> -> memref<8x128xf32, #tpu.memory_space<hbm>>
      %dma_start3A_1694 = arith.constant 0 : i32
      %dma_start3A_1695 = arith.constant 0 : i32
      %dma_start3A_1696 = tpu.memref_slice %arg4[%add3A_1685, %dma_start3A_1686, %add3A, %dma_start3A_1694, %dma_start3A_1695] : memref<50x8x32x8x128xf32, #tpu.memory_space<hbm>> -> memref<1x1x1x8x128xf32, #tpu.memory_space<hbm>>
      %dma_start3A_1697 = tpu.memref_squeeze %dma_start3A_1696 : memref<1x1x1x8x128xf32, #tpu.memory_space<hbm>> -> memref<8x128xf32, #tpu.memory_space<hbm>>
      %dma_start3A_1698 = arith.constant 56 : i32
      %dma_start3A_1699 = arith.constant 0 : i32
      %dma_start3A_1700 = tpu.memref_slice %arg9[%dma_start3A_1698, %dma_start3A_1699] : memref<128x129xf32, #tpu.memory_space<vmem>> -> memref<8x128xf32, #tpu.memory_space<vmem>>
      tpu.enqueue_dma source(%dma_start3A_1700 : memref<8x128xf32, #tpu.memory_space<vmem>>) target(%dma_start3A_1697 : memref<8x128xf32, #tpu.memory_space<hbm>>) target_semaphore(%arg14 : memref<!tpu.dma_semaphore, #tpu.memory_space<semaphore_mem>>)
      %mul3A_1701 = arith.constant 2 : i32
      %mul3A_1702 = arith.muli %add3A_1478, %mul3A_1701 : i32
      %add3A_1703 = arith.constant 1 : i32
      %add3A_1704 = arith.addi %mul3A_1702, %add3A_1703 : i32
      %dma_start3A_1705 = arith.constant 0 : i32
      %dma_start3A_1706 = arith.constant 64 : i32
      %dma_start3A_1707 = arith.constant 0 : i32
      %dma_start3A_1708 = tpu.memref_slice %arg9[%dma_start3A_1706, %dma_start3A_1707] : memref<128x129xf32, #tpu.memory_space<vmem>> -> memref<8x128xf32, #tpu.memory_space<vmem>>
      %dma_start3A_1709 = arith.constant 0 : i32
      %dma_start3A_1710 = arith.constant 0 : i32
      %dma_start3A_1711 = tpu.memref_slice %arg4[%add3A_1704, %dma_start3A_1705, %add3A, %dma_start3A_1709, %dma_start3A_1710] : memref<50x8x32x8x128xf32, #tpu.memory_space<hbm>> -> memref<1x1x1x8x128xf32, #tpu.memory_space<hbm>>
      %dma_start3A_1712 = tpu.memref_squeeze %dma_start3A_1711 : memref<1x1x1x8x128xf32, #tpu.memory_space<hbm>> -> memref<8x128xf32, #tpu.memory_space<hbm>>
      %dma_start3A_1713 = arith.constant 0 : i32
      %dma_start3A_1714 = arith.constant 0 : i32
      %dma_start3A_1715 = tpu.memref_slice %arg4[%add3A_1704, %dma_start3A_1705, %add3A, %dma_start3A_1713, %dma_start3A_1714] : memref<50x8x32x8x128xf32, #tpu.memory_space<hbm>> -> memref<1x1x1x8x128xf32, #tpu.memory_space<hbm>>
      %dma_start3A_1716 = tpu.memref_squeeze %dma_start3A_1715 : memref<1x1x1x8x128xf32, #tpu.memory_space<hbm>> -> memref<8x128xf32, #tpu.memory_space<hbm>>
      %dma_start3A_1717 = arith.constant 64 : i32
      %dma_start3A_1718 = arith.constant 0 : i32
      %dma_start3A_1719 = tpu.memref_slice %arg9[%dma_start3A_1717, %dma_start3A_1718] : memref<128x129xf32, #tpu.memory_space<vmem>> -> memref<8x128xf32, #tpu.memory_space<vmem>>
      tpu.enqueue_dma source(%dma_start3A_1719 : memref<8x128xf32, #tpu.memory_space<vmem>>) target(%dma_start3A_1716 : memref<8x128xf32, #tpu.memory_space<hbm>>) target_semaphore(%arg14 : memref<!tpu.dma_semaphore, #tpu.memory_space<semaphore_mem>>)
      %mul3A_1720 = arith.constant 2 : i32
      %mul3A_1721 = arith.muli %add3A_1478, %mul3A_1720 : i32
      %add3A_1722 = arith.constant 1 : i32
      %add3A_1723 = arith.addi %mul3A_1721, %add3A_1722 : i32
      %dma_start3A_1724 = arith.constant 1 : i32
      %dma_start3A_1725 = arith.constant 72 : i32
      %dma_start3A_1726 = arith.constant 0 : i32
      %dma_start3A_1727 = tpu.memref_slice %arg9[%dma_start3A_1725, %dma_start3A_1726] : memref<128x129xf32, #tpu.memory_space<vmem>> -> memref<8x128xf32, #tpu.memory_space<vmem>>
      %dma_start3A_1728 = arith.constant 0 : i32
      %dma_start3A_1729 = arith.constant 0 : i32
      %dma_start3A_1730 = tpu.memref_slice %arg4[%add3A_1723, %dma_start3A_1724, %add3A, %dma_start3A_1728, %dma_start3A_1729] : memref<50x8x32x8x128xf32, #tpu.memory_space<hbm>> -> memref<1x1x1x8x128xf32, #tpu.memory_space<hbm>>
      %dma_start3A_1731 = tpu.memref_squeeze %dma_start3A_1730 : memref<1x1x1x8x128xf32, #tpu.memory_space<hbm>> -> memref<8x128xf32, #tpu.memory_space<hbm>>
      %dma_start3A_1732 = arith.constant 0 : i32
      %dma_start3A_1733 = arith.constant 0 : i32
      %dma_start3A_1734 = tpu.memref_slice %arg4[%add3A_1723, %dma_start3A_1724, %add3A, %dma_start3A_1732, %dma_start3A_1733] : memref<50x8x32x8x128xf32, #tpu.memory_space<hbm>> -> memref<1x1x1x8x128xf32, #tpu.memory_space<hbm>>
      %dma_start3A_1735 = tpu.memref_squeeze %dma_start3A_1734 : memref<1x1x1x8x128xf32, #tpu.memory_space<hbm>> -> memref<8x128xf32, #tpu.memory_space<hbm>>
      %dma_start3A_1736 = arith.constant 72 : i32
      %dma_start3A_1737 = arith.constant 0 : i32
      %dma_start3A_1738 = tpu.memref_slice %arg9[%dma_start3A_1736, %dma_start3A_1737] : memref<128x129xf32, #tpu.memory_space<vmem>> -> memref<8x128xf32, #tpu.memory_space<vmem>>
      tpu.enqueue_dma source(%dma_start3A_1738 : memref<8x128xf32, #tpu.memory_space<vmem>>) target(%dma_start3A_1735 : memref<8x128xf32, #tpu.memory_space<hbm>>) target_semaphore(%arg14 : memref<!tpu.dma_semaphore, #tpu.memory_space<semaphore_mem>>)
      %mul3A_1739 = arith.constant 2 : i32
      %mul3A_1740 = arith.muli %add3A_1478, %mul3A_1739 : i32
      %add3A_1741 = arith.constant 1 : i32
      %add3A_1742 = arith.addi %mul3A_1740, %add3A_1741 : i32
      %dma_start3A_1743 = arith.constant 2 : i32
      %dma_start3A_1744 = arith.constant 80 : i32
      %dma_start3A_1745 = arith.constant 0 : i32
      %dma_start3A_1746 = tpu.memref_slice %arg9[%dma_start3A_1744, %dma_start3A_1745] : memref<128x129xf32, #tpu.memory_space<vmem>> -> memref<8x128xf32, #tpu.memory_space<vmem>>
      %dma_start3A_1747 = arith.constant 0 : i32
      %dma_start3A_1748 = arith.constant 0 : i32
      %dma_start3A_1749 = tpu.memref_slice %arg4[%add3A_1742, %dma_start3A_1743, %add3A, %dma_start3A_1747, %dma_start3A_1748] : memref<50x8x32x8x128xf32, #tpu.memory_space<hbm>> -> memref<1x1x1x8x128xf32, #tpu.memory_space<hbm>>
      %dma_start3A_1750 = tpu.memref_squeeze %dma_start3A_1749 : memref<1x1x1x8x128xf32, #tpu.memory_space<hbm>> -> memref<8x128xf32, #tpu.memory_space<hbm>>
      %dma_start3A_1751 = arith.constant 0 : i32
      %dma_start3A_1752 = arith.constant 0 : i32
      %dma_start3A_1753 = tpu.memref_slice %arg4[%add3A_1742, %dma_start3A_1743, %add3A, %dma_start3A_1751, %dma_start3A_1752] : memref<50x8x32x8x128xf32, #tpu.memory_space<hbm>> -> memref<1x1x1x8x128xf32, #tpu.memory_space<hbm>>
      %dma_start3A_1754 = tpu.memref_squeeze %dma_start3A_1753 : memref<1x1x1x8x128xf32, #tpu.memory_space<hbm>> -> memref<8x128xf32, #tpu.memory_space<hbm>>
      %dma_start3A_1755 = arith.constant 80 : i32
      %dma_start3A_1756 = arith.constant 0 : i32
      %dma_start3A_1757 = tpu.memref_slice %arg9[%dma_start3A_1755, %dma_start3A_1756] : memref<128x129xf32, #tpu.memory_space<vmem>> -> memref<8x128xf32, #tpu.memory_space<vmem>>
      tpu.enqueue_dma source(%dma_start3A_1757 : memref<8x128xf32, #tpu.memory_space<vmem>>) target(%dma_start3A_1754 : memref<8x128xf32, #tpu.memory_space<hbm>>) target_semaphore(%arg14 : memref<!tpu.dma_semaphore, #tpu.memory_space<semaphore_mem>>)
      %mul3A_1758 = arith.constant 2 : i32
      %mul3A_1759 = arith.muli %add3A_1478, %mul3A_1758 : i32
      %add3A_1760 = arith.constant 1 : i32
      %add3A_1761 = arith.addi %mul3A_1759, %add3A_1760 : i32
      %dma_start3A_1762 = arith.constant 3 : i32
      %dma_start3A_1763 = arith.constant 88 : i32
      %dma_start3A_1764 = arith.constant 0 : i32
      %dma_start3A_1765 = tpu.memref_slice %arg9[%dma_start3A_1763, %dma_start3A_1764] : memref<128x129xf32, #tpu.memory_space<vmem>> -> memref<8x128xf32, #tpu.memory_space<vmem>>
      %dma_start3A_1766 = arith.constant 0 : i32
      %dma_start3A_1767 = arith.constant 0 : i32
      %dma_start3A_1768 = tpu.memref_slice %arg4[%add3A_1761, %dma_start3A_1762, %add3A, %dma_start3A_1766, %dma_start3A_1767] : memref<50x8x32x8x128xf32, #tpu.memory_space<hbm>> -> memref<1x1x1x8x128xf32, #tpu.memory_space<hbm>>
      %dma_start3A_1769 = tpu.memref_squeeze %dma_start3A_1768 : memref<1x1x1x8x128xf32, #tpu.memory_space<hbm>> -> memref<8x128xf32, #tpu.memory_space<hbm>>
      %dma_start3A_1770 = arith.constant 0 : i32
      %dma_start3A_1771 = arith.constant 0 : i32
      %dma_start3A_1772 = tpu.memref_slice %arg4[%add3A_1761, %dma_start3A_1762, %add3A, %dma_start3A_1770, %dma_start3A_1771] : memref<50x8x32x8x128xf32, #tpu.memory_space<hbm>> -> memref<1x1x1x8x128xf32, #tpu.memory_space<hbm>>
      %dma_start3A_1773 = tpu.memref_squeeze %dma_start3A_1772 : memref<1x1x1x8x128xf32, #tpu.memory_space<hbm>> -> memref<8x128xf32, #tpu.memory_space<hbm>>
      %dma_start3A_1774 = arith.constant 88 : i32
      %dma_start3A_1775 = arith.constant 0 : i32
      %dma_start3A_1776 = tpu.memref_slice %arg9[%dma_start3A_1774, %dma_start3A_1775] : memref<128x129xf32, #tpu.memory_space<vmem>> -> memref<8x128xf32, #tpu.memory_space<vmem>>
      tpu.enqueue_dma source(%dma_start3A_1776 : memref<8x128xf32, #tpu.memory_space<vmem>>) target(%dma_start3A_1773 : memref<8x128xf32, #tpu.memory_space<hbm>>) target_semaphore(%arg14 : memref<!tpu.dma_semaphore, #tpu.memory_space<semaphore_mem>>)
      %mul3A_1777 = arith.constant 2 : i32
      %mul3A_1778 = arith.muli %add3A_1478, %mul3A_1777 : i32
      %add3A_1779 = arith.constant 1 : i32
      %add3A_1780 = arith.addi %mul3A_1778, %add3A_1779 : i32
      %dma_start3A_1781 = arith.constant 4 : i32
      %dma_start3A_1782 = arith.constant 96 : i32
      %dma_start3A_1783 = arith.constant 0 : i32
      %dma_start3A_1784 = tpu.memref_slice %arg9[%dma_start3A_1782, %dma_start3A_1783] : memref<128x129xf32, #tpu.memory_space<vmem>> -> memref<8x128xf32, #tpu.memory_space<vmem>>
      %dma_start3A_1785 = arith.constant 0 : i32
      %dma_start3A_1786 = arith.constant 0 : i32
      %dma_start3A_1787 = tpu.memref_slice %arg4[%add3A_1780, %dma_start3A_1781, %add3A, %dma_start3A_1785, %dma_start3A_1786] : memref<50x8x32x8x128xf32, #tpu.memory_space<hbm>> -> memref<1x1x1x8x128xf32, #tpu.memory_space<hbm>>
      %dma_start3A_1788 = tpu.memref_squeeze %dma_start3A_1787 : memref<1x1x1x8x128xf32, #tpu.memory_space<hbm>> -> memref<8x128xf32, #tpu.memory_space<hbm>>
      %dma_start3A_1789 = arith.constant 0 : i32
      %dma_start3A_1790 = arith.constant 0 : i32
      %dma_start3A_1791 = tpu.memref_slice %arg4[%add3A_1780, %dma_start3A_1781, %add3A, %dma_start3A_1789, %dma_start3A_1790] : memref<50x8x32x8x128xf32, #tpu.memory_space<hbm>> -> memref<1x1x1x8x128xf32, #tpu.memory_space<hbm>>
      %dma_start3A_1792 = tpu.memref_squeeze %dma_start3A_1791 : memref<1x1x1x8x128xf32, #tpu.memory_space<hbm>> -> memref<8x128xf32, #tpu.memory_space<hbm>>
      %dma_start3A_1793 = arith.constant 96 : i32
      %dma_start3A_1794 = arith.constant 0 : i32
      %dma_start3A_1795 = tpu.memref_slice %arg9[%dma_start3A_1793, %dma_start3A_1794] : memref<128x129xf32, #tpu.memory_space<vmem>> -> memref<8x128xf32, #tpu.memory_space<vmem>>
      tpu.enqueue_dma source(%dma_start3A_1795 : memref<8x128xf32, #tpu.memory_space<vmem>>) target(%dma_start3A_1792 : memref<8x128xf32, #tpu.memory_space<hbm>>) target_semaphore(%arg14 : memref<!tpu.dma_semaphore, #tpu.memory_space<semaphore_mem>>)
      %mul3A_1796 = arith.constant 2 : i32
      %mul3A_1797 = arith.muli %add3A_1478, %mul3A_1796 : i32
      %add3A_1798 = arith.constant 1 : i32
      %add3A_1799 = arith.addi %mul3A_1797, %add3A_1798 : i32
      %dma_start3A_1800 = arith.constant 5 : i32
      %dma_start3A_1801 = arith.constant 104 : i32
      %dma_start3A_1802 = arith.constant 0 : i32
      %dma_start3A_1803 = tpu.memref_slice %arg9[%dma_start3A_1801, %dma_start3A_1802] : memref<128x129xf32, #tpu.memory_space<vmem>> -> memref<8x128xf32, #tpu.memory_space<vmem>>
      %dma_start3A_1804 = arith.constant 0 : i32
      %dma_start3A_1805 = arith.constant 0 : i32
      %dma_start3A_1806 = tpu.memref_slice %arg4[%add3A_1799, %dma_start3A_1800, %add3A, %dma_start3A_1804, %dma_start3A_1805] : memref<50x8x32x8x128xf32, #tpu.memory_space<hbm>> -> memref<1x1x1x8x128xf32, #tpu.memory_space<hbm>>
      %dma_start3A_1807 = tpu.memref_squeeze %dma_start3A_1806 : memref<1x1x1x8x128xf32, #tpu.memory_space<hbm>> -> memref<8x128xf32, #tpu.memory_space<hbm>>
      %dma_start3A_1808 = arith.constant 0 : i32
      %dma_start3A_1809 = arith.constant 0 : i32
      %dma_start3A_1810 = tpu.memref_slice %arg4[%add3A_1799, %dma_start3A_1800, %add3A, %dma_start3A_1808, %dma_start3A_1809] : memref<50x8x32x8x128xf32, #tpu.memory_space<hbm>> -> memref<1x1x1x8x128xf32, #tpu.memory_space<hbm>>
      %dma_start3A_1811 = tpu.memref_squeeze %dma_start3A_1810 : memref<1x1x1x8x128xf32, #tpu.memory_space<hbm>> -> memref<8x128xf32, #tpu.memory_space<hbm>>
      %dma_start3A_1812 = arith.constant 104 : i32
      %dma_start3A_1813 = arith.constant 0 : i32
      %dma_start3A_1814 = tpu.memref_slice %arg9[%dma_start3A_1812, %dma_start3A_1813] : memref<128x129xf32, #tpu.memory_space<vmem>> -> memref<8x128xf32, #tpu.memory_space<vmem>>
      tpu.enqueue_dma source(%dma_start3A_1814 : memref<8x128xf32, #tpu.memory_space<vmem>>) target(%dma_start3A_1811 : memref<8x128xf32, #tpu.memory_space<hbm>>) target_semaphore(%arg14 : memref<!tpu.dma_semaphore, #tpu.memory_space<semaphore_mem>>)
      %mul3A_1815 = arith.constant 2 : i32
      %mul3A_1816 = arith.muli %add3A_1478, %mul3A_1815 : i32
      %add3A_1817 = arith.constant 1 : i32
      %add3A_1818 = arith.addi %mul3A_1816, %add3A_1817 : i32
      %dma_start3A_1819 = arith.constant 6 : i32
      %dma_start3A_1820 = arith.constant 112 : i32
      %dma_start3A_1821 = arith.constant 0 : i32
      %dma_start3A_1822 = tpu.memref_slice %arg9[%dma_start3A_1820, %dma_start3A_1821] : memref<128x129xf32, #tpu.memory_space<vmem>> -> memref<8x128xf32, #tpu.memory_space<vmem>>
      %dma_start3A_1823 = arith.constant 0 : i32
      %dma_start3A_1824 = arith.constant 0 : i32
      %dma_start3A_1825 = tpu.memref_slice %arg4[%add3A_1818, %dma_start3A_1819, %add3A, %dma_start3A_1823, %dma_start3A_1824] : memref<50x8x32x8x128xf32, #tpu.memory_space<hbm>> -> memref<1x1x1x8x128xf32, #tpu.memory_space<hbm>>
      %dma_start3A_1826 = tpu.memref_squeeze %dma_start3A_1825 : memref<1x1x1x8x128xf32, #tpu.memory_space<hbm>> -> memref<8x128xf32, #tpu.memory_space<hbm>>
      %dma_start3A_1827 = arith.constant 0 : i32
      %dma_start3A_1828 = arith.constant 0 : i32
      %dma_start3A_1829 = tpu.memref_slice %arg4[%add3A_1818, %dma_start3A_1819, %add3A, %dma_start3A_1827, %dma_start3A_1828] : memref<50x8x32x8x128xf32, #tpu.memory_space<hbm>> -> memref<1x1x1x8x128xf32, #tpu.memory_space<hbm>>
      %dma_start3A_1830 = tpu.memref_squeeze %dma_start3A_1829 : memref<1x1x1x8x128xf32, #tpu.memory_space<hbm>> -> memref<8x128xf32, #tpu.memory_space<hbm>>
      %dma_start3A_1831 = arith.constant 112 : i32
      %dma_start3A_1832 = arith.constant 0 : i32
      %dma_start3A_1833 = tpu.memref_slice %arg9[%dma_start3A_1831, %dma_start3A_1832] : memref<128x129xf32, #tpu.memory_space<vmem>> -> memref<8x128xf32, #tpu.memory_space<vmem>>
      tpu.enqueue_dma source(%dma_start3A_1833 : memref<8x128xf32, #tpu.memory_space<vmem>>) target(%dma_start3A_1830 : memref<8x128xf32, #tpu.memory_space<hbm>>) target_semaphore(%arg14 : memref<!tpu.dma_semaphore, #tpu.memory_space<semaphore_mem>>)
      %mul3A_1834 = arith.constant 2 : i32
      %mul3A_1835 = arith.muli %add3A_1478, %mul3A_1834 : i32
      %add3A_1836 = arith.constant 1 : i32
      %add3A_1837 = arith.addi %mul3A_1835, %add3A_1836 : i32
      %dma_start3A_1838 = arith.constant 7 : i32
      %dma_start3A_1839 = arith.constant 120 : i32
      %dma_start3A_1840 = arith.constant 0 : i32
      %dma_start3A_1841 = tpu.memref_slice %arg9[%dma_start3A_1839, %dma_start3A_1840] : memref<128x129xf32, #tpu.memory_space<vmem>> -> memref<8x128xf32, #tpu.memory_space<vmem>>
      %dma_start3A_1842 = arith.constant 0 : i32
      %dma_start3A_1843 = arith.constant 0 : i32
      %dma_start3A_1844 = tpu.memref_slice %arg4[%add3A_1837, %dma_start3A_1838, %add3A, %dma_start3A_1842, %dma_start3A_1843] : memref<50x8x32x8x128xf32, #tpu.memory_space<hbm>> -> memref<1x1x1x8x128xf32, #tpu.memory_space<hbm>>
      %dma_start3A_1845 = tpu.memref_squeeze %dma_start3A_1844 : memref<1x1x1x8x128xf32, #tpu.memory_space<hbm>> -> memref<8x128xf32, #tpu.memory_space<hbm>>
      %dma_start3A_1846 = arith.constant 0 : i32
      %dma_start3A_1847 = arith.constant 0 : i32
      %dma_start3A_1848 = tpu.memref_slice %arg4[%add3A_1837, %dma_start3A_1838, %add3A, %dma_start3A_1846, %dma_start3A_1847] : memref<50x8x32x8x128xf32, #tpu.memory_space<hbm>> -> memref<1x1x1x8x128xf32, #tpu.memory_space<hbm>>
      %dma_start3A_1849 = tpu.memref_squeeze %dma_start3A_1848 : memref<1x1x1x8x128xf32, #tpu.memory_space<hbm>> -> memref<8x128xf32, #tpu.memory_space<hbm>>
      %dma_start3A_1850 = arith.constant 120 : i32
      %dma_start3A_1851 = arith.constant 0 : i32
      %dma_start3A_1852 = tpu.memref_slice %arg9[%dma_start3A_1850, %dma_start3A_1851] : memref<128x129xf32, #tpu.memory_space<vmem>> -> memref<8x128xf32, #tpu.memory_space<vmem>>
      tpu.enqueue_dma source(%dma_start3A_1852 : memref<8x128xf32, #tpu.memory_space<vmem>>) target(%dma_start3A_1849 : memref<8x128xf32, #tpu.memory_space<hbm>>) target_semaphore(%arg14 : memref<!tpu.dma_semaphore, #tpu.memory_space<semaphore_mem>>)
    }
    %scan3A_42 = arith.constant 12 : i32
    %dma_wait3A_43 = arith.constant 0 : i32
    %dma_wait3A_44 = arith.constant 0 : i32
    %dma_wait3A_45 = arith.constant 0 : i32
    %dma_wait3A_46 = tpu.memref_slice %arg6[%dma_wait3A_43, %dma_wait3A_44, %dma_wait3A_45] : memref<2x128x64xf32, #tpu.memory_space<vmem>> -> memref<1x128x64xf32, #tpu.memory_space<vmem>>
    %dma_wait3A_47 = tpu.memref_squeeze %dma_wait3A_46 : memref<1x128x64xf32, #tpu.memory_space<vmem>> -> memref<128x64xf32, #tpu.memory_space<vmem>>
    %dma_wait3A_48 = arith.constant 0 : i32
    %dma_wait3A_49 = arith.constant 0 : i32
    %dma_wait3A_50 = tpu.memref_slice %arg3[%dma_wait3A_48, %dma_wait3A_49] : memref<125000x64xf32, #tpu.memory_space<hbm>> -> memref<128x64xf32, #tpu.memory_space<hbm>>
    %dma_wait3A_51 = arith.constant 0 : i32
    %dma_wait3A_52 = arith.constant 0 : i32
    %dma_wait3A_53 = tpu.memref_slice %arg6[%dma_wait3A_43, %dma_wait3A_51, %dma_wait3A_52] : memref<2x128x64xf32, #tpu.memory_space<vmem>> -> memref<1x128x64xf32, #tpu.memory_space<vmem>>
    %dma_wait3A_54 = tpu.memref_squeeze %dma_wait3A_53 : memref<1x128x64xf32, #tpu.memory_space<vmem>> -> memref<128x64xf32, #tpu.memory_space<vmem>>
    %dma_wait3A_55 = arith.constant 0 : i32
    %dma_wait3A_56 = arith.constant 0 : i32
    %dma_wait3A_57 = tpu.memref_slice %arg3[%dma_wait3A_55, %dma_wait3A_56] : memref<125000x64xf32, #tpu.memory_space<hbm>> -> memref<128x64xf32, #tpu.memory_space<hbm>>
    tpu.wait_dma2 semaphore(%arg11 : memref<!tpu.dma_semaphore, #tpu.memory_space<semaphore_mem>>) src(%dma_wait3A_57 : memref<128x64xf32, #tpu.memory_space<hbm>>) dst(%dma_wait3A_54 : memref<128x64xf32, #tpu.memory_space<vmem>>)
    %dma_wait3A_58 = arith.constant 1 : i32
    %dma_wait3A_59 = arith.constant 0 : i32
    %dma_wait3A_60 = arith.constant 0 : i32
    %dma_wait3A_61 = tpu.memref_slice %arg6[%dma_wait3A_58, %dma_wait3A_59, %dma_wait3A_60] : memref<2x128x64xf32, #tpu.memory_space<vmem>> -> memref<1x128x64xf32, #tpu.memory_space<vmem>>
    %dma_wait3A_62 = tpu.memref_squeeze %dma_wait3A_61 : memref<1x128x64xf32, #tpu.memory_space<vmem>> -> memref<128x64xf32, #tpu.memory_space<vmem>>
    %dma_wait3A_63 = arith.constant 0 : i32
    %dma_wait3A_64 = arith.constant 0 : i32
    %dma_wait3A_65 = tpu.memref_slice %arg3[%dma_wait3A_63, %dma_wait3A_64] : memref<125000x64xf32, #tpu.memory_space<hbm>> -> memref<128x64xf32, #tpu.memory_space<hbm>>
    %dma_wait3A_66 = arith.constant 0 : i32
    %dma_wait3A_67 = arith.constant 0 : i32
    %dma_wait3A_68 = tpu.memref_slice %arg6[%dma_wait3A_58, %dma_wait3A_66, %dma_wait3A_67] : memref<2x128x64xf32, #tpu.memory_space<vmem>> -> memref<1x128x64xf32, #tpu.memory_space<vmem>>
    %dma_wait3A_69 = tpu.memref_squeeze %dma_wait3A_68 : memref<1x128x64xf32, #tpu.memory_space<vmem>> -> memref<128x64xf32, #tpu.memory_space<vmem>>
    %dma_wait3A_70 = arith.constant 0 : i32
    %dma_wait3A_71 = arith.constant 0 : i32
    %dma_wait3A_72 = tpu.memref_slice %arg3[%dma_wait3A_70, %dma_wait3A_71] : memref<125000x64xf32, #tpu.memory_space<hbm>> -> memref<128x64xf32, #tpu.memory_space<hbm>>
    tpu.wait_dma2 semaphore(%arg11 : memref<!tpu.dma_semaphore, #tpu.memory_space<semaphore_mem>>) src(%dma_wait3A_72 : memref<128x64xf32, #tpu.memory_space<hbm>>) dst(%dma_wait3A_69 : memref<128x64xf32, #tpu.memory_space<vmem>>)
    %dma_wait3A_73 = arith.constant 0 : i32
    %dma_wait3A_74 = arith.constant 0 : i32
    %dma_wait3A_75 = arith.constant 0 : i32
    %dma_wait3A_76 = arith.constant 0 : i32
    %dma_wait3A_77 = tpu.memref_slice %arg8[%dma_wait3A_75, %dma_wait3A_76] : memref<128x129xf32, #tpu.memory_space<vmem>> -> memref<8x128xf32, #tpu.memory_space<vmem>>
    %dma_wait3A_78 = arith.constant 0 : i32
    %dma_wait3A_79 = arith.constant 0 : i32
    %dma_wait3A_80 = tpu.memref_slice %arg4[%dma_wait3A_73, %dma_wait3A_74, %add3A, %dma_wait3A_78, %dma_wait3A_79] : memref<50x8x32x8x128xf32, #tpu.memory_space<hbm>> -> memref<1x1x1x8x128xf32, #tpu.memory_space<hbm>>
    %dma_wait3A_81 = tpu.memref_squeeze %dma_wait3A_80 : memref<1x1x1x8x128xf32, #tpu.memory_space<hbm>> -> memref<8x128xf32, #tpu.memory_space<hbm>>
    %dma_wait3A_82 = arith.constant 0 : i32
    %dma_wait3A_83 = arith.constant 0 : i32
    %dma_wait3A_84 = tpu.memref_slice %arg4[%dma_wait3A_73, %dma_wait3A_74, %add3A, %dma_wait3A_82, %dma_wait3A_83] : memref<50x8x32x8x128xf32, #tpu.memory_space<hbm>> -> memref<1x1x1x8x128xf32, #tpu.memory_space<hbm>>
    %dma_wait3A_85 = tpu.memref_squeeze %dma_wait3A_84 : memref<1x1x1x8x128xf32, #tpu.memory_space<hbm>> -> memref<8x128xf32, #tpu.memory_space<hbm>>
    %dma_wait3A_86 = arith.constant 0 : i32
    %dma_wait3A_87 = arith.constant 0 : i32
    %dma_wait3A_88 = tpu.memref_slice %arg8[%dma_wait3A_86, %dma_wait3A_87] : memref<128x129xf32, #tpu.memory_space<vmem>> -> memref<8x128xf32, #tpu.memory_space<vmem>>
    tpu.wait_dma2 semaphore(%arg13 : memref<!tpu.dma_semaphore, #tpu.memory_space<semaphore_mem>>) src(%dma_wait3A_88 : memref<8x128xf32, #tpu.memory_space<vmem>>) dst(%dma_wait3A_85 : memref<8x128xf32, #tpu.memory_space<hbm>>)
    %dma_wait3A_89 = arith.constant 0 : i32
    %dma_wait3A_90 = arith.constant 1 : i32
    %dma_wait3A_91 = arith.constant 8 : i32
    %dma_wait3A_92 = arith.constant 0 : i32
    %dma_wait3A_93 = tpu.memref_slice %arg8[%dma_wait3A_91, %dma_wait3A_92] : memref<128x129xf32, #tpu.memory_space<vmem>> -> memref<8x128xf32, #tpu.memory_space<vmem>>
    %dma_wait3A_94 = arith.constant 0 : i32
    %dma_wait3A_95 = arith.constant 0 : i32
    %dma_wait3A_96 = tpu.memref_slice %arg4[%dma_wait3A_89, %dma_wait3A_90, %add3A, %dma_wait3A_94, %dma_wait3A_95] : memref<50x8x32x8x128xf32, #tpu.memory_space<hbm>> -> memref<1x1x1x8x128xf32, #tpu.memory_space<hbm>>
    %dma_wait3A_97 = tpu.memref_squeeze %dma_wait3A_96 : memref<1x1x1x8x128xf32, #tpu.memory_space<hbm>> -> memref<8x128xf32, #tpu.memory_space<hbm>>
    %dma_wait3A_98 = arith.constant 0 : i32
    %dma_wait3A_99 = arith.constant 0 : i32
    %dma_wait3A_100 = tpu.memref_slice %arg4[%dma_wait3A_89, %dma_wait3A_90, %add3A, %dma_wait3A_98, %dma_wait3A_99] : memref<50x8x32x8x128xf32, #tpu.memory_space<hbm>> -> memref<1x1x1x8x128xf32, #tpu.memory_space<hbm>>
    %dma_wait3A_101 = tpu.memref_squeeze %dma_wait3A_100 : memref<1x1x1x8x128xf32, #tpu.memory_space<hbm>> -> memref<8x128xf32, #tpu.memory_space<hbm>>
    %dma_wait3A_102 = arith.constant 8 : i32
    %dma_wait3A_103 = arith.constant 0 : i32
    %dma_wait3A_104 = tpu.memref_slice %arg8[%dma_wait3A_102, %dma_wait3A_103] : memref<128x129xf32, #tpu.memory_space<vmem>> -> memref<8x128xf32, #tpu.memory_space<vmem>>
    tpu.wait_dma2 semaphore(%arg13 : memref<!tpu.dma_semaphore, #tpu.memory_space<semaphore_mem>>) src(%dma_wait3A_104 : memref<8x128xf32, #tpu.memory_space<vmem>>) dst(%dma_wait3A_101 : memref<8x128xf32, #tpu.memory_space<hbm>>)
    %dma_wait3A_105 = arith.constant 0 : i32
    %dma_wait3A_106 = arith.constant 2 : i32
    %dma_wait3A_107 = arith.constant 16 : i32
    %dma_wait3A_108 = arith.constant 0 : i32
    %dma_wait3A_109 = tpu.memref_slice %arg8[%dma_wait3A_107, %dma_wait3A_108] : memref<128x129xf32, #tpu.memory_space<vmem>> -> memref<8x128xf32, #tpu.memory_space<vmem>>
    %dma_wait3A_110 = arith.constant 0 : i32
    %dma_wait3A_111 = arith.constant 0 : i32
    %dma_wait3A_112 = tpu.memref_slice %arg4[%dma_wait3A_105, %dma_wait3A_106, %add3A, %dma_wait3A_110, %dma_wait3A_111] : memref<50x8x32x8x128xf32, #tpu.memory_space<hbm>> -> memref<1x1x1x8x128xf32, #tpu.memory_space<hbm>>
    %dma_wait3A_113 = tpu.memref_squeeze %dma_wait3A_112 : memref<1x1x1x8x128xf32, #tpu.memory_space<hbm>> -> memref<8x128xf32, #tpu.memory_space<hbm>>
    %dma_wait3A_114 = arith.constant 0 : i32
    %dma_wait3A_115 = arith.constant 0 : i32
    %dma_wait3A_116 = tpu.memref_slice %arg4[%dma_wait3A_105, %dma_wait3A_106, %add3A, %dma_wait3A_114, %dma_wait3A_115] : memref<50x8x32x8x128xf32, #tpu.memory_space<hbm>> -> memref<1x1x1x8x128xf32, #tpu.memory_space<hbm>>
    %dma_wait3A_117 = tpu.memref_squeeze %dma_wait3A_116 : memref<1x1x1x8x128xf32, #tpu.memory_space<hbm>> -> memref<8x128xf32, #tpu.memory_space<hbm>>
    %dma_wait3A_118 = arith.constant 16 : i32
    %dma_wait3A_119 = arith.constant 0 : i32
    %dma_wait3A_120 = tpu.memref_slice %arg8[%dma_wait3A_118, %dma_wait3A_119] : memref<128x129xf32, #tpu.memory_space<vmem>> -> memref<8x128xf32, #tpu.memory_space<vmem>>
    tpu.wait_dma2 semaphore(%arg13 : memref<!tpu.dma_semaphore, #tpu.memory_space<semaphore_mem>>) src(%dma_wait3A_120 : memref<8x128xf32, #tpu.memory_space<vmem>>) dst(%dma_wait3A_117 : memref<8x128xf32, #tpu.memory_space<hbm>>)
    %dma_wait3A_121 = arith.constant 0 : i32
    %dma_wait3A_122 = arith.constant 3 : i32
    %dma_wait3A_123 = arith.constant 24 : i32
    %dma_wait3A_124 = arith.constant 0 : i32
    %dma_wait3A_125 = tpu.memref_slice %arg8[%dma_wait3A_123, %dma_wait3A_124] : memref<128x129xf32, #tpu.memory_space<vmem>> -> memref<8x128xf32, #tpu.memory_space<vmem>>
    %dma_wait3A_126 = arith.constant 0 : i32
    %dma_wait3A_127 = arith.constant 0 : i32
    %dma_wait3A_128 = tpu.memref_slice %arg4[%dma_wait3A_121, %dma_wait3A_122, %add3A, %dma_wait3A_126, %dma_wait3A_127] : memref<50x8x32x8x128xf32, #tpu.memory_space<hbm>> -> memref<1x1x1x8x128xf32, #tpu.memory_space<hbm>>
    %dma_wait3A_129 = tpu.memref_squeeze %dma_wait3A_128 : memref<1x1x1x8x128xf32, #tpu.memory_space<hbm>> -> memref<8x128xf32, #tpu.memory_space<hbm>>
    %dma_wait3A_130 = arith.constant 0 : i32
    %dma_wait3A_131 = arith.constant 0 : i32
    %dma_wait3A_132 = tpu.memref_slice %arg4[%dma_wait3A_121, %dma_wait3A_122, %add3A, %dma_wait3A_130, %dma_wait3A_131] : memref<50x8x32x8x128xf32, #tpu.memory_space<hbm>> -> memref<1x1x1x8x128xf32, #tpu.memory_space<hbm>>
    %dma_wait3A_133 = tpu.memref_squeeze %dma_wait3A_132 : memref<1x1x1x8x128xf32, #tpu.memory_space<hbm>> -> memref<8x128xf32, #tpu.memory_space<hbm>>
    %dma_wait3A_134 = arith.constant 24 : i32
    %dma_wait3A_135 = arith.constant 0 : i32
    %dma_wait3A_136 = tpu.memref_slice %arg8[%dma_wait3A_134, %dma_wait3A_135] : memref<128x129xf32, #tpu.memory_space<vmem>> -> memref<8x128xf32, #tpu.memory_space<vmem>>
    tpu.wait_dma2 semaphore(%arg13 : memref<!tpu.dma_semaphore, #tpu.memory_space<semaphore_mem>>) src(%dma_wait3A_136 : memref<8x128xf32, #tpu.memory_space<vmem>>) dst(%dma_wait3A_133 : memref<8x128xf32, #tpu.memory_space<hbm>>)
    %dma_wait3A_137 = arith.constant 0 : i32
    %dma_wait3A_138 = arith.constant 4 : i32
    %dma_wait3A_139 = arith.constant 32 : i32
    %dma_wait3A_140 = arith.constant 0 : i32
    %dma_wait3A_141 = tpu.memref_slice %arg8[%dma_wait3A_139, %dma_wait3A_140] : memref<128x129xf32, #tpu.memory_space<vmem>> -> memref<8x128xf32, #tpu.memory_space<vmem>>
    %dma_wait3A_142 = arith.constant 0 : i32
    %dma_wait3A_143 = arith.constant 0 : i32
    %dma_wait3A_144 = tpu.memref_slice %arg4[%dma_wait3A_137, %dma_wait3A_138, %add3A, %dma_wait3A_142, %dma_wait3A_143] : memref<50x8x32x8x128xf32, #tpu.memory_space<hbm>> -> memref<1x1x1x8x128xf32, #tpu.memory_space<hbm>>
    %dma_wait3A_145 = tpu.memref_squeeze %dma_wait3A_144 : memref<1x1x1x8x128xf32, #tpu.memory_space<hbm>> -> memref<8x128xf32, #tpu.memory_space<hbm>>
    %dma_wait3A_146 = arith.constant 0 : i32
    %dma_wait3A_147 = arith.constant 0 : i32
    %dma_wait3A_148 = tpu.memref_slice %arg4[%dma_wait3A_137, %dma_wait3A_138, %add3A, %dma_wait3A_146, %dma_wait3A_147] : memref<50x8x32x8x128xf32, #tpu.memory_space<hbm>> -> memref<1x1x1x8x128xf32, #tpu.memory_space<hbm>>
    %dma_wait3A_149 = tpu.memref_squeeze %dma_wait3A_148 : memref<1x1x1x8x128xf32, #tpu.memory_space<hbm>> -> memref<8x128xf32, #tpu.memory_space<hbm>>
    %dma_wait3A_150 = arith.constant 32 : i32
    %dma_wait3A_151 = arith.constant 0 : i32
    %dma_wait3A_152 = tpu.memref_slice %arg8[%dma_wait3A_150, %dma_wait3A_151] : memref<128x129xf32, #tpu.memory_space<vmem>> -> memref<8x128xf32, #tpu.memory_space<vmem>>
    tpu.wait_dma2 semaphore(%arg13 : memref<!tpu.dma_semaphore, #tpu.memory_space<semaphore_mem>>) src(%dma_wait3A_152 : memref<8x128xf32, #tpu.memory_space<vmem>>) dst(%dma_wait3A_149 : memref<8x128xf32, #tpu.memory_space<hbm>>)
    %dma_wait3A_153 = arith.constant 0 : i32
    %dma_wait3A_154 = arith.constant 5 : i32
    %dma_wait3A_155 = arith.constant 40 : i32
    %dma_wait3A_156 = arith.constant 0 : i32
    %dma_wait3A_157 = tpu.memref_slice %arg8[%dma_wait3A_155, %dma_wait3A_156] : memref<128x129xf32, #tpu.memory_space<vmem>> -> memref<8x128xf32, #tpu.memory_space<vmem>>
    %dma_wait3A_158 = arith.constant 0 : i32
    %dma_wait3A_159 = arith.constant 0 : i32
    %dma_wait3A_160 = tpu.memref_slice %arg4[%dma_wait3A_153, %dma_wait3A_154, %add3A, %dma_wait3A_158, %dma_wait3A_159] : memref<50x8x32x8x128xf32, #tpu.memory_space<hbm>> -> memref<1x1x1x8x128xf32, #tpu.memory_space<hbm>>
    %dma_wait3A_161 = tpu.memref_squeeze %dma_wait3A_160 : memref<1x1x1x8x128xf32, #tpu.memory_space<hbm>> -> memref<8x128xf32, #tpu.memory_space<hbm>>
    %dma_wait3A_162 = arith.constant 0 : i32
    %dma_wait3A_163 = arith.constant 0 : i32
    %dma_wait3A_164 = tpu.memref_slice %arg4[%dma_wait3A_153, %dma_wait3A_154, %add3A, %dma_wait3A_162, %dma_wait3A_163] : memref<50x8x32x8x128xf32, #tpu.memory_space<hbm>> -> memref<1x1x1x8x128xf32, #tpu.memory_space<hbm>>
    %dma_wait3A_165 = tpu.memref_squeeze %dma_wait3A_164 : memref<1x1x1x8x128xf32, #tpu.memory_space<hbm>> -> memref<8x128xf32, #tpu.memory_space<hbm>>
    %dma_wait3A_166 = arith.constant 40 : i32
    %dma_wait3A_167 = arith.constant 0 : i32
    %dma_wait3A_168 = tpu.memref_slice %arg8[%dma_wait3A_166, %dma_wait3A_167] : memref<128x129xf32, #tpu.memory_space<vmem>> -> memref<8x128xf32, #tpu.memory_space<vmem>>
    tpu.wait_dma2 semaphore(%arg13 : memref<!tpu.dma_semaphore, #tpu.memory_space<semaphore_mem>>) src(%dma_wait3A_168 : memref<8x128xf32, #tpu.memory_space<vmem>>) dst(%dma_wait3A_165 : memref<8x128xf32, #tpu.memory_space<hbm>>)
    %dma_wait3A_169 = arith.constant 0 : i32
    %dma_wait3A_170 = arith.constant 6 : i32
    %dma_wait3A_171 = arith.constant 48 : i32
    %dma_wait3A_172 = arith.constant 0 : i32
    %dma_wait3A_173 = tpu.memref_slice %arg8[%dma_wait3A_171, %dma_wait3A_172] : memref<128x129xf32, #tpu.memory_space<vmem>> -> memref<8x128xf32, #tpu.memory_space<vmem>>
    %dma_wait3A_174 = arith.constant 0 : i32
    %dma_wait3A_175 = arith.constant 0 : i32
    %dma_wait3A_176 = tpu.memref_slice %arg4[%dma_wait3A_169, %dma_wait3A_170, %add3A, %dma_wait3A_174, %dma_wait3A_175] : memref<50x8x32x8x128xf32, #tpu.memory_space<hbm>> -> memref<1x1x1x8x128xf32, #tpu.memory_space<hbm>>
    %dma_wait3A_177 = tpu.memref_squeeze %dma_wait3A_176 : memref<1x1x1x8x128xf32, #tpu.memory_space<hbm>> -> memref<8x128xf32, #tpu.memory_space<hbm>>
    %dma_wait3A_178 = arith.constant 0 : i32
    %dma_wait3A_179 = arith.constant 0 : i32
    %dma_wait3A_180 = tpu.memref_slice %arg4[%dma_wait3A_169, %dma_wait3A_170, %add3A, %dma_wait3A_178, %dma_wait3A_179] : memref<50x8x32x8x128xf32, #tpu.memory_space<hbm>> -> memref<1x1x1x8x128xf32, #tpu.memory_space<hbm>>
    %dma_wait3A_181 = tpu.memref_squeeze %dma_wait3A_180 : memref<1x1x1x8x128xf32, #tpu.memory_space<hbm>> -> memref<8x128xf32, #tpu.memory_space<hbm>>
    %dma_wait3A_182 = arith.constant 48 : i32
    %dma_wait3A_183 = arith.constant 0 : i32
    %dma_wait3A_184 = tpu.memref_slice %arg8[%dma_wait3A_182, %dma_wait3A_183] : memref<128x129xf32, #tpu.memory_space<vmem>> -> memref<8x128xf32, #tpu.memory_space<vmem>>
    tpu.wait_dma2 semaphore(%arg13 : memref<!tpu.dma_semaphore, #tpu.memory_space<semaphore_mem>>) src(%dma_wait3A_184 : memref<8x128xf32, #tpu.memory_space<vmem>>) dst(%dma_wait3A_181 : memref<8x128xf32, #tpu.memory_space<hbm>>)
    %dma_wait3A_185 = arith.constant 0 : i32
    %dma_wait3A_186 = arith.constant 7 : i32
    %dma_wait3A_187 = arith.constant 56 : i32
    %dma_wait3A_188 = arith.constant 0 : i32
    %dma_wait3A_189 = tpu.memref_slice %arg8[%dma_wait3A_187, %dma_wait3A_188] : memref<128x129xf32, #tpu.memory_space<vmem>> -> memref<8x128xf32, #tpu.memory_space<vmem>>
    %dma_wait3A_190 = arith.constant 0 : i32
    %dma_wait3A_191 = arith.constant 0 : i32
    %dma_wait3A_192 = tpu.memref_slice %arg4[%dma_wait3A_185, %dma_wait3A_186, %add3A, %dma_wait3A_190, %dma_wait3A_191] : memref<50x8x32x8x128xf32, #tpu.memory_space<hbm>> -> memref<1x1x1x8x128xf32, #tpu.memory_space<hbm>>
    %dma_wait3A_193 = tpu.memref_squeeze %dma_wait3A_192 : memref<1x1x1x8x128xf32, #tpu.memory_space<hbm>> -> memref<8x128xf32, #tpu.memory_space<hbm>>
    %dma_wait3A_194 = arith.constant 0 : i32
    %dma_wait3A_195 = arith.constant 0 : i32
    %dma_wait3A_196 = tpu.memref_slice %arg4[%dma_wait3A_185, %dma_wait3A_186, %add3A, %dma_wait3A_194, %dma_wait3A_195] : memref<50x8x32x8x128xf32, #tpu.memory_space<hbm>> -> memref<1x1x1x8x128xf32, #tpu.memory_space<hbm>>
    %dma_wait3A_197 = tpu.memref_squeeze %dma_wait3A_196 : memref<1x1x1x8x128xf32, #tpu.memory_space<hbm>> -> memref<8x128xf32, #tpu.memory_space<hbm>>
    %dma_wait3A_198 = arith.constant 56 : i32
    %dma_wait3A_199 = arith.constant 0 : i32
    %dma_wait3A_200 = tpu.memref_slice %arg8[%dma_wait3A_198, %dma_wait3A_199] : memref<128x129xf32, #tpu.memory_space<vmem>> -> memref<8x128xf32, #tpu.memory_space<vmem>>
    tpu.wait_dma2 semaphore(%arg13 : memref<!tpu.dma_semaphore, #tpu.memory_space<semaphore_mem>>) src(%dma_wait3A_200 : memref<8x128xf32, #tpu.memory_space<vmem>>) dst(%dma_wait3A_197 : memref<8x128xf32, #tpu.memory_space<hbm>>)
    %dma_wait3A_201 = arith.constant 1 : i32
    %dma_wait3A_202 = arith.constant 0 : i32
    %dma_wait3A_203 = arith.constant 64 : i32
    %dma_wait3A_204 = arith.constant 0 : i32
    %dma_wait3A_205 = tpu.memref_slice %arg8[%dma_wait3A_203, %dma_wait3A_204] : memref<128x129xf32, #tpu.memory_space<vmem>> -> memref<8x128xf32, #tpu.memory_space<vmem>>
    %dma_wait3A_206 = arith.constant 0 : i32
    %dma_wait3A_207 = arith.constant 0 : i32
    %dma_wait3A_208 = tpu.memref_slice %arg4[%dma_wait3A_201, %dma_wait3A_202, %add3A, %dma_wait3A_206, %dma_wait3A_207] : memref<50x8x32x8x128xf32, #tpu.memory_space<hbm>> -> memref<1x1x1x8x128xf32, #tpu.memory_space<hbm>>
    %dma_wait3A_209 = tpu.memref_squeeze %dma_wait3A_208 : memref<1x1x1x8x128xf32, #tpu.memory_space<hbm>> -> memref<8x128xf32, #tpu.memory_space<hbm>>
    %dma_wait3A_210 = arith.constant 0 : i32
    %dma_wait3A_211 = arith.constant 0 : i32
    %dma_wait3A_212 = tpu.memref_slice %arg4[%dma_wait3A_201, %dma_wait3A_202, %add3A, %dma_wait3A_210, %dma_wait3A_211] : memref<50x8x32x8x128xf32, #tpu.memory_space<hbm>> -> memref<1x1x1x8x128xf32, #tpu.memory_space<hbm>>
    %dma_wait3A_213 = tpu.memref_squeeze %dma_wait3A_212 : memref<1x1x1x8x128xf32, #tpu.memory_space<hbm>> -> memref<8x128xf32, #tpu.memory_space<hbm>>
    %dma_wait3A_214 = arith.constant 64 : i32
    %dma_wait3A_215 = arith.constant 0 : i32
    %dma_wait3A_216 = tpu.memref_slice %arg8[%dma_wait3A_214, %dma_wait3A_215] : memref<128x129xf32, #tpu.memory_space<vmem>> -> memref<8x128xf32, #tpu.memory_space<vmem>>
    tpu.wait_dma2 semaphore(%arg13 : memref<!tpu.dma_semaphore, #tpu.memory_space<semaphore_mem>>) src(%dma_wait3A_216 : memref<8x128xf32, #tpu.memory_space<vmem>>) dst(%dma_wait3A_213 : memref<8x128xf32, #tpu.memory_space<hbm>>)
    %dma_wait3A_217 = arith.constant 1 : i32
    %dma_wait3A_218 = arith.constant 1 : i32
    %dma_wait3A_219 = arith.constant 72 : i32
    %dma_wait3A_220 = arith.constant 0 : i32
    %dma_wait3A_221 = tpu.memref_slice %arg8[%dma_wait3A_219, %dma_wait3A_220] : memref<128x129xf32, #tpu.memory_space<vmem>> -> memref<8x128xf32, #tpu.memory_space<vmem>>
    %dma_wait3A_222 = arith.constant 0 : i32
    %dma_wait3A_223 = arith.constant 0 : i32
    %dma_wait3A_224 = tpu.memref_slice %arg4[%dma_wait3A_217, %dma_wait3A_218, %add3A, %dma_wait3A_222, %dma_wait3A_223] : memref<50x8x32x8x128xf32, #tpu.memory_space<hbm>> -> memref<1x1x1x8x128xf32, #tpu.memory_space<hbm>>
    %dma_wait3A_225 = tpu.memref_squeeze %dma_wait3A_224 : memref<1x1x1x8x128xf32, #tpu.memory_space<hbm>> -> memref<8x128xf32, #tpu.memory_space<hbm>>
    %dma_wait3A_226 = arith.constant 0 : i32
    %dma_wait3A_227 = arith.constant 0 : i32
    %dma_wait3A_228 = tpu.memref_slice %arg4[%dma_wait3A_217, %dma_wait3A_218, %add3A, %dma_wait3A_226, %dma_wait3A_227] : memref<50x8x32x8x128xf32, #tpu.memory_space<hbm>> -> memref<1x1x1x8x128xf32, #tpu.memory_space<hbm>>
    %dma_wait3A_229 = tpu.memref_squeeze %dma_wait3A_228 : memref<1x1x1x8x128xf32, #tpu.memory_space<hbm>> -> memref<8x128xf32, #tpu.memory_space<hbm>>
    %dma_wait3A_230 = arith.constant 72 : i32
    %dma_wait3A_231 = arith.constant 0 : i32
    %dma_wait3A_232 = tpu.memref_slice %arg8[%dma_wait3A_230, %dma_wait3A_231] : memref<128x129xf32, #tpu.memory_space<vmem>> -> memref<8x128xf32, #tpu.memory_space<vmem>>
    tpu.wait_dma2 semaphore(%arg13 : memref<!tpu.dma_semaphore, #tpu.memory_space<semaphore_mem>>) src(%dma_wait3A_232 : memref<8x128xf32, #tpu.memory_space<vmem>>) dst(%dma_wait3A_229 : memref<8x128xf32, #tpu.memory_space<hbm>>)
    %dma_wait3A_233 = arith.constant 1 : i32
    %dma_wait3A_234 = arith.constant 2 : i32
    %dma_wait3A_235 = arith.constant 80 : i32
    %dma_wait3A_236 = arith.constant 0 : i32
    %dma_wait3A_237 = tpu.memref_slice %arg8[%dma_wait3A_235, %dma_wait3A_236] : memref<128x129xf32, #tpu.memory_space<vmem>> -> memref<8x128xf32, #tpu.memory_space<vmem>>
    %dma_wait3A_238 = arith.constant 0 : i32
    %dma_wait3A_239 = arith.constant 0 : i32
    %dma_wait3A_240 = tpu.memref_slice %arg4[%dma_wait3A_233, %dma_wait3A_234, %add3A, %dma_wait3A_238, %dma_wait3A_239] : memref<50x8x32x8x128xf32, #tpu.memory_space<hbm>> -> memref<1x1x1x8x128xf32, #tpu.memory_space<hbm>>
    %dma_wait3A_241 = tpu.memref_squeeze %dma_wait3A_240 : memref<1x1x1x8x128xf32, #tpu.memory_space<hbm>> -> memref<8x128xf32, #tpu.memory_space<hbm>>
    %dma_wait3A_242 = arith.constant 0 : i32
    %dma_wait3A_243 = arith.constant 0 : i32
    %dma_wait3A_244 = tpu.memref_slice %arg4[%dma_wait3A_233, %dma_wait3A_234, %add3A, %dma_wait3A_242, %dma_wait3A_243] : memref<50x8x32x8x128xf32, #tpu.memory_space<hbm>> -> memref<1x1x1x8x128xf32, #tpu.memory_space<hbm>>
    %dma_wait3A_245 = tpu.memref_squeeze %dma_wait3A_244 : memref<1x1x1x8x128xf32, #tpu.memory_space<hbm>> -> memref<8x128xf32, #tpu.memory_space<hbm>>
    %dma_wait3A_246 = arith.constant 80 : i32
    %dma_wait3A_247 = arith.constant 0 : i32
    %dma_wait3A_248 = tpu.memref_slice %arg8[%dma_wait3A_246, %dma_wait3A_247] : memref<128x129xf32, #tpu.memory_space<vmem>> -> memref<8x128xf32, #tpu.memory_space<vmem>>
    tpu.wait_dma2 semaphore(%arg13 : memref<!tpu.dma_semaphore, #tpu.memory_space<semaphore_mem>>) src(%dma_wait3A_248 : memref<8x128xf32, #tpu.memory_space<vmem>>) dst(%dma_wait3A_245 : memref<8x128xf32, #tpu.memory_space<hbm>>)
    %dma_wait3A_249 = arith.constant 1 : i32
    %dma_wait3A_250 = arith.constant 3 : i32
    %dma_wait3A_251 = arith.constant 88 : i32
    %dma_wait3A_252 = arith.constant 0 : i32
    %dma_wait3A_253 = tpu.memref_slice %arg8[%dma_wait3A_251, %dma_wait3A_252] : memref<128x129xf32, #tpu.memory_space<vmem>> -> memref<8x128xf32, #tpu.memory_space<vmem>>
    %dma_wait3A_254 = arith.constant 0 : i32
    %dma_wait3A_255 = arith.constant 0 : i32
    %dma_wait3A_256 = tpu.memref_slice %arg4[%dma_wait3A_249, %dma_wait3A_250, %add3A, %dma_wait3A_254, %dma_wait3A_255] : memref<50x8x32x8x128xf32, #tpu.memory_space<hbm>> -> memref<1x1x1x8x128xf32, #tpu.memory_space<hbm>>
    %dma_wait3A_257 = tpu.memref_squeeze %dma_wait3A_256 : memref<1x1x1x8x128xf32, #tpu.memory_space<hbm>> -> memref<8x128xf32, #tpu.memory_space<hbm>>
    %dma_wait3A_258 = arith.constant 0 : i32
    %dma_wait3A_259 = arith.constant 0 : i32
    %dma_wait3A_260 = tpu.memref_slice %arg4[%dma_wait3A_249, %dma_wait3A_250, %add3A, %dma_wait3A_258, %dma_wait3A_259] : memref<50x8x32x8x128xf32, #tpu.memory_space<hbm>> -> memref<1x1x1x8x128xf32, #tpu.memory_space<hbm>>
    %dma_wait3A_261 = tpu.memref_squeeze %dma_wait3A_260 : memref<1x1x1x8x128xf32, #tpu.memory_space<hbm>> -> memref<8x128xf32, #tpu.memory_space<hbm>>
    %dma_wait3A_262 = arith.constant 88 : i32
    %dma_wait3A_263 = arith.constant 0 : i32
    %dma_wait3A_264 = tpu.memref_slice %arg8[%dma_wait3A_262, %dma_wait3A_263] : memref<128x129xf32, #tpu.memory_space<vmem>> -> memref<8x128xf32, #tpu.memory_space<vmem>>
    tpu.wait_dma2 semaphore(%arg13 : memref<!tpu.dma_semaphore, #tpu.memory_space<semaphore_mem>>) src(%dma_wait3A_264 : memref<8x128xf32, #tpu.memory_space<vmem>>) dst(%dma_wait3A_261 : memref<8x128xf32, #tpu.memory_space<hbm>>)
    %dma_wait3A_265 = arith.constant 1 : i32
    %dma_wait3A_266 = arith.constant 4 : i32
    %dma_wait3A_267 = arith.constant 96 : i32
    %dma_wait3A_268 = arith.constant 0 : i32
    %dma_wait3A_269 = tpu.memref_slice %arg8[%dma_wait3A_267, %dma_wait3A_268] : memref<128x129xf32, #tpu.memory_space<vmem>> -> memref<8x128xf32, #tpu.memory_space<vmem>>
    %dma_wait3A_270 = arith.constant 0 : i32
    %dma_wait3A_271 = arith.constant 0 : i32
    %dma_wait3A_272 = tpu.memref_slice %arg4[%dma_wait3A_265, %dma_wait3A_266, %add3A, %dma_wait3A_270, %dma_wait3A_271] : memref<50x8x32x8x128xf32, #tpu.memory_space<hbm>> -> memref<1x1x1x8x128xf32, #tpu.memory_space<hbm>>
    %dma_wait3A_273 = tpu.memref_squeeze %dma_wait3A_272 : memref<1x1x1x8x128xf32, #tpu.memory_space<hbm>> -> memref<8x128xf32, #tpu.memory_space<hbm>>
    %dma_wait3A_274 = arith.constant 0 : i32
    %dma_wait3A_275 = arith.constant 0 : i32
    %dma_wait3A_276 = tpu.memref_slice %arg4[%dma_wait3A_265, %dma_wait3A_266, %add3A, %dma_wait3A_274, %dma_wait3A_275] : memref<50x8x32x8x128xf32, #tpu.memory_space<hbm>> -> memref<1x1x1x8x128xf32, #tpu.memory_space<hbm>>
    %dma_wait3A_277 = tpu.memref_squeeze %dma_wait3A_276 : memref<1x1x1x8x128xf32, #tpu.memory_space<hbm>> -> memref<8x128xf32, #tpu.memory_space<hbm>>
    %dma_wait3A_278 = arith.constant 96 : i32
    %dma_wait3A_279 = arith.constant 0 : i32
    %dma_wait3A_280 = tpu.memref_slice %arg8[%dma_wait3A_278, %dma_wait3A_279] : memref<128x129xf32, #tpu.memory_space<vmem>> -> memref<8x128xf32, #tpu.memory_space<vmem>>
    tpu.wait_dma2 semaphore(%arg13 : memref<!tpu.dma_semaphore, #tpu.memory_space<semaphore_mem>>) src(%dma_wait3A_280 : memref<8x128xf32, #tpu.memory_space<vmem>>) dst(%dma_wait3A_277 : memref<8x128xf32, #tpu.memory_space<hbm>>)
    %dma_wait3A_281 = arith.constant 1 : i32
    %dma_wait3A_282 = arith.constant 5 : i32
    %dma_wait3A_283 = arith.constant 104 : i32
    %dma_wait3A_284 = arith.constant 0 : i32
    %dma_wait3A_285 = tpu.memref_slice %arg8[%dma_wait3A_283, %dma_wait3A_284] : memref<128x129xf32, #tpu.memory_space<vmem>> -> memref<8x128xf32, #tpu.memory_space<vmem>>
    %dma_wait3A_286 = arith.constant 0 : i32
    %dma_wait3A_287 = arith.constant 0 : i32
    %dma_wait3A_288 = tpu.memref_slice %arg4[%dma_wait3A_281, %dma_wait3A_282, %add3A, %dma_wait3A_286, %dma_wait3A_287] : memref<50x8x32x8x128xf32, #tpu.memory_space<hbm>> -> memref<1x1x1x8x128xf32, #tpu.memory_space<hbm>>
    %dma_wait3A_289 = tpu.memref_squeeze %dma_wait3A_288 : memref<1x1x1x8x128xf32, #tpu.memory_space<hbm>> -> memref<8x128xf32, #tpu.memory_space<hbm>>
    %dma_wait3A_290 = arith.constant 0 : i32
    %dma_wait3A_291 = arith.constant 0 : i32
    %dma_wait3A_292 = tpu.memref_slice %arg4[%dma_wait3A_281, %dma_wait3A_282, %add3A, %dma_wait3A_290, %dma_wait3A_291] : memref<50x8x32x8x128xf32, #tpu.memory_space<hbm>> -> memref<1x1x1x8x128xf32, #tpu.memory_space<hbm>>
    %dma_wait3A_293 = tpu.memref_squeeze %dma_wait3A_292 : memref<1x1x1x8x128xf32, #tpu.memory_space<hbm>> -> memref<8x128xf32, #tpu.memory_space<hbm>>
    %dma_wait3A_294 = arith.constant 104 : i32
    %dma_wait3A_295 = arith.constant 0 : i32
    %dma_wait3A_296 = tpu.memref_slice %arg8[%dma_wait3A_294, %dma_wait3A_295] : memref<128x129xf32, #tpu.memory_space<vmem>> -> memref<8x128xf32, #tpu.memory_space<vmem>>
    tpu.wait_dma2 semaphore(%arg13 : memref<!tpu.dma_semaphore, #tpu.memory_space<semaphore_mem>>) src(%dma_wait3A_296 : memref<8x128xf32, #tpu.memory_space<vmem>>) dst(%dma_wait3A_293 : memref<8x128xf32, #tpu.memory_space<hbm>>)
    %dma_wait3A_297 = arith.constant 1 : i32
    %dma_wait3A_298 = arith.constant 6 : i32
    %dma_wait3A_299 = arith.constant 112 : i32
    %dma_wait3A_300 = arith.constant 0 : i32
    %dma_wait3A_301 = tpu.memref_slice %arg8[%dma_wait3A_299, %dma_wait3A_300] : memref<128x129xf32, #tpu.memory_space<vmem>> -> memref<8x128xf32, #tpu.memory_space<vmem>>
    %dma_wait3A_302 = arith.constant 0 : i32
    %dma_wait3A_303 = arith.constant 0 : i32
    %dma_wait3A_304 = tpu.memref_slice %arg4[%dma_wait3A_297, %dma_wait3A_298, %add3A, %dma_wait3A_302, %dma_wait3A_303] : memref<50x8x32x8x128xf32, #tpu.memory_space<hbm>> -> memref<1x1x1x8x128xf32, #tpu.memory_space<hbm>>
    %dma_wait3A_305 = tpu.memref_squeeze %dma_wait3A_304 : memref<1x1x1x8x128xf32, #tpu.memory_space<hbm>> -> memref<8x128xf32, #tpu.memory_space<hbm>>
    %dma_wait3A_306 = arith.constant 0 : i32
    %dma_wait3A_307 = arith.constant 0 : i32
    %dma_wait3A_308 = tpu.memref_slice %arg4[%dma_wait3A_297, %dma_wait3A_298, %add3A, %dma_wait3A_306, %dma_wait3A_307] : memref<50x8x32x8x128xf32, #tpu.memory_space<hbm>> -> memref<1x1x1x8x128xf32, #tpu.memory_space<hbm>>
    %dma_wait3A_309 = tpu.memref_squeeze %dma_wait3A_308 : memref<1x1x1x8x128xf32, #tpu.memory_space<hbm>> -> memref<8x128xf32, #tpu.memory_space<hbm>>
    %dma_wait3A_310 = arith.constant 112 : i32
    %dma_wait3A_311 = arith.constant 0 : i32
    %dma_wait3A_312 = tpu.memref_slice %arg8[%dma_wait3A_310, %dma_wait3A_311] : memref<128x129xf32, #tpu.memory_space<vmem>> -> memref<8x128xf32, #tpu.memory_space<vmem>>
    tpu.wait_dma2 semaphore(%arg13 : memref<!tpu.dma_semaphore, #tpu.memory_space<semaphore_mem>>) src(%dma_wait3A_312 : memref<8x128xf32, #tpu.memory_space<vmem>>) dst(%dma_wait3A_309 : memref<8x128xf32, #tpu.memory_space<hbm>>)
    %dma_wait3A_313 = arith.constant 1 : i32
    %dma_wait3A_314 = arith.constant 7 : i32
    %dma_wait3A_315 = arith.constant 120 : i32
    %dma_wait3A_316 = arith.constant 0 : i32
    %dma_wait3A_317 = tpu.memref_slice %arg8[%dma_wait3A_315, %dma_wait3A_316] : memref<128x129xf32, #tpu.memory_space<vmem>> -> memref<8x128xf32, #tpu.memory_space<vmem>>
    %dma_wait3A_318 = arith.constant 0 : i32
    %dma_wait3A_319 = arith.constant 0 : i32
    %dma_wait3A_320 = tpu.memref_slice %arg4[%dma_wait3A_313, %dma_wait3A_314, %add3A, %dma_wait3A_318, %dma_wait3A_319] : memref<50x8x32x8x128xf32, #tpu.memory_space<hbm>> -> memref<1x1x1x8x128xf32, #tpu.memory_space<hbm>>
    %dma_wait3A_321 = tpu.memref_squeeze %dma_wait3A_320 : memref<1x1x1x8x128xf32, #tpu.memory_space<hbm>> -> memref<8x128xf32, #tpu.memory_space<hbm>>
    %dma_wait3A_322 = arith.constant 0 : i32
    %dma_wait3A_323 = arith.constant 0 : i32
    %dma_wait3A_324 = tpu.memref_slice %arg4[%dma_wait3A_313, %dma_wait3A_314, %add3A, %dma_wait3A_322, %dma_wait3A_323] : memref<50x8x32x8x128xf32, #tpu.memory_space<hbm>> -> memref<1x1x1x8x128xf32, #tpu.memory_space<hbm>>
    %dma_wait3A_325 = tpu.memref_squeeze %dma_wait3A_324 : memref<1x1x1x8x128xf32, #tpu.memory_space<hbm>> -> memref<8x128xf32, #tpu.memory_space<hbm>>
    %dma_wait3A_326 = arith.constant 120 : i32
    %dma_wait3A_327 = arith.constant 0 : i32
    %dma_wait3A_328 = tpu.memref_slice %arg8[%dma_wait3A_326, %dma_wait3A_327] : memref<128x129xf32, #tpu.memory_space<vmem>> -> memref<8x128xf32, #tpu.memory_space<vmem>>
    tpu.wait_dma2 semaphore(%arg13 : memref<!tpu.dma_semaphore, #tpu.memory_space<semaphore_mem>>) src(%dma_wait3A_328 : memref<8x128xf32, #tpu.memory_space<vmem>>) dst(%dma_wait3A_325 : memref<8x128xf32, #tpu.memory_space<hbm>>)
    %parallel_loop3A = arith.constant 0 : i32
    %parallel_loop3A_329 = arith.constant 256 : i32
    %parallel_loop3A_330 = arith.constant 1 : i32
    scf.for %parallel_loop3A_1099 = %parallel_loop3A to %parallel_loop3A_329 step %parallel_loop3A_330  : i32 {
      %parallel_loop3A_1100 = arith.constant 128 : i32
      %parallel_loop3A_1101 = arith.divsi %parallel_loop3A_1099, %parallel_loop3A_1100 : i32
      %parallel_loop3A_1102 = arith.constant 0 : i32
      %parallel_loop3A_1103 = arith.cmpi sgt, %parallel_loop3A_1099, %parallel_loop3A_1102 : i32
      %parallel_loop3A_1104 = arith.extui %parallel_loop3A_1103 : i1 to i32
      %parallel_loop3A_1105 = arith.constant 0 : i32
      %parallel_loop3A_1106 = arith.cmpi slt, %parallel_loop3A_1099, %parallel_loop3A_1105 : i32
      %parallel_loop3A_1107 = arith.extui %parallel_loop3A_1106 : i1 to i32
      %parallel_loop3A_1108 = arith.subi %parallel_loop3A_1104, %parallel_loop3A_1107 : i32
      %parallel_loop3A_1109 = arith.constant 0 : i32
      %parallel_loop3A_1110 = arith.cmpi sgt, %parallel_loop3A_1100, %parallel_loop3A_1109 : i32
      %parallel_loop3A_1111 = arith.extui %parallel_loop3A_1110 : i1 to i32
      %parallel_loop3A_1112 = arith.constant 0 : i32
      %parallel_loop3A_1113 = arith.cmpi slt, %parallel_loop3A_1100, %parallel_loop3A_1112 : i32
      %parallel_loop3A_1114 = arith.extui %parallel_loop3A_1113 : i1 to i32
      %parallel_loop3A_1115 = arith.subi %parallel_loop3A_1111, %parallel_loop3A_1114 : i32
      %parallel_loop3A_1116 = arith.cmpi ne, %parallel_loop3A_1108, %parallel_loop3A_1115 : i32
      %parallel_loop3A_1117 = arith.remsi %parallel_loop3A_1099, %parallel_loop3A_1100 : i32
      %parallel_loop3A_1118 = arith.constant 0 : i32
      %parallel_loop3A_1119 = arith.cmpi ne, %parallel_loop3A_1117, %parallel_loop3A_1118 : i32
      %parallel_loop3A_1120 = arith.andi %parallel_loop3A_1116, %parallel_loop3A_1119 : i1
      %parallel_loop3A_1121 = arith.constant 1 : i32
      %parallel_loop3A_1122 = arith.subi %parallel_loop3A_1101, %parallel_loop3A_1121 : i32
      %parallel_loop3A_1123 = arith.select %parallel_loop3A_1120, %parallel_loop3A_1122, %parallel_loop3A_1101 : i32
      %parallel_loop3A_1124 = arith.constant 128 : i32
      %parallel_loop3A_1125 = arith.constant 0 : i32
      %parallel_loop3A_1126 = arith.cmpi eq, %parallel_loop3A_1124, %parallel_loop3A_1125 : i32
      %parallel_loop3A_1127 = arith.constant 1 : i32
      %parallel_loop3A_1128 = arith.select %parallel_loop3A_1126, %parallel_loop3A_1127, %parallel_loop3A_1124 : i32
      %parallel_loop3A_1129 = arith.remsi %parallel_loop3A_1099, %parallel_loop3A_1128 : i32
      %parallel_loop3A_1130 = arith.constant 0 : i32
      %parallel_loop3A_1131 = arith.cmpi ne, %parallel_loop3A_1129, %parallel_loop3A_1130 : i32
      %parallel_loop3A_1132 = arith.constant 0 : i32
      %parallel_loop3A_1133 = arith.cmpi slt, %parallel_loop3A_1129, %parallel_loop3A_1132 : i32
      %parallel_loop3A_1134 = arith.constant 0 : i32
      %parallel_loop3A_1135 = arith.cmpi slt, %parallel_loop3A_1128, %parallel_loop3A_1134 : i32
      %parallel_loop3A_1136 = arith.xori %parallel_loop3A_1133, %parallel_loop3A_1135 : i1
      %parallel_loop3A_1137 = arith.andi %parallel_loop3A_1136, %parallel_loop3A_1131 : i1
      %parallel_loop3A_1138 = arith.addi %parallel_loop3A_1129, %parallel_loop3A_1128 : i32
      %parallel_loop3A_1139 = arith.select %parallel_loop3A_1137, %parallel_loop3A_1138, %parallel_loop3A_1129 : i32
      %parallel_loop3A_1140 = arith.constant 0 : i32
      %parallel_loop3A_1141 = vector.broadcast %parallel_loop3A_1140 : i32 to vector<16xi32>
      %parallel_loop3A_1142 = vector.broadcast %parallel_loop3A_1139 : i32 to vector<16xi32>
      %parallel_loop3A_1143 = arith.addi %parallel_loop3A_1141, %parallel_loop3A_1142 : vector<16xi32>
      %parallel_loop3A_1144 = arith.constant 64 : i32
      %parallel_loop3A_1145 = arith.muli %parallel_loop3A_1123, %parallel_loop3A_1144 : i32
      %parallel_loop3A_1146 = arith.constant 0 : i32
      %parallel_loop3A_1147 = tpu.memref_slice %arg6[%parallel_loop3A_1123, %parallel_loop3A_1139, %parallel_loop3A_1146] : memref<2x128x64xf32, #tpu.memory_space<vmem>> -> memref<1x1x64xf32, #tpu.memory_space<vmem>>
      %parallel_loop3A_1148 = tpu.memref_squeeze %parallel_loop3A_1147 : memref<1x1x64xf32, #tpu.memory_space<vmem>> -> memref<64xf32, #tpu.memory_space<vmem>>
      %parallel_loop3A_1149 = arith.constant 0 : index
      %parallel_loop3A_1150 = tpu.vector_load %parallel_loop3A_1148[%parallel_loop3A_1149] {strides = array<i32>} : memref<64xf32, #tpu.memory_space<vmem>>, vector<16xf32>,
      %parallel_loop3A_1151 = arith.constant 0 : i32
      %parallel_loop3A_1152 = arith.addi %parallel_loop3A_1145, %parallel_loop3A_1151 : i32
      %parallel_loop3A_1153 = vector.broadcast %parallel_loop3A_1152 : i32 to vector<16xi32>
      %parallel_loop3A_1154 = arith.addi %iota3A, %parallel_loop3A_1153 : vector<16xi32>
      tpu.vector_store_idx %arg8[%parallel_loop3A_1154, %parallel_loop3A_1143], %parallel_loop3A_1150 : memref<128x129xf32, #tpu.memory_space<vmem>>[vector<16xi32>, vector<16xi32>], vector<16xf32>,
      %parallel_loop3A_1155 = arith.constant 0 : i32
      %parallel_loop3A_1156 = tpu.memref_slice %arg6[%parallel_loop3A_1123, %parallel_loop3A_1139, %parallel_loop3A_1155] : memref<2x128x64xf32, #tpu.memory_space<vmem>> -> memref<1x1x64xf32, #tpu.memory_space<vmem>>
      %parallel_loop3A_1157 = tpu.memref_squeeze %parallel_loop3A_1156 : memref<1x1x64xf32, #tpu.memory_space<vmem>> -> memref<64xf32, #tpu.memory_space<vmem>>
      %parallel_loop3A_1158 = arith.constant 16 : index
      %parallel_loop3A_1159 = tpu.vector_load %parallel_loop3A_1157[%parallel_loop3A_1158] {strides = array<i32>} : memref<64xf32, #tpu.memory_space<vmem>>, vector<16xf32>,
      %parallel_loop3A_1160 = arith.constant 16 : i32
      %parallel_loop3A_1161 = arith.addi %parallel_loop3A_1145, %parallel_loop3A_1160 : i32
      %parallel_loop3A_1162 = vector.broadcast %parallel_loop3A_1161 : i32 to vector<16xi32>
      %parallel_loop3A_1163 = arith.addi %iota3A, %parallel_loop3A_1162 : vector<16xi32>
      tpu.vector_store_idx %arg8[%parallel_loop3A_1163, %parallel_loop3A_1143], %parallel_loop3A_1159 : memref<128x129xf32, #tpu.memory_space<vmem>>[vector<16xi32>, vector<16xi32>], vector<16xf32>,
      %parallel_loop3A_1164 = arith.constant 0 : i32
      %parallel_loop3A_1165 = tpu.memref_slice %arg6[%parallel_loop3A_1123, %parallel_loop3A_1139, %parallel_loop3A_1164] : memref<2x128x64xf32, #tpu.memory_space<vmem>> -> memref<1x1x64xf32, #tpu.memory_space<vmem>>
      %parallel_loop3A_1166 = tpu.memref_squeeze %parallel_loop3A_1165 : memref<1x1x64xf32, #tpu.memory_space<vmem>> -> memref<64xf32, #tpu.memory_space<vmem>>
      %parallel_loop3A_1167 = arith.constant 32 : index
      %parallel_loop3A_1168 = tpu.vector_load %parallel_loop3A_1166[%parallel_loop3A_1167] {strides = array<i32>} : memref<64xf32, #tpu.memory_space<vmem>>, vector<16xf32>,
      %parallel_loop3A_1169 = arith.constant 32 : i32
      %parallel_loop3A_1170 = arith.addi %parallel_loop3A_1145, %parallel_loop3A_1169 : i32
      %parallel_loop3A_1171 = vector.broadcast %parallel_loop3A_1170 : i32 to vector<16xi32>
      %parallel_loop3A_1172 = arith.addi %iota3A, %parallel_loop3A_1171 : vector<16xi32>
      tpu.vector_store_idx %arg8[%parallel_loop3A_1172, %parallel_loop3A_1143], %parallel_loop3A_1168 : memref<128x129xf32, #tpu.memory_space<vmem>>[vector<16xi32>, vector<16xi32>], vector<16xf32>,
      %parallel_loop3A_1173 = arith.constant 0 : i32
      %parallel_loop3A_1174 = tpu.memref_slice %arg6[%parallel_loop3A_1123, %parallel_loop3A_1139, %parallel_loop3A_1173] : memref<2x128x64xf32, #tpu.memory_space<vmem>> -> memref<1x1x64xf32, #tpu.memory_space<vmem>>
      %parallel_loop3A_1175 = tpu.memref_squeeze %parallel_loop3A_1174 : memref<1x1x64xf32, #tpu.memory_space<vmem>> -> memref<64xf32, #tpu.memory_space<vmem>>
      %parallel_loop3A_1176 = arith.constant 48 : index
      %parallel_loop3A_1177 = tpu.vector_load %parallel_loop3A_1175[%parallel_loop3A_1176] {strides = array<i32>} : memref<64xf32, #tpu.memory_space<vmem>>, vector<16xf32>,
      %parallel_loop3A_1178 = arith.constant 48 : i32
      %parallel_loop3A_1179 = arith.addi %parallel_loop3A_1145, %parallel_loop3A_1178 : i32
      %parallel_loop3A_1180 = vector.broadcast %parallel_loop3A_1179 : i32 to vector<16xi32>
      %parallel_loop3A_1181 = arith.addi %iota3A, %parallel_loop3A_1180 : vector<16xi32>
      tpu.vector_store_idx %arg8[%parallel_loop3A_1181, %parallel_loop3A_1143], %parallel_loop3A_1177 : memref<128x129xf32, #tpu.memory_space<vmem>>[vector<16xi32>, vector<16xi32>], vector<16xf32>,
    } {sc.loop_unroll_factor = 8 : i64, sc.parallel_access}
    %dma_start3A_331 = arith.constant 48 : i32
    %dma_start3A_332 = arith.constant 0 : i32
    %dma_start3A_333 = arith.constant 0 : i32
    %dma_start3A_334 = arith.constant 0 : i32
    %dma_start3A_335 = tpu.memref_slice %arg8[%dma_start3A_333, %dma_start3A_334] : memref<128x129xf32, #tpu.memory_space<vmem>> -> memref<8x128xf32, #tpu.memory_space<vmem>>
    %dma_start3A_336 = arith.constant 0 : i32
    %dma_start3A_337 = arith.constant 0 : i32
    %dma_start3A_338 = tpu.memref_slice %arg4[%dma_start3A_331, %dma_start3A_332, %add3A, %dma_start3A_336, %dma_start3A_337] : memref<50x8x32x8x128xf32, #tpu.memory_space<hbm>> -> memref<1x1x1x8x128xf32, #tpu.memory_space<hbm>>
    %dma_start3A_339 = tpu.memref_squeeze %dma_start3A_338 : memref<1x1x1x8x128xf32, #tpu.memory_space<hbm>> -> memref<8x128xf32, #tpu.memory_space<hbm>>
    %dma_start3A_340 = arith.constant 0 : i32
    %dma_start3A_341 = arith.constant 0 : i32
    %dma_start3A_342 = tpu.memref_slice %arg4[%dma_start3A_331, %dma_start3A_332, %add3A, %dma_start3A_340, %dma_start3A_341] : memref<50x8x32x8x128xf32, #tpu.memory_space<hbm>> -> memref<1x1x1x8x128xf32, #tpu.memory_space<hbm>>
    %dma_start3A_343 = tpu.memref_squeeze %dma_start3A_342 : memref<1x1x1x8x128xf32, #tpu.memory_space<hbm>> -> memref<8x128xf32, #tpu.memory_space<hbm>>
    %dma_start3A_344 = arith.constant 0 : i32
    %dma_start3A_345 = arith.constant 0 : i32
    %dma_start3A_346 = tpu.memref_slice %arg8[%dma_start3A_344, %dma_start3A_345] : memref<128x129xf32, #tpu.memory_space<vmem>> -> memref<8x128xf32, #tpu.memory_space<vmem>>
    tpu.enqueue_dma source(%dma_start3A_346 : memref<8x128xf32, #tpu.memory_space<vmem>>) target(%dma_start3A_343 : memref<8x128xf32, #tpu.memory_space<hbm>>) target_semaphore(%arg13 : memref<!tpu.dma_semaphore, #tpu.memory_space<semaphore_mem>>)
    %dma_start3A_347 = arith.constant 48 : i32
    %dma_start3A_348 = arith.constant 1 : i32
    %dma_start3A_349 = arith.constant 8 : i32
    %dma_start3A_350 = arith.constant 0 : i32
    %dma_start3A_351 = tpu.memref_slice %arg8[%dma_start3A_349, %dma_start3A_350] : memref<128x129xf32, #tpu.memory_space<vmem>> -> memref<8x128xf32, #tpu.memory_space<vmem>>
    %dma_start3A_352 = arith.constant 0 : i32
    %dma_start3A_353 = arith.constant 0 : i32
    %dma_start3A_354 = tpu.memref_slice %arg4[%dma_start3A_347, %dma_start3A_348, %add3A, %dma_start3A_352, %dma_start3A_353] : memref<50x8x32x8x128xf32, #tpu.memory_space<hbm>> -> memref<1x1x1x8x128xf32, #tpu.memory_space<hbm>>
    %dma_start3A_355 = tpu.memref_squeeze %dma_start3A_354 : memref<1x1x1x8x128xf32, #tpu.memory_space<hbm>> -> memref<8x128xf32, #tpu.memory_space<hbm>>
    %dma_start3A_356 = arith.constant 0 : i32
    %dma_start3A_357 = arith.constant 0 : i32
    %dma_start3A_358 = tpu.memref_slice %arg4[%dma_start3A_347, %dma_start3A_348, %add3A, %dma_start3A_356, %dma_start3A_357] : memref<50x8x32x8x128xf32, #tpu.memory_space<hbm>> -> memref<1x1x1x8x128xf32, #tpu.memory_space<hbm>>
    %dma_start3A_359 = tpu.memref_squeeze %dma_start3A_358 : memref<1x1x1x8x128xf32, #tpu.memory_space<hbm>> -> memref<8x128xf32, #tpu.memory_space<hbm>>
    %dma_start3A_360 = arith.constant 8 : i32
    %dma_start3A_361 = arith.constant 0 : i32
    %dma_start3A_362 = tpu.memref_slice %arg8[%dma_start3A_360, %dma_start3A_361] : memref<128x129xf32, #tpu.memory_space<vmem>> -> memref<8x128xf32, #tpu.memory_space<vmem>>
    tpu.enqueue_dma source(%dma_start3A_362 : memref<8x128xf32, #tpu.memory_space<vmem>>) target(%dma_start3A_359 : memref<8x128xf32, #tpu.memory_space<hbm>>) target_semaphore(%arg13 : memref<!tpu.dma_semaphore, #tpu.memory_space<semaphore_mem>>)
    %dma_start3A_363 = arith.constant 48 : i32
    %dma_start3A_364 = arith.constant 2 : i32
    %dma_start3A_365 = arith.constant 16 : i32
    %dma_start3A_366 = arith.constant 0 : i32
    %dma_start3A_367 = tpu.memref_slice %arg8[%dma_start3A_365, %dma_start3A_366] : memref<128x129xf32, #tpu.memory_space<vmem>> -> memref<8x128xf32, #tpu.memory_space<vmem>>
    %dma_start3A_368 = arith.constant 0 : i32
    %dma_start3A_369 = arith.constant 0 : i32
    %dma_start3A_370 = tpu.memref_slice %arg4[%dma_start3A_363, %dma_start3A_364, %add3A, %dma_start3A_368, %dma_start3A_369] : memref<50x8x32x8x128xf32, #tpu.memory_space<hbm>> -> memref<1x1x1x8x128xf32, #tpu.memory_space<hbm>>
    %dma_start3A_371 = tpu.memref_squeeze %dma_start3A_370 : memref<1x1x1x8x128xf32, #tpu.memory_space<hbm>> -> memref<8x128xf32, #tpu.memory_space<hbm>>
    %dma_start3A_372 = arith.constant 0 : i32
    %dma_start3A_373 = arith.constant 0 : i32
    %dma_start3A_374 = tpu.memref_slice %arg4[%dma_start3A_363, %dma_start3A_364, %add3A, %dma_start3A_372, %dma_start3A_373] : memref<50x8x32x8x128xf32, #tpu.memory_space<hbm>> -> memref<1x1x1x8x128xf32, #tpu.memory_space<hbm>>
    %dma_start3A_375 = tpu.memref_squeeze %dma_start3A_374 : memref<1x1x1x8x128xf32, #tpu.memory_space<hbm>> -> memref<8x128xf32, #tpu.memory_space<hbm>>
    %dma_start3A_376 = arith.constant 16 : i32
    %dma_start3A_377 = arith.constant 0 : i32
    %dma_start3A_378 = tpu.memref_slice %arg8[%dma_start3A_376, %dma_start3A_377] : memref<128x129xf32, #tpu.memory_space<vmem>> -> memref<8x128xf32, #tpu.memory_space<vmem>>
    tpu.enqueue_dma source(%dma_start3A_378 : memref<8x128xf32, #tpu.memory_space<vmem>>) target(%dma_start3A_375 : memref<8x128xf32, #tpu.memory_space<hbm>>) target_semaphore(%arg13 : memref<!tpu.dma_semaphore, #tpu.memory_space<semaphore_mem>>)
    %dma_start3A_379 = arith.constant 48 : i32
    %dma_start3A_380 = arith.constant 3 : i32
    %dma_start3A_381 = arith.constant 24 : i32
    %dma_start3A_382 = arith.constant 0 : i32
    %dma_start3A_383 = tpu.memref_slice %arg8[%dma_start3A_381, %dma_start3A_382] : memref<128x129xf32, #tpu.memory_space<vmem>> -> memref<8x128xf32, #tpu.memory_space<vmem>>
    %dma_start3A_384 = arith.constant 0 : i32
    %dma_start3A_385 = arith.constant 0 : i32
    %dma_start3A_386 = tpu.memref_slice %arg4[%dma_start3A_379, %dma_start3A_380, %add3A, %dma_start3A_384, %dma_start3A_385] : memref<50x8x32x8x128xf32, #tpu.memory_space<hbm>> -> memref<1x1x1x8x128xf32, #tpu.memory_space<hbm>>
    %dma_start3A_387 = tpu.memref_squeeze %dma_start3A_386 : memref<1x1x1x8x128xf32, #tpu.memory_space<hbm>> -> memref<8x128xf32, #tpu.memory_space<hbm>>
    %dma_start3A_388 = arith.constant 0 : i32
    %dma_start3A_389 = arith.constant 0 : i32
    %dma_start3A_390 = tpu.memref_slice %arg4[%dma_start3A_379, %dma_start3A_380, %add3A, %dma_start3A_388, %dma_start3A_389] : memref<50x8x32x8x128xf32, #tpu.memory_space<hbm>> -> memref<1x1x1x8x128xf32, #tpu.memory_space<hbm>>
    %dma_start3A_391 = tpu.memref_squeeze %dma_start3A_390 : memref<1x1x1x8x128xf32, #tpu.memory_space<hbm>> -> memref<8x128xf32, #tpu.memory_space<hbm>>
    %dma_start3A_392 = arith.constant 24 : i32
    %dma_start3A_393 = arith.constant 0 : i32
    %dma_start3A_394 = tpu.memref_slice %arg8[%dma_start3A_392, %dma_start3A_393] : memref<128x129xf32, #tpu.memory_space<vmem>> -> memref<8x128xf32, #tpu.memory_space<vmem>>
    tpu.enqueue_dma source(%dma_start3A_394 : memref<8x128xf32, #tpu.memory_space<vmem>>) target(%dma_start3A_391 : memref<8x128xf32, #tpu.memory_space<hbm>>) target_semaphore(%arg13 : memref<!tpu.dma_semaphore, #tpu.memory_space<semaphore_mem>>)
    %dma_start3A_395 = arith.constant 48 : i32
    %dma_start3A_396 = arith.constant 4 : i32
    %dma_start3A_397 = arith.constant 32 : i32
    %dma_start3A_398 = arith.constant 0 : i32
    %dma_start3A_399 = tpu.memref_slice %arg8[%dma_start3A_397, %dma_start3A_398] : memref<128x129xf32, #tpu.memory_space<vmem>> -> memref<8x128xf32, #tpu.memory_space<vmem>>
    %dma_start3A_400 = arith.constant 0 : i32
    %dma_start3A_401 = arith.constant 0 : i32
    %dma_start3A_402 = tpu.memref_slice %arg4[%dma_start3A_395, %dma_start3A_396, %add3A, %dma_start3A_400, %dma_start3A_401] : memref<50x8x32x8x128xf32, #tpu.memory_space<hbm>> -> memref<1x1x1x8x128xf32, #tpu.memory_space<hbm>>
    %dma_start3A_403 = tpu.memref_squeeze %dma_start3A_402 : memref<1x1x1x8x128xf32, #tpu.memory_space<hbm>> -> memref<8x128xf32, #tpu.memory_space<hbm>>
    %dma_start3A_404 = arith.constant 0 : i32
    %dma_start3A_405 = arith.constant 0 : i32
    %dma_start3A_406 = tpu.memref_slice %arg4[%dma_start3A_395, %dma_start3A_396, %add3A, %dma_start3A_404, %dma_start3A_405] : memref<50x8x32x8x128xf32, #tpu.memory_space<hbm>> -> memref<1x1x1x8x128xf32, #tpu.memory_space<hbm>>
    %dma_start3A_407 = tpu.memref_squeeze %dma_start3A_406 : memref<1x1x1x8x128xf32, #tpu.memory_space<hbm>> -> memref<8x128xf32, #tpu.memory_space<hbm>>
    %dma_start3A_408 = arith.constant 32 : i32
    %dma_start3A_409 = arith.constant 0 : i32
    %dma_start3A_410 = tpu.memref_slice %arg8[%dma_start3A_408, %dma_start3A_409] : memref<128x129xf32, #tpu.memory_space<vmem>> -> memref<8x128xf32, #tpu.memory_space<vmem>>
    tpu.enqueue_dma source(%dma_start3A_410 : memref<8x128xf32, #tpu.memory_space<vmem>>) target(%dma_start3A_407 : memref<8x128xf32, #tpu.memory_space<hbm>>) target_semaphore(%arg13 : memref<!tpu.dma_semaphore, #tpu.memory_space<semaphore_mem>>)
    %dma_start3A_411 = arith.constant 48 : i32
    %dma_start3A_412 = arith.constant 5 : i32
    %dma_start3A_413 = arith.constant 40 : i32
    %dma_start3A_414 = arith.constant 0 : i32
    %dma_start3A_415 = tpu.memref_slice %arg8[%dma_start3A_413, %dma_start3A_414] : memref<128x129xf32, #tpu.memory_space<vmem>> -> memref<8x128xf32, #tpu.memory_space<vmem>>
    %dma_start3A_416 = arith.constant 0 : i32
    %dma_start3A_417 = arith.constant 0 : i32
    %dma_start3A_418 = tpu.memref_slice %arg4[%dma_start3A_411, %dma_start3A_412, %add3A, %dma_start3A_416, %dma_start3A_417] : memref<50x8x32x8x128xf32, #tpu.memory_space<hbm>> -> memref<1x1x1x8x128xf32, #tpu.memory_space<hbm>>
    %dma_start3A_419 = tpu.memref_squeeze %dma_start3A_418 : memref<1x1x1x8x128xf32, #tpu.memory_space<hbm>> -> memref<8x128xf32, #tpu.memory_space<hbm>>
    %dma_start3A_420 = arith.constant 0 : i32
    %dma_start3A_421 = arith.constant 0 : i32
    %dma_start3A_422 = tpu.memref_slice %arg4[%dma_start3A_411, %dma_start3A_412, %add3A, %dma_start3A_420, %dma_start3A_421] : memref<50x8x32x8x128xf32, #tpu.memory_space<hbm>> -> memref<1x1x1x8x128xf32, #tpu.memory_space<hbm>>
    %dma_start3A_423 = tpu.memref_squeeze %dma_start3A_422 : memref<1x1x1x8x128xf32, #tpu.memory_space<hbm>> -> memref<8x128xf32, #tpu.memory_space<hbm>>
    %dma_start3A_424 = arith.constant 40 : i32
    %dma_start3A_425 = arith.constant 0 : i32
    %dma_start3A_426 = tpu.memref_slice %arg8[%dma_start3A_424, %dma_start3A_425] : memref<128x129xf32, #tpu.memory_space<vmem>> -> memref<8x128xf32, #tpu.memory_space<vmem>>
    tpu.enqueue_dma source(%dma_start3A_426 : memref<8x128xf32, #tpu.memory_space<vmem>>) target(%dma_start3A_423 : memref<8x128xf32, #tpu.memory_space<hbm>>) target_semaphore(%arg13 : memref<!tpu.dma_semaphore, #tpu.memory_space<semaphore_mem>>)
    %dma_start3A_427 = arith.constant 48 : i32
    %dma_start3A_428 = arith.constant 6 : i32
    %dma_start3A_429 = arith.constant 48 : i32
    %dma_start3A_430 = arith.constant 0 : i32
    %dma_start3A_431 = tpu.memref_slice %arg8[%dma_start3A_429, %dma_start3A_430] : memref<128x129xf32, #tpu.memory_space<vmem>> -> memref<8x128xf32, #tpu.memory_space<vmem>>
    %dma_start3A_432 = arith.constant 0 : i32
    %dma_start3A_433 = arith.constant 0 : i32
    %dma_start3A_434 = tpu.memref_slice %arg4[%dma_start3A_427, %dma_start3A_428, %add3A, %dma_start3A_432, %dma_start3A_433] : memref<50x8x32x8x128xf32, #tpu.memory_space<hbm>> -> memref<1x1x1x8x128xf32, #tpu.memory_space<hbm>>
    %dma_start3A_435 = tpu.memref_squeeze %dma_start3A_434 : memref<1x1x1x8x128xf32, #tpu.memory_space<hbm>> -> memref<8x128xf32, #tpu.memory_space<hbm>>
    %dma_start3A_436 = arith.constant 0 : i32
    %dma_start3A_437 = arith.constant 0 : i32
    %dma_start3A_438 = tpu.memref_slice %arg4[%dma_start3A_427, %dma_start3A_428, %add3A, %dma_start3A_436, %dma_start3A_437] : memref<50x8x32x8x128xf32, #tpu.memory_space<hbm>> -> memref<1x1x1x8x128xf32, #tpu.memory_space<hbm>>
    %dma_start3A_439 = tpu.memref_squeeze %dma_start3A_438 : memref<1x1x1x8x128xf32, #tpu.memory_space<hbm>> -> memref<8x128xf32, #tpu.memory_space<hbm>>
    %dma_start3A_440 = arith.constant 48 : i32
    %dma_start3A_441 = arith.constant 0 : i32
    %dma_start3A_442 = tpu.memref_slice %arg8[%dma_start3A_440, %dma_start3A_441] : memref<128x129xf32, #tpu.memory_space<vmem>> -> memref<8x128xf32, #tpu.memory_space<vmem>>
    tpu.enqueue_dma source(%dma_start3A_442 : memref<8x128xf32, #tpu.memory_space<vmem>>) target(%dma_start3A_439 : memref<8x128xf32, #tpu.memory_space<hbm>>) target_semaphore(%arg13 : memref<!tpu.dma_semaphore, #tpu.memory_space<semaphore_mem>>)
    %dma_start3A_443 = arith.constant 48 : i32
    %dma_start3A_444 = arith.constant 7 : i32
    %dma_start3A_445 = arith.constant 56 : i32
    %dma_start3A_446 = arith.constant 0 : i32
    %dma_start3A_447 = tpu.memref_slice %arg8[%dma_start3A_445, %dma_start3A_446] : memref<128x129xf32, #tpu.memory_space<vmem>> -> memref<8x128xf32, #tpu.memory_space<vmem>>
    %dma_start3A_448 = arith.constant 0 : i32
    %dma_start3A_449 = arith.constant 0 : i32
    %dma_start3A_450 = tpu.memref_slice %arg4[%dma_start3A_443, %dma_start3A_444, %add3A, %dma_start3A_448, %dma_start3A_449] : memref<50x8x32x8x128xf32, #tpu.memory_space<hbm>> -> memref<1x1x1x8x128xf32, #tpu.memory_space<hbm>>
    %dma_start3A_451 = tpu.memref_squeeze %dma_start3A_450 : memref<1x1x1x8x128xf32, #tpu.memory_space<hbm>> -> memref<8x128xf32, #tpu.memory_space<hbm>>
    %dma_start3A_452 = arith.constant 0 : i32
    %dma_start3A_453 = arith.constant 0 : i32
    %dma_start3A_454 = tpu.memref_slice %arg4[%dma_start3A_443, %dma_start3A_444, %add3A, %dma_start3A_452, %dma_start3A_453] : memref<50x8x32x8x128xf32, #tpu.memory_space<hbm>> -> memref<1x1x1x8x128xf32, #tpu.memory_space<hbm>>
    %dma_start3A_455 = tpu.memref_squeeze %dma_start3A_454 : memref<1x1x1x8x128xf32, #tpu.memory_space<hbm>> -> memref<8x128xf32, #tpu.memory_space<hbm>>
    %dma_start3A_456 = arith.constant 56 : i32
    %dma_start3A_457 = arith.constant 0 : i32
    %dma_start3A_458 = tpu.memref_slice %arg8[%dma_start3A_456, %dma_start3A_457] : memref<128x129xf32, #tpu.memory_space<vmem>> -> memref<8x128xf32, #tpu.memory_space<vmem>>
    tpu.enqueue_dma source(%dma_start3A_458 : memref<8x128xf32, #tpu.memory_space<vmem>>) target(%dma_start3A_455 : memref<8x128xf32, #tpu.memory_space<hbm>>) target_semaphore(%arg13 : memref<!tpu.dma_semaphore, #tpu.memory_space<semaphore_mem>>)
    %dma_start3A_459 = arith.constant 49 : i32
    %dma_start3A_460 = arith.constant 0 : i32
    %dma_start3A_461 = arith.constant 64 : i32
    %dma_start3A_462 = arith.constant 0 : i32
    %dma_start3A_463 = tpu.memref_slice %arg8[%dma_start3A_461, %dma_start3A_462] : memref<128x129xf32, #tpu.memory_space<vmem>> -> memref<8x128xf32, #tpu.memory_space<vmem>>
    %dma_start3A_464 = arith.constant 0 : i32
    %dma_start3A_465 = arith.constant 0 : i32
    %dma_start3A_466 = tpu.memref_slice %arg4[%dma_start3A_459, %dma_start3A_460, %add3A, %dma_start3A_464, %dma_start3A_465] : memref<50x8x32x8x128xf32, #tpu.memory_space<hbm>> -> memref<1x1x1x8x128xf32, #tpu.memory_space<hbm>>
    %dma_start3A_467 = tpu.memref_squeeze %dma_start3A_466 : memref<1x1x1x8x128xf32, #tpu.memory_space<hbm>> -> memref<8x128xf32, #tpu.memory_space<hbm>>
    %dma_start3A_468 = arith.constant 0 : i32
    %dma_start3A_469 = arith.constant 0 : i32
    %dma_start3A_470 = tpu.memref_slice %arg4[%dma_start3A_459, %dma_start3A_460, %add3A, %dma_start3A_468, %dma_start3A_469] : memref<50x8x32x8x128xf32, #tpu.memory_space<hbm>> -> memref<1x1x1x8x128xf32, #tpu.memory_space<hbm>>
    %dma_start3A_471 = tpu.memref_squeeze %dma_start3A_470 : memref<1x1x1x8x128xf32, #tpu.memory_space<hbm>> -> memref<8x128xf32, #tpu.memory_space<hbm>>
    %dma_start3A_472 = arith.constant 64 : i32
    %dma_start3A_473 = arith.constant 0 : i32
    %dma_start3A_474 = tpu.memref_slice %arg8[%dma_start3A_472, %dma_start3A_473] : memref<128x129xf32, #tpu.memory_space<vmem>> -> memref<8x128xf32, #tpu.memory_space<vmem>>
    tpu.enqueue_dma source(%dma_start3A_474 : memref<8x128xf32, #tpu.memory_space<vmem>>) target(%dma_start3A_471 : memref<8x128xf32, #tpu.memory_space<hbm>>) target_semaphore(%arg13 : memref<!tpu.dma_semaphore, #tpu.memory_space<semaphore_mem>>)
    %dma_start3A_475 = arith.constant 49 : i32
    %dma_start3A_476 = arith.constant 1 : i32
    %dma_start3A_477 = arith.constant 72 : i32
    %dma_start3A_478 = arith.constant 0 : i32
    %dma_start3A_479 = tpu.memref_slice %arg8[%dma_start3A_477, %dma_start3A_478] : memref<128x129xf32, #tpu.memory_space<vmem>> -> memref<8x128xf32, #tpu.memory_space<vmem>>
    %dma_start3A_480 = arith.constant 0 : i32
    %dma_start3A_481 = arith.constant 0 : i32
    %dma_start3A_482 = tpu.memref_slice %arg4[%dma_start3A_475, %dma_start3A_476, %add3A, %dma_start3A_480, %dma_start3A_481] : memref<50x8x32x8x128xf32, #tpu.memory_space<hbm>> -> memref<1x1x1x8x128xf32, #tpu.memory_space<hbm>>
    %dma_start3A_483 = tpu.memref_squeeze %dma_start3A_482 : memref<1x1x1x8x128xf32, #tpu.memory_space<hbm>> -> memref<8x128xf32, #tpu.memory_space<hbm>>
    %dma_start3A_484 = arith.constant 0 : i32
    %dma_start3A_485 = arith.constant 0 : i32
    %dma_start3A_486 = tpu.memref_slice %arg4[%dma_start3A_475, %dma_start3A_476, %add3A, %dma_start3A_484, %dma_start3A_485] : memref<50x8x32x8x128xf32, #tpu.memory_space<hbm>> -> memref<1x1x1x8x128xf32, #tpu.memory_space<hbm>>
    %dma_start3A_487 = tpu.memref_squeeze %dma_start3A_486 : memref<1x1x1x8x128xf32, #tpu.memory_space<hbm>> -> memref<8x128xf32, #tpu.memory_space<hbm>>
    %dma_start3A_488 = arith.constant 72 : i32
    %dma_start3A_489 = arith.constant 0 : i32
    %dma_start3A_490 = tpu.memref_slice %arg8[%dma_start3A_488, %dma_start3A_489] : memref<128x129xf32, #tpu.memory_space<vmem>> -> memref<8x128xf32, #tpu.memory_space<vmem>>
    tpu.enqueue_dma source(%dma_start3A_490 : memref<8x128xf32, #tpu.memory_space<vmem>>) target(%dma_start3A_487 : memref<8x128xf32, #tpu.memory_space<hbm>>) target_semaphore(%arg13 : memref<!tpu.dma_semaphore, #tpu.memory_space<semaphore_mem>>)
    %dma_start3A_491 = arith.constant 49 : i32
    %dma_start3A_492 = arith.constant 2 : i32
    %dma_start3A_493 = arith.constant 80 : i32
    %dma_start3A_494 = arith.constant 0 : i32
    %dma_start3A_495 = tpu.memref_slice %arg8[%dma_start3A_493, %dma_start3A_494] : memref<128x129xf32, #tpu.memory_space<vmem>> -> memref<8x128xf32, #tpu.memory_space<vmem>>
    %dma_start3A_496 = arith.constant 0 : i32
    %dma_start3A_497 = arith.constant 0 : i32
    %dma_start3A_498 = tpu.memref_slice %arg4[%dma_start3A_491, %dma_start3A_492, %add3A, %dma_start3A_496, %dma_start3A_497] : memref<50x8x32x8x128xf32, #tpu.memory_space<hbm>> -> memref<1x1x1x8x128xf32, #tpu.memory_space<hbm>>
    %dma_start3A_499 = tpu.memref_squeeze %dma_start3A_498 : memref<1x1x1x8x128xf32, #tpu.memory_space<hbm>> -> memref<8x128xf32, #tpu.memory_space<hbm>>
    %dma_start3A_500 = arith.constant 0 : i32
    %dma_start3A_501 = arith.constant 0 : i32
    %dma_start3A_502 = tpu.memref_slice %arg4[%dma_start3A_491, %dma_start3A_492, %add3A, %dma_start3A_500, %dma_start3A_501] : memref<50x8x32x8x128xf32, #tpu.memory_space<hbm>> -> memref<1x1x1x8x128xf32, #tpu.memory_space<hbm>>
    %dma_start3A_503 = tpu.memref_squeeze %dma_start3A_502 : memref<1x1x1x8x128xf32, #tpu.memory_space<hbm>> -> memref<8x128xf32, #tpu.memory_space<hbm>>
    %dma_start3A_504 = arith.constant 80 : i32
    %dma_start3A_505 = arith.constant 0 : i32
    %dma_start3A_506 = tpu.memref_slice %arg8[%dma_start3A_504, %dma_start3A_505] : memref<128x129xf32, #tpu.memory_space<vmem>> -> memref<8x128xf32, #tpu.memory_space<vmem>>
    tpu.enqueue_dma source(%dma_start3A_506 : memref<8x128xf32, #tpu.memory_space<vmem>>) target(%dma_start3A_503 : memref<8x128xf32, #tpu.memory_space<hbm>>) target_semaphore(%arg13 : memref<!tpu.dma_semaphore, #tpu.memory_space<semaphore_mem>>)
    %dma_start3A_507 = arith.constant 49 : i32
    %dma_start3A_508 = arith.constant 3 : i32
    %dma_start3A_509 = arith.constant 88 : i32
    %dma_start3A_510 = arith.constant 0 : i32
    %dma_start3A_511 = tpu.memref_slice %arg8[%dma_start3A_509, %dma_start3A_510] : memref<128x129xf32, #tpu.memory_space<vmem>> -> memref<8x128xf32, #tpu.memory_space<vmem>>
    %dma_start3A_512 = arith.constant 0 : i32
    %dma_start3A_513 = arith.constant 0 : i32
    %dma_start3A_514 = tpu.memref_slice %arg4[%dma_start3A_507, %dma_start3A_508, %add3A, %dma_start3A_512, %dma_start3A_513] : memref<50x8x32x8x128xf32, #tpu.memory_space<hbm>> -> memref<1x1x1x8x128xf32, #tpu.memory_space<hbm>>
    %dma_start3A_515 = tpu.memref_squeeze %dma_start3A_514 : memref<1x1x1x8x128xf32, #tpu.memory_space<hbm>> -> memref<8x128xf32, #tpu.memory_space<hbm>>
    %dma_start3A_516 = arith.constant 0 : i32
    %dma_start3A_517 = arith.constant 0 : i32
    %dma_start3A_518 = tpu.memref_slice %arg4[%dma_start3A_507, %dma_start3A_508, %add3A, %dma_start3A_516, %dma_start3A_517] : memref<50x8x32x8x128xf32, #tpu.memory_space<hbm>> -> memref<1x1x1x8x128xf32, #tpu.memory_space<hbm>>
    %dma_start3A_519 = tpu.memref_squeeze %dma_start3A_518 : memref<1x1x1x8x128xf32, #tpu.memory_space<hbm>> -> memref<8x128xf32, #tpu.memory_space<hbm>>
    %dma_start3A_520 = arith.constant 88 : i32
    %dma_start3A_521 = arith.constant 0 : i32
    %dma_start3A_522 = tpu.memref_slice %arg8[%dma_start3A_520, %dma_start3A_521] : memref<128x129xf32, #tpu.memory_space<vmem>> -> memref<8x128xf32, #tpu.memory_space<vmem>>
    tpu.enqueue_dma source(%dma_start3A_522 : memref<8x128xf32, #tpu.memory_space<vmem>>) target(%dma_start3A_519 : memref<8x128xf32, #tpu.memory_space<hbm>>) target_semaphore(%arg13 : memref<!tpu.dma_semaphore, #tpu.memory_space<semaphore_mem>>)
    %dma_start3A_523 = arith.constant 49 : i32
    %dma_start3A_524 = arith.constant 4 : i32
    %dma_start3A_525 = arith.constant 96 : i32
    %dma_start3A_526 = arith.constant 0 : i32
    %dma_start3A_527 = tpu.memref_slice %arg8[%dma_start3A_525, %dma_start3A_526] : memref<128x129xf32, #tpu.memory_space<vmem>> -> memref<8x128xf32, #tpu.memory_space<vmem>>
    %dma_start3A_528 = arith.constant 0 : i32
    %dma_start3A_529 = arith.constant 0 : i32
    %dma_start3A_530 = tpu.memref_slice %arg4[%dma_start3A_523, %dma_start3A_524, %add3A, %dma_start3A_528, %dma_start3A_529] : memref<50x8x32x8x128xf32, #tpu.memory_space<hbm>> -> memref<1x1x1x8x128xf32, #tpu.memory_space<hbm>>
    %dma_start3A_531 = tpu.memref_squeeze %dma_start3A_530 : memref<1x1x1x8x128xf32, #tpu.memory_space<hbm>> -> memref<8x128xf32, #tpu.memory_space<hbm>>
    %dma_start3A_532 = arith.constant 0 : i32
    %dma_start3A_533 = arith.constant 0 : i32
    %dma_start3A_534 = tpu.memref_slice %arg4[%dma_start3A_523, %dma_start3A_524, %add3A, %dma_start3A_532, %dma_start3A_533] : memref<50x8x32x8x128xf32, #tpu.memory_space<hbm>> -> memref<1x1x1x8x128xf32, #tpu.memory_space<hbm>>
    %dma_start3A_535 = tpu.memref_squeeze %dma_start3A_534 : memref<1x1x1x8x128xf32, #tpu.memory_space<hbm>> -> memref<8x128xf32, #tpu.memory_space<hbm>>
    %dma_start3A_536 = arith.constant 96 : i32
    %dma_start3A_537 = arith.constant 0 : i32
    %dma_start3A_538 = tpu.memref_slice %arg8[%dma_start3A_536, %dma_start3A_537] : memref<128x129xf32, #tpu.memory_space<vmem>> -> memref<8x128xf32, #tpu.memory_space<vmem>>
    tpu.enqueue_dma source(%dma_start3A_538 : memref<8x128xf32, #tpu.memory_space<vmem>>) target(%dma_start3A_535 : memref<8x128xf32, #tpu.memory_space<hbm>>) target_semaphore(%arg13 : memref<!tpu.dma_semaphore, #tpu.memory_space<semaphore_mem>>)
    %dma_start3A_539 = arith.constant 49 : i32
    %dma_start3A_540 = arith.constant 5 : i32
    %dma_start3A_541 = arith.constant 104 : i32
    %dma_start3A_542 = arith.constant 0 : i32
    %dma_start3A_543 = tpu.memref_slice %arg8[%dma_start3A_541, %dma_start3A_542] : memref<128x129xf32, #tpu.memory_space<vmem>> -> memref<8x128xf32, #tpu.memory_space<vmem>>
    %dma_start3A_544 = arith.constant 0 : i32
    %dma_start3A_545 = arith.constant 0 : i32
    %dma_start3A_546 = tpu.memref_slice %arg4[%dma_start3A_539, %dma_start3A_540, %add3A, %dma_start3A_544, %dma_start3A_545] : memref<50x8x32x8x128xf32, #tpu.memory_space<hbm>> -> memref<1x1x1x8x128xf32, #tpu.memory_space<hbm>>
    %dma_start3A_547 = tpu.memref_squeeze %dma_start3A_546 : memref<1x1x1x8x128xf32, #tpu.memory_space<hbm>> -> memref<8x128xf32, #tpu.memory_space<hbm>>
    %dma_start3A_548 = arith.constant 0 : i32
    %dma_start3A_549 = arith.constant 0 : i32
    %dma_start3A_550 = tpu.memref_slice %arg4[%dma_start3A_539, %dma_start3A_540, %add3A, %dma_start3A_548, %dma_start3A_549] : memref<50x8x32x8x128xf32, #tpu.memory_space<hbm>> -> memref<1x1x1x8x128xf32, #tpu.memory_space<hbm>>
    %dma_start3A_551 = tpu.memref_squeeze %dma_start3A_550 : memref<1x1x1x8x128xf32, #tpu.memory_space<hbm>> -> memref<8x128xf32, #tpu.memory_space<hbm>>
    %dma_start3A_552 = arith.constant 104 : i32
    %dma_start3A_553 = arith.constant 0 : i32
    %dma_start3A_554 = tpu.memref_slice %arg8[%dma_start3A_552, %dma_start3A_553] : memref<128x129xf32, #tpu.memory_space<vmem>> -> memref<8x128xf32, #tpu.memory_space<vmem>>
    tpu.enqueue_dma source(%dma_start3A_554 : memref<8x128xf32, #tpu.memory_space<vmem>>) target(%dma_start3A_551 : memref<8x128xf32, #tpu.memory_space<hbm>>) target_semaphore(%arg13 : memref<!tpu.dma_semaphore, #tpu.memory_space<semaphore_mem>>)
    %dma_start3A_555 = arith.constant 49 : i32
    %dma_start3A_556 = arith.constant 6 : i32
    %dma_start3A_557 = arith.constant 112 : i32
    %dma_start3A_558 = arith.constant 0 : i32
    %dma_start3A_559 = tpu.memref_slice %arg8[%dma_start3A_557, %dma_start3A_558] : memref<128x129xf32, #tpu.memory_space<vmem>> -> memref<8x128xf32, #tpu.memory_space<vmem>>
    %dma_start3A_560 = arith.constant 0 : i32
    %dma_start3A_561 = arith.constant 0 : i32
    %dma_start3A_562 = tpu.memref_slice %arg4[%dma_start3A_555, %dma_start3A_556, %add3A, %dma_start3A_560, %dma_start3A_561] : memref<50x8x32x8x128xf32, #tpu.memory_space<hbm>> -> memref<1x1x1x8x128xf32, #tpu.memory_space<hbm>>
    %dma_start3A_563 = tpu.memref_squeeze %dma_start3A_562 : memref<1x1x1x8x128xf32, #tpu.memory_space<hbm>> -> memref<8x128xf32, #tpu.memory_space<hbm>>
    %dma_start3A_564 = arith.constant 0 : i32
    %dma_start3A_565 = arith.constant 0 : i32
    %dma_start3A_566 = tpu.memref_slice %arg4[%dma_start3A_555, %dma_start3A_556, %add3A, %dma_start3A_564, %dma_start3A_565] : memref<50x8x32x8x128xf32, #tpu.memory_space<hbm>> -> memref<1x1x1x8x128xf32, #tpu.memory_space<hbm>>
    %dma_start3A_567 = tpu.memref_squeeze %dma_start3A_566 : memref<1x1x1x8x128xf32, #tpu.memory_space<hbm>> -> memref<8x128xf32, #tpu.memory_space<hbm>>
    %dma_start3A_568 = arith.constant 112 : i32
    %dma_start3A_569 = arith.constant 0 : i32
    %dma_start3A_570 = tpu.memref_slice %arg8[%dma_start3A_568, %dma_start3A_569] : memref<128x129xf32, #tpu.memory_space<vmem>> -> memref<8x128xf32, #tpu.memory_space<vmem>>
    tpu.enqueue_dma source(%dma_start3A_570 : memref<8x128xf32, #tpu.memory_space<vmem>>) target(%dma_start3A_567 : memref<8x128xf32, #tpu.memory_space<hbm>>) target_semaphore(%arg13 : memref<!tpu.dma_semaphore, #tpu.memory_space<semaphore_mem>>)
    %dma_start3A_571 = arith.constant 49 : i32
    %dma_start3A_572 = arith.constant 7 : i32
    %dma_start3A_573 = arith.constant 120 : i32
    %dma_start3A_574 = arith.constant 0 : i32
    %dma_start3A_575 = tpu.memref_slice %arg8[%dma_start3A_573, %dma_start3A_574] : memref<128x129xf32, #tpu.memory_space<vmem>> -> memref<8x128xf32, #tpu.memory_space<vmem>>
    %dma_start3A_576 = arith.constant 0 : i32
    %dma_start3A_577 = arith.constant 0 : i32
    %dma_start3A_578 = tpu.memref_slice %arg4[%dma_start3A_571, %dma_start3A_572, %add3A, %dma_start3A_576, %dma_start3A_577] : memref<50x8x32x8x128xf32, #tpu.memory_space<hbm>> -> memref<1x1x1x8x128xf32, #tpu.memory_space<hbm>>
    %dma_start3A_579 = tpu.memref_squeeze %dma_start3A_578 : memref<1x1x1x8x128xf32, #tpu.memory_space<hbm>> -> memref<8x128xf32, #tpu.memory_space<hbm>>
    %dma_start3A_580 = arith.constant 0 : i32
    %dma_start3A_581 = arith.constant 0 : i32
    %dma_start3A_582 = tpu.memref_slice %arg4[%dma_start3A_571, %dma_start3A_572, %add3A, %dma_start3A_580, %dma_start3A_581] : memref<50x8x32x8x128xf32, #tpu.memory_space<hbm>> -> memref<1x1x1x8x128xf32, #tpu.memory_space<hbm>>
    %dma_start3A_583 = tpu.memref_squeeze %dma_start3A_582 : memref<1x1x1x8x128xf32, #tpu.memory_space<hbm>> -> memref<8x128xf32, #tpu.memory_space<hbm>>
    %dma_start3A_584 = arith.constant 120 : i32
    %dma_start3A_585 = arith.constant 0 : i32
    %dma_start3A_586 = tpu.memref_slice %arg8[%dma_start3A_584, %dma_start3A_585] : memref<128x129xf32, #tpu.memory_space<vmem>> -> memref<8x128xf32, #tpu.memory_space<vmem>>
    tpu.enqueue_dma source(%dma_start3A_586 : memref<8x128xf32, #tpu.memory_space<vmem>>) target(%dma_start3A_583 : memref<8x128xf32, #tpu.memory_space<hbm>>) target_semaphore(%arg13 : memref<!tpu.dma_semaphore, #tpu.memory_space<semaphore_mem>>)
    %dma_wait3A_587 = arith.constant 0 : i32
    %dma_wait3A_588 = arith.constant 0 : i32
    %dma_wait3A_589 = arith.constant 0 : i32
    %dma_wait3A_590 = arith.constant 0 : i32
    %dma_wait3A_591 = tpu.memref_slice %arg9[%dma_wait3A_589, %dma_wait3A_590] : memref<128x129xf32, #tpu.memory_space<vmem>> -> memref<8x128xf32, #tpu.memory_space<vmem>>
    %dma_wait3A_592 = arith.constant 0 : i32
    %dma_wait3A_593 = arith.constant 0 : i32
    %dma_wait3A_594 = tpu.memref_slice %arg4[%dma_wait3A_587, %dma_wait3A_588, %add3A, %dma_wait3A_592, %dma_wait3A_593] : memref<50x8x32x8x128xf32, #tpu.memory_space<hbm>> -> memref<1x1x1x8x128xf32, #tpu.memory_space<hbm>>
    %dma_wait3A_595 = tpu.memref_squeeze %dma_wait3A_594 : memref<1x1x1x8x128xf32, #tpu.memory_space<hbm>> -> memref<8x128xf32, #tpu.memory_space<hbm>>
    %dma_wait3A_596 = arith.constant 0 : i32
    %dma_wait3A_597 = arith.constant 0 : i32
    %dma_wait3A_598 = tpu.memref_slice %arg4[%dma_wait3A_587, %dma_wait3A_588, %add3A, %dma_wait3A_596, %dma_wait3A_597] : memref<50x8x32x8x128xf32, #tpu.memory_space<hbm>> -> memref<1x1x1x8x128xf32, #tpu.memory_space<hbm>>
    %dma_wait3A_599 = tpu.memref_squeeze %dma_wait3A_598 : memref<1x1x1x8x128xf32, #tpu.memory_space<hbm>> -> memref<8x128xf32, #tpu.memory_space<hbm>>
    %dma_wait3A_600 = arith.constant 0 : i32
    %dma_wait3A_601 = arith.constant 0 : i32
    %dma_wait3A_602 = tpu.memref_slice %arg9[%dma_wait3A_600, %dma_wait3A_601] : memref<128x129xf32, #tpu.memory_space<vmem>> -> memref<8x128xf32, #tpu.memory_space<vmem>>
    tpu.wait_dma2 semaphore(%arg14 : memref<!tpu.dma_semaphore, #tpu.memory_space<semaphore_mem>>) src(%dma_wait3A_602 : memref<8x128xf32, #tpu.memory_space<vmem>>) dst(%dma_wait3A_599 : memref<8x128xf32, #tpu.memory_space<hbm>>)
    %dma_wait3A_603 = arith.constant 0 : i32
    %dma_wait3A_604 = arith.constant 1 : i32
    %dma_wait3A_605 = arith.constant 8 : i32
    %dma_wait3A_606 = arith.constant 0 : i32
    %dma_wait3A_607 = tpu.memref_slice %arg9[%dma_wait3A_605, %dma_wait3A_606] : memref<128x129xf32, #tpu.memory_space<vmem>> -> memref<8x128xf32, #tpu.memory_space<vmem>>
    %dma_wait3A_608 = arith.constant 0 : i32
    %dma_wait3A_609 = arith.constant 0 : i32
    %dma_wait3A_610 = tpu.memref_slice %arg4[%dma_wait3A_603, %dma_wait3A_604, %add3A, %dma_wait3A_608, %dma_wait3A_609] : memref<50x8x32x8x128xf32, #tpu.memory_space<hbm>> -> memref<1x1x1x8x128xf32, #tpu.memory_space<hbm>>
    %dma_wait3A_611 = tpu.memref_squeeze %dma_wait3A_610 : memref<1x1x1x8x128xf32, #tpu.memory_space<hbm>> -> memref<8x128xf32, #tpu.memory_space<hbm>>
    %dma_wait3A_612 = arith.constant 0 : i32
    %dma_wait3A_613 = arith.constant 0 : i32
    %dma_wait3A_614 = tpu.memref_slice %arg4[%dma_wait3A_603, %dma_wait3A_604, %add3A, %dma_wait3A_612, %dma_wait3A_613] : memref<50x8x32x8x128xf32, #tpu.memory_space<hbm>> -> memref<1x1x1x8x128xf32, #tpu.memory_space<hbm>>
    %dma_wait3A_615 = tpu.memref_squeeze %dma_wait3A_614 : memref<1x1x1x8x128xf32, #tpu.memory_space<hbm>> -> memref<8x128xf32, #tpu.memory_space<hbm>>
    %dma_wait3A_616 = arith.constant 8 : i32
    %dma_wait3A_617 = arith.constant 0 : i32
    %dma_wait3A_618 = tpu.memref_slice %arg9[%dma_wait3A_616, %dma_wait3A_617] : memref<128x129xf32, #tpu.memory_space<vmem>> -> memref<8x128xf32, #tpu.memory_space<vmem>>
    tpu.wait_dma2 semaphore(%arg14 : memref<!tpu.dma_semaphore, #tpu.memory_space<semaphore_mem>>) src(%dma_wait3A_618 : memref<8x128xf32, #tpu.memory_space<vmem>>) dst(%dma_wait3A_615 : memref<8x128xf32, #tpu.memory_space<hbm>>)
    %dma_wait3A_619 = arith.constant 0 : i32
    %dma_wait3A_620 = arith.constant 2 : i32
    %dma_wait3A_621 = arith.constant 16 : i32
    %dma_wait3A_622 = arith.constant 0 : i32
    %dma_wait3A_623 = tpu.memref_slice %arg9[%dma_wait3A_621, %dma_wait3A_622] : memref<128x129xf32, #tpu.memory_space<vmem>> -> memref<8x128xf32, #tpu.memory_space<vmem>>
    %dma_wait3A_624 = arith.constant 0 : i32
    %dma_wait3A_625 = arith.constant 0 : i32
    %dma_wait3A_626 = tpu.memref_slice %arg4[%dma_wait3A_619, %dma_wait3A_620, %add3A, %dma_wait3A_624, %dma_wait3A_625] : memref<50x8x32x8x128xf32, #tpu.memory_space<hbm>> -> memref<1x1x1x8x128xf32, #tpu.memory_space<hbm>>
    %dma_wait3A_627 = tpu.memref_squeeze %dma_wait3A_626 : memref<1x1x1x8x128xf32, #tpu.memory_space<hbm>> -> memref<8x128xf32, #tpu.memory_space<hbm>>
    %dma_wait3A_628 = arith.constant 0 : i32
    %dma_wait3A_629 = arith.constant 0 : i32
    %dma_wait3A_630 = tpu.memref_slice %arg4[%dma_wait3A_619, %dma_wait3A_620, %add3A, %dma_wait3A_628, %dma_wait3A_629] : memref<50x8x32x8x128xf32, #tpu.memory_space<hbm>> -> memref<1x1x1x8x128xf32, #tpu.memory_space<hbm>>
    %dma_wait3A_631 = tpu.memref_squeeze %dma_wait3A_630 : memref<1x1x1x8x128xf32, #tpu.memory_space<hbm>> -> memref<8x128xf32, #tpu.memory_space<hbm>>
    %dma_wait3A_632 = arith.constant 16 : i32
    %dma_wait3A_633 = arith.constant 0 : i32
    %dma_wait3A_634 = tpu.memref_slice %arg9[%dma_wait3A_632, %dma_wait3A_633] : memref<128x129xf32, #tpu.memory_space<vmem>> -> memref<8x128xf32, #tpu.memory_space<vmem>>
    tpu.wait_dma2 semaphore(%arg14 : memref<!tpu.dma_semaphore, #tpu.memory_space<semaphore_mem>>) src(%dma_wait3A_634 : memref<8x128xf32, #tpu.memory_space<vmem>>) dst(%dma_wait3A_631 : memref<8x128xf32, #tpu.memory_space<hbm>>)
    %dma_wait3A_635 = arith.constant 0 : i32
    %dma_wait3A_636 = arith.constant 3 : i32
    %dma_wait3A_637 = arith.constant 24 : i32
    %dma_wait3A_638 = arith.constant 0 : i32
    %dma_wait3A_639 = tpu.memref_slice %arg9[%dma_wait3A_637, %dma_wait3A_638] : memref<128x129xf32, #tpu.memory_space<vmem>> -> memref<8x128xf32, #tpu.memory_space<vmem>>
    %dma_wait3A_640 = arith.constant 0 : i32
    %dma_wait3A_641 = arith.constant 0 : i32
    %dma_wait3A_642 = tpu.memref_slice %arg4[%dma_wait3A_635, %dma_wait3A_636, %add3A, %dma_wait3A_640, %dma_wait3A_641] : memref<50x8x32x8x128xf32, #tpu.memory_space<hbm>> -> memref<1x1x1x8x128xf32, #tpu.memory_space<hbm>>
    %dma_wait3A_643 = tpu.memref_squeeze %dma_wait3A_642 : memref<1x1x1x8x128xf32, #tpu.memory_space<hbm>> -> memref<8x128xf32, #tpu.memory_space<hbm>>
    %dma_wait3A_644 = arith.constant 0 : i32
    %dma_wait3A_645 = arith.constant 0 : i32
    %dma_wait3A_646 = tpu.memref_slice %arg4[%dma_wait3A_635, %dma_wait3A_636, %add3A, %dma_wait3A_644, %dma_wait3A_645] : memref<50x8x32x8x128xf32, #tpu.memory_space<hbm>> -> memref<1x1x1x8x128xf32, #tpu.memory_space<hbm>>
    %dma_wait3A_647 = tpu.memref_squeeze %dma_wait3A_646 : memref<1x1x1x8x128xf32, #tpu.memory_space<hbm>> -> memref<8x128xf32, #tpu.memory_space<hbm>>
    %dma_wait3A_648 = arith.constant 24 : i32
    %dma_wait3A_649 = arith.constant 0 : i32
    %dma_wait3A_650 = tpu.memref_slice %arg9[%dma_wait3A_648, %dma_wait3A_649] : memref<128x129xf32, #tpu.memory_space<vmem>> -> memref<8x128xf32, #tpu.memory_space<vmem>>
    tpu.wait_dma2 semaphore(%arg14 : memref<!tpu.dma_semaphore, #tpu.memory_space<semaphore_mem>>) src(%dma_wait3A_650 : memref<8x128xf32, #tpu.memory_space<vmem>>) dst(%dma_wait3A_647 : memref<8x128xf32, #tpu.memory_space<hbm>>)
    %dma_wait3A_651 = arith.constant 0 : i32
    %dma_wait3A_652 = arith.constant 4 : i32
    %dma_wait3A_653 = arith.constant 32 : i32
    %dma_wait3A_654 = arith.constant 0 : i32
    %dma_wait3A_655 = tpu.memref_slice %arg9[%dma_wait3A_653, %dma_wait3A_654] : memref<128x129xf32, #tpu.memory_space<vmem>> -> memref<8x128xf32, #tpu.memory_space<vmem>>
    %dma_wait3A_656 = arith.constant 0 : i32
    %dma_wait3A_657 = arith.constant 0 : i32
    %dma_wait3A_658 = tpu.memref_slice %arg4[%dma_wait3A_651, %dma_wait3A_652, %add3A, %dma_wait3A_656, %dma_wait3A_657] : memref<50x8x32x8x128xf32, #tpu.memory_space<hbm>> -> memref<1x1x1x8x128xf32, #tpu.memory_space<hbm>>
    %dma_wait3A_659 = tpu.memref_squeeze %dma_wait3A_658 : memref<1x1x1x8x128xf32, #tpu.memory_space<hbm>> -> memref<8x128xf32, #tpu.memory_space<hbm>>
    %dma_wait3A_660 = arith.constant 0 : i32
    %dma_wait3A_661 = arith.constant 0 : i32
    %dma_wait3A_662 = tpu.memref_slice %arg4[%dma_wait3A_651, %dma_wait3A_652, %add3A, %dma_wait3A_660, %dma_wait3A_661] : memref<50x8x32x8x128xf32, #tpu.memory_space<hbm>> -> memref<1x1x1x8x128xf32, #tpu.memory_space<hbm>>
    %dma_wait3A_663 = tpu.memref_squeeze %dma_wait3A_662 : memref<1x1x1x8x128xf32, #tpu.memory_space<hbm>> -> memref<8x128xf32, #tpu.memory_space<hbm>>
    %dma_wait3A_664 = arith.constant 32 : i32
    %dma_wait3A_665 = arith.constant 0 : i32
    %dma_wait3A_666 = tpu.memref_slice %arg9[%dma_wait3A_664, %dma_wait3A_665] : memref<128x129xf32, #tpu.memory_space<vmem>> -> memref<8x128xf32, #tpu.memory_space<vmem>>
    tpu.wait_dma2 semaphore(%arg14 : memref<!tpu.dma_semaphore, #tpu.memory_space<semaphore_mem>>) src(%dma_wait3A_666 : memref<8x128xf32, #tpu.memory_space<vmem>>) dst(%dma_wait3A_663 : memref<8x128xf32, #tpu.memory_space<hbm>>)
    %dma_wait3A_667 = arith.constant 0 : i32
    %dma_wait3A_668 = arith.constant 5 : i32
    %dma_wait3A_669 = arith.constant 40 : i32
    %dma_wait3A_670 = arith.constant 0 : i32
    %dma_wait3A_671 = tpu.memref_slice %arg9[%dma_wait3A_669, %dma_wait3A_670] : memref<128x129xf32, #tpu.memory_space<vmem>> -> memref<8x128xf32, #tpu.memory_space<vmem>>
    %dma_wait3A_672 = arith.constant 0 : i32
    %dma_wait3A_673 = arith.constant 0 : i32
    %dma_wait3A_674 = tpu.memref_slice %arg4[%dma_wait3A_667, %dma_wait3A_668, %add3A, %dma_wait3A_672, %dma_wait3A_673] : memref<50x8x32x8x128xf32, #tpu.memory_space<hbm>> -> memref<1x1x1x8x128xf32, #tpu.memory_space<hbm>>
    %dma_wait3A_675 = tpu.memref_squeeze %dma_wait3A_674 : memref<1x1x1x8x128xf32, #tpu.memory_space<hbm>> -> memref<8x128xf32, #tpu.memory_space<hbm>>
    %dma_wait3A_676 = arith.constant 0 : i32
    %dma_wait3A_677 = arith.constant 0 : i32
    %dma_wait3A_678 = tpu.memref_slice %arg4[%dma_wait3A_667, %dma_wait3A_668, %add3A, %dma_wait3A_676, %dma_wait3A_677] : memref<50x8x32x8x128xf32, #tpu.memory_space<hbm>> -> memref<1x1x1x8x128xf32, #tpu.memory_space<hbm>>
    %dma_wait3A_679 = tpu.memref_squeeze %dma_wait3A_678 : memref<1x1x1x8x128xf32, #tpu.memory_space<hbm>> -> memref<8x128xf32, #tpu.memory_space<hbm>>
    %dma_wait3A_680 = arith.constant 40 : i32
    %dma_wait3A_681 = arith.constant 0 : i32
    %dma_wait3A_682 = tpu.memref_slice %arg9[%dma_wait3A_680, %dma_wait3A_681] : memref<128x129xf32, #tpu.memory_space<vmem>> -> memref<8x128xf32, #tpu.memory_space<vmem>>
    tpu.wait_dma2 semaphore(%arg14 : memref<!tpu.dma_semaphore, #tpu.memory_space<semaphore_mem>>) src(%dma_wait3A_682 : memref<8x128xf32, #tpu.memory_space<vmem>>) dst(%dma_wait3A_679 : memref<8x128xf32, #tpu.memory_space<hbm>>)
    %dma_wait3A_683 = arith.constant 0 : i32
    %dma_wait3A_684 = arith.constant 6 : i32
    %dma_wait3A_685 = arith.constant 48 : i32
    %dma_wait3A_686 = arith.constant 0 : i32
    %dma_wait3A_687 = tpu.memref_slice %arg9[%dma_wait3A_685, %dma_wait3A_686] : memref<128x129xf32, #tpu.memory_space<vmem>> -> memref<8x128xf32, #tpu.memory_space<vmem>>
    %dma_wait3A_688 = arith.constant 0 : i32
    %dma_wait3A_689 = arith.constant 0 : i32
    %dma_wait3A_690 = tpu.memref_slice %arg4[%dma_wait3A_683, %dma_wait3A_684, %add3A, %dma_wait3A_688, %dma_wait3A_689] : memref<50x8x32x8x128xf32, #tpu.memory_space<hbm>> -> memref<1x1x1x8x128xf32, #tpu.memory_space<hbm>>
    %dma_wait3A_691 = tpu.memref_squeeze %dma_wait3A_690 : memref<1x1x1x8x128xf32, #tpu.memory_space<hbm>> -> memref<8x128xf32, #tpu.memory_space<hbm>>
    %dma_wait3A_692 = arith.constant 0 : i32
    %dma_wait3A_693 = arith.constant 0 : i32
    %dma_wait3A_694 = tpu.memref_slice %arg4[%dma_wait3A_683, %dma_wait3A_684, %add3A, %dma_wait3A_692, %dma_wait3A_693] : memref<50x8x32x8x128xf32, #tpu.memory_space<hbm>> -> memref<1x1x1x8x128xf32, #tpu.memory_space<hbm>>
    %dma_wait3A_695 = tpu.memref_squeeze %dma_wait3A_694 : memref<1x1x1x8x128xf32, #tpu.memory_space<hbm>> -> memref<8x128xf32, #tpu.memory_space<hbm>>
    %dma_wait3A_696 = arith.constant 48 : i32
    %dma_wait3A_697 = arith.constant 0 : i32
    %dma_wait3A_698 = tpu.memref_slice %arg9[%dma_wait3A_696, %dma_wait3A_697] : memref<128x129xf32, #tpu.memory_space<vmem>> -> memref<8x128xf32, #tpu.memory_space<vmem>>
    tpu.wait_dma2 semaphore(%arg14 : memref<!tpu.dma_semaphore, #tpu.memory_space<semaphore_mem>>) src(%dma_wait3A_698 : memref<8x128xf32, #tpu.memory_space<vmem>>) dst(%dma_wait3A_695 : memref<8x128xf32, #tpu.memory_space<hbm>>)
    %dma_wait3A_699 = arith.constant 0 : i32
    %dma_wait3A_700 = arith.constant 7 : i32
    %dma_wait3A_701 = arith.constant 56 : i32
    %dma_wait3A_702 = arith.constant 0 : i32
    %dma_wait3A_703 = tpu.memref_slice %arg9[%dma_wait3A_701, %dma_wait3A_702] : memref<128x129xf32, #tpu.memory_space<vmem>> -> memref<8x128xf32, #tpu.memory_space<vmem>>
    %dma_wait3A_704 = arith.constant 0 : i32
    %dma_wait3A_705 = arith.constant 0 : i32
    %dma_wait3A_706 = tpu.memref_slice %arg4[%dma_wait3A_699, %dma_wait3A_700, %add3A, %dma_wait3A_704, %dma_wait3A_705] : memref<50x8x32x8x128xf32, #tpu.memory_space<hbm>> -> memref<1x1x1x8x128xf32, #tpu.memory_space<hbm>>
    %dma_wait3A_707 = tpu.memref_squeeze %dma_wait3A_706 : memref<1x1x1x8x128xf32, #tpu.memory_space<hbm>> -> memref<8x128xf32, #tpu.memory_space<hbm>>
    %dma_wait3A_708 = arith.constant 0 : i32
    %dma_wait3A_709 = arith.constant 0 : i32
    %dma_wait3A_710 = tpu.memref_slice %arg4[%dma_wait3A_699, %dma_wait3A_700, %add3A, %dma_wait3A_708, %dma_wait3A_709] : memref<50x8x32x8x128xf32, #tpu.memory_space<hbm>> -> memref<1x1x1x8x128xf32, #tpu.memory_space<hbm>>
    %dma_wait3A_711 = tpu.memref_squeeze %dma_wait3A_710 : memref<1x1x1x8x128xf32, #tpu.memory_space<hbm>> -> memref<8x128xf32, #tpu.memory_space<hbm>>
    %dma_wait3A_712 = arith.constant 56 : i32
    %dma_wait3A_713 = arith.constant 0 : i32
    %dma_wait3A_714 = tpu.memref_slice %arg9[%dma_wait3A_712, %dma_wait3A_713] : memref<128x129xf32, #tpu.memory_space<vmem>> -> memref<8x128xf32, #tpu.memory_space<vmem>>
    tpu.wait_dma2 semaphore(%arg14 : memref<!tpu.dma_semaphore, #tpu.memory_space<semaphore_mem>>) src(%dma_wait3A_714 : memref<8x128xf32, #tpu.memory_space<vmem>>) dst(%dma_wait3A_711 : memref<8x128xf32, #tpu.memory_space<hbm>>)
    %dma_wait3A_715 = arith.constant 1 : i32
    %dma_wait3A_716 = arith.constant 0 : i32
    %dma_wait3A_717 = arith.constant 64 : i32
    %dma_wait3A_718 = arith.constant 0 : i32
    %dma_wait3A_719 = tpu.memref_slice %arg9[%dma_wait3A_717, %dma_wait3A_718] : memref<128x129xf32, #tpu.memory_space<vmem>> -> memref<8x128xf32, #tpu.memory_space<vmem>>
    %dma_wait3A_720 = arith.constant 0 : i32
    %dma_wait3A_721 = arith.constant 0 : i32
    %dma_wait3A_722 = tpu.memref_slice %arg4[%dma_wait3A_715, %dma_wait3A_716, %add3A, %dma_wait3A_720, %dma_wait3A_721] : memref<50x8x32x8x128xf32, #tpu.memory_space<hbm>> -> memref<1x1x1x8x128xf32, #tpu.memory_space<hbm>>
    %dma_wait3A_723 = tpu.memref_squeeze %dma_wait3A_722 : memref<1x1x1x8x128xf32, #tpu.memory_space<hbm>> -> memref<8x128xf32, #tpu.memory_space<hbm>>
    %dma_wait3A_724 = arith.constant 0 : i32
    %dma_wait3A_725 = arith.constant 0 : i32
    %dma_wait3A_726 = tpu.memref_slice %arg4[%dma_wait3A_715, %dma_wait3A_716, %add3A, %dma_wait3A_724, %dma_wait3A_725] : memref<50x8x32x8x128xf32, #tpu.memory_space<hbm>> -> memref<1x1x1x8x128xf32, #tpu.memory_space<hbm>>
    %dma_wait3A_727 = tpu.memref_squeeze %dma_wait3A_726 : memref<1x1x1x8x128xf32, #tpu.memory_space<hbm>> -> memref<8x128xf32, #tpu.memory_space<hbm>>
    %dma_wait3A_728 = arith.constant 64 : i32
    %dma_wait3A_729 = arith.constant 0 : i32
    %dma_wait3A_730 = tpu.memref_slice %arg9[%dma_wait3A_728, %dma_wait3A_729] : memref<128x129xf32, #tpu.memory_space<vmem>> -> memref<8x128xf32, #tpu.memory_space<vmem>>
    tpu.wait_dma2 semaphore(%arg14 : memref<!tpu.dma_semaphore, #tpu.memory_space<semaphore_mem>>) src(%dma_wait3A_730 : memref<8x128xf32, #tpu.memory_space<vmem>>) dst(%dma_wait3A_727 : memref<8x128xf32, #tpu.memory_space<hbm>>)
    %dma_wait3A_731 = arith.constant 1 : i32
    %dma_wait3A_732 = arith.constant 1 : i32
    %dma_wait3A_733 = arith.constant 72 : i32
    %dma_wait3A_734 = arith.constant 0 : i32
    %dma_wait3A_735 = tpu.memref_slice %arg9[%dma_wait3A_733, %dma_wait3A_734] : memref<128x129xf32, #tpu.memory_space<vmem>> -> memref<8x128xf32, #tpu.memory_space<vmem>>
    %dma_wait3A_736 = arith.constant 0 : i32
    %dma_wait3A_737 = arith.constant 0 : i32
    %dma_wait3A_738 = tpu.memref_slice %arg4[%dma_wait3A_731, %dma_wait3A_732, %add3A, %dma_wait3A_736, %dma_wait3A_737] : memref<50x8x32x8x128xf32, #tpu.memory_space<hbm>> -> memref<1x1x1x8x128xf32, #tpu.memory_space<hbm>>
    %dma_wait3A_739 = tpu.memref_squeeze %dma_wait3A_738 : memref<1x1x1x8x128xf32, #tpu.memory_space<hbm>> -> memref<8x128xf32, #tpu.memory_space<hbm>>
    %dma_wait3A_740 = arith.constant 0 : i32
    %dma_wait3A_741 = arith.constant 0 : i32
    %dma_wait3A_742 = tpu.memref_slice %arg4[%dma_wait3A_731, %dma_wait3A_732, %add3A, %dma_wait3A_740, %dma_wait3A_741] : memref<50x8x32x8x128xf32, #tpu.memory_space<hbm>> -> memref<1x1x1x8x128xf32, #tpu.memory_space<hbm>>
    %dma_wait3A_743 = tpu.memref_squeeze %dma_wait3A_742 : memref<1x1x1x8x128xf32, #tpu.memory_space<hbm>> -> memref<8x128xf32, #tpu.memory_space<hbm>>
    %dma_wait3A_744 = arith.constant 72 : i32
    %dma_wait3A_745 = arith.constant 0 : i32
    %dma_wait3A_746 = tpu.memref_slice %arg9[%dma_wait3A_744, %dma_wait3A_745] : memref<128x129xf32, #tpu.memory_space<vmem>> -> memref<8x128xf32, #tpu.memory_space<vmem>>
    tpu.wait_dma2 semaphore(%arg14 : memref<!tpu.dma_semaphore, #tpu.memory_space<semaphore_mem>>) src(%dma_wait3A_746 : memref<8x128xf32, #tpu.memory_space<vmem>>) dst(%dma_wait3A_743 : memref<8x128xf32, #tpu.memory_space<hbm>>)
    %dma_wait3A_747 = arith.constant 1 : i32
    %dma_wait3A_748 = arith.constant 2 : i32
    %dma_wait3A_749 = arith.constant 80 : i32
    %dma_wait3A_750 = arith.constant 0 : i32
    %dma_wait3A_751 = tpu.memref_slice %arg9[%dma_wait3A_749, %dma_wait3A_750] : memref<128x129xf32, #tpu.memory_space<vmem>> -> memref<8x128xf32, #tpu.memory_space<vmem>>
    %dma_wait3A_752 = arith.constant 0 : i32
    %dma_wait3A_753 = arith.constant 0 : i32
    %dma_wait3A_754 = tpu.memref_slice %arg4[%dma_wait3A_747, %dma_wait3A_748, %add3A, %dma_wait3A_752, %dma_wait3A_753] : memref<50x8x32x8x128xf32, #tpu.memory_space<hbm>> -> memref<1x1x1x8x128xf32, #tpu.memory_space<hbm>>
    %dma_wait3A_755 = tpu.memref_squeeze %dma_wait3A_754 : memref<1x1x1x8x128xf32, #tpu.memory_space<hbm>> -> memref<8x128xf32, #tpu.memory_space<hbm>>
    %dma_wait3A_756 = arith.constant 0 : i32
    %dma_wait3A_757 = arith.constant 0 : i32
    %dma_wait3A_758 = tpu.memref_slice %arg4[%dma_wait3A_747, %dma_wait3A_748, %add3A, %dma_wait3A_756, %dma_wait3A_757] : memref<50x8x32x8x128xf32, #tpu.memory_space<hbm>> -> memref<1x1x1x8x128xf32, #tpu.memory_space<hbm>>
    %dma_wait3A_759 = tpu.memref_squeeze %dma_wait3A_758 : memref<1x1x1x8x128xf32, #tpu.memory_space<hbm>> -> memref<8x128xf32, #tpu.memory_space<hbm>>
    %dma_wait3A_760 = arith.constant 80 : i32
    %dma_wait3A_761 = arith.constant 0 : i32
    %dma_wait3A_762 = tpu.memref_slice %arg9[%dma_wait3A_760, %dma_wait3A_761] : memref<128x129xf32, #tpu.memory_space<vmem>> -> memref<8x128xf32, #tpu.memory_space<vmem>>
    tpu.wait_dma2 semaphore(%arg14 : memref<!tpu.dma_semaphore, #tpu.memory_space<semaphore_mem>>) src(%dma_wait3A_762 : memref<8x128xf32, #tpu.memory_space<vmem>>) dst(%dma_wait3A_759 : memref<8x128xf32, #tpu.memory_space<hbm>>)
    %dma_wait3A_763 = arith.constant 1 : i32
    %dma_wait3A_764 = arith.constant 3 : i32
    %dma_wait3A_765 = arith.constant 88 : i32
    %dma_wait3A_766 = arith.constant 0 : i32
    %dma_wait3A_767 = tpu.memref_slice %arg9[%dma_wait3A_765, %dma_wait3A_766] : memref<128x129xf32, #tpu.memory_space<vmem>> -> memref<8x128xf32, #tpu.memory_space<vmem>>
    %dma_wait3A_768 = arith.constant 0 : i32
    %dma_wait3A_769 = arith.constant 0 : i32
    %dma_wait3A_770 = tpu.memref_slice %arg4[%dma_wait3A_763, %dma_wait3A_764, %add3A, %dma_wait3A_768, %dma_wait3A_769] : memref<50x8x32x8x128xf32, #tpu.memory_space<hbm>> -> memref<1x1x1x8x128xf32, #tpu.memory_space<hbm>>
    %dma_wait3A_771 = tpu.memref_squeeze %dma_wait3A_770 : memref<1x1x1x8x128xf32, #tpu.memory_space<hbm>> -> memref<8x128xf32, #tpu.memory_space<hbm>>
    %dma_wait3A_772 = arith.constant 0 : i32
    %dma_wait3A_773 = arith.constant 0 : i32
    %dma_wait3A_774 = tpu.memref_slice %arg4[%dma_wait3A_763, %dma_wait3A_764, %add3A, %dma_wait3A_772, %dma_wait3A_773] : memref<50x8x32x8x128xf32, #tpu.memory_space<hbm>> -> memref<1x1x1x8x128xf32, #tpu.memory_space<hbm>>
    %dma_wait3A_775 = tpu.memref_squeeze %dma_wait3A_774 : memref<1x1x1x8x128xf32, #tpu.memory_space<hbm>> -> memref<8x128xf32, #tpu.memory_space<hbm>>
    %dma_wait3A_776 = arith.constant 88 : i32
    %dma_wait3A_777 = arith.constant 0 : i32
    %dma_wait3A_778 = tpu.memref_slice %arg9[%dma_wait3A_776, %dma_wait3A_777] : memref<128x129xf32, #tpu.memory_space<vmem>> -> memref<8x128xf32, #tpu.memory_space<vmem>>
    tpu.wait_dma2 semaphore(%arg14 : memref<!tpu.dma_semaphore, #tpu.memory_space<semaphore_mem>>) src(%dma_wait3A_778 : memref<8x128xf32, #tpu.memory_space<vmem>>) dst(%dma_wait3A_775 : memref<8x128xf32, #tpu.memory_space<hbm>>)
    %dma_wait3A_779 = arith.constant 1 : i32
    %dma_wait3A_780 = arith.constant 4 : i32
    %dma_wait3A_781 = arith.constant 96 : i32
    %dma_wait3A_782 = arith.constant 0 : i32
    %dma_wait3A_783 = tpu.memref_slice %arg9[%dma_wait3A_781, %dma_wait3A_782] : memref<128x129xf32, #tpu.memory_space<vmem>> -> memref<8x128xf32, #tpu.memory_space<vmem>>
    %dma_wait3A_784 = arith.constant 0 : i32
    %dma_wait3A_785 = arith.constant 0 : i32
    %dma_wait3A_786 = tpu.memref_slice %arg4[%dma_wait3A_779, %dma_wait3A_780, %add3A, %dma_wait3A_784, %dma_wait3A_785] : memref<50x8x32x8x128xf32, #tpu.memory_space<hbm>> -> memref<1x1x1x8x128xf32, #tpu.memory_space<hbm>>
    %dma_wait3A_787 = tpu.memref_squeeze %dma_wait3A_786 : memref<1x1x1x8x128xf32, #tpu.memory_space<hbm>> -> memref<8x128xf32, #tpu.memory_space<hbm>>
    %dma_wait3A_788 = arith.constant 0 : i32
    %dma_wait3A_789 = arith.constant 0 : i32
    %dma_wait3A_790 = tpu.memref_slice %arg4[%dma_wait3A_779, %dma_wait3A_780, %add3A, %dma_wait3A_788, %dma_wait3A_789] : memref<50x8x32x8x128xf32, #tpu.memory_space<hbm>> -> memref<1x1x1x8x128xf32, #tpu.memory_space<hbm>>
    %dma_wait3A_791 = tpu.memref_squeeze %dma_wait3A_790 : memref<1x1x1x8x128xf32, #tpu.memory_space<hbm>> -> memref<8x128xf32, #tpu.memory_space<hbm>>
    %dma_wait3A_792 = arith.constant 96 : i32
    %dma_wait3A_793 = arith.constant 0 : i32
    %dma_wait3A_794 = tpu.memref_slice %arg9[%dma_wait3A_792, %dma_wait3A_793] : memref<128x129xf32, #tpu.memory_space<vmem>> -> memref<8x128xf32, #tpu.memory_space<vmem>>
    tpu.wait_dma2 semaphore(%arg14 : memref<!tpu.dma_semaphore, #tpu.memory_space<semaphore_mem>>) src(%dma_wait3A_794 : memref<8x128xf32, #tpu.memory_space<vmem>>) dst(%dma_wait3A_791 : memref<8x128xf32, #tpu.memory_space<hbm>>)
    %dma_wait3A_795 = arith.constant 1 : i32
    %dma_wait3A_796 = arith.constant 5 : i32
    %dma_wait3A_797 = arith.constant 104 : i32
    %dma_wait3A_798 = arith.constant 0 : i32
    %dma_wait3A_799 = tpu.memref_slice %arg9[%dma_wait3A_797, %dma_wait3A_798] : memref<128x129xf32, #tpu.memory_space<vmem>> -> memref<8x128xf32, #tpu.memory_space<vmem>>
    %dma_wait3A_800 = arith.constant 0 : i32
    %dma_wait3A_801 = arith.constant 0 : i32
    %dma_wait3A_802 = tpu.memref_slice %arg4[%dma_wait3A_795, %dma_wait3A_796, %add3A, %dma_wait3A_800, %dma_wait3A_801] : memref<50x8x32x8x128xf32, #tpu.memory_space<hbm>> -> memref<1x1x1x8x128xf32, #tpu.memory_space<hbm>>
    %dma_wait3A_803 = tpu.memref_squeeze %dma_wait3A_802 : memref<1x1x1x8x128xf32, #tpu.memory_space<hbm>> -> memref<8x128xf32, #tpu.memory_space<hbm>>
    %dma_wait3A_804 = arith.constant 0 : i32
    %dma_wait3A_805 = arith.constant 0 : i32
    %dma_wait3A_806 = tpu.memref_slice %arg4[%dma_wait3A_795, %dma_wait3A_796, %add3A, %dma_wait3A_804, %dma_wait3A_805] : memref<50x8x32x8x128xf32, #tpu.memory_space<hbm>> -> memref<1x1x1x8x128xf32, #tpu.memory_space<hbm>>
    %dma_wait3A_807 = tpu.memref_squeeze %dma_wait3A_806 : memref<1x1x1x8x128xf32, #tpu.memory_space<hbm>> -> memref<8x128xf32, #tpu.memory_space<hbm>>
    %dma_wait3A_808 = arith.constant 104 : i32
    %dma_wait3A_809 = arith.constant 0 : i32
    %dma_wait3A_810 = tpu.memref_slice %arg9[%dma_wait3A_808, %dma_wait3A_809] : memref<128x129xf32, #tpu.memory_space<vmem>> -> memref<8x128xf32, #tpu.memory_space<vmem>>
    tpu.wait_dma2 semaphore(%arg14 : memref<!tpu.dma_semaphore, #tpu.memory_space<semaphore_mem>>) src(%dma_wait3A_810 : memref<8x128xf32, #tpu.memory_space<vmem>>) dst(%dma_wait3A_807 : memref<8x128xf32, #tpu.memory_space<hbm>>)
    %dma_wait3A_811 = arith.constant 1 : i32
    %dma_wait3A_812 = arith.constant 6 : i32
    %dma_wait3A_813 = arith.constant 112 : i32
    %dma_wait3A_814 = arith.constant 0 : i32
    %dma_wait3A_815 = tpu.memref_slice %arg9[%dma_wait3A_813, %dma_wait3A_814] : memref<128x129xf32, #tpu.memory_space<vmem>> -> memref<8x128xf32, #tpu.memory_space<vmem>>
    %dma_wait3A_816 = arith.constant 0 : i32
    %dma_wait3A_817 = arith.constant 0 : i32
    %dma_wait3A_818 = tpu.memref_slice %arg4[%dma_wait3A_811, %dma_wait3A_812, %add3A, %dma_wait3A_816, %dma_wait3A_817] : memref<50x8x32x8x128xf32, #tpu.memory_space<hbm>> -> memref<1x1x1x8x128xf32, #tpu.memory_space<hbm>>
    %dma_wait3A_819 = tpu.memref_squeeze %dma_wait3A_818 : memref<1x1x1x8x128xf32, #tpu.memory_space<hbm>> -> memref<8x128xf32, #tpu.memory_space<hbm>>
    %dma_wait3A_820 = arith.constant 0 : i32
    %dma_wait3A_821 = arith.constant 0 : i32
    %dma_wait3A_822 = tpu.memref_slice %arg4[%dma_wait3A_811, %dma_wait3A_812, %add3A, %dma_wait3A_820, %dma_wait3A_821] : memref<50x8x32x8x128xf32, #tpu.memory_space<hbm>> -> memref<1x1x1x8x128xf32, #tpu.memory_space<hbm>>
    %dma_wait3A_823 = tpu.memref_squeeze %dma_wait3A_822 : memref<1x1x1x8x128xf32, #tpu.memory_space<hbm>> -> memref<8x128xf32, #tpu.memory_space<hbm>>
    %dma_wait3A_824 = arith.constant 112 : i32
    %dma_wait3A_825 = arith.constant 0 : i32
    %dma_wait3A_826 = tpu.memref_slice %arg9[%dma_wait3A_824, %dma_wait3A_825] : memref<128x129xf32, #tpu.memory_space<vmem>> -> memref<8x128xf32, #tpu.memory_space<vmem>>
    tpu.wait_dma2 semaphore(%arg14 : memref<!tpu.dma_semaphore, #tpu.memory_space<semaphore_mem>>) src(%dma_wait3A_826 : memref<8x128xf32, #tpu.memory_space<vmem>>) dst(%dma_wait3A_823 : memref<8x128xf32, #tpu.memory_space<hbm>>)
    %dma_wait3A_827 = arith.constant 1 : i32
    %dma_wait3A_828 = arith.constant 7 : i32
    %dma_wait3A_829 = arith.constant 120 : i32
    %dma_wait3A_830 = arith.constant 0 : i32
    %dma_wait3A_831 = tpu.memref_slice %arg9[%dma_wait3A_829, %dma_wait3A_830] : memref<128x129xf32, #tpu.memory_space<vmem>> -> memref<8x128xf32, #tpu.memory_space<vmem>>
    %dma_wait3A_832 = arith.constant 0 : i32
    %dma_wait3A_833 = arith.constant 0 : i32
    %dma_wait3A_834 = tpu.memref_slice %arg4[%dma_wait3A_827, %dma_wait3A_828, %add3A, %dma_wait3A_832, %dma_wait3A_833] : memref<50x8x32x8x128xf32, #tpu.memory_space<hbm>> -> memref<1x1x1x8x128xf32, #tpu.memory_space<hbm>>
    %dma_wait3A_835 = tpu.memref_squeeze %dma_wait3A_834 : memref<1x1x1x8x128xf32, #tpu.memory_space<hbm>> -> memref<8x128xf32, #tpu.memory_space<hbm>>
    %dma_wait3A_836 = arith.constant 0 : i32
    %dma_wait3A_837 = arith.constant 0 : i32
    %dma_wait3A_838 = tpu.memref_slice %arg4[%dma_wait3A_827, %dma_wait3A_828, %add3A, %dma_wait3A_836, %dma_wait3A_837] : memref<50x8x32x8x128xf32, #tpu.memory_space<hbm>> -> memref<1x1x1x8x128xf32, #tpu.memory_space<hbm>>
    %dma_wait3A_839 = tpu.memref_squeeze %dma_wait3A_838 : memref<1x1x1x8x128xf32, #tpu.memory_space<hbm>> -> memref<8x128xf32, #tpu.memory_space<hbm>>
    %dma_wait3A_840 = arith.constant 120 : i32
    %dma_wait3A_841 = arith.constant 0 : i32
    %dma_wait3A_842 = tpu.memref_slice %arg9[%dma_wait3A_840, %dma_wait3A_841] : memref<128x129xf32, #tpu.memory_space<vmem>> -> memref<8x128xf32, #tpu.memory_space<vmem>>
    tpu.wait_dma2 semaphore(%arg14 : memref<!tpu.dma_semaphore, #tpu.memory_space<semaphore_mem>>) src(%dma_wait3A_842 : memref<8x128xf32, #tpu.memory_space<vmem>>) dst(%dma_wait3A_839 : memref<8x128xf32, #tpu.memory_space<hbm>>)
    %dma_wait3A_843 = arith.constant 0 : i32
    %dma_wait3A_844 = arith.constant 0 : i32
    %dma_wait3A_845 = arith.constant 0 : i32
    %dma_wait3A_846 = arith.constant 0 : i32
    %dma_wait3A_847 = tpu.memref_slice %arg8[%dma_wait3A_845, %dma_wait3A_846] : memref<128x129xf32, #tpu.memory_space<vmem>> -> memref<8x128xf32, #tpu.memory_space<vmem>>
    %dma_wait3A_848 = arith.constant 0 : i32
    %dma_wait3A_849 = arith.constant 0 : i32
    %dma_wait3A_850 = tpu.memref_slice %arg4[%dma_wait3A_843, %dma_wait3A_844, %add3A, %dma_wait3A_848, %dma_wait3A_849] : memref<50x8x32x8x128xf32, #tpu.memory_space<hbm>> -> memref<1x1x1x8x128xf32, #tpu.memory_space<hbm>>
    %dma_wait3A_851 = tpu.memref_squeeze %dma_wait3A_850 : memref<1x1x1x8x128xf32, #tpu.memory_space<hbm>> -> memref<8x128xf32, #tpu.memory_space<hbm>>
    %dma_wait3A_852 = arith.constant 0 : i32
    %dma_wait3A_853 = arith.constant 0 : i32
    %dma_wait3A_854 = tpu.memref_slice %arg4[%dma_wait3A_843, %dma_wait3A_844, %add3A, %dma_wait3A_852, %dma_wait3A_853] : memref<50x8x32x8x128xf32, #tpu.memory_space<hbm>> -> memref<1x1x1x8x128xf32, #tpu.memory_space<hbm>>
    %dma_wait3A_855 = tpu.memref_squeeze %dma_wait3A_854 : memref<1x1x1x8x128xf32, #tpu.memory_space<hbm>> -> memref<8x128xf32, #tpu.memory_space<hbm>>
    %dma_wait3A_856 = arith.constant 0 : i32
    %dma_wait3A_857 = arith.constant 0 : i32
    %dma_wait3A_858 = tpu.memref_slice %arg8[%dma_wait3A_856, %dma_wait3A_857] : memref<128x129xf32, #tpu.memory_space<vmem>> -> memref<8x128xf32, #tpu.memory_space<vmem>>
    tpu.wait_dma2 semaphore(%arg13 : memref<!tpu.dma_semaphore, #tpu.memory_space<semaphore_mem>>) src(%dma_wait3A_858 : memref<8x128xf32, #tpu.memory_space<vmem>>) dst(%dma_wait3A_855 : memref<8x128xf32, #tpu.memory_space<hbm>>)
    %dma_wait3A_859 = arith.constant 0 : i32
    %dma_wait3A_860 = arith.constant 1 : i32
    %dma_wait3A_861 = arith.constant 8 : i32
    %dma_wait3A_862 = arith.constant 0 : i32
    %dma_wait3A_863 = tpu.memref_slice %arg8[%dma_wait3A_861, %dma_wait3A_862] : memref<128x129xf32, #tpu.memory_space<vmem>> -> memref<8x128xf32, #tpu.memory_space<vmem>>
    %dma_wait3A_864 = arith.constant 0 : i32
    %dma_wait3A_865 = arith.constant 0 : i32
    %dma_wait3A_866 = tpu.memref_slice %arg4[%dma_wait3A_859, %dma_wait3A_860, %add3A, %dma_wait3A_864, %dma_wait3A_865] : memref<50x8x32x8x128xf32, #tpu.memory_space<hbm>> -> memref<1x1x1x8x128xf32, #tpu.memory_space<hbm>>
    %dma_wait3A_867 = tpu.memref_squeeze %dma_wait3A_866 : memref<1x1x1x8x128xf32, #tpu.memory_space<hbm>> -> memref<8x128xf32, #tpu.memory_space<hbm>>
    %dma_wait3A_868 = arith.constant 0 : i32
    %dma_wait3A_869 = arith.constant 0 : i32
    %dma_wait3A_870 = tpu.memref_slice %arg4[%dma_wait3A_859, %dma_wait3A_860, %add3A, %dma_wait3A_868, %dma_wait3A_869] : memref<50x8x32x8x128xf32, #tpu.memory_space<hbm>> -> memref<1x1x1x8x128xf32, #tpu.memory_space<hbm>>
    %dma_wait3A_871 = tpu.memref_squeeze %dma_wait3A_870 : memref<1x1x1x8x128xf32, #tpu.memory_space<hbm>> -> memref<8x128xf32, #tpu.memory_space<hbm>>
    %dma_wait3A_872 = arith.constant 8 : i32
    %dma_wait3A_873 = arith.constant 0 : i32
    %dma_wait3A_874 = tpu.memref_slice %arg8[%dma_wait3A_872, %dma_wait3A_873] : memref<128x129xf32, #tpu.memory_space<vmem>> -> memref<8x128xf32, #tpu.memory_space<vmem>>
    tpu.wait_dma2 semaphore(%arg13 : memref<!tpu.dma_semaphore, #tpu.memory_space<semaphore_mem>>) src(%dma_wait3A_874 : memref<8x128xf32, #tpu.memory_space<vmem>>) dst(%dma_wait3A_871 : memref<8x128xf32, #tpu.memory_space<hbm>>)
    %dma_wait3A_875 = arith.constant 0 : i32
    %dma_wait3A_876 = arith.constant 2 : i32
    %dma_wait3A_877 = arith.constant 16 : i32
    %dma_wait3A_878 = arith.constant 0 : i32
    %dma_wait3A_879 = tpu.memref_slice %arg8[%dma_wait3A_877, %dma_wait3A_878] : memref<128x129xf32, #tpu.memory_space<vmem>> -> memref<8x128xf32, #tpu.memory_space<vmem>>
    %dma_wait3A_880 = arith.constant 0 : i32
    %dma_wait3A_881 = arith.constant 0 : i32
    %dma_wait3A_882 = tpu.memref_slice %arg4[%dma_wait3A_875, %dma_wait3A_876, %add3A, %dma_wait3A_880, %dma_wait3A_881] : memref<50x8x32x8x128xf32, #tpu.memory_space<hbm>> -> memref<1x1x1x8x128xf32, #tpu.memory_space<hbm>>
    %dma_wait3A_883 = tpu.memref_squeeze %dma_wait3A_882 : memref<1x1x1x8x128xf32, #tpu.memory_space<hbm>> -> memref<8x128xf32, #tpu.memory_space<hbm>>
    %dma_wait3A_884 = arith.constant 0 : i32
    %dma_wait3A_885 = arith.constant 0 : i32
    %dma_wait3A_886 = tpu.memref_slice %arg4[%dma_wait3A_875, %dma_wait3A_876, %add3A, %dma_wait3A_884, %dma_wait3A_885] : memref<50x8x32x8x128xf32, #tpu.memory_space<hbm>> -> memref<1x1x1x8x128xf32, #tpu.memory_space<hbm>>
    %dma_wait3A_887 = tpu.memref_squeeze %dma_wait3A_886 : memref<1x1x1x8x128xf32, #tpu.memory_space<hbm>> -> memref<8x128xf32, #tpu.memory_space<hbm>>
    %dma_wait3A_888 = arith.constant 16 : i32
    %dma_wait3A_889 = arith.constant 0 : i32
    %dma_wait3A_890 = tpu.memref_slice %arg8[%dma_wait3A_888, %dma_wait3A_889] : memref<128x129xf32, #tpu.memory_space<vmem>> -> memref<8x128xf32, #tpu.memory_space<vmem>>
    tpu.wait_dma2 semaphore(%arg13 : memref<!tpu.dma_semaphore, #tpu.memory_space<semaphore_mem>>) src(%dma_wait3A_890 : memref<8x128xf32, #tpu.memory_space<vmem>>) dst(%dma_wait3A_887 : memref<8x128xf32, #tpu.memory_space<hbm>>)
    %dma_wait3A_891 = arith.constant 0 : i32
    %dma_wait3A_892 = arith.constant 3 : i32
    %dma_wait3A_893 = arith.constant 24 : i32
    %dma_wait3A_894 = arith.constant 0 : i32
    %dma_wait3A_895 = tpu.memref_slice %arg8[%dma_wait3A_893, %dma_wait3A_894] : memref<128x129xf32, #tpu.memory_space<vmem>> -> memref<8x128xf32, #tpu.memory_space<vmem>>
    %dma_wait3A_896 = arith.constant 0 : i32
    %dma_wait3A_897 = arith.constant 0 : i32
    %dma_wait3A_898 = tpu.memref_slice %arg4[%dma_wait3A_891, %dma_wait3A_892, %add3A, %dma_wait3A_896, %dma_wait3A_897] : memref<50x8x32x8x128xf32, #tpu.memory_space<hbm>> -> memref<1x1x1x8x128xf32, #tpu.memory_space<hbm>>
    %dma_wait3A_899 = tpu.memref_squeeze %dma_wait3A_898 : memref<1x1x1x8x128xf32, #tpu.memory_space<hbm>> -> memref<8x128xf32, #tpu.memory_space<hbm>>
    %dma_wait3A_900 = arith.constant 0 : i32
    %dma_wait3A_901 = arith.constant 0 : i32
    %dma_wait3A_902 = tpu.memref_slice %arg4[%dma_wait3A_891, %dma_wait3A_892, %add3A, %dma_wait3A_900, %dma_wait3A_901] : memref<50x8x32x8x128xf32, #tpu.memory_space<hbm>> -> memref<1x1x1x8x128xf32, #tpu.memory_space<hbm>>
    %dma_wait3A_903 = tpu.memref_squeeze %dma_wait3A_902 : memref<1x1x1x8x128xf32, #tpu.memory_space<hbm>> -> memref<8x128xf32, #tpu.memory_space<hbm>>
    %dma_wait3A_904 = arith.constant 24 : i32
    %dma_wait3A_905 = arith.constant 0 : i32
    %dma_wait3A_906 = tpu.memref_slice %arg8[%dma_wait3A_904, %dma_wait3A_905] : memref<128x129xf32, #tpu.memory_space<vmem>> -> memref<8x128xf32, #tpu.memory_space<vmem>>
    tpu.wait_dma2 semaphore(%arg13 : memref<!tpu.dma_semaphore, #tpu.memory_space<semaphore_mem>>) src(%dma_wait3A_906 : memref<8x128xf32, #tpu.memory_space<vmem>>) dst(%dma_wait3A_903 : memref<8x128xf32, #tpu.memory_space<hbm>>)
    %dma_wait3A_907 = arith.constant 0 : i32
    %dma_wait3A_908 = arith.constant 4 : i32
    %dma_wait3A_909 = arith.constant 32 : i32
    %dma_wait3A_910 = arith.constant 0 : i32
    %dma_wait3A_911 = tpu.memref_slice %arg8[%dma_wait3A_909, %dma_wait3A_910] : memref<128x129xf32, #tpu.memory_space<vmem>> -> memref<8x128xf32, #tpu.memory_space<vmem>>
    %dma_wait3A_912 = arith.constant 0 : i32
    %dma_wait3A_913 = arith.constant 0 : i32
    %dma_wait3A_914 = tpu.memref_slice %arg4[%dma_wait3A_907, %dma_wait3A_908, %add3A, %dma_wait3A_912, %dma_wait3A_913] : memref<50x8x32x8x128xf32, #tpu.memory_space<hbm>> -> memref<1x1x1x8x128xf32, #tpu.memory_space<hbm>>
    %dma_wait3A_915 = tpu.memref_squeeze %dma_wait3A_914 : memref<1x1x1x8x128xf32, #tpu.memory_space<hbm>> -> memref<8x128xf32, #tpu.memory_space<hbm>>
    %dma_wait3A_916 = arith.constant 0 : i32
    %dma_wait3A_917 = arith.constant 0 : i32
    %dma_wait3A_918 = tpu.memref_slice %arg4[%dma_wait3A_907, %dma_wait3A_908, %add3A, %dma_wait3A_916, %dma_wait3A_917] : memref<50x8x32x8x128xf32, #tpu.memory_space<hbm>> -> memref<1x1x1x8x128xf32, #tpu.memory_space<hbm>>
    %dma_wait3A_919 = tpu.memref_squeeze %dma_wait3A_918 : memref<1x1x1x8x128xf32, #tpu.memory_space<hbm>> -> memref<8x128xf32, #tpu.memory_space<hbm>>
    %dma_wait3A_920 = arith.constant 32 : i32
    %dma_wait3A_921 = arith.constant 0 : i32
    %dma_wait3A_922 = tpu.memref_slice %arg8[%dma_wait3A_920, %dma_wait3A_921] : memref<128x129xf32, #tpu.memory_space<vmem>> -> memref<8x128xf32, #tpu.memory_space<vmem>>
    tpu.wait_dma2 semaphore(%arg13 : memref<!tpu.dma_semaphore, #tpu.memory_space<semaphore_mem>>) src(%dma_wait3A_922 : memref<8x128xf32, #tpu.memory_space<vmem>>) dst(%dma_wait3A_919 : memref<8x128xf32, #tpu.memory_space<hbm>>)
    %dma_wait3A_923 = arith.constant 0 : i32
    %dma_wait3A_924 = arith.constant 5 : i32
    %dma_wait3A_925 = arith.constant 40 : i32
    %dma_wait3A_926 = arith.constant 0 : i32
    %dma_wait3A_927 = tpu.memref_slice %arg8[%dma_wait3A_925, %dma_wait3A_926] : memref<128x129xf32, #tpu.memory_space<vmem>> -> memref<8x128xf32, #tpu.memory_space<vmem>>
    %dma_wait3A_928 = arith.constant 0 : i32
    %dma_wait3A_929 = arith.constant 0 : i32
    %dma_wait3A_930 = tpu.memref_slice %arg4[%dma_wait3A_923, %dma_wait3A_924, %add3A, %dma_wait3A_928, %dma_wait3A_929] : memref<50x8x32x8x128xf32, #tpu.memory_space<hbm>> -> memref<1x1x1x8x128xf32, #tpu.memory_space<hbm>>
    %dma_wait3A_931 = tpu.memref_squeeze %dma_wait3A_930 : memref<1x1x1x8x128xf32, #tpu.memory_space<hbm>> -> memref<8x128xf32, #tpu.memory_space<hbm>>
    %dma_wait3A_932 = arith.constant 0 : i32
    %dma_wait3A_933 = arith.constant 0 : i32
    %dma_wait3A_934 = tpu.memref_slice %arg4[%dma_wait3A_923, %dma_wait3A_924, %add3A, %dma_wait3A_932, %dma_wait3A_933] : memref<50x8x32x8x128xf32, #tpu.memory_space<hbm>> -> memref<1x1x1x8x128xf32, #tpu.memory_space<hbm>>
    %dma_wait3A_935 = tpu.memref_squeeze %dma_wait3A_934 : memref<1x1x1x8x128xf32, #tpu.memory_space<hbm>> -> memref<8x128xf32, #tpu.memory_space<hbm>>
    %dma_wait3A_936 = arith.constant 40 : i32
    %dma_wait3A_937 = arith.constant 0 : i32
    %dma_wait3A_938 = tpu.memref_slice %arg8[%dma_wait3A_936, %dma_wait3A_937] : memref<128x129xf32, #tpu.memory_space<vmem>> -> memref<8x128xf32, #tpu.memory_space<vmem>>
    tpu.wait_dma2 semaphore(%arg13 : memref<!tpu.dma_semaphore, #tpu.memory_space<semaphore_mem>>) src(%dma_wait3A_938 : memref<8x128xf32, #tpu.memory_space<vmem>>) dst(%dma_wait3A_935 : memref<8x128xf32, #tpu.memory_space<hbm>>)
    %dma_wait3A_939 = arith.constant 0 : i32
    %dma_wait3A_940 = arith.constant 6 : i32
    %dma_wait3A_941 = arith.constant 48 : i32
    %dma_wait3A_942 = arith.constant 0 : i32
    %dma_wait3A_943 = tpu.memref_slice %arg8[%dma_wait3A_941, %dma_wait3A_942] : memref<128x129xf32, #tpu.memory_space<vmem>> -> memref<8x128xf32, #tpu.memory_space<vmem>>
    %dma_wait3A_944 = arith.constant 0 : i32
    %dma_wait3A_945 = arith.constant 0 : i32
    %dma_wait3A_946 = tpu.memref_slice %arg4[%dma_wait3A_939, %dma_wait3A_940, %add3A, %dma_wait3A_944, %dma_wait3A_945] : memref<50x8x32x8x128xf32, #tpu.memory_space<hbm>> -> memref<1x1x1x8x128xf32, #tpu.memory_space<hbm>>
    %dma_wait3A_947 = tpu.memref_squeeze %dma_wait3A_946 : memref<1x1x1x8x128xf32, #tpu.memory_space<hbm>> -> memref<8x128xf32, #tpu.memory_space<hbm>>
    %dma_wait3A_948 = arith.constant 0 : i32
    %dma_wait3A_949 = arith.constant 0 : i32
    %dma_wait3A_950 = tpu.memref_slice %arg4[%dma_wait3A_939, %dma_wait3A_940, %add3A, %dma_wait3A_948, %dma_wait3A_949] : memref<50x8x32x8x128xf32, #tpu.memory_space<hbm>> -> memref<1x1x1x8x128xf32, #tpu.memory_space<hbm>>
    %dma_wait3A_951 = tpu.memref_squeeze %dma_wait3A_950 : memref<1x1x1x8x128xf32, #tpu.memory_space<hbm>> -> memref<8x128xf32, #tpu.memory_space<hbm>>
    %dma_wait3A_952 = arith.constant 48 : i32
    %dma_wait3A_953 = arith.constant 0 : i32
    %dma_wait3A_954 = tpu.memref_slice %arg8[%dma_wait3A_952, %dma_wait3A_953] : memref<128x129xf32, #tpu.memory_space<vmem>> -> memref<8x128xf32, #tpu.memory_space<vmem>>
    tpu.wait_dma2 semaphore(%arg13 : memref<!tpu.dma_semaphore, #tpu.memory_space<semaphore_mem>>) src(%dma_wait3A_954 : memref<8x128xf32, #tpu.memory_space<vmem>>) dst(%dma_wait3A_951 : memref<8x128xf32, #tpu.memory_space<hbm>>)
    %dma_wait3A_955 = arith.constant 0 : i32
    %dma_wait3A_956 = arith.constant 7 : i32
    %dma_wait3A_957 = arith.constant 56 : i32
    %dma_wait3A_958 = arith.constant 0 : i32
    %dma_wait3A_959 = tpu.memref_slice %arg8[%dma_wait3A_957, %dma_wait3A_958] : memref<128x129xf32, #tpu.memory_space<vmem>> -> memref<8x128xf32, #tpu.memory_space<vmem>>
    %dma_wait3A_960 = arith.constant 0 : i32
    %dma_wait3A_961 = arith.constant 0 : i32
    %dma_wait3A_962 = tpu.memref_slice %arg4[%dma_wait3A_955, %dma_wait3A_956, %add3A, %dma_wait3A_960, %dma_wait3A_961] : memref<50x8x32x8x128xf32, #tpu.memory_space<hbm>> -> memref<1x1x1x8x128xf32, #tpu.memory_space<hbm>>
    %dma_wait3A_963 = tpu.memref_squeeze %dma_wait3A_962 : memref<1x1x1x8x128xf32, #tpu.memory_space<hbm>> -> memref<8x128xf32, #tpu.memory_space<hbm>>
    %dma_wait3A_964 = arith.constant 0 : i32
    %dma_wait3A_965 = arith.constant 0 : i32
    %dma_wait3A_966 = tpu.memref_slice %arg4[%dma_wait3A_955, %dma_wait3A_956, %add3A, %dma_wait3A_964, %dma_wait3A_965] : memref<50x8x32x8x128xf32, #tpu.memory_space<hbm>> -> memref<1x1x1x8x128xf32, #tpu.memory_space<hbm>>
    %dma_wait3A_967 = tpu.memref_squeeze %dma_wait3A_966 : memref<1x1x1x8x128xf32, #tpu.memory_space<hbm>> -> memref<8x128xf32, #tpu.memory_space<hbm>>
    %dma_wait3A_968 = arith.constant 56 : i32
    %dma_wait3A_969 = arith.constant 0 : i32
    %dma_wait3A_970 = tpu.memref_slice %arg8[%dma_wait3A_968, %dma_wait3A_969] : memref<128x129xf32, #tpu.memory_space<vmem>> -> memref<8x128xf32, #tpu.memory_space<vmem>>
    tpu.wait_dma2 semaphore(%arg13 : memref<!tpu.dma_semaphore, #tpu.memory_space<semaphore_mem>>) src(%dma_wait3A_970 : memref<8x128xf32, #tpu.memory_space<vmem>>) dst(%dma_wait3A_967 : memref<8x128xf32, #tpu.memory_space<hbm>>)
    %dma_wait3A_971 = arith.constant 1 : i32
    %dma_wait3A_972 = arith.constant 0 : i32
    %dma_wait3A_973 = arith.constant 64 : i32
    %dma_wait3A_974 = arith.constant 0 : i32
    %dma_wait3A_975 = tpu.memref_slice %arg8[%dma_wait3A_973, %dma_wait3A_974] : memref<128x129xf32, #tpu.memory_space<vmem>> -> memref<8x128xf32, #tpu.memory_space<vmem>>
    %dma_wait3A_976 = arith.constant 0 : i32
    %dma_wait3A_977 = arith.constant 0 : i32
    %dma_wait3A_978 = tpu.memref_slice %arg4[%dma_wait3A_971, %dma_wait3A_972, %add3A, %dma_wait3A_976, %dma_wait3A_977] : memref<50x8x32x8x128xf32, #tpu.memory_space<hbm>> -> memref<1x1x1x8x128xf32, #tpu.memory_space<hbm>>
    %dma_wait3A_979 = tpu.memref_squeeze %dma_wait3A_978 : memref<1x1x1x8x128xf32, #tpu.memory_space<hbm>> -> memref<8x128xf32, #tpu.memory_space<hbm>>
    %dma_wait3A_980 = arith.constant 0 : i32
    %dma_wait3A_981 = arith.constant 0 : i32
    %dma_wait3A_982 = tpu.memref_slice %arg4[%dma_wait3A_971, %dma_wait3A_972, %add3A, %dma_wait3A_980, %dma_wait3A_981] : memref<50x8x32x8x128xf32, #tpu.memory_space<hbm>> -> memref<1x1x1x8x128xf32, #tpu.memory_space<hbm>>
    %dma_wait3A_983 = tpu.memref_squeeze %dma_wait3A_982 : memref<1x1x1x8x128xf32, #tpu.memory_space<hbm>> -> memref<8x128xf32, #tpu.memory_space<hbm>>
    %dma_wait3A_984 = arith.constant 64 : i32
    %dma_wait3A_985 = arith.constant 0 : i32
    %dma_wait3A_986 = tpu.memref_slice %arg8[%dma_wait3A_984, %dma_wait3A_985] : memref<128x129xf32, #tpu.memory_space<vmem>> -> memref<8x128xf32, #tpu.memory_space<vmem>>
    tpu.wait_dma2 semaphore(%arg13 : memref<!tpu.dma_semaphore, #tpu.memory_space<semaphore_mem>>) src(%dma_wait3A_986 : memref<8x128xf32, #tpu.memory_space<vmem>>) dst(%dma_wait3A_983 : memref<8x128xf32, #tpu.memory_space<hbm>>)
    %dma_wait3A_987 = arith.constant 1 : i32
    %dma_wait3A_988 = arith.constant 1 : i32
    %dma_wait3A_989 = arith.constant 72 : i32
    %dma_wait3A_990 = arith.constant 0 : i32
    %dma_wait3A_991 = tpu.memref_slice %arg8[%dma_wait3A_989, %dma_wait3A_990] : memref<128x129xf32, #tpu.memory_space<vmem>> -> memref<8x128xf32, #tpu.memory_space<vmem>>
    %dma_wait3A_992 = arith.constant 0 : i32
    %dma_wait3A_993 = arith.constant 0 : i32
    %dma_wait3A_994 = tpu.memref_slice %arg4[%dma_wait3A_987, %dma_wait3A_988, %add3A, %dma_wait3A_992, %dma_wait3A_993] : memref<50x8x32x8x128xf32, #tpu.memory_space<hbm>> -> memref<1x1x1x8x128xf32, #tpu.memory_space<hbm>>
    %dma_wait3A_995 = tpu.memref_squeeze %dma_wait3A_994 : memref<1x1x1x8x128xf32, #tpu.memory_space<hbm>> -> memref<8x128xf32, #tpu.memory_space<hbm>>
    %dma_wait3A_996 = arith.constant 0 : i32
    %dma_wait3A_997 = arith.constant 0 : i32
    %dma_wait3A_998 = tpu.memref_slice %arg4[%dma_wait3A_987, %dma_wait3A_988, %add3A, %dma_wait3A_996, %dma_wait3A_997] : memref<50x8x32x8x128xf32, #tpu.memory_space<hbm>> -> memref<1x1x1x8x128xf32, #tpu.memory_space<hbm>>
    %dma_wait3A_999 = tpu.memref_squeeze %dma_wait3A_998 : memref<1x1x1x8x128xf32, #tpu.memory_space<hbm>> -> memref<8x128xf32, #tpu.memory_space<hbm>>
    %dma_wait3A_1000 = arith.constant 72 : i32
    %dma_wait3A_1001 = arith.constant 0 : i32
    %dma_wait3A_1002 = tpu.memref_slice %arg8[%dma_wait3A_1000, %dma_wait3A_1001] : memref<128x129xf32, #tpu.memory_space<vmem>> -> memref<8x128xf32, #tpu.memory_space<vmem>>
    tpu.wait_dma2 semaphore(%arg13 : memref<!tpu.dma_semaphore, #tpu.memory_space<semaphore_mem>>) src(%dma_wait3A_1002 : memref<8x128xf32, #tpu.memory_space<vmem>>) dst(%dma_wait3A_999 : memref<8x128xf32, #tpu.memory_space<hbm>>)
    %dma_wait3A_1003 = arith.constant 1 : i32
    %dma_wait3A_1004 = arith.constant 2 : i32
    %dma_wait3A_1005 = arith.constant 80 : i32
    %dma_wait3A_1006 = arith.constant 0 : i32
    %dma_wait3A_1007 = tpu.memref_slice %arg8[%dma_wait3A_1005, %dma_wait3A_1006] : memref<128x129xf32, #tpu.memory_space<vmem>> -> memref<8x128xf32, #tpu.memory_space<vmem>>
    %dma_wait3A_1008 = arith.constant 0 : i32
    %dma_wait3A_1009 = arith.constant 0 : i32
    %dma_wait3A_1010 = tpu.memref_slice %arg4[%dma_wait3A_1003, %dma_wait3A_1004, %add3A, %dma_wait3A_1008, %dma_wait3A_1009] : memref<50x8x32x8x128xf32, #tpu.memory_space<hbm>> -> memref<1x1x1x8x128xf32, #tpu.memory_space<hbm>>
    %dma_wait3A_1011 = tpu.memref_squeeze %dma_wait3A_1010 : memref<1x1x1x8x128xf32, #tpu.memory_space<hbm>> -> memref<8x128xf32, #tpu.memory_space<hbm>>
    %dma_wait3A_1012 = arith.constant 0 : i32
    %dma_wait3A_1013 = arith.constant 0 : i32
    %dma_wait3A_1014 = tpu.memref_slice %arg4[%dma_wait3A_1003, %dma_wait3A_1004, %add3A, %dma_wait3A_1012, %dma_wait3A_1013] : memref<50x8x32x8x128xf32, #tpu.memory_space<hbm>> -> memref<1x1x1x8x128xf32, #tpu.memory_space<hbm>>
    %dma_wait3A_1015 = tpu.memref_squeeze %dma_wait3A_1014 : memref<1x1x1x8x128xf32, #tpu.memory_space<hbm>> -> memref<8x128xf32, #tpu.memory_space<hbm>>
    %dma_wait3A_1016 = arith.constant 80 : i32
    %dma_wait3A_1017 = arith.constant 0 : i32
    %dma_wait3A_1018 = tpu.memref_slice %arg8[%dma_wait3A_1016, %dma_wait3A_1017] : memref<128x129xf32, #tpu.memory_space<vmem>> -> memref<8x128xf32, #tpu.memory_space<vmem>>
    tpu.wait_dma2 semaphore(%arg13 : memref<!tpu.dma_semaphore, #tpu.memory_space<semaphore_mem>>) src(%dma_wait3A_1018 : memref<8x128xf32, #tpu.memory_space<vmem>>) dst(%dma_wait3A_1015 : memref<8x128xf32, #tpu.memory_space<hbm>>)
    %dma_wait3A_1019 = arith.constant 1 : i32
    %dma_wait3A_1020 = arith.constant 3 : i32
    %dma_wait3A_1021 = arith.constant 88 : i32
    %dma_wait3A_1022 = arith.constant 0 : i32
    %dma_wait3A_1023 = tpu.memref_slice %arg8[%dma_wait3A_1021, %dma_wait3A_1022] : memref<128x129xf32, #tpu.memory_space<vmem>> -> memref<8x128xf32, #tpu.memory_space<vmem>>
    %dma_wait3A_1024 = arith.constant 0 : i32
    %dma_wait3A_1025 = arith.constant 0 : i32
    %dma_wait3A_1026 = tpu.memref_slice %arg4[%dma_wait3A_1019, %dma_wait3A_1020, %add3A, %dma_wait3A_1024, %dma_wait3A_1025] : memref<50x8x32x8x128xf32, #tpu.memory_space<hbm>> -> memref<1x1x1x8x128xf32, #tpu.memory_space<hbm>>
    %dma_wait3A_1027 = tpu.memref_squeeze %dma_wait3A_1026 : memref<1x1x1x8x128xf32, #tpu.memory_space<hbm>> -> memref<8x128xf32, #tpu.memory_space<hbm>>
    %dma_wait3A_1028 = arith.constant 0 : i32
    %dma_wait3A_1029 = arith.constant 0 : i32
    %dma_wait3A_1030 = tpu.memref_slice %arg4[%dma_wait3A_1019, %dma_wait3A_1020, %add3A, %dma_wait3A_1028, %dma_wait3A_1029] : memref<50x8x32x8x128xf32, #tpu.memory_space<hbm>> -> memref<1x1x1x8x128xf32, #tpu.memory_space<hbm>>
    %dma_wait3A_1031 = tpu.memref_squeeze %dma_wait3A_1030 : memref<1x1x1x8x128xf32, #tpu.memory_space<hbm>> -> memref<8x128xf32, #tpu.memory_space<hbm>>
    %dma_wait3A_1032 = arith.constant 88 : i32
    %dma_wait3A_1033 = arith.constant 0 : i32
    %dma_wait3A_1034 = tpu.memref_slice %arg8[%dma_wait3A_1032, %dma_wait3A_1033] : memref<128x129xf32, #tpu.memory_space<vmem>> -> memref<8x128xf32, #tpu.memory_space<vmem>>
    tpu.wait_dma2 semaphore(%arg13 : memref<!tpu.dma_semaphore, #tpu.memory_space<semaphore_mem>>) src(%dma_wait3A_1034 : memref<8x128xf32, #tpu.memory_space<vmem>>) dst(%dma_wait3A_1031 : memref<8x128xf32, #tpu.memory_space<hbm>>)
    %dma_wait3A_1035 = arith.constant 1 : i32
    %dma_wait3A_1036 = arith.constant 4 : i32
    %dma_wait3A_1037 = arith.constant 96 : i32
    %dma_wait3A_1038 = arith.constant 0 : i32
    %dma_wait3A_1039 = tpu.memref_slice %arg8[%dma_wait3A_1037, %dma_wait3A_1038] : memref<128x129xf32, #tpu.memory_space<vmem>> -> memref<8x128xf32, #tpu.memory_space<vmem>>
    %dma_wait3A_1040 = arith.constant 0 : i32
    %dma_wait3A_1041 = arith.constant 0 : i32
    %dma_wait3A_1042 = tpu.memref_slice %arg4[%dma_wait3A_1035, %dma_wait3A_1036, %add3A, %dma_wait3A_1040, %dma_wait3A_1041] : memref<50x8x32x8x128xf32, #tpu.memory_space<hbm>> -> memref<1x1x1x8x128xf32, #tpu.memory_space<hbm>>
    %dma_wait3A_1043 = tpu.memref_squeeze %dma_wait3A_1042 : memref<1x1x1x8x128xf32, #tpu.memory_space<hbm>> -> memref<8x128xf32, #tpu.memory_space<hbm>>
    %dma_wait3A_1044 = arith.constant 0 : i32
    %dma_wait3A_1045 = arith.constant 0 : i32
    %dma_wait3A_1046 = tpu.memref_slice %arg4[%dma_wait3A_1035, %dma_wait3A_1036, %add3A, %dma_wait3A_1044, %dma_wait3A_1045] : memref<50x8x32x8x128xf32, #tpu.memory_space<hbm>> -> memref<1x1x1x8x128xf32, #tpu.memory_space<hbm>>
    %dma_wait3A_1047 = tpu.memref_squeeze %dma_wait3A_1046 : memref<1x1x1x8x128xf32, #tpu.memory_space<hbm>> -> memref<8x128xf32, #tpu.memory_space<hbm>>
    %dma_wait3A_1048 = arith.constant 96 : i32
    %dma_wait3A_1049 = arith.constant 0 : i32
    %dma_wait3A_1050 = tpu.memref_slice %arg8[%dma_wait3A_1048, %dma_wait3A_1049] : memref<128x129xf32, #tpu.memory_space<vmem>> -> memref<8x128xf32, #tpu.memory_space<vmem>>
    tpu.wait_dma2 semaphore(%arg13 : memref<!tpu.dma_semaphore, #tpu.memory_space<semaphore_mem>>) src(%dma_wait3A_1050 : memref<8x128xf32, #tpu.memory_space<vmem>>) dst(%dma_wait3A_1047 : memref<8x128xf32, #tpu.memory_space<hbm>>)
    %dma_wait3A_1051 = arith.constant 1 : i32
    %dma_wait3A_1052 = arith.constant 5 : i32
    %dma_wait3A_1053 = arith.constant 104 : i32
    %dma_wait3A_1054 = arith.constant 0 : i32
    %dma_wait3A_1055 = tpu.memref_slice %arg8[%dma_wait3A_1053, %dma_wait3A_1054] : memref<128x129xf32, #tpu.memory_space<vmem>> -> memref<8x128xf32, #tpu.memory_space<vmem>>
    %dma_wait3A_1056 = arith.constant 0 : i32
    %dma_wait3A_1057 = arith.constant 0 : i32
    %dma_wait3A_1058 = tpu.memref_slice %arg4[%dma_wait3A_1051, %dma_wait3A_1052, %add3A, %dma_wait3A_1056, %dma_wait3A_1057] : memref<50x8x32x8x128xf32, #tpu.memory_space<hbm>> -> memref<1x1x1x8x128xf32, #tpu.memory_space<hbm>>
    %dma_wait3A_1059 = tpu.memref_squeeze %dma_wait3A_1058 : memref<1x1x1x8x128xf32, #tpu.memory_space<hbm>> -> memref<8x128xf32, #tpu.memory_space<hbm>>
    %dma_wait3A_1060 = arith.constant 0 : i32
    %dma_wait3A_1061 = arith.constant 0 : i32
    %dma_wait3A_1062 = tpu.memref_slice %arg4[%dma_wait3A_1051, %dma_wait3A_1052, %add3A, %dma_wait3A_1060, %dma_wait3A_1061] : memref<50x8x32x8x128xf32, #tpu.memory_space<hbm>> -> memref<1x1x1x8x128xf32, #tpu.memory_space<hbm>>
    %dma_wait3A_1063 = tpu.memref_squeeze %dma_wait3A_1062 : memref<1x1x1x8x128xf32, #tpu.memory_space<hbm>> -> memref<8x128xf32, #tpu.memory_space<hbm>>
    %dma_wait3A_1064 = arith.constant 104 : i32
    %dma_wait3A_1065 = arith.constant 0 : i32
    %dma_wait3A_1066 = tpu.memref_slice %arg8[%dma_wait3A_1064, %dma_wait3A_1065] : memref<128x129xf32, #tpu.memory_space<vmem>> -> memref<8x128xf32, #tpu.memory_space<vmem>>
    tpu.wait_dma2 semaphore(%arg13 : memref<!tpu.dma_semaphore, #tpu.memory_space<semaphore_mem>>) src(%dma_wait3A_1066 : memref<8x128xf32, #tpu.memory_space<vmem>>) dst(%dma_wait3A_1063 : memref<8x128xf32, #tpu.memory_space<hbm>>)
    %dma_wait3A_1067 = arith.constant 1 : i32
    %dma_wait3A_1068 = arith.constant 6 : i32
    %dma_wait3A_1069 = arith.constant 112 : i32
    %dma_wait3A_1070 = arith.constant 0 : i32
    %dma_wait3A_1071 = tpu.memref_slice %arg8[%dma_wait3A_1069, %dma_wait3A_1070] : memref<128x129xf32, #tpu.memory_space<vmem>> -> memref<8x128xf32, #tpu.memory_space<vmem>>
    %dma_wait3A_1072 = arith.constant 0 : i32
    %dma_wait3A_1073 = arith.constant 0 : i32
    %dma_wait3A_1074 = tpu.memref_slice %arg4[%dma_wait3A_1067, %dma_wait3A_1068, %add3A, %dma_wait3A_1072, %dma_wait3A_1073] : memref<50x8x32x8x128xf32, #tpu.memory_space<hbm>> -> memref<1x1x1x8x128xf32, #tpu.memory_space<hbm>>
    %dma_wait3A_1075 = tpu.memref_squeeze %dma_wait3A_1074 : memref<1x1x1x8x128xf32, #tpu.memory_space<hbm>> -> memref<8x128xf32, #tpu.memory_space<hbm>>
    %dma_wait3A_1076 = arith.constant 0 : i32
    %dma_wait3A_1077 = arith.constant 0 : i32
    %dma_wait3A_1078 = tpu.memref_slice %arg4[%dma_wait3A_1067, %dma_wait3A_1068, %add3A, %dma_wait3A_1076, %dma_wait3A_1077] : memref<50x8x32x8x128xf32, #tpu.memory_space<hbm>> -> memref<1x1x1x8x128xf32, #tpu.memory_space<hbm>>
    %dma_wait3A_1079 = tpu.memref_squeeze %dma_wait3A_1078 : memref<1x1x1x8x128xf32, #tpu.memory_space<hbm>> -> memref<8x128xf32, #tpu.memory_space<hbm>>
    %dma_wait3A_1080 = arith.constant 112 : i32
    %dma_wait3A_1081 = arith.constant 0 : i32
    %dma_wait3A_1082 = tpu.memref_slice %arg8[%dma_wait3A_1080, %dma_wait3A_1081] : memref<128x129xf32, #tpu.memory_space<vmem>> -> memref<8x128xf32, #tpu.memory_space<vmem>>
    tpu.wait_dma2 semaphore(%arg13 : memref<!tpu.dma_semaphore, #tpu.memory_space<semaphore_mem>>) src(%dma_wait3A_1082 : memref<8x128xf32, #tpu.memory_space<vmem>>) dst(%dma_wait3A_1079 : memref<8x128xf32, #tpu.memory_space<hbm>>)
    %dma_wait3A_1083 = arith.constant 1 : i32
    %dma_wait3A_1084 = arith.constant 7 : i32
    %dma_wait3A_1085 = arith.constant 120 : i32
    %dma_wait3A_1086 = arith.constant 0 : i32
    %dma_wait3A_1087 = tpu.memref_slice %arg8[%dma_wait3A_1085, %dma_wait3A_1086] : memref<128x129xf32, #tpu.memory_space<vmem>> -> memref<8x128xf32, #tpu.memory_space<vmem>>
    %dma_wait3A_1088 = arith.constant 0 : i32
    %dma_wait3A_1089 = arith.constant 0 : i32
    %dma_wait3A_1090 = tpu.memref_slice %arg4[%dma_wait3A_1083, %dma_wait3A_1084, %add3A, %dma_wait3A_1088, %dma_wait3A_1089] : memref<50x8x32x8x128xf32, #tpu.memory_space<hbm>> -> memref<1x1x1x8x128xf32, #tpu.memory_space<hbm>>
    %dma_wait3A_1091 = tpu.memref_squeeze %dma_wait3A_1090 : memref<1x1x1x8x128xf32, #tpu.memory_space<hbm>> -> memref<8x128xf32, #tpu.memory_space<hbm>>
    %dma_wait3A_1092 = arith.constant 0 : i32
    %dma_wait3A_1093 = arith.constant 0 : i32
    %dma_wait3A_1094 = tpu.memref_slice %arg4[%dma_wait3A_1083, %dma_wait3A_1084, %add3A, %dma_wait3A_1092, %dma_wait3A_1093] : memref<50x8x32x8x128xf32, #tpu.memory_space<hbm>> -> memref<1x1x1x8x128xf32, #tpu.memory_space<hbm>>
    %dma_wait3A_1095 = tpu.memref_squeeze %dma_wait3A_1094 : memref<1x1x1x8x128xf32, #tpu.memory_space<hbm>> -> memref<8x128xf32, #tpu.memory_space<hbm>>
    %dma_wait3A_1096 = arith.constant 120 : i32
    %dma_wait3A_1097 = arith.constant 0 : i32
    %dma_wait3A_1098 = tpu.memref_slice %arg8[%dma_wait3A_1096, %dma_wait3A_1097] : memref<128x129xf32, #tpu.memory_space<vmem>> -> memref<8x128xf32, #tpu.memory_space<vmem>>
    tpu.wait_dma2 semaphore(%arg13 : memref<!tpu.dma_semaphore, #tpu.memory_space<semaphore_mem>>) src(%dma_wait3A_1098 : memref<8x128xf32, #tpu.memory_space<vmem>>) dst(%dma_wait3A_1095 : memref<8x128xf32, #tpu.memory_space<hbm>>)
    return
  }
}

</mosaic_0001>

<sc_bundles>
// kernel: kernel.3.cloned.1.call-start
scs
__scs_entry_jumppad:
0x0: {  	(pc) =	sbr.rel $0x88, $3  }
0x1: {  	(tag) =	ssettag $0x0;
	lr =	simm.s32 $0x1  }
0x2: {  	[smem:$0x3F9F] =	sst lr;
	_ =	strace $0xD0000000  }
0x3: {  	_ = 	snop  }
0x4: {  	_ = 	snop  }
0x5: {  	_ = 	snop  }
0x6: {  	_ = 	snop  }
0x7: {  	_ = 	snop  }
__scs_overlays_trampoline_lowered:
0x8: {  	[smem:$0x3FAE] =	sst s0  }
0x9: {  	[smem:$0x3FAF] =	sst s1  }
0xa: {  	[smem:$0x3FB0] =	sst s2  }
0xb: {  	[smem:$0x3FB1] =	sst s3  }
0xc: {  	[smem:$0x3FB2] =	sst s4  }
0xd: {  	[smem:$0x3FB3] =	sst s5  }
0xe: {  	[smem:$0x3FB4] =	sst s6  }
0xf: {  	[smem:$0x3FB5] =	sst s7  }
0x10: {  	[smem:$0x3FB6] =	sst s8  }
0x11: {  	[smem:$0x3FB7] =	sst s9;
	s0 =	simm.s32 @!p0 $0x0  }
0x12: {  	s1 =	sld [smem:$0x3F9D];
	s0 =	simm.s32 @p0 $0x1  }
0x13: {  	[smem:$0x3FB8] =	sst s0;
	s0 =	simm.s32 @!p1 $0x0  }
0x14: {  	s2 =	sld [smem:$0x3F9C];
	s0 =	simm.s32 @p1 $0x1  }
0x15: {  	[smem:$0x3FB9] =	sst s0;
	s0 =	simm.s32 @!p2 $0x0  }
0x16: {  	s3 =	sld [smem:$0x3FDB];
	s0 =	simm.s32 @p2 $0x1  }
0x17: {  	s4 =	simm.s32 $0x1BF5;
	[smem:$0x3FBB] =	sst s0  }
0x18: {  	s0 =	sld [smem:$0x3F9E];
	_ =	swait.ge [sflag:s4], $0x0  }
0x19: {  	s7 =	sld [smem:$0x3F9F]  }
0x1a: {  	s8 =	sadd.s32 $0xFFFFE003, lr  }
0x1b: {  	s9 =	sadd.s32 $0xFFFFFEF7, lr;
	s5 =	simm.s32 $0xFFFFFFFF;
	p2 =	slt.u32 s8, $0xFFFFF086  }
0x1c: {  	p1 =	slt.u32 s9, $0xF7A;
	s5 =	simm.s32 @!p2 $0x0  }
0x1d: {  	s5 =	simm.s32 @p1 $0x1;
	p0 =	seq.s32 s7, s2  }
0x1e: {  	s7 =	smul.u32 @!p0 $0xF7A, s2;
	p2 =	seq.s32 @!p0 s5, $0x0  }
0x1f: {  	s9 =	smul.u32 $0xF7A, s1;
	s8 =	simm.s32 @!p0 $0x1BF5;
	p2 =	por !p2, p0  }
0x20: {  	[sflag:s8] =	ssyncset.s32 @!p0 $0xFFFFF086;
	s6 =	sadd.s32 @!p0 s3, s7;
	s7 =	simm.s32 @!p0 $0x108  }
0x21: {  	s3 =	sadd.s32 s3, s9;
	s6 =	sadd.s32 @!p0 $0x88, s6;
	s7 =	simm.s32 @p2 $0x1082  }
0x22: {  	[simem:s7], [sflag:s8] =	dma.local @!p0 [hbm:s6], $0xF7A  }
0x23: {  	s9 =	sor.u32 $0xD0000000, s2;
	s6 =	simm.s32 $0x108;
	_ =	swait.ge @!p0 [sflag:s8], $0x0  }
0x24: {  	s3 =	sadd.s32 $0x88, s3;
	s6 =	simm.s32 @!p1 $0x1082;
	[sflag:s4] =	ssyncset.s32 $0xFFFFF086  }
0x25: {  	[simem:s6], [sflag:s4] =	dma.local [hbm:s3], $0xF7A  }
0x26: {  	[smem:$0x3F9F] =	sst s1;
	(tag) =	ssettag s2;
	_ =	strace s9  }
0x27: {  	s1 =	sld [smem:$0x3FAF]  }
0x28: {  	s2 =	sld [smem:$0x3FB0]  }
0x29: {  	s4 =	sld [smem:$0x3FB2]  }
0x2a: {  	p0 =	seq.s32 s5, $0x0;
	s5 =	sld [smem:$0x3FB3]  }
0x2b: {  	s6 =	sld [smem:$0x3FB4]  }
0x2c: {  	s7 =	sld [smem:$0x3FB5]  }
0x2d: {  	s3 =	simm.s32 $0x108;
	s8 =	sld [smem:$0x3FB6]  }
0x2e: {  	s3 =	simm.s32 @!p0 $0x1082;
	s9 =	sld [smem:$0x3FB7]  }
0x2f: {  	lr =	sadd.s32 s0, s3;
	s0 =	sld [smem:$0x3FAE]  }
0x30: {  	s3 =	sld [smem:$0x3FB1]  }
0x31: {  	[smem:$0x3FBA] =	sst s10  }
0x32: {  	s10 =	sld [smem:$0x3FB8];
	_ =	sdelay $0x3  }
0x33: {  	p0 =	seq.s32 s10, $0x1;
	s10 =	sld [smem:$0x3FBA];
	_ =	sdelay $0x3  }
0x34: {  	[smem:$0x3FBA] =	sst s10  }
0x35: {  	s10 =	sld [smem:$0x3FB9];
	_ =	sdelay $0x3  }
0x36: {  	p1 =	seq.s32 s10, $0x1;
	s10 =	sld [smem:$0x3FBA];
	_ =	sdelay $0x3  }
0x37: {  	[smem:$0x3FBA] =	sst s10  }
0x38: {  	s10 =	sld [smem:$0x3FBB]  }
0x39: {  	_ = 	snop;
	(pc) =	sbr.ind lr, $3  }
0x3a: {  	_ = 	snop  }
0x3b: {  	_ = 	snop  }
0x3c: {  	p2 =	seq.s32 s10, $0x1;
	s10 =	sld [smem:$0x3FBA]  }
0x3d: {  	_ =	shalt  }
0x3e: {  	_ =	shalt  }
0x3f: {  	_ =	shalt  }
0x40: {  	_ =	shalt  }
0x41: {  	_ =	shalt  }
0x42: {  	_ =	shalt  }
0x43: {  	_ =	shalt  }
0x44: {  	_ =	shalt  }
0x45: {  	_ =	shalt  }
0x46: {  	_ =	shalt  }
0x47: {  	_ =	shalt  }
0x48: {  	_ =	shalt  }
0x49: {  	_ =	shalt  }
0x4a: {  	_ =	shalt  }
0x4b: {  	_ =	shalt  }
0x4c: {  	_ =	shalt  }
0x4d: {  	_ =	shalt  }
0x4e: {  	_ =	shalt  }
0x4f: {  	_ =	shalt  }
0x50: {  	_ =	shalt  }
0x51: {  	_ =	shalt  }
0x52: {  	_ =	shalt  }
0x53: {  	_ =	shalt  }
0x54: {  	_ =	shalt  }
0x55: {  	_ =	shalt  }
0x56: {  	_ =	shalt  }
0x57: {  	_ =	shalt  }
0x58: {  	_ =	shalt  }
0x59: {  	_ =	shalt  }
0x5a: {  	_ =	shalt  }
0x5b: {  	_ =	shalt  }
0x5c: {  	_ =	shalt  }
0x5d: {  	_ =	shalt  }
0x5e: {  	_ =	shalt  }
0x5f: {  	_ =	shalt  }
0x60: {  	_ =	shalt  }
0x61: {  	_ =	shalt  }
0x62: {  	_ =	shalt  }
0x63: {  	_ =	shalt  }
0x64: {  	_ =	shalt  }
0x65: {  	_ =	shalt  }
0x66: {  	_ =	shalt  }
0x67: {  	_ =	shalt  }
0x68: {  	_ =	shalt  }
0x69: {  	_ =	shalt  }
0x6a: {  	_ =	shalt  }
0x6b: {  	_ =	shalt  }
0x6c: {  	_ =	shalt  }
0x6d: {  	_ =	shalt  }
0x6e: {  	_ =	shalt  }
0x6f: {  	_ =	shalt  }
0x70: {  	_ =	shalt  }
0x71: {  	_ =	shalt  }
0x72: {  	_ =	shalt  }
0x73: {  	_ =	shalt  }
0x74: {  	_ =	shalt  }
0x75: {  	_ =	shalt  }
0x76: {  	_ =	shalt  }
0x77: {  	_ =	shalt  }
0x78: {  	_ =	shalt  }
0x79: {  	_ =	shalt  }
0x7a: {  	_ =	shalt  }
0x7b: {  	_ =	shalt  }
0x7c: {  	_ =	shalt  }
0x7d: {  	_ =	shalt  }
0x7e: {  	_ =	shalt  }
0x7f: {  	_ =	shalt  }
0x80: {  	_ =	shalt  }
0x81: {  	_ =	shalt  }
0x82: {  	_ =	shalt  }
0x83: {  	_ =	shalt  }
0x84: {  	_ =	shalt  }
0x85: {  	_ =	shalt  }
0x86: {  	_ =	shalt  }
0x87: {  	_ =	shalt  }
.Lfunc_end0:
.L_simem_size_0:
called_computation_lowered:
.L_overlay_start_0:
0x88: {  	s2 =	sld [smem:$0x3FD9]  }
0x89: {  	s3 =	sld [smem:$0x3FFE];
	_ =	sdelay $0x1  }
0x8a: {  	s1 =	srdreg.scid  }
0x8b: {  	s0 =	sand.u32 $0x1, s1  }
0x8c: {  	s17 =	sshll.u32 s0, $0xA;
	s2 =	sadd.s32 s3, s2  }
0x8d: {  	s2 =	sadd.s32 s2, s17  }
0x8e: {  	[smem:$0x3FC6] =	sst s2  }
0x8f: {  	_ = 	snop  }
0x90: {  	s2 =	sld [smem:$0x3FD0];
	(tm) =	ssettm $0x1  }
0x91: {  	s18 =	sld [smem:$0x3FFB];
	_ =	sdelay $0x3  }
0x92: {  	_ =	strace s18  }
0x93: {  	s3 =	sld [smem:$0x3FFC];
	_ =	sdelay $0x3  }
0x94: {  	_ =	strace s3  }
0x95: {  	s3 =	sld [smem:$0x3FFD];
	_ =	sdelay $0x3  }
0x96: {  	_ =	strace s3  }
0x97: {  	_ =	strace $0x8FFFFFFF  }
0x98: {  	s19 =	sld [smem:$0x3FDB];
	_ =	sdelay $0x1  }
0x99: {  	s4 =	simm.s32 $_scs_section_size  }
0x9a: {  	s5 =	simm.s32 $_size__tile_overlayer_lowered;
	s6 =	simm.s32 $_tile_overlayer_lowered  }
0x9b: {  	s22 =	simm.s32 $0x1BFF;
	s21 =	sshll.u32 s6, $0x1;
	s3 =	sadd.s32 s4, s19  }
0x9c: {  	s7 =	simm.s32 $0x0;
	s20 =	sshll.u32 s5, $0x1;
	s5 =	sadd.s32 s21, s3  }
0x9d: {  	[timem:s7], [sflag:s22] =	dma.local [hbm:s5], s20  }
0x9e: {  	_ =	swait.ge [sflag:s22], s20  }
0x9f: {  	s4 =	ssub.s32 $0x0, s20;
	[sflag:s22] =	ssyncset.done $0x0  }
0xa0: {  	[sflag:s22] =	ssyncadd.s32 s4;
	_ =	sdelay $0x1  }
0xa1: {  	s23 =	simm.s32 $0x1B8B  }
0xa2: {  	_ =	swait.ge [sflag:s23], $0x1  }
0xa3: {  	[sflag:s23] =	ssyncset.done $0x0  }
0xa4: {  	s25 =	simm.s32 $0x1B8E;
	s24 =	sld [smem:$0x3FFE];
	[sflag:s23] =	ssyncadd.s32 $0xFFFFFFFF  }
0xa5: {  	s26 =	simm.s32 $execute0_lowered;
	[smem:$0x3FD2] =	sst s25  }
0xa6: {  	s5 =	sshll.u32 s26, $0x1;
	_ =	strace $0x80000046;
	[dreg:$0x1] =	wrdreg $0xFFFFFFFF  }
0xa7: {  	s28 =	simm.s32 $_size_execute0_lowered;
	s3 =	sadd.s32 s3, s5;
	[dreg:$0x0] =	wrdreg $0x0  }
0xa8: {  	s5 =	sshll.u32 s28, $0x1;
	[dreg:$0x2] =	wrdreg s3  }
0xa9: {  	[dreg:$0x3] =	wrdreg s5  }
0xaa: {  	[dreg:$0x4] =	wrdreg $0xC0  }
0xab: {  	_ =	task [dreg:s7], $0x5FFFF  }
0xac: {  	[dreg:$0x1] =	wrdreg $0xFFFFFFFF  }
0xad: {  	[dreg:$0x0] =	wrdreg $0x60  }
0xae: {  	[dreg:$0x2] =	wrdreg s24  }
0xaf: {  	[dreg:$0x3] =	wrdreg s2  }
0xb0: {  	[dreg:$0x4] =	wrdreg $0x9  }
0xb1: {  	_ =	task.clear_ibuf [dreg:s7], $0x5FFFF;
	_ =	strace $0x90000046  }
0xb2: {  	s29 =	simm.s32 $0x9;
	_ =	strace $0x80000048  }
0xb3: {  	_ =	swait.ge [sflag:s29], $0x1  }
0xb4: {  	[sflag:s29] =	ssyncadd.s32 $0xFFFFFFFF  }
0xb5: {  	_ =	strace $0x90000048  }
0xb6: {  	_ =	sfence  }
0xb7: {  	s30 =	sld [smem:$0x0];
	_ =	sdelay $0x2  }
0xb8: {  	s31 =	sshll.u32 s1, $0xD;
	s1 =	sshrl.u32 s1, $0x2  }
0xb9: {  	s3 =	sand.u32 $0x4000, s31;
	s1 =	sadd.s32 s1, s30  }
0xba: {  	s0 =	sor.u32 s3, s0;
	s1 =	sshll.u32 s1, $0x11  }
0xbb: {  	s0 =	sor.u32 s1, s0  }
0xbc: {  	s0 =	sadd.s32 $0x8F2B, s0  }
0xbd: {  	[sflag:s0] =	ssyncadd.remote.s32 $0x1  }
0xbe: {  	_ =	sfence.sel $0xFFFF  }
0xbf: {  	[dreg:$0x0] =	wrdreg $0xFFFFFFFF;
	(pc) =	sbr.abs _section_cstart, $3  }
0xc0: {  	[dreg:$0x1] =	wrdreg $0xFFFFFFFF  }
0xc1: {  	_ =	task.clear_ibuf [dreg:s7], $0x2FFFF;
	_ =	strace $0x9FFFFFFF  }
0xc2: {  	(tm) =	ssettm $0x7FFFFFFF  }
0xc3: {  	_ =	shalt  }
tec
execute0_lowered:
.L_overlay_start_1:
0x0: {  	(tag) =	ssettag $0x1  }
0x1: {  	s0 =	rddreg [dreg:$0x0];
	s1 =	srdreg.scid  }
0x2: {  	s2 =	stileid.u32;
	s7 =	rddreg [dreg:$0x1];
	s3 =	simm.s32 $0x0  }
0x3: {  	s1 =	sand.u32 $0x1, s1;
	[smem:$0x7FF] =	sst s3;
	s24 =	sadd.s32 $0x1000, s7  }
0x4: {  	s25 =	sadd.s32 $0x2000, s7;
	_ =	strace $0x80000047;
	[dreg:$0x5] =	wrdreg s24  }
0x5: {  	s2 =	sshll.u32 s2, $0x1;
	s18 =	sadd.s32 $0x3000, s7;
	[dreg:$0x6] =	wrdreg s25  }
0x6: {  	s19 =	sadd.s32 $0x4000, s7;
	s2 =	sor.u32 s1, s2;
	[dreg:$0x18] =	wrdreg s18  }
0x7: {  	s1 =	ssub.s32 $0x2, s1;
	[dreg:$0x19] =	wrdreg s19;
	s24 =	sadd.s32 $0xB000, s7  }
0x8: {  	s25 =	sadd.s32 $0xC000, s7;
	s5 =	sshrl.u32 s1, $0x1;
	[dreg:$0x1e] =	wrdreg s24  }
0x9: {  	s22 =	sshll.u32 s2, $0xA;
	s23 =	sshll.u32 s2, $0x7;
	[dreg:$0x1f] =	wrdreg s25  }
0xa: {  	s20 =	ssub.s32 s1, s5;
	[dreg:$0x4] =	wrdreg s22;
	s22 =	sadd.s32 $0x9000, s7  }
0xb: {  	s1 =	sadd.s32 s23, s7;
	s23 =	sadd.s32 $0xA000, s7;
	[dreg:$0x1c] =	wrdreg s22  }
0xc: {  	s26 =	sadd.s32 $0x180000, s1;
	[dreg:$0x1d] =	wrdreg s23  }
0xd: {  	s28 =	sadd.s32 $0x181000, s1;
	[dreg:$0x7] =	wrdreg s26  }
0xe: {  	s29 =	sadd.s32 $0x182000, s1;
	[dreg:$0x8] =	wrdreg s28  }
0xf: {  	s5 =	sadd.s32 $0x183000, s1;
	[dreg:$0x9] =	wrdreg s29  }
0x10: {  	s8 =	sadd.s32 $0x185000, s1;
	[dreg:$0xa] =	wrdreg s5  }
0x11: {  	s9 =	sadd.s32 $0x186000, s1;
	[dreg:$0xc] =	wrdreg s8  }
0x12: {  	s10 =	sadd.s32 $0x187000, s1;
	[dreg:$0xd] =	wrdreg s9  }
0x13: {  	s11 =	sadd.s32 $0x188000, s1;
	[dreg:$0xe] =	wrdreg s10  }
0x14: {  	s12 =	sadd.s32 $0x189000, s1;
	[dreg:$0xf] =	wrdreg s11  }
0x15: {  	s13 =	sadd.s32 $0x18A000, s1;
	[dreg:$0x10] =	wrdreg s12  }
0x16: {  	s14 =	sadd.s32 $0x18B000, s1;
	[dreg:$0x11] =	wrdreg s13  }
0x17: {  	s4 =	smul.u32 $0x320, s2;
	s15 =	sadd.s32 $0x18C000, s1;
	[dreg:$0x12] =	wrdreg s14  }
0x18: {  	s16 =	sadd.s32 $0x18D000, s1;
	[dreg:$0x13] =	wrdreg s15  }
0x19: {  	s6 =	sadd.s32 s4, s0;
	s17 =	sadd.s32 $0x18E000, s1;
	[dreg:$0x14] =	wrdreg s16  }
0x1a: {  	s4 =	sadd.s32 $0x1E8C00, s0;
	s0 =	smax.u32 s20, $0x1;
	[dreg:$0x15] =	wrdreg s17  }
0x1b: {  	s20 =	sadd.s32 $0x5000, s7;
	[dreg:$0x17] =	wrdreg s0  }
0x1c: {  	s21 =	sadd.s32 $0x600, s6;
	[dreg:$0x1a] =	wrdreg s20  }
0x1d: {  	s6 =	sadd.s32 $0x184000, s1;
	[dreg:$0x3] =	wrdreg s21  }
0x1e: {  	s30 =	sadd.s32 $0x6000, s7;
	s1 =	sadd.s32 $0x18F000, s1;
	[dreg:$0xb] =	wrdreg s6  }
0x1f: {  	s31 =	sadd.s32 $0x7000, s7;
	s26 =	sadd.s32 $0xD000, s7;
	[dreg:$0x16] =	wrdreg s1  }
0x20: {  	s18 =	simm.s32 $0x2;
	s28 =	sadd.s32 $0xE000, s7;
	[smem:$0x7FB] =	sst s26  }
0x21: {  	s19 =	simm.s32 $0x9900;
	s29 =	sadd.s32 $0xF000, s7;
	[smem:$0x7FC] =	sst s28  }
0x22: {  	v0 =	vlaneseq.u32;
	v1 =	vimm.s32 $0x0;
	vm0 =	vcmask $0x300;
	s22 =	simm.s32 $0xDD00;
	s21 =	sadd.s32 $0x8000, s7;
	[smem:$0x7FD] =	sst s29  }
0x23: {  	v0 =	vmul.u32 $0x88, v0;
	v1 =	vsel vm0, $0x3, v1;
	s1 =	simm.s32 $0x0;
	[dreg:$0x1b] =	wrdreg s21;
	s21 =	simm.s32 $0x3  }
.LBB2_1:
0x24: {  	[smem:$0x7FA] =	sst s1  }
0x25: {  	s0 =	rddreg [dreg:$0x3];
	s25 =	simm.s32 $0x1  }
0x26: {  	[tilespmem:s3], [sflag:$0x1] =	stream.linear.gather [hbm4b:s0+s3], $0x1900, $0x38;
	[tilespmem:$0x12100] =	vst v63  }
0x27: {  	_ =	swait.ge [sflag:s25], $0x1900  }
0x28: {  	[sflag:s25] =	ssyncset.done $0x0  }
0x29: {  	s26 =	simm.s32 $0x80;
	s28 =	simm.s32 $0x1900;
	[sflag:s25] =	ssyncadd.s32 $0xFFFFE700  }
0x2a: {  	[tilespmem:s28], [sflag:$0x2] =	stream.indirect.gather [hbm4b:s4+s26], $0x40, s3, s26, $0xb8;
	[tilespmem:$0x12100] =	vst v63  }
0x2b: {  	s29 =	simm.s32 $0x3900;
	s24 =	simm.s32 $0x0  }
0x2c: {  	[tilespmem:s29], [sflag:$0x2] =	stream.indirect.gather [hbm4b:s4+s26], $0x40, s26, s26, $0xb8;
	[tilespmem:$0x12100] =	vst v63  }
.LBB2_2:
0x2d: {  	s17 =	sshllo.u32 s24, $0x1  }
0x2e: {  	s1 =	simm.s32 $0x80;
	s0 =	sshll.u32 s17, $0x8;
	s20 =	sshllo.u32 s17, $0x1  }
0x2f: {  	s2 =	simm.s32 $0x5900;
	s0 =	sand.u32 $0x3FFFFF00, s0;
	s16 =	sshll.u32 s20, $0x7  }
0x30: {  	[tilespmem:s2], [sflag:$0x3] =	stream.indirect.gather [hbm4b:s4+s1], $0x40, s0, s1, $0xb8;
	[tilespmem:$0x12100] =	vst v63  }
0x31: {  	s23 =	simm.s32 $0x7900;
	s0 =	sand.u32 $0x3FFFFF80, s16  }
0x32: {  	[tilespmem:s23], [sflag:$0x3] =	stream.indirect.gather [hbm4b:s4+s1], $0x40, s0, s1, $0xb8;
	[tilespmem:$0x12100] =	vst v63  }
0x33: {  	_ =	swait.ge [sflag:s18], $0x2000  }
0x34: {  	[sflag:s18] =	ssyncset.done $0x0  }
0x35: {  	[sflag:s18] =	ssyncadd.s32 $0xFFFFE000  }
0x36: {  	_ =	swait.ge [sflag:s18], $0x2000  }
0x37: {  	p0 =	seq.s32 s24, $0x0;
	[sflag:s18] =	ssyncset.done $0x0  }
0x38: {  	s0 =	simm.s32 @!p0 $0x4;
	[sflag:s18] =	ssyncadd.s32 $0xFFFFE000  }
0x39: {  	_ =	swait.ge @!p0 [sflag:s0], $0x400  }
0x3a: {  	[sflag:s0] =	ssyncset.done @!p0 $0x0  }
0x3b: {  	[sflag:s0] =	ssyncadd.s32 @!p0 $0xFFFFFC00  }
0x3c: {  	_ =	swait.ge @!p0 [sflag:s0], $0x400  }
0x3d: {  	[sflag:s0] =	ssyncset.done @!p0 $0x0  }
0x3e: {  	[sflag:s0] =	ssyncadd.s32 @!p0 $0xFFFFFC00  }
0x3f: {  	_ =	swait.ge @!p0 [sflag:s0], $0x400  }
0x40: {  	[sflag:s0] =	ssyncset.done @!p0 $0x0  }
0x41: {  	[sflag:s0] =	ssyncadd.s32 @!p0 $0xFFFFFC00  }
0x42: {  	_ =	swait.ge @!p0 [sflag:s0], $0x400  }
0x43: {  	[sflag:s0] =	ssyncset.done @!p0 $0x0  }
0x44: {  	[sflag:s0] =	ssyncadd.s32 @!p0 $0xFFFFFC00  }
0x45: {  	_ =	swait.ge @!p0 [sflag:s0], $0x400  }
0x46: {  	[sflag:s0] =	ssyncset.done @!p0 $0x0  }
0x47: {  	[sflag:s0] =	ssyncadd.s32 @!p0 $0xFFFFFC00  }
0x48: {  	_ =	swait.ge @!p0 [sflag:s0], $0x400  }
0x49: {  	[sflag:s0] =	ssyncset.done @!p0 $0x0  }
0x4a: {  	[sflag:s0] =	ssyncadd.s32 @!p0 $0xFFFFFC00  }
0x4b: {  	_ =	swait.ge @!p0 [sflag:s0], $0x400  }
0x4c: {  	[sflag:s0] =	ssyncset.done @!p0 $0x0  }
0x4d: {  	[sflag:s0] =	ssyncadd.s32 @!p0 $0xFFFFFC00  }
0x4e: {  	_ =	swait.ge @!p0 [sflag:s0], $0x400  }
0x4f: {  	[sflag:s0] =	ssyncset.done @!p0 $0x0  }
0x50: {  	[sflag:s0] =	ssyncadd.s32 @!p0 $0xFFFFFC00  }
0x51: {  	_ =	swait.ge @!p0 [sflag:s0], $0x400  }
0x52: {  	[sflag:s0] =	ssyncset.done @!p0 $0x0  }
0x53: {  	s26 =	simm.s32 $0x0;
	[sflag:s0] =	ssyncadd.s32 @!p0 $0xFFFFFC00  }
0x54: {  	s7 =	sand.u32 $0x7FFFFFC0, s26;
	_ =	swait.ge @!p0 [sflag:s0], $0x400  }
0x55: {  	v3 =	vmov s7;
	[sflag:s0] =	ssyncset.done @!p0 $0x0  }
0x56: {  	v3 =	vmul.u32 $0x88, v3;
	[sflag:s0] =	ssyncadd.s32 @!p0 $0xFFFFFC00  }
0x57: {  	s9 =	sor.u32 $0x20, s7;
	_ =	swait.ge @!p0 [sflag:s0], $0x400  }
0x58: {  	s2 =	sor.u32 $0x30, s7;
	s23 =	simm.s32 $0x0;
	v3 =	vbroadcast v3, $0x0;
	[sflag:s0] =	ssyncset.done @!p0 $0x0  }
0x59: {  	v8 =	vmov s9;
	s7 =	sor.u32 $0x10, s7;
	v5 =	vmov s2;
	s25 =	sand.u32 $0x78, s23;
	[sflag:s0] =	ssyncadd.s32 @!p0 $0xFFFFFC00  }
0x5a: {  	v2 =	vmov s25;
	s6 =	sor.u32 $0x1, s25;
	s28 =	sor.u32 $0x5, s25;
	v10 =	vadd.s32 v0, v3;
	v3 =	vmov s7;
	_ =	swait.ge @!p0 [sflag:s0], $0x400  }
0x5b: {  	s5 =	sor.u32 $0x6, s25;
	s29 =	sor.u32 $0x2, s25;
	v2 =	vshrl.u32 v2, $0x3;
	v4 =	vmov s6;
	v6 =	vmov s28;
	[sflag:s0] =	ssyncset.done @!p0 $0x0  }
0x5c: {  	s8 =	sor.u32 $0x4, s25;
	v7 =	vmov s5;
	v11 =	vmov s29;
	v3 =	vmul.u32 $0x88, v3;
	[sflag:s0] =	ssyncadd.s32 @!p0 $0xFFFFFC00  }
0x5d: {  	v12 =	vmov s8;
	v4 =	vshrl.u32 v4, $0x3;
	v6 =	vshrl.u32 v6, $0x3;
	_ =	swait.ge @!p0 [sflag:s0], $0x400  }
0x5e: {  	v7 =	vshrl.u32 v7, $0x3;
	v2 =	vshll.u32 v2, v1;
	v12 =	vshrl.u32 v12, $0x3;
	[sflag:s0] =	ssyncset.done @!p0 $0x0  }
0x5f: {  	v4 =	vshll.u32 v4, v1;
	v3 =	vbroadcast v3, $0x0;
	v12 =	vshll.u32 v12, v1;
	[sflag:s0] =	ssyncadd.s32 @!p0 $0xFFFFFC00  }
0x60: {  	v9 =	vbroadcast v4, $0x0;
	v4 =	vshll.u32 v6, v1;
	v12 =	vbroadcast v12, $0x0;
	_ =	swait.ge @!p0 [sflag:s0], $0x400  }
0x61: {  	v6 =	vbroadcast v4, $0x0;
	v17 =	vadd.s32 v0, v3;
	v3 =	vbroadcast v2, $0x0;
	[sflag:s0] =	ssyncset.done @!p0 $0x0  }
0x62: {  	v2 =	vmul.u32 $0x88, v8;
	v4 =	vadd.s32 v9, v10;
	v20 =	vadd.s32 v12, v17;
	[sflag:s0] =	ssyncadd.s32 @!p0 $0xFFFFFC00  }
0x63: {  	s11 =	sor.u32 $0x7, s25;
	v24 =	vadd.s32 v12, v10;
	v13 =	vadd.s32 v6, v10;
	v14 =	vor.u32 $0x1, v4;
	_ =	swait.ge @!p0 [sflag:s0], $0x400  }
0x64: {  	v4 =	vshrl.u32 v11, $0x3;
	v11 =	vmov s11;
	v23 =	vadd.s32 v3, v10;
	[sflag:s0] =	ssyncset.done @!p0 $0x0  }
0x65: {  	s10 =	simm.s32 $0x0;
	v2 =	vbroadcast v2, $0x0;
	v24 =	vor.u32 $0x4, v24;
	v31 =	vadd.s32 v3, v17;
	[sflag:s0] =	ssyncadd.s32 @!p0 $0xFFFFFC00  }
0x66: {  	s10 =	sand.u32 $0x3FFFE000, s10;
	s12 =	sor.u32 $0x3, s25;
	v38 =	vor.u32 $0x4, v20;
	v4 =	vshll.u32 v4, v1;
	v15 =	vor.u32 $0x5, v13;
	_ =	swait.ge @!p0 [sflag:s0], $0x400  }
0x67: {  	s13 =	sor.u32 $0x1900, s10;
	s6 =	sshll.u32 s6, $0x6;
	v16 =	vbroadcast v4, $0x0;
	v4 =	vshll.u32 v7, v1;
	v7 =	vmov s12;
	[sflag:s0] =	ssyncset.done @!p0 $0x0  }
0x68: {  	s16 =	sshll.u32 s25, $0x6;
	s14 =	sadd.s32 s6, s13;
	v29 =	vadd.s32 v0, v2;
	v30 =	vbroadcast v4, $0x0;
	v4 =	vshrl.u32 v11, $0x3;
	[sflag:s0] =	ssyncadd.s32 @!p0 $0xFFFFFC00  }
0x69: {  	s15 =	sshll.u32 s29, $0x6;
	s25 =	sshll.u32 s5, $0x6;
	s5 =	sadd.s32 s16, s13;
	v7 =	vshrl.u32 v7, $0x3;
	v11 =	vadd.s32 v16, v10;
	v21 =	vadd.s32 v16, v17;
	v8 =	vld [tilespmem:s14+$0x0]  }
0x6a: {  	s15 =	sadd.s32 s15, s13;
	v4 =	vshll.u32 v4, v1;
	v7 =	vshll.u32 v7, v1;
	v11 =	vor.u32 $0x2, v11;
	v25 =	vld [tilespmem:s5+$0x0]  }
0x6b: {  	s26 =	sshll.u32 s8, $0x6;
	s1 =	sadd.s32 s25, s13;
	v13 =	vadd.s32 v30, v10;
	v18 =	vadd.s32 v30, v17;
	v7 =	vbroadcast v7, $0x0;
	v19 =	vld [tilespmem:s15+$0x0]  }
0x6c: {  	s2 =	sshll.u32 s28, $0x6;
	s10 =	sadd.s32 s26, s13;
	v22 =	vbroadcast v4, $0x0;
	v39 =	vadd.s32 v30, v29;
	v26 =	vor.u32 $0x6, v13;
	v28 =	vld [tilespmem:s1+$0x0]  }
0x6d: {  	s28 =	sshll.u32 s12, $0x6;
	v4 =	vor.u32 $0x6, v18;
	v18 =	vadd.s32 v7, v10;
	v27 =	vadd.s32 v7, v17;
	s0 =	sadd.s32 s2, s13;
	v2 =	vld [tilespmem:s10+$0x0]  }
0x6e: {  	s29 =	sshll.u32 s11, $0x6;
	s9 =	sadd.s32 s28, s13;
	v13 =	vmul.u32 $0x88, v5;
	v5 =	vadd.s32 v22, v10;
	v36 =	vadd.s32 v22, v17;
	[tilespmem:v14+s19+$0x0] =	vst.idx.msk $0xffff, v8;
	v8 =	vld [tilespmem:s0+$0x0]  }
0x6f: {  	s25 =	sadd.s32 s29, s13;
	v20 =	vadd.s32 v22, v29;
	v34 =	vor.u32 $0x3, v18;
	v18 =	vadd.s32 v6, v17;
	[tilespmem:v23+s19+$0x0] =	vst.idx.msk $0xffff, v25;
	v25 =	vld [tilespmem:s9+$0x0]  }
0x70: {  	v10 =	vbroadcast v13, $0x0;
	[tilespmem:v11+s19+$0x0] =	vst.idx.msk $0xffff, v19;
	v19 =	vor.u32 $0x5, v18;
	v18 =	vor.u32 $0x3, v27;
	v27 =	vld [tilespmem:s25+$0x0]  }
0x71: {  	v32 =	vor.u32 $0x7, v5;
	v5 =	vadd.s32 v3, v29;
	v13 =	vadd.s32 v9, v17;
	v33 =	vld [tilespmem:s14+$0x10]  }
0x72: {  	v17 =	vadd.s32 v16, v29;
	v23 =	vor.u32 $0x1, v13;
	v13 =	vadd.s32 v0, v10;
	[tilespmem:v24+s19+$0x0] =	vst.idx.msk $0xffff, v2;
	v35 =	vld [tilespmem:s5+$0x10]  }
0x73: {  	v14 =	vadd.s32 v12, v29;
	[tilespmem:v26+s19+$0x0] =	vst.idx.msk $0xffff, v28;
	v10 =	vadd.s32 v9, v13;
	v37 =	vld [tilespmem:s10+$0x10]  }
0x74: {  	v11 =	vor.u32 $0x2, v21;
	v26 =	vld [tilespmem:s15+$0x10];
	v21 =	vadd.s32 v6, v13;
	v28 =	vadd.s32 v12, v13;
	[tilespmem:v15+s19+$0x0] =	vst.idx.msk $0xffff, v8  }
0x75: {  	v6 =	vadd.s32 v6, v29;
	v2 =	vor.u32 $0x1, v10;
	v10 =	vld [tilespmem:s1+$0x10];
	v8 =	vadd.s32 v9, v29;
	[tilespmem:v34+s19+$0x0] =	vst.idx.msk $0xffff, v25  }
0x76: {  	v12 =	vor.u32 $0x5, v6;
	v9 =	vadd.s32 v7, v29;
	v15 =	vadd.s32 v22, v13;
	[tilespmem:v32+s19+$0x0] =	vst.idx.msk $0xffff, v27;
	v24 =	vld [tilespmem:s0+$0x10]  }
0x77: {  	v22 =	vor.u32 $0x4, v14;
	v29 =	vadd.s32 v16, v13;
	v7 =	vadd.s32 v7, v13;
	[tilespmem:v23+s19+$0x0] =	vst.idx.msk $0xffff, v33;
	v25 =	vld [tilespmem:s9+$0x10]  }
0x78: {  	v14 =	vor.u32 $0x6, v39;
	v16 =	vadd.s32 v30, v13;
	v23 =	vor.u32 $0x7, v36;
	[tilespmem:v38+s19+$0x0] =	vst.idx.msk $0xffff, v37;
	v27 =	vld [tilespmem:s25+$0x10]  }
0x79: {  	v8 =	vor.u32 $0x1, v8;
	v9 =	vor.u32 $0x3, v9;
	[tilespmem:v31+s19+$0x0] =	vst.idx.msk $0xffff, v35;
	v6 =	vor.u32 $0x3, v7;
	v7 =	vld [tilespmem:s10+$0x20]  }
.LBB2_3:
0x7a: {  	s23 =	sadd.s32 $0x8, s23;
	v30 =	vld [tilespmem:s5+$0x20];
	[tilespmem:v11+s19+$0x0] =	vst.idx.msk $0xffff, v26;
	v26 =	vor.u32 $0x2, v29;
	v11 =	vor.u32 $0x6, v16;
	v15 =	vor.u32 $0x7, v15  }
0x7b: {  	v28 =	vor.u32 $0x4, v28;
	v20 =	vor.u32 $0x7, v20;
	s16 =	sand.u32 $0x78, s23;
	s2 =	sshrl.u32 s23, $0x1;
	s6 =	sshll.u32 s23, $0x6;
	v16 =	vld [tilespmem:s15+$0x20];
	[tilespmem:v19+s19+$0x0] =	vst.idx.msk $0xffff, v24;
	v19 =	vor.u32 $0x5, v21  }
0x7c: {  	v3 =	vadd.s32 v3, v13;
	v13 =	vor.u32 $0x2, v17;
	v21 =	vmov s16;
	s13 =	sand.u32 $0x7FFFFFC0, s2;
	s6 =	sand.u32 $0x3FFFE000, s6;
	s8 =	sor.u32 $0x1, s16;
	[tilespmem:v18+s19+$0x0] =	vst.idx.msk $0xffff, v25;
	v17 =	vld [tilespmem:s0+$0x20]  }
0x7d: {  	s11 =	sor.u32 $0x3, s16;
	s2 =	sor.u32 $0x7, s16;
	v18 =	vmov s13;
	v21 =	vshrl.u32 v21, $0x3;
	s7 =	sor.u32 $0x30, s13;
	v24 =	vmov s8;
	v25 =	vld [tilespmem:s14+$0x20];
	[tilespmem:v23+s19+$0x0] =	vst.idx.msk $0xffff, v27  }
0x7e: {  	s26 =	sor.u32 $0x5, s16;
	s28 =	sor.u32 $0x6, s16;
	v18 =	vmul.u32 $0x88, v18;
	v23 =	vmov s7;
	v24 =	vshrl.u32 v24, $0x3;
	s7 =	sor.u32 $0x2, s16;
	v27 =	vld [tilespmem:s9+$0x20];
	[tilespmem:v22+s19+$0x0] =	vst.idx.msk $0xffff, v7  }
0x7f: {  	s12 =	sor.u32 $0x1900, s6;
	s6 =	sor.u32 $0x20, s13;
	s8 =	sshll.u32 s8, $0x6;
	v22 =	vmov s26;
	v7 =	vshll.u32 v24, v1;
	v24 =	vmov s28;
	[tilespmem:v5+s19+$0x0] =	vst.idx.msk $0xffff, v30;
	v5 =	vld [tilespmem:s10+$0x30]  }
0x80: {  	s29 =	sor.u32 $0x10, s13;
	s13 =	sshll.u32 s26, $0x6;
	v29 =	vmov s6;
	v22 =	vshrl.u32 v22, $0x3;
	s10 =	sshll.u32 s28, $0x6;
	v18 =	vbroadcast v18, $0x0;
	v30 =	vld [tilespmem:s5+$0x30];
	[tilespmem:v4+s19+$0x0] =	vst.idx.msk $0xffff, v10  }
0x81: {  	p1 =	slt.u32 s23, $0xF8;
	v10 =	vbroadcast v7, $0x0;
	v4 =	vshll.u32 v22, v1;
	v22 =	vshrl.u32 v24, $0x3;
	[tilespmem:v13+s19+$0x0] =	vst.idx.msk $0xffff, v16;
	v13 =	vld [tilespmem:s1+$0x20]  }
0x82: {  	v21 =	vshll.u32 v21, v1;
	v7 =	vbroadcast v4, $0x0;
	v18 =	vadd.s32 v0, v18;
	[tilespmem:v8+s19+$0x0] =	vst.idx.msk $0xffff, v25;
	v4 =	vld [tilespmem:s25+$0x20]  }
0x83: {  	v24 =	vmov s7;
	s5 =	sor.u32 $0x4, s16;
	v8 =	vmov s29;
	v16 =	vadd.s32 v10, v18;
	v25 =	vld [tilespmem:s14+$0x30];
	[tilespmem:v9+s19+$0x0] =	vst.idx.msk $0xffff, v27  }
0x84: {  	s6 =	sshll.u32 s5, $0x6;
	v8 =	vmul.u32 $0x88, v8;
	s14 =	sadd.s32 s8, s12;
	v9 =	vmov s5;
	v27 =	vadd.s32 v7, v18;
	v31 =	vld [tilespmem:s15+$0x30];
	[tilespmem:v28+s19+$0x0] =	vst.idx.msk $0xffff, v5  }
0x85: {  	v5 =	vor.u32 $0x1, v16;
	v16 =	vshrl.u32 v24, $0x3;
	v24 =	vmov s2;
	v28 =	vld [tilespmem:s9+$0x30];
	[tilespmem:v12+s19+$0x0] =	vst.idx.msk $0xffff, v17  }
0x86: {  	v9 =	vshrl.u32 v9, $0x3;
	v8 =	vbroadcast v8, $0x0;
	v12 =	vshll.u32 v16, v1;
	v17 =	vld [tilespmem:s0+$0x30];
	[tilespmem:v14+s19+$0x0] =	vst.idx.msk $0xffff, v13  }
0x87: {  	v16 =	vshll.u32 v22, v1;
	v12 =	vbroadcast v12, $0x0;
	v14 =	vor.u32 $0x5, v27;
	v13 =	vld [tilespmem:s14+$0x0];
	[tilespmem:v20+s19+$0x0] =	vst.idx.msk $0xffff, v4  }
0x88: {  	s0 =	sshll.u32 s7, $0x6;
	v16 =	vbroadcast v16, $0x0;
	v4 =	vmov s11;
	v20 =	vshrl.u32 v24, $0x3;
	[tilespmem:v3+s19+$0x0] =	vst.idx.msk $0xffff, v30;
	v22 =	vld [tilespmem:s25+$0x30]  }
0x89: {  	v9 =	vshll.u32 v9, v1;
	s15 =	sadd.s32 s0, s12;
	v3 =	vadd.s32 v12, v18;
	v4 =	vshrl.u32 v4, $0x3;
	[tilespmem:v26+s19+$0x0] =	vst.idx.msk $0xffff, v31;
	v24 =	vld [tilespmem:s1+$0x30]  }
0x8a: {  	v8 =	vadd.s32 v0, v8;
	v30 =	vadd.s32 v16, v18;
	v27 =	vor.u32 $0x2, v3;
	v26 =	vld [tilespmem:s15+$0x0];
	[tilespmem:v6+s19+$0x0] =	vst.idx.msk $0xffff, v28  }
0x8b: {  	v6 =	vadd.s32 v12, v8;
	v28 =	vbroadcast v9, $0x0;
	v9 =	vshll.u32 v20, v1;
	[tilespmem:v19+s19+$0x0] =	vst.idx.msk $0xffff, v17  }
0x8c: {  	s0 =	sshll.u32 s16, $0x6;
	v3 =	vbroadcast v21, $0x0;
	v4 =	vshll.u32 v4, v1;
	v17 =	vmul.u32 $0x88, v29;
	[tilespmem:v2+s19+$0x0] =	vst.idx.msk $0xffff, v25  }
0x8d: {  	s5 =	sadd.s32 s0, s12;
	v20 =	vadd.s32 v28, v8;
	v2 =	vadd.s32 v16, v8;
	v25 =	vbroadcast v9, $0x0;
	[tilespmem:v15+s19+$0x0] =	vst.idx.msk $0xffff, v22  }
0x8e: {  	v31 =	vbroadcast v4, $0x0;
	v19 =	vadd.s32 v28, v18;
	v15 =	vadd.s32 v3, v18;
	v9 =	vld [tilespmem:s5+$0x0];
	[tilespmem:v11+s19+$0x0] =	vst.idx.msk $0xffff, v24  }
0x8f: {  	s1 =	sadd.s32 s10, s12;
	v4 =	vor.u32 $0x6, v2;
	v11 =	vbroadcast v17, $0x0;
	v17 =	vor.u32 $0x6, v30;
	[tilespmem:v27+s19+$0x0] =	vst.idx.msk $0xffff, v26  }
0x90: {  	s10 =	sadd.s32 s6, s12;
	v21 =	vadd.s32 v31, v18;
	v2 =	vmul.u32 $0x88, v23;
	v22 =	vadd.s32 v31, v8;
	v23 =	vld [tilespmem:s1+$0x0]  }
0x91: {  	s2 =	sshll.u32 s2, $0x6;
	s0 =	sadd.s32 s13, s12;
	v24 =	vor.u32 $0x4, v19;
	v18 =	vadd.s32 v25, v18;
	v27 =	vadd.s32 v0, v11;
	v11 =	vld [tilespmem:s10+$0x0]  }
0x92: {  	s25 =	sadd.s32 s2, s12;
	s6 =	sshll.u32 s11, $0x6;
	v30 =	vadd.s32 v3, v8;
	v32 =	vor.u32 $0x7, v18;
	v29 =	vadd.s32 v28, v27;
	[tilespmem:v5+s19+$0x0] =	vst.idx.msk $0xffff, v13;
	v26 =	vld [tilespmem:s0+$0x0]  }
0x93: {  	s9 =	sadd.s32 s6, s12;
	v2 =	vbroadcast v2, $0x0;
	v5 =	vadd.s32 v3, v27;
	v13 =	vadd.s32 v10, v8;
	[tilespmem:v15+s19+$0x0] =	vst.idx.msk $0xffff, v9;
	v9 =	vld [tilespmem:s14+$0x10]  }
0x94: {  	v21 =	vor.u32 $0x3, v21;
	v18 =	vadd.s32 v7, v8;
	v15 =	vor.u32 $0x1, v13;
	v33 =	vld [tilespmem:s9+$0x0]  }
0x95: {  	v19 =	vor.u32 $0x5, v18;
	v13 =	vadd.s32 v0, v2;
	v34 =	vld [tilespmem:s5+$0x10];
	[tilespmem:v17+s19+$0x0] =	vst.idx.msk $0xffff, v23;
	v23 =	vadd.s32 v25, v8  }
0x96: {  	v18 =	vor.u32 $0x3, v22;
	v2 =	vadd.s32 v10, v13;
	v17 =	vadd.s32 v12, v27;
	[tilespmem:v24+s19+$0x0] =	vst.idx.msk $0xffff, v11;
	v35 =	vld [tilespmem:s25+$0x0]  }
0x97: {  	v37 =	vor.u32 $0x4, v20;
	v20 =	vadd.s32 v25, v27;
	v2 =	vor.u32 $0x1, v2;
	v36 =	vld [tilespmem:s10+$0x10];
	[tilespmem:v14+s19+$0x0] =	vst.idx.msk $0xffff, v26  }
0x98: {  	v8 =	vadd.s32 v10, v27;
	v11 =	vor.u32 $0x2, v6;
	v14 =	vadd.s32 v16, v27;
	v24 =	vld [tilespmem:s0+$0x10]  }
.Ltmp0:
0x99: {  	v8 =	vor.u32 $0x1, v8;
	v6 =	vadd.s32 v31, v27;
	v26 =	vld [tilespmem:s15+$0x10];
	[tilespmem:v21+s19+$0x0] =	vst.idx.msk $0xffff, v33;
	v21 =	vadd.s32 v7, v13;
	(pc) =	sbr.rel @p1 .LBB2_3-.Ltmp0, $4  }
0x9a: {  	v23 =	vor.u32 $0x7, v23;
	[tilespmem:v15+s19+$0x0] =	vst.idx.msk $0xffff, v9;
	v9 =	vor.u32 $0x3, v6;
	v10 =	vld [tilespmem:s1+$0x10];
	v15 =	vadd.s32 v25, v13  }
0x9b: {  	v22 =	vor.u32 $0x4, v29;
	v28 =	vadd.s32 v28, v13;
	v6 =	vadd.s32 v7, v27;
	v25 =	vld [tilespmem:s9+$0x10];
	[tilespmem:v32+s19+$0x0] =	vst.idx.msk $0xffff, v35  }
0x9c: {  	v29 =	vadd.s32 v12, v13;
	v7 =	vadd.s32 v31, v13;
	v12 =	vor.u32 $0x5, v6;
	[tilespmem:v37+s19+$0x0] =	vst.idx.msk $0xffff, v36;
	v27 =	vld [tilespmem:s25+$0x10]  }
0x9d: {  	v16 =	vadd.s32 v16, v13;
	v14 =	vor.u32 $0x6, v14;
	v6 =	vor.u32 $0x3, v7;
	[tilespmem:v30+s19+$0x0] =	vst.idx.msk $0xffff, v34;
	v7 =	vld [tilespmem:s10+$0x20]  }
0x9e: {  	_ =	sdelay $0x3  }
0x9f: {  	[tilespmem:v11+s19+$0x0] =	vst.idx.msk $0xffff, v26  }
0xa0: {  	v30 =	vld [tilespmem:s5+$0x20];
	[tilespmem:v19+s19+$0x0] =	vst.idx.msk $0xffff, v24  }
0xa1: {  	v17 =	vor.u32 $0x2, v17;
	v11 =	vld [tilespmem:s15+$0x20];
	[tilespmem:v4+s19+$0x0] =	vst.idx.msk $0xffff, v10  }
0xa2: {  	[tilespmem:v18+s19+$0x0] =	vst.idx.msk $0xffff, v25;
	v18 =	vld [tilespmem:s14+$0x20]  }
0xa3: {  	v4 =	vld [tilespmem:s1+$0x20];
	[tilespmem:v23+s19+$0x0] =	vst.idx.msk $0xffff, v27  }
0xa4: {  	v19 =	vld [tilespmem:s9+$0x20];
	[tilespmem:v22+s19+$0x0] =	vst.idx.msk $0xffff, v7  }
0xa5: {  	v22 =	vld [tilespmem:s0+$0x20];
	[tilespmem:v5+s19+$0x0] =	vst.idx.msk $0xffff, v30  }
0xa6: {  	v7 =	vor.u32 $0x4, v28;
	v5 =	vld [tilespmem:s10+$0x30];
	[tilespmem:v17+s19+$0x0] =	vst.idx.msk $0xffff, v11  }
0xa7: {  	v3 =	vadd.s32 v3, v13;
	v11 =	vld [tilespmem:s5+$0x30];
	[tilespmem:v8+s19+$0x0] =	vst.idx.msk $0xffff, v18  }
0xa8: {  	v10 =	vor.u32 $0x7, v20;
	v8 =	vld [tilespmem:s25+$0x20];
	[tilespmem:v14+s19+$0x0] =	vst.idx.msk $0xffff, v4  }
0xa9: {  	v13 =	vld [tilespmem:s15+$0x30];
	[tilespmem:v9+s19+$0x0] =	vst.idx.msk $0xffff, v19;
	v9 =	vor.u32 $0x2, v29  }
0xaa: {  	v4 =	vld [tilespmem:s14+$0x30];
	[tilespmem:v12+s19+$0x0] =	vst.idx.msk $0xffff, v22  }
0xab: {  	[tilespmem:v7+s19+$0x0] =	vst.idx.msk $0xffff, v5;
	v5 =	vld [tilespmem:s9+$0x30]  }
0xac: {  	v7 =	vor.u32 $0x5, v21;
	v12 =	vld [tilespmem:s0+$0x30];
	[tilespmem:v3+s19+$0x0] =	vst.idx.msk $0xffff, v11  }
0xad: {  	[tilespmem:v10+s19+$0x0] =	vst.idx.msk $0xffff, v8  }
0xae: {  	[tilespmem:v9+s19+$0x0] =	vst.idx.msk $0xffff, v13  }
0xaf: {  	v8 =	vor.u32 $0x7, v15;
	v3 =	vld [tilespmem:s25+$0x30];
	[tilespmem:v2+s19+$0x0] =	vst.idx.msk $0xffff, v4  }
0xb0: {  	v10 =	vor.u32 $0x6, v16;
	v9 =	vld [tilespmem:s1+$0x30];
	[tilespmem:v6+s19+$0x0] =	vst.idx.msk $0xffff, v5  }
0xb1: {  	[tilespmem:v7+s19+$0x0] =	vst.idx.msk $0xffff, v12  }
0xb2: {  	s10 =	sshll.u32 s24, $0x14;
	s11 =	rddreg [dreg:$0x4]  }
0xb3: {  	s0 =	sor.u32 s11, s10  }
0xb4: {  	s12 =	rddreg [dreg:$0x1];
	[tilespmem:v8+s19+$0x0] =	vst.idx.msk $0xffff, v3;
	s0 =	sshrl.u32 s0, $0x3  }
0xb5: {  	[tilespmem:v10+s19+$0x0] =	vst.idx.msk $0xffff, v9;
	s1 =	sadd.s32 s12, s0  }
0xb6: {  	[hbm4b:s1+s3] =	stream.linear.scatter [tilespmem:s19], [sflag:$0x4], $0x80, $0x38;
	[tilespmem:$0x12100] =	vst v63  }
0xb7: {  	s13 =	simm.s32 $0x9988;
	s2 =	sadd.s32 $0x10, s1  }
0xb8: {  	[hbm4b:s2+s3] =	stream.linear.scatter [tilespmem:s13], [sflag:$0x4], $0x80, $0x38;
	[tilespmem:$0x12100] =	vst v63  }
0xb9: {  	s15 =	simm.s32 $0x9A10;
	s14 =	sadd.s32 $0x20, s1  }
0xba: {  	[hbm4b:s14+s3] =	stream.linear.scatter [tilespmem:s15], [sflag:$0x4], $0x80, $0x38;
	[tilespmem:$0x12100] =	vst v63  }
0xbb: {  	s23 =	simm.s32 $0x9A98;
	s16 =	sadd.s32 $0x30, s1  }
0xbc: {  	[hbm4b:s16+s3] =	stream.linear.scatter [tilespmem:s23], [sflag:$0x4], $0x80, $0x38;
	[tilespmem:$0x12100] =	vst v63  }
0xbd: {  	s26 =	simm.s32 $0x9B20;
	s25 =	sadd.s32 $0x40, s1  }
0xbe: {  	[hbm4b:s25+s3] =	stream.linear.scatter [tilespmem:s26], [sflag:$0x4], $0x80, $0x38;
	[tilespmem:$0x12100] =	vst v63  }
0xbf: {  	s29 =	simm.s32 $0x9BA8;
	s28 =	sadd.s32 $0x50, s1  }
0xc0: {  	[hbm4b:s28+s3] =	stream.linear.scatter [tilespmem:s29], [sflag:$0x4], $0x80, $0x38;
	[tilespmem:$0x12100] =	vst v63  }
0xc1: {  	s6 =	simm.s32 $0x9C30;
	s5 =	sadd.s32 $0x60, s1  }
0xc2: {  	[hbm4b:s5+s3] =	stream.linear.scatter [tilespmem:s6], [sflag:$0x4], $0x80, $0x38;
	[tilespmem:$0x12100] =	vst v63  }
0xc3: {  	s7 =	simm.s32 $0x9CB8;
	s8 =	rddreg [dreg:$0x5];
	s1 =	sadd.s32 $0x70, s1  }
0xc4: {  	[hbm4b:s1+s3] =	stream.linear.scatter [tilespmem:s7], [sflag:$0x4], $0x80, $0x38;
	[tilespmem:$0x12100] =	vst v63  }
0xc5: {  	s9 =	simm.s32 $0x9D40;
	s1 =	sadd.s32 s0, s8  }
0xc6: {  	[hbm4b:s1+s3] =	stream.linear.scatter [tilespmem:s9], [sflag:$0x4], $0x80, $0x38;
	[tilespmem:$0x12100] =	vst v63  }
0xc7: {  	s11 =	simm.s32 $0x9DC8;
	s10 =	sadd.s32 $0x10, s1  }
0xc8: {  	[hbm4b:s10+s3] =	stream.linear.scatter [tilespmem:s11], [sflag:$0x4], $0x80, $0x38;
	[tilespmem:$0x12100] =	vst v63  }
0xc9: {  	s13 =	simm.s32 $0x9E50;
	s12 =	sadd.s32 $0x20, s1  }
0xca: {  	[hbm4b:s12+s3] =	stream.linear.scatter [tilespmem:s13], [sflag:$0x4], $0x80, $0x38;
	[tilespmem:$0x12100] =	vst v63  }
0xcb: {  	s15 =	simm.s32 $0x9ED8;
	s14 =	sadd.s32 $0x30, s1  }
0xcc: {  	[hbm4b:s14+s3] =	stream.linear.scatter [tilespmem:s15], [sflag:$0x4], $0x80, $0x38;
	[tilespmem:$0x12100] =	vst v63  }
0xcd: {  	s23 =	simm.s32 $0x9F60;
	s16 =	sadd.s32 $0x40, s1  }
0xce: {  	[hbm4b:s16+s3] =	stream.linear.scatter [tilespmem:s23], [sflag:$0x4], $0x80, $0x38;
	[tilespmem:$0x12100] =	vst v63  }
0xcf: {  	s26 =	simm.s32 $0x9FE8;
	s25 =	sadd.s32 $0x50, s1  }
0xd0: {  	[hbm4b:s25+s3] =	stream.linear.scatter [tilespmem:s26], [sflag:$0x4], $0x80, $0x38;
	[tilespmem:$0x12100] =	vst v63  }
0xd1: {  	s29 =	simm.s32 $0xA070;
	s28 =	sadd.s32 $0x60, s1  }
0xd2: {  	[hbm4b:s28+s3] =	stream.linear.scatter [tilespmem:s29], [sflag:$0x4], $0x80, $0x38;
	[tilespmem:$0x12100] =	vst v63  }
0xd3: {  	s6 =	simm.s32 $0xA0F8;
	s7 =	rddreg [dreg:$0x6];
	s1 =	sadd.s32 $0x70, s1  }
0xd4: {  	[hbm4b:s1+s3] =	stream.linear.scatter [tilespmem:s6], [sflag:$0x4], $0x80, $0x38;
	[tilespmem:$0x12100] =	vst v63  }
0xd5: {  	s8 =	simm.s32 $0xA180;
	s1 =	sadd.s32 s0, s7  }
0xd6: {  	[hbm4b:s1+s3] =	stream.linear.scatter [tilespmem:s8], [sflag:$0x4], $0x80, $0x38;
	[tilespmem:$0x12100] =	vst v63  }
0xd7: {  	s10 =	simm.s32 $0xA208;
	s9 =	sadd.s32 $0x10, s1  }
0xd8: {  	[hbm4b:s9+s3] =	stream.linear.scatter [tilespmem:s10], [sflag:$0x4], $0x80, $0x38;
	[tilespmem:$0x12100] =	vst v63  }
0xd9: {  	s12 =	simm.s32 $0xA290;
	s11 =	sadd.s32 $0x20, s1  }
0xda: {  	[hbm4b:s11+s3] =	stream.linear.scatter [tilespmem:s12], [sflag:$0x4], $0x80, $0x38;
	[tilespmem:$0x12100] =	vst v63  }
0xdb: {  	s14 =	simm.s32 $0xA318;
	s13 =	sadd.s32 $0x30, s1  }
0xdc: {  	[hbm4b:s13+s3] =	stream.linear.scatter [tilespmem:s14], [sflag:$0x4], $0x80, $0x38;
	[tilespmem:$0x12100] =	vst v63  }
0xdd: {  	s16 =	simm.s32 $0xA3A0;
	s15 =	sadd.s32 $0x40, s1  }
0xde: {  	[hbm4b:s15+s3] =	stream.linear.scatter [tilespmem:s16], [sflag:$0x4], $0x80, $0x38;
	[tilespmem:$0x12100] =	vst v63  }
0xdf: {  	s25 =	simm.s32 $0xA428;
	s23 =	sadd.s32 $0x50, s1  }
0xe0: {  	[hbm4b:s23+s3] =	stream.linear.scatter [tilespmem:s25], [sflag:$0x4], $0x80, $0x38;
	[tilespmem:$0x12100] =	vst v63  }
0xe1: {  	s28 =	simm.s32 $0xA4B0;
	s26 =	sadd.s32 $0x60, s1  }
0xe2: {  	[hbm4b:s26+s3] =	stream.linear.scatter [tilespmem:s28], [sflag:$0x4], $0x80, $0x38;
	[tilespmem:$0x12100] =	vst v63  }
0xe3: {  	s5 =	rddreg [dreg:$0x18];
	s29 =	simm.s32 $0xA538;
	s1 =	sadd.s32 $0x70, s1  }
0xe4: {  	[hbm4b:s1+s3] =	stream.linear.scatter [tilespmem:s29], [sflag:$0x4], $0x80, $0x38;
	[tilespmem:$0x12100] =	vst v63  }
0xe5: {  	s6 =	simm.s32 $0xA5C0;
	s1 =	sadd.s32 s0, s5  }
0xe6: {  	[hbm4b:s1+s3] =	stream.linear.scatter [tilespmem:s6], [sflag:$0x4], $0x80, $0x38;
	[tilespmem:$0x12100] =	vst v63  }
0xe7: {  	s8 =	simm.s32 $0xA648;
	s7 =	sadd.s32 $0x10, s1  }
0xe8: {  	[hbm4b:s7+s3] =	stream.linear.scatter [tilespmem:s8], [sflag:$0x4], $0x80, $0x38;
	[tilespmem:$0x12100] =	vst v63  }
0xe9: {  	s10 =	simm.s32 $0xA6D0;
	s9 =	sadd.s32 $0x20, s1  }
0xea: {  	[hbm4b:s9+s3] =	stream.linear.scatter [tilespmem:s10], [sflag:$0x4], $0x80, $0x38;
	[tilespmem:$0x12100] =	vst v63  }
0xeb: {  	s12 =	simm.s32 $0xA758;
	s11 =	sadd.s32 $0x30, s1  }
0xec: {  	[hbm4b:s11+s3] =	stream.linear.scatter [tilespmem:s12], [sflag:$0x4], $0x80, $0x38;
	[tilespmem:$0x12100] =	vst v63  }
0xed: {  	s14 =	simm.s32 $0xA7E0;
	s13 =	sadd.s32 $0x40, s1  }
0xee: {  	[hbm4b:s13+s3] =	stream.linear.scatter [tilespmem:s14], [sflag:$0x4], $0x80, $0x38;
	[tilespmem:$0x12100] =	vst v63  }
0xef: {  	s16 =	simm.s32 $0xA868;
	s15 =	sadd.s32 $0x50, s1  }
0xf0: {  	[hbm4b:s15+s3] =	stream.linear.scatter [tilespmem:s16], [sflag:$0x4], $0x80, $0x38;
	[tilespmem:$0x12100] =	vst v63  }
0xf1: {  	s25 =	simm.s32 $0xA8F0;
	s23 =	sadd.s32 $0x60, s1  }
0xf2: {  	[hbm4b:s23+s3] =	stream.linear.scatter [tilespmem:s25], [sflag:$0x4], $0x80, $0x38;
	[tilespmem:$0x12100] =	vst v63  }
0xf3: {  	s26 =	simm.s32 $0xA978;
	s28 =	rddreg [dreg:$0x19];
	s1 =	sadd.s32 $0x70, s1  }
0xf4: {  	[hbm4b:s1+s3] =	stream.linear.scatter [tilespmem:s26], [sflag:$0x4], $0x80, $0x38;
	[tilespmem:$0x12100] =	vst v63  }
0xf5: {  	s29 =	simm.s32 $0xAA00;
	s1 =	sadd.s32 s0, s28  }
0xf6: {  	[hbm4b:s1+s3] =	stream.linear.scatter [tilespmem:s29], [sflag:$0x4], $0x80, $0x38;
	[tilespmem:$0x12100] =	vst v63  }
0xf7: {  	s6 =	simm.s32 $0xAA88;
	s5 =	sadd.s32 $0x10, s1  }
0xf8: {  	[hbm4b:s5+s3] =	stream.linear.scatter [tilespmem:s6], [sflag:$0x4], $0x80, $0x38;
	[tilespmem:$0x12100] =	vst v63  }
0xf9: {  	s8 =	simm.s32 $0xAB10;
	s7 =	sadd.s32 $0x20, s1  }
0xfa: {  	[hbm4b:s7+s3] =	stream.linear.scatter [tilespmem:s8], [sflag:$0x4], $0x80, $0x38;
	[tilespmem:$0x12100] =	vst v63  }
0xfb: {  	s10 =	simm.s32 $0xAB98;
	s9 =	sadd.s32 $0x30, s1  }
0xfc: {  	[hbm4b:s9+s3] =	stream.linear.scatter [tilespmem:s10], [sflag:$0x4], $0x80, $0x38;
	[tilespmem:$0x12100] =	vst v63  }
0xfd: {  	s12 =	simm.s32 $0xAC20;
	s11 =	sadd.s32 $0x40, s1  }
0xfe: {  	[hbm4b:s11+s3] =	stream.linear.scatter [tilespmem:s12], [sflag:$0x4], $0x80, $0x38;
	[tilespmem:$0x12100] =	vst v63  }
0xff: {  	s14 =	simm.s32 $0xACA8;
	s13 =	sadd.s32 $0x50, s1  }
0x100: {  	[hbm4b:s13+s3] =	stream.linear.scatter [tilespmem:s14], [sflag:$0x4], $0x80, $0x38;
	[tilespmem:$0x12100] =	vst v63  }
0x101: {  	s16 =	simm.s32 $0xAD30;
	s15 =	sadd.s32 $0x60, s1  }
0x102: {  	[hbm4b:s15+s3] =	stream.linear.scatter [tilespmem:s16], [sflag:$0x4], $0x80, $0x38;
	[tilespmem:$0x12100] =	vst v63  }
0x103: {  	s23 =	simm.s32 $0xADB8;
	s25 =	rddreg [dreg:$0x1a];
	s1 =	sadd.s32 $0x70, s1  }
0x104: {  	[hbm4b:s1+s3] =	stream.linear.scatter [tilespmem:s23], [sflag:$0x4], $0x80, $0x38;
	[tilespmem:$0x12100] =	vst v63  }
0x105: {  	s26 =	simm.s32 $0xAE40;
	s1 =	sadd.s32 s0, s25  }
0x106: {  	[hbm4b:s1+s3] =	stream.linear.scatter [tilespmem:s26], [sflag:$0x4], $0x80, $0x38;
	[tilespmem:$0x12100] =	vst v63  }
0x107: {  	s29 =	simm.s32 $0xAEC8;
	s28 =	sadd.s32 $0x10, s1  }
0x108: {  	[hbm4b:s28+s3] =	stream.linear.scatter [tilespmem:s29], [sflag:$0x4], $0x80, $0x38;
	[tilespmem:$0x12100] =	vst v63  }
0x109: {  	s6 =	simm.s32 $0xAF50;
	s5 =	sadd.s32 $0x20, s1  }
0x10a: {  	[hbm4b:s5+s3] =	stream.linear.scatter [tilespmem:s6], [sflag:$0x4], $0x80, $0x38;
	[tilespmem:$0x12100] =	vst v63  }
0x10b: {  	s8 =	simm.s32 $0xAFD8;
	s7 =	sadd.s32 $0x30, s1  }
0x10c: {  	[hbm4b:s7+s3] =	stream.linear.scatter [tilespmem:s8], [sflag:$0x4], $0x80, $0x38;
	[tilespmem:$0x12100] =	vst v63  }
0x10d: {  	s10 =	simm.s32 $0xB060;
	s9 =	sadd.s32 $0x40, s1  }
0x10e: {  	[hbm4b:s9+s3] =	stream.linear.scatter [tilespmem:s10], [sflag:$0x4], $0x80, $0x38;
	[tilespmem:$0x12100] =	vst v63  }
0x10f: {  	s12 =	simm.s32 $0xB0E8;
	s11 =	sadd.s32 $0x50, s1  }
0x110: {  	[hbm4b:s11+s3] =	stream.linear.scatter [tilespmem:s12], [sflag:$0x4], $0x80, $0x38;
	[tilespmem:$0x12100] =	vst v63  }
0x111: {  	s14 =	simm.s32 $0xB170;
	s13 =	sadd.s32 $0x60, s1  }
0x112: {  	[hbm4b:s13+s3] =	stream.linear.scatter [tilespmem:s14], [sflag:$0x4], $0x80, $0x38;
	[tilespmem:$0x12100] =	vst v63  }
0x113: {  	s15 =	simm.s32 $0xB1F8;
	s1 =	sadd.s32 $0x70, s1  }
0x114: {  	[hbm4b:s1+s3] =	stream.linear.scatter [tilespmem:s15], [sflag:$0x4], $0x80, $0x38;
	[tilespmem:$0x12100] =	vst v63  }
0x115: {  	s16 =	sadd.s32 s0, s30;
	s23 =	simm.s32 $0xB280  }
0x116: {  	[hbm4b:s16+s3] =	stream.linear.scatter [tilespmem:s23], [sflag:$0x4], $0x80, $0x38;
	[tilespmem:$0x12100] =	vst v63  }
0x117: {  	s25 =	sadd.s32 $0x10, s16;
	s26 =	simm.s32 $0xB308  }
0x118: {  	[hbm4b:s25+s3] =	stream.linear.scatter [tilespmem:s26], [sflag:$0x4], $0x80, $0x38;
	[tilespmem:$0x12100] =	vst v63  }
0x119: {  	s28 =	sadd.s32 $0x20, s16;
	s29 =	simm.s32 $0xB390  }
0x11a: {  	[hbm4b:s28+s3] =	stream.linear.scatter [tilespmem:s29], [sflag:$0x4], $0x80, $0x38;
	[tilespmem:$0x12100] =	vst v63  }
0x11b: {  	s5 =	sadd.s32 $0x30, s16;
	s6 =	simm.s32 $0xB418  }
0x11c: {  	[hbm4b:s5+s3] =	stream.linear.scatter [tilespmem:s6], [sflag:$0x4], $0x80, $0x38;
	[tilespmem:$0x12100] =	vst v63  }
0x11d: {  	s7 =	sadd.s32 $0x40, s16;
	s8 =	simm.s32 $0xB4A0  }
0x11e: {  	[hbm4b:s7+s3] =	stream.linear.scatter [tilespmem:s8], [sflag:$0x4], $0x80, $0x38;
	[tilespmem:$0x12100] =	vst v63  }
0x11f: {  	s9 =	sadd.s32 $0x50, s16;
	s10 =	simm.s32 $0xB528  }
0x120: {  	[hbm4b:s9+s3] =	stream.linear.scatter [tilespmem:s10], [sflag:$0x4], $0x80, $0x38;
	[tilespmem:$0x12100] =	vst v63  }
0x121: {  	s11 =	sadd.s32 $0x60, s16;
	s12 =	simm.s32 $0xB5B0  }
0x122: {  	[hbm4b:s11+s3] =	stream.linear.scatter [tilespmem:s12], [sflag:$0x4], $0x80, $0x38;
	[tilespmem:$0x12100] =	vst v63  }
0x123: {  	s13 =	simm.s32 $0xB638;
	s1 =	sadd.s32 $0x70, s16  }
0x124: {  	[hbm4b:s1+s3] =	stream.linear.scatter [tilespmem:s13], [sflag:$0x4], $0x80, $0x38;
	[tilespmem:$0x12100] =	vst v63  }
0x125: {  	s14 =	sadd.s32 s0, s31;
	s15 =	simm.s32 $0xB6C0  }
0x126: {  	[hbm4b:s14+s3] =	stream.linear.scatter [tilespmem:s15], [sflag:$0x4], $0x80, $0x38;
	[tilespmem:$0x12100] =	vst v63  }
0x127: {  	s16 =	sadd.s32 $0x10, s14;
	s23 =	simm.s32 $0xB748  }
0x128: {  	[hbm4b:s16+s3] =	stream.linear.scatter [tilespmem:s23], [sflag:$0x4], $0x80, $0x38;
	[tilespmem:$0x12100] =	vst v63  }
0x129: {  	s25 =	sadd.s32 $0x20, s14;
	s26 =	simm.s32 $0xB7D0  }
0x12a: {  	[hbm4b:s25+s3] =	stream.linear.scatter [tilespmem:s26], [sflag:$0x4], $0x80, $0x38;
	[tilespmem:$0x12100] =	vst v63  }
0x12b: {  	s28 =	sadd.s32 $0x30, s14;
	s29 =	simm.s32 $0xB858  }
0x12c: {  	[hbm4b:s28+s3] =	stream.linear.scatter [tilespmem:s29], [sflag:$0x4], $0x80, $0x38;
	[tilespmem:$0x12100] =	vst v63  }
0x12d: {  	s5 =	sadd.s32 $0x40, s14;
	s6 =	simm.s32 $0xB8E0  }
0x12e: {  	[hbm4b:s5+s3] =	stream.linear.scatter [tilespmem:s6], [sflag:$0x4], $0x80, $0x38;
	[tilespmem:$0x12100] =	vst v63  }
0x12f: {  	s7 =	sadd.s32 $0x50, s14;
	s8 =	simm.s32 $0xB968  }
0x130: {  	[hbm4b:s7+s3] =	stream.linear.scatter [tilespmem:s8], [sflag:$0x4], $0x80, $0x38;
	[tilespmem:$0x12100] =	vst v63  }
0x131: {  	s9 =	sadd.s32 $0x60, s14;
	s10 =	simm.s32 $0xB9F0  }
0x132: {  	[hbm4b:s9+s3] =	stream.linear.scatter [tilespmem:s10], [sflag:$0x4], $0x80, $0x38;
	[tilespmem:$0x12100] =	vst v63  }
0x133: {  	s11 =	simm.s32 $0xBA78;
	s12 =	rddreg [dreg:$0x1b];
	s1 =	sadd.s32 $0x70, s14  }
0x134: {  	[hbm4b:s1+s3] =	stream.linear.scatter [tilespmem:s11], [sflag:$0x4], $0x80, $0x38;
	[tilespmem:$0x12100] =	vst v63  }
0x135: {  	s13 =	simm.s32 $0xBB00;
	s1 =	sadd.s32 s0, s12  }
0x136: {  	[hbm4b:s1+s3] =	stream.linear.scatter [tilespmem:s13], [sflag:$0x4], $0x80, $0x38;
	[tilespmem:$0x12100] =	vst v63  }
0x137: {  	s15 =	simm.s32 $0xBB88;
	s14 =	sadd.s32 $0x10, s1  }
0x138: {  	[hbm4b:s14+s3] =	stream.linear.scatter [tilespmem:s15], [sflag:$0x4], $0x80, $0x38;
	[tilespmem:$0x12100] =	vst v63  }
0x139: {  	s23 =	simm.s32 $0xBC10;
	s16 =	sadd.s32 $0x20, s1  }
0x13a: {  	[hbm4b:s16+s3] =	stream.linear.scatter [tilespmem:s23], [sflag:$0x4], $0x80, $0x38;
	[tilespmem:$0x12100] =	vst v63  }
0x13b: {  	s26 =	simm.s32 $0xBC98;
	s25 =	sadd.s32 $0x30, s1  }
0x13c: {  	[hbm4b:s25+s3] =	stream.linear.scatter [tilespmem:s26], [sflag:$0x4], $0x80, $0x38;
	[tilespmem:$0x12100] =	vst v63  }
0x13d: {  	s29 =	simm.s32 $0xBD20;
	s28 =	sadd.s32 $0x40, s1  }
0x13e: {  	[hbm4b:s28+s3] =	stream.linear.scatter [tilespmem:s29], [sflag:$0x4], $0x80, $0x38;
	[tilespmem:$0x12100] =	vst v63  }
0x13f: {  	s6 =	simm.s32 $0xBDA8;
	s5 =	sadd.s32 $0x50, s1  }
0x140: {  	[hbm4b:s5+s3] =	stream.linear.scatter [tilespmem:s6], [sflag:$0x4], $0x80, $0x38;
	[tilespmem:$0x12100] =	vst v63  }
0x141: {  	s8 =	simm.s32 $0xBE30;
	s7 =	sadd.s32 $0x60, s1  }
0x142: {  	[hbm4b:s7+s3] =	stream.linear.scatter [tilespmem:s8], [sflag:$0x4], $0x80, $0x38;
	[tilespmem:$0x12100] =	vst v63  }
0x143: {  	s9 =	simm.s32 $0xBEB8;
	s10 =	rddreg [dreg:$0x1c];
	s1 =	sadd.s32 $0x70, s1  }
0x144: {  	[hbm4b:s1+s3] =	stream.linear.scatter [tilespmem:s9], [sflag:$0x4], $0x80, $0x38;
	[tilespmem:$0x12100] =	vst v63  }
0x145: {  	s11 =	simm.s32 $0xBF40;
	s1 =	sadd.s32 s0, s10  }
0x146: {  	[hbm4b:s1+s3] =	stream.linear.scatter [tilespmem:s11], [sflag:$0x4], $0x80, $0x38;
	[tilespmem:$0x12100] =	vst v63  }
0x147: {  	s13 =	simm.s32 $0xBFC8;
	s12 =	sadd.s32 $0x10, s1  }
0x148: {  	[hbm4b:s12+s3] =	stream.linear.scatter [tilespmem:s13], [sflag:$0x4], $0x80, $0x38;
	[tilespmem:$0x12100] =	vst v63  }
0x149: {  	s15 =	simm.s32 $0xC050;
	s14 =	sadd.s32 $0x20, s1  }
0x14a: {  	[hbm4b:s14+s3] =	stream.linear.scatter [tilespmem:s15], [sflag:$0x4], $0x80, $0x38;
	[tilespmem:$0x12100] =	vst v63  }
0x14b: {  	s23 =	simm.s32 $0xC0D8;
	s16 =	sadd.s32 $0x30, s1  }
0x14c: {  	[hbm4b:s16+s3] =	stream.linear.scatter [tilespmem:s23], [sflag:$0x4], $0x80, $0x38;
	[tilespmem:$0x12100] =	vst v63  }
0x14d: {  	s26 =	simm.s32 $0xC160;
	s25 =	sadd.s32 $0x40, s1  }
0x14e: {  	[hbm4b:s25+s3] =	stream.linear.scatter [tilespmem:s26], [sflag:$0x4], $0x80, $0x38;
	[tilespmem:$0x12100] =	vst v63  }
0x14f: {  	s29 =	simm.s32 $0xC1E8;
	s28 =	sadd.s32 $0x50, s1  }
0x150: {  	[hbm4b:s28+s3] =	stream.linear.scatter [tilespmem:s29], [sflag:$0x4], $0x80, $0x38;
	[tilespmem:$0x12100] =	vst v63  }
0x151: {  	s6 =	simm.s32 $0xC270;
	s5 =	sadd.s32 $0x60, s1  }
0x152: {  	[hbm4b:s5+s3] =	stream.linear.scatter [tilespmem:s6], [sflag:$0x4], $0x80, $0x38;
	[tilespmem:$0x12100] =	vst v63  }
0x153: {  	s7 =	simm.s32 $0xC2F8;
	s8 =	rddreg [dreg:$0x1d];
	s1 =	sadd.s32 $0x70, s1  }
0x154: {  	[hbm4b:s1+s3] =	stream.linear.scatter [tilespmem:s7], [sflag:$0x4], $0x80, $0x38;
	[tilespmem:$0x12100] =	vst v63  }
0x155: {  	s9 =	simm.s32 $0xC380;
	s1 =	sadd.s32 s0, s8  }
0x156: {  	[hbm4b:s1+s3] =	stream.linear.scatter [tilespmem:s9], [sflag:$0x4], $0x80, $0x38;
	[tilespmem:$0x12100] =	vst v63  }
0x157: {  	s11 =	simm.s32 $0xC408;
	s10 =	sadd.s32 $0x10, s1  }
0x158: {  	[hbm4b:s10+s3] =	stream.linear.scatter [tilespmem:s11], [sflag:$0x4], $0x80, $0x38;
	[tilespmem:$0x12100] =	vst v63  }
0x159: {  	s13 =	simm.s32 $0xC490;
	s12 =	sadd.s32 $0x20, s1  }
0x15a: {  	[hbm4b:s12+s3] =	stream.linear.scatter [tilespmem:s13], [sflag:$0x4], $0x80, $0x38;
	[tilespmem:$0x12100] =	vst v63  }
0x15b: {  	s15 =	simm.s32 $0xC518;
	s14 =	sadd.s32 $0x30, s1  }
0x15c: {  	[hbm4b:s14+s3] =	stream.linear.scatter [tilespmem:s15], [sflag:$0x4], $0x80, $0x38;
	[tilespmem:$0x12100] =	vst v63  }
0x15d: {  	s23 =	simm.s32 $0xC5A0;
	s16 =	sadd.s32 $0x40, s1  }
0x15e: {  	[hbm4b:s16+s3] =	stream.linear.scatter [tilespmem:s23], [sflag:$0x4], $0x80, $0x38;
	[tilespmem:$0x12100] =	vst v63  }
0x15f: {  	s26 =	simm.s32 $0xC628;
	s25 =	sadd.s32 $0x50, s1  }
0x160: {  	[hbm4b:s25+s3] =	stream.linear.scatter [tilespmem:s26], [sflag:$0x4], $0x80, $0x38;
	[tilespmem:$0x12100] =	vst v63  }
0x161: {  	s29 =	simm.s32 $0xC6B0;
	s28 =	sadd.s32 $0x60, s1  }
0x162: {  	[hbm4b:s28+s3] =	stream.linear.scatter [tilespmem:s29], [sflag:$0x4], $0x80, $0x38;
	[tilespmem:$0x12100] =	vst v63  }
0x163: {  	s6 =	simm.s32 $0xC738;
	s7 =	rddreg [dreg:$0x1e];
	s1 =	sadd.s32 $0x70, s1  }
0x164: {  	[hbm4b:s1+s3] =	stream.linear.scatter [tilespmem:s6], [sflag:$0x4], $0x80, $0x38;
	[tilespmem:$0x12100] =	vst v63  }
0x165: {  	s8 =	simm.s32 $0xC7C0;
	s1 =	sadd.s32 s0, s7  }
0x166: {  	[hbm4b:s1+s3] =	stream.linear.scatter [tilespmem:s8], [sflag:$0x4], $0x80, $0x38;
	[tilespmem:$0x12100] =	vst v63  }
0x167: {  	s10 =	simm.s32 $0xC848;
	s9 =	sadd.s32 $0x10, s1  }
0x168: {  	[hbm4b:s9+s3] =	stream.linear.scatter [tilespmem:s10], [sflag:$0x4], $0x80, $0x38;
	[tilespmem:$0x12100] =	vst v63  }
0x169: {  	s12 =	simm.s32 $0xC8D0;
	s11 =	sadd.s32 $0x20, s1  }
0x16a: {  	[hbm4b:s11+s3] =	stream.linear.scatter [tilespmem:s12], [sflag:$0x4], $0x80, $0x38;
	[tilespmem:$0x12100] =	vst v63  }
0x16b: {  	s14 =	simm.s32 $0xC958;
	s13 =	sadd.s32 $0x30, s1  }
0x16c: {  	[hbm4b:s13+s3] =	stream.linear.scatter [tilespmem:s14], [sflag:$0x4], $0x80, $0x38;
	[tilespmem:$0x12100] =	vst v63  }
0x16d: {  	s16 =	simm.s32 $0xC9E0;
	s15 =	sadd.s32 $0x40, s1  }
0x16e: {  	[hbm4b:s15+s3] =	stream.linear.scatter [tilespmem:s16], [sflag:$0x4], $0x80, $0x38;
	[tilespmem:$0x12100] =	vst v63  }
0x16f: {  	s25 =	simm.s32 $0xCA68;
	s23 =	sadd.s32 $0x50, s1  }
0x170: {  	[hbm4b:s23+s3] =	stream.linear.scatter [tilespmem:s25], [sflag:$0x4], $0x80, $0x38;
	[tilespmem:$0x12100] =	vst v63  }
0x171: {  	s28 =	simm.s32 $0xCAF0;
	s26 =	sadd.s32 $0x60, s1  }
0x172: {  	[hbm4b:s26+s3] =	stream.linear.scatter [tilespmem:s28], [sflag:$0x4], $0x80, $0x38;
	[tilespmem:$0x12100] =	vst v63  }
0x173: {  	s5 =	rddreg [dreg:$0x1f];
	s29 =	simm.s32 $0xCB78;
	s1 =	sadd.s32 $0x70, s1  }
0x174: {  	[hbm4b:s1+s3] =	stream.linear.scatter [tilespmem:s29], [sflag:$0x4], $0x80, $0x38;
	[tilespmem:$0x12100] =	vst v63  }
0x175: {  	s6 =	simm.s32 $0xCC00;
	s1 =	sadd.s32 s0, s5  }
0x176: {  	[hbm4b:s1+s3] =	stream.linear.scatter [tilespmem:s6], [sflag:$0x4], $0x80, $0x38;
	[tilespmem:$0x12100] =	vst v63  }
0x177: {  	s8 =	simm.s32 $0xCC88;
	s7 =	sadd.s32 $0x10, s1  }
0x178: {  	[hbm4b:s7+s3] =	stream.linear.scatter [tilespmem:s8], [sflag:$0x4], $0x80, $0x38;
	[tilespmem:$0x12100] =	vst v63  }
0x179: {  	s10 =	simm.s32 $0xCD10;
	s9 =	sadd.s32 $0x20, s1  }
0x17a: {  	[hbm4b:s9+s3] =	stream.linear.scatter [tilespmem:s10], [sflag:$0x4], $0x80, $0x38;
	[tilespmem:$0x12100] =	vst v63  }
0x17b: {  	s12 =	simm.s32 $0xCD98;
	s11 =	sadd.s32 $0x30, s1  }
0x17c: {  	[hbm4b:s11+s3] =	stream.linear.scatter [tilespmem:s12], [sflag:$0x4], $0x80, $0x38;
	[tilespmem:$0x12100] =	vst v63  }
0x17d: {  	s14 =	simm.s32 $0xCE20;
	s13 =	sadd.s32 $0x40, s1  }
0x17e: {  	[hbm4b:s13+s3] =	stream.linear.scatter [tilespmem:s14], [sflag:$0x4], $0x80, $0x38;
	[tilespmem:$0x12100] =	vst v63  }
0x17f: {  	s16 =	simm.s32 $0xCEA8;
	s15 =	sadd.s32 $0x50, s1  }
0x180: {  	[hbm4b:s15+s3] =	stream.linear.scatter [tilespmem:s16], [sflag:$0x4], $0x80, $0x38;
	[tilespmem:$0x12100] =	vst v63  }
0x181: {  	s25 =	simm.s32 $0xCF30;
	s28 =	sld [smem:$0x7FB];
	s23 =	sadd.s32 $0x60, s1  }
0x182: {  	[hbm4b:s23+s3] =	stream.linear.scatter [tilespmem:s25], [sflag:$0x4], $0x80, $0x38;
	[tilespmem:$0x12100] =	vst v63  }
0x183: {  	s26 =	simm.s32 $0xCFB8;
	s1 =	sadd.s32 $0x70, s1  }
0x184: {  	[hbm4b:s1+s3] =	stream.linear.scatter [tilespmem:s26], [sflag:$0x4], $0x80, $0x38;
	[tilespmem:$0x12100] =	vst v63  }
0x185: {  	s29 =	simm.s32 $0xD040;
	s1 =	sadd.s32 s0, s28  }
0x186: {  	[hbm4b:s1+s3] =	stream.linear.scatter [tilespmem:s29], [sflag:$0x4], $0x80, $0x38;
	[tilespmem:$0x12100] =	vst v63  }
0x187: {  	s6 =	simm.s32 $0xD0C8;
	s5 =	sadd.s32 $0x10, s1  }
0x188: {  	[hbm4b:s5+s3] =	stream.linear.scatter [tilespmem:s6], [sflag:$0x4], $0x80, $0x38;
	[tilespmem:$0x12100] =	vst v63  }
0x189: {  	s8 =	simm.s32 $0xD150;
	s7 =	sadd.s32 $0x20, s1  }
0x18a: {  	[hbm4b:s7+s3] =	stream.linear.scatter [tilespmem:s8], [sflag:$0x4], $0x80, $0x38;
	[tilespmem:$0x12100] =	vst v63  }
0x18b: {  	s10 =	simm.s32 $0xD1D8;
	s9 =	sadd.s32 $0x30, s1  }
0x18c: {  	[hbm4b:s9+s3] =	stream.linear.scatter [tilespmem:s10], [sflag:$0x4], $0x80, $0x38;
	[tilespmem:$0x12100] =	vst v63  }
0x18d: {  	s12 =	simm.s32 $0xD260;
	s11 =	sadd.s32 $0x40, s1  }
0x18e: {  	[hbm4b:s11+s3] =	stream.linear.scatter [tilespmem:s12], [sflag:$0x4], $0x80, $0x38;
	[tilespmem:$0x12100] =	vst v63  }
0x18f: {  	s14 =	simm.s32 $0xD2E8;
	s13 =	sadd.s32 $0x50, s1  }
0x190: {  	[hbm4b:s13+s3] =	stream.linear.scatter [tilespmem:s14], [sflag:$0x4], $0x80, $0x38;
	[tilespmem:$0x12100] =	vst v63  }
0x191: {  	s16 =	simm.s32 $0xD370;
	s25 =	sld [smem:$0x7FC];
	s15 =	sadd.s32 $0x60, s1  }
0x192: {  	[hbm4b:s15+s3] =	stream.linear.scatter [tilespmem:s16], [sflag:$0x4], $0x80, $0x38;
	[tilespmem:$0x12100] =	vst v63  }
0x193: {  	s23 =	simm.s32 $0xD3F8;
	s1 =	sadd.s32 $0x70, s1  }
0x194: {  	[hbm4b:s1+s3] =	stream.linear.scatter [tilespmem:s23], [sflag:$0x4], $0x80, $0x38;
	[tilespmem:$0x12100] =	vst v63  }
0x195: {  	s26 =	simm.s32 $0xD480;
	s1 =	sadd.s32 s0, s25  }
0x196: {  	[hbm4b:s1+s3] =	stream.linear.scatter [tilespmem:s26], [sflag:$0x4], $0x80, $0x38;
	[tilespmem:$0x12100] =	vst v63  }
0x197: {  	s29 =	simm.s32 $0xD508;
	s28 =	sadd.s32 $0x10, s1  }
0x198: {  	[hbm4b:s28+s3] =	stream.linear.scatter [tilespmem:s29], [sflag:$0x4], $0x80, $0x38;
	[tilespmem:$0x12100] =	vst v63  }
0x199: {  	s6 =	simm.s32 $0xD590;
	s5 =	sadd.s32 $0x20, s1  }
0x19a: {  	[hbm4b:s5+s3] =	stream.linear.scatter [tilespmem:s6], [sflag:$0x4], $0x80, $0x38;
	[tilespmem:$0x12100] =	vst v63  }
0x19b: {  	s8 =	simm.s32 $0xD618;
	s7 =	sadd.s32 $0x30, s1  }
0x19c: {  	[hbm4b:s7+s3] =	stream.linear.scatter [tilespmem:s8], [sflag:$0x4], $0x80, $0x38;
	[tilespmem:$0x12100] =	vst v63  }
0x19d: {  	s10 =	simm.s32 $0xD6A0;
	s9 =	sadd.s32 $0x40, s1  }
0x19e: {  	[hbm4b:s9+s3] =	stream.linear.scatter [tilespmem:s10], [sflag:$0x4], $0x80, $0x38;
	[tilespmem:$0x12100] =	vst v63  }
0x19f: {  	s12 =	simm.s32 $0xD728;
	s11 =	sadd.s32 $0x50, s1  }
0x1a0: {  	[hbm4b:s11+s3] =	stream.linear.scatter [tilespmem:s12], [sflag:$0x4], $0x80, $0x38;
	[tilespmem:$0x12100] =	vst v63  }
0x1a1: {  	s14 =	simm.s32 $0xD7B0;
	s16 =	sld [smem:$0x7FD];
	s13 =	sadd.s32 $0x60, s1  }
0x1a2: {  	[hbm4b:s13+s3] =	stream.linear.scatter [tilespmem:s14], [sflag:$0x4], $0x80, $0x38;
	[tilespmem:$0x12100] =	vst v63  }
0x1a3: {  	s15 =	simm.s32 $0xD838;
	s1 =	sadd.s32 $0x70, s1  }
0x1a4: {  	[hbm4b:s1+s3] =	stream.linear.scatter [tilespmem:s15], [sflag:$0x4], $0x80, $0x38;
	[tilespmem:$0x12100] =	vst v63  }
0x1a5: {  	s23 =	simm.s32 $0xD8C0;
	s0 =	sadd.s32 s0, s16  }
0x1a6: {  	[hbm4b:s0+s3] =	stream.linear.scatter [tilespmem:s23], [sflag:$0x4], $0x80, $0x38;
	[tilespmem:$0x12100] =	vst v63  }
0x1a7: {  	s25 =	sadd.s32 $0x10, s0;
	s26 =	simm.s32 $0xD948  }
0x1a8: {  	[hbm4b:s25+s3] =	stream.linear.scatter [tilespmem:s26], [sflag:$0x4], $0x80, $0x38;
	[tilespmem:$0x12100] =	vst v63  }
0x1a9: {  	s28 =	sadd.s32 $0x20, s0;
	s29 =	simm.s32 $0xD9D0  }
0x1aa: {  	[hbm4b:s28+s3] =	stream.linear.scatter [tilespmem:s29], [sflag:$0x4], $0x80, $0x38;
	[tilespmem:$0x12100] =	vst v63  }
0x1ab: {  	s2 =	sadd.s32 $0x30, s0;
	s5 =	simm.s32 $0xDA58  }
0x1ac: {  	[hbm4b:s2+s3] =	stream.linear.scatter [tilespmem:s5], [sflag:$0x4], $0x80, $0x38;
	[tilespmem:$0x12100] =	vst v63  }
0x1ad: {  	s6 =	sadd.s32 $0x40, s0;
	s7 =	simm.s32 $0xDAE0  }
0x1ae: {  	[hbm4b:s6+s3] =	stream.linear.scatter [tilespmem:s7], [sflag:$0x4], $0x80, $0x38;
	[tilespmem:$0x12100] =	vst v63  }
0x1af: {  	s8 =	sadd.s32 $0x50, s0;
	s9 =	simm.s32 $0xDB68  }
0x1b0: {  	[hbm4b:s8+s3] =	stream.linear.scatter [tilespmem:s9], [sflag:$0x4], $0x80, $0x38;
	[tilespmem:$0x12100] =	vst v63  }
0x1b1: {  	s10 =	sadd.s32 $0x60, s0;
	s11 =	simm.s32 $0xDBF0  }
0x1b2: {  	[hbm4b:s10+s3] =	stream.linear.scatter [tilespmem:s11], [sflag:$0x4], $0x80, $0x38;
	[tilespmem:$0x12100] =	vst v63  }
0x1b3: {  	s12 =	simm.s32 $0xDC78;
	s13 =	sshll.u32 s24, $0x9;
	s0 =	sadd.s32 $0x70, s0  }
0x1b4: {  	[hbm4b:s0+s3] =	stream.linear.scatter [tilespmem:s12], [sflag:$0x4], $0x80, $0x38;
	[tilespmem:$0x12100] =	vst v63  }
0x1b5: {  	s0 =	sand.u32 $0x3FFFFE00, s13  }
0x1b6: {  	s16 =	simm.s32 $0x1900;
	s15 =	simm.s32 $0x80;
	s14 =	sadd.s32 $0x200, s0  }
0x1b7: {  	[tilespmem:s16], [sflag:$0x2] =	stream.indirect.gather [hbm4b:s4+s15], $0x40, s14, s15, $0xb8;
	[tilespmem:$0x12100] =	vst v63  }
0x1b8: {  	s23 =	simm.s32 $0x3900;
	s0 =	sadd.s32 $0x280, s0  }
0x1b9: {  	[tilespmem:s23], [sflag:$0x2] =	stream.indirect.gather [hbm4b:s4+s15], $0x40, s0, s15, $0xb8;
	[tilespmem:$0x12100] =	vst v63  }
0x1ba: {  	_ =	swait.ge [sflag:s21], $0x2000  }
0x1bb: {  	[sflag:s21] =	ssyncset.done $0x0  }
0x1bc: {  	[sflag:s21] =	ssyncadd.s32 $0xFFFFE000  }
0x1bd: {  	_ =	swait.ge [sflag:s21], $0x2000  }
0x1be: {  	[sflag:s21] =	ssyncset.done $0x0  }
0x1bf: {  	s0 =	simm.s32 @!p0 $0x5;
	[sflag:s21] =	ssyncadd.s32 $0xFFFFE000  }
0x1c0: {  	_ =	swait.ge @!p0 [sflag:s0], $0x400  }
0x1c1: {  	[sflag:s0] =	ssyncset.done @!p0 $0x0  }
0x1c2: {  	[sflag:s0] =	ssyncadd.s32 @!p0 $0xFFFFFC00  }
0x1c3: {  	_ =	swait.ge @!p0 [sflag:s0], $0x400  }
0x1c4: {  	[sflag:s0] =	ssyncset.done @!p0 $0x0  }
0x1c5: {  	[sflag:s0] =	ssyncadd.s32 @!p0 $0xFFFFFC00  }
0x1c6: {  	_ =	swait.ge @!p0 [sflag:s0], $0x400  }
0x1c7: {  	[sflag:s0] =	ssyncset.done @!p0 $0x0  }
0x1c8: {  	[sflag:s0] =	ssyncadd.s32 @!p0 $0xFFFFFC00  }
0x1c9: {  	_ =	swait.ge @!p0 [sflag:s0], $0x400  }
0x1ca: {  	[sflag:s0] =	ssyncset.done @!p0 $0x0  }
0x1cb: {  	[sflag:s0] =	ssyncadd.s32 @!p0 $0xFFFFFC00  }
0x1cc: {  	_ =	swait.ge @!p0 [sflag:s0], $0x400  }
0x1cd: {  	[sflag:s0] =	ssyncset.done @!p0 $0x0  }
0x1ce: {  	[sflag:s0] =	ssyncadd.s32 @!p0 $0xFFFFFC00  }
0x1cf: {  	_ =	swait.ge @!p0 [sflag:s0], $0x400  }
0x1d0: {  	[sflag:s0] =	ssyncset.done @!p0 $0x0  }
0x1d1: {  	[sflag:s0] =	ssyncadd.s32 @!p0 $0xFFFFFC00  }
0x1d2: {  	_ =	swait.ge @!p0 [sflag:s0], $0x400  }
0x1d3: {  	[sflag:s0] =	ssyncset.done @!p0 $0x0  }
0x1d4: {  	[sflag:s0] =	ssyncadd.s32 @!p0 $0xFFFFFC00  }
0x1d5: {  	_ =	swait.ge @!p0 [sflag:s0], $0x400  }
0x1d6: {  	s26 =	simm.s32 $0x0;
	[sflag:s0] =	ssyncset.done @!p0 $0x0  }
0x1d7: {  	s7 =	sand.u32 $0x7FFFFFC0, s26;
	[sflag:s0] =	ssyncadd.s32 @!p0 $0xFFFFFC00  }
0x1d8: {  	v3 =	vmov s7;
	_ =	swait.ge @!p0 [sflag:s0], $0x400  }
0x1d9: {  	v3 =	vmul.u32 $0x88, v3;
	[sflag:s0] =	ssyncset.done @!p0 $0x0  }
0x1da: {  	[sflag:s0] =	ssyncadd.s32 @!p0 $0xFFFFFC00  }
0x1db: {  	s2 =	sor.u32 $0x30, s7;
	v3 =	vbroadcast v3, $0x0;
	_ =	swait.ge @!p0 [sflag:s0], $0x400  }
0x1dc: {  	s8 =	sor.u32 $0x20, s7;
	s7 =	sor.u32 $0x10, s7;
	[sflag:s0] =	ssyncset.done @!p0 $0x0  }
0x1dd: {  	v10 =	vadd.s32 v0, v3;
	v3 =	vmov s7;
	[sflag:s0] =	ssyncadd.s32 @!p0 $0xFFFFFC00  }
0x1de: {  	v3 =	vmul.u32 $0x88, v3;
	_ =	swait.ge @!p0 [sflag:s0], $0x400  }
0x1df: {  	s23 =	simm.s32 $0x0;
	[sflag:s0] =	ssyncset.done @!p0 $0x0  }
0x1e0: {  	v3 =	vbroadcast v3, $0x0;
	s25 =	sand.u32 $0x78, s23;
	[sflag:s0] =	ssyncadd.s32 @!p0 $0xFFFFFC00  }
0x1e1: {  	v5 =	vmov s2;
	s6 =	sor.u32 $0x1, s25;
	_ =	swait.ge @!p0 [sflag:s0], $0x400  }
0x1e2: {  	v8 =	vmov s8;
	v15 =	vadd.s32 v0, v3;
	v2 =	vmov s25;
	s2 =	sor.u32 $0x5, s25;
	s28 =	sor.u32 $0x6, s25;
	[sflag:s0] =	ssyncset.done @!p0 $0x0  }
0x1e3: {  	s29 =	sor.u32 $0x2, s25;
	s9 =	sor.u32 $0x4, s25;
	v2 =	vshrl.u32 v2, $0x3;
	v4 =	vmov s6;
	v6 =	vmov s2;
	[sflag:s0] =	ssyncadd.s32 @!p0 $0xFFFFFC00  }
0x1e4: {  	v7 =	vmov s28;
	v11 =	vmov s29;
	v12 =	vmov s9;
	_ =	swait.ge @!p0 [sflag:s0], $0x400  }
0x1e5: {  	v4 =	vshrl.u32 v4, $0x3;
	v6 =	vshrl.u32 v6, $0x3;
	v7 =	vshrl.u32 v7, $0x3;
	[sflag:s0] =	ssyncset.done @!p0 $0x0  }
0x1e6: {  	v2 =	vshll.u32 v2, v1;
	v12 =	vshrl.u32 v12, $0x3;
	v4 =	vshll.u32 v4, v1;
	[sflag:s0] =	ssyncadd.s32 @!p0 $0xFFFFFC00  }
0x1e7: {  	v12 =	vshll.u32 v12, v1;
	v3 =	vbroadcast v2, $0x0;
	v2 =	vmul.u32 $0x88, v8;
	_ =	swait.ge @!p0 [sflag:s0], $0x400  }
0x1e8: {  	v9 =	vbroadcast v4, $0x0;
	v4 =	vshll.u32 v6, v1;
	v27 =	vbroadcast v12, $0x0;
	[sflag:s0] =	ssyncset.done @!p0 $0x0  }
0x1e9: {  	v6 =	vbroadcast v4, $0x0;
	v19 =	vadd.s32 v3, v10;
	v2 =	vbroadcast v2, $0x0;
	[sflag:s0] =	ssyncadd.s32 @!p0 $0xFFFFFC00  }
0x1ea: {  	v31 =	vadd.s32 v3, v15;
	v4 =	vadd.s32 v9, v10;
	v20 =	vadd.s32 v27, v15;
	_ =	swait.ge @!p0 [sflag:s0], $0x400  }
0x1eb: {  	s11 =	sor.u32 $0x7, s25;
	v23 =	vadd.s32 v27, v10;
	v13 =	vadd.s32 v6, v10;
	v14 =	vor.u32 $0x1, v4;
	[sflag:s0] =	ssyncset.done @!p0 $0x0  }
0x1ec: {  	s14 =	simm.s32 $0x0;
	v4 =	vshrl.u32 v11, $0x3;
	v11 =	vmov s11;
	v29 =	vadd.s32 v0, v2;
	[sflag:s0] =	ssyncadd.s32 @!p0 $0xFFFFFC00  }
0x1ed: {  	s10 =	sand.u32 $0x3FFFE000, s14;
	s13 =	sor.u32 $0x3, s25;
	v23 =	vor.u32 $0x4, v23;
	v40 =	vor.u32 $0x4, v20;
	v4 =	vshll.u32 v4, v1;
	_ =	swait.ge @!p0 [sflag:s0], $0x400  }
0x1ee: {  	s12 =	sadd.s32 $0x5900, s10;
	s6 =	sshll.u32 s6, $0x6;
	v16 =	vbroadcast v4, $0x0;
	v4 =	vshll.u32 v7, v1;
	v7 =	vmov s13;
	[sflag:s0] =	ssyncset.done @!p0 $0x0  }
0x1ef: {  	s15 =	sshll.u32 s29, $0x6;
	s14 =	sadd.s32 s6, s12;
	v30 =	vbroadcast v4, $0x0;
	v4 =	vshrl.u32 v11, $0x3;
	v7 =	vshrl.u32 v7, $0x3;
	[sflag:s0] =	ssyncadd.s32 @!p0 $0xFFFFFC00  }
0x1f0: {  	s16 =	sshll.u32 s25, $0x6;
	s15 =	sadd.s32 s15, s12;
	v11 =	vadd.s32 v16, v10;
	v21 =	vadd.s32 v16, v15;
	v4 =	vshll.u32 v4, v1;
	v8 =	vld [tilespmem:s14+$0x0]  }
0x1f1: {  	s25 =	sshll.u32 s28, $0x6;
	s5 =	sadd.s32 s16, s12;
	v7 =	vshll.u32 v7, v1;
	v11 =	vor.u32 $0x2, v11;
	v17 =	vadd.s32 v30, v10;
	v18 =	vld [tilespmem:s15+$0x0]  }
0x1f2: {  	s26 =	sshll.u32 s9, $0x6;
	s1 =	sadd.s32 s25, s12;
	v12 =	vadd.s32 v30, v15;
	v22 =	vbroadcast v4, $0x0;
	v7 =	vbroadcast v7, $0x0;
	v24 =	vld [tilespmem:s5+$0x0]  }
0x1f3: {  	s28 =	sshll.u32 s13, $0x6;
	s10 =	sadd.s32 s26, s12;
	v41 =	vadd.s32 v30, v29;
	v25 =	vor.u32 $0x6, v17;
	v4 =	vor.u32 $0x6, v12;
	v28 =	vld [tilespmem:s1+$0x0]  }
0x1f4: {  	s29 =	sshll.u32 s11, $0x6;
	s9 =	sadd.s32 s28, s12;
	v12 =	vmul.u32 $0x88, v5;
	v17 =	vadd.s32 v7, v10;
	v5 =	vadd.s32 v22, v10;
	v2 =	vld [tilespmem:s10+$0x0]  }
0x1f5: {  	s2 =	sshll.u32 s2, $0x6;
	s25 =	sadd.s32 s29, s12;
	v26 =	vadd.s32 v7, v15;
	v20 =	vadd.s32 v22, v29;
	v32 =	vor.u32 $0x7, v5;
	v35 =	vld [tilespmem:s9+$0x0]  }
0x1f6: {  	v5 =	vadd.s32 v3, v29;
	v10 =	vbroadcast v12, $0x0;
	v36 =	vor.u32 $0x3, v17;
	s0 =	sadd.s32 s2, s12;
	v38 =	vld [tilespmem:s25+$0x0];
	[tilespmem:v14+s22+$0x0] =	vst.idx.msk $0xffff, v8  }
0x1f7: {  	v13 =	vor.u32 $0x5, v13;
	v12 =	vadd.s32 v9, v15;
	v17 =	vadd.s32 v6, v15;
	v8 =	vld [tilespmem:s0+$0x0];
	[tilespmem:v19+s22+$0x0] =	vst.idx.msk $0xffff, v24  }
0x1f8: {  	v15 =	vadd.s32 v22, v15;
	v34 =	vor.u32 $0x1, v12;
	v12 =	vadd.s32 v0, v10;
	[tilespmem:v11+s22+$0x0] =	vst.idx.msk $0xffff, v18;
	v33 =	vld [tilespmem:s14+$0x10]  }
0x1f9: {  	v10 =	vadd.s32 v9, v12;
	v14 =	vadd.s32 v27, v29;
	[tilespmem:v23+s22+$0x0] =	vst.idx.msk $0xffff, v2;
	v37 =	vld [tilespmem:s5+$0x10]  }
0x1fa: {  	v19 =	vor.u32 $0x5, v17;
	v17 =	vadd.s32 v16, v29;
	v18 =	vor.u32 $0x3, v26;
	[tilespmem:v25+s22+$0x0] =	vst.idx.msk $0xffff, v28;
	v39 =	vld [tilespmem:s10+$0x10]  }
0x1fb: {  	v2 =	vor.u32 $0x1, v10;
	v11 =	vor.u32 $0x2, v21;
	[tilespmem:v36+s22+$0x0] =	vst.idx.msk $0xffff, v35;
	v21 =	vadd.s32 v6, v12;
	v26 =	vld [tilespmem:s15+$0x10]  }
0x1fc: {  	v23 =	vor.u32 $0x7, v15;
	v15 =	vadd.s32 v22, v12;
	v28 =	vadd.s32 v27, v12;
	v10 =	vld [tilespmem:s1+$0x10];
	[tilespmem:v13+s22+$0x0] =	vst.idx.msk $0xffff, v8  }
0x1fd: {  	v6 =	vadd.s32 v6, v29;
	[tilespmem:v32+s22+$0x0] =	vst.idx.msk $0xffff, v38;
	v22 =	vor.u32 $0x4, v14;
	v8 =	vadd.s32 v9, v29;
	v24 =	vld [tilespmem:s0+$0x10]  }
0x1fe: {  	v25 =	vld [tilespmem:s9+$0x10];
	v14 =	vor.u32 $0x6, v41;
	v9 =	vadd.s32 v7, v29;
	v29 =	vadd.s32 v16, v12;
	[tilespmem:v34+s22+$0x0] =	vst.idx.msk $0xffff, v33  }
0x1ff: {  	v27 =	vld [tilespmem:s25+$0x10];
	v7 =	vadd.s32 v7, v12;
	v13 =	vor.u32 $0x5, v6;
	v16 =	vadd.s32 v30, v12;
	[tilespmem:v40+s22+$0x0] =	vst.idx.msk $0xffff, v39  }
0x200: {  	v8 =	vor.u32 $0x1, v8;
	v9 =	vor.u32 $0x3, v9;
	[tilespmem:v31+s22+$0x0] =	vst.idx.msk $0xffff, v37;
	v6 =	vor.u32 $0x3, v7;
	v7 =	vld [tilespmem:s10+$0x20]  }
.LBB2_5:
0x201: {  	s23 =	sadd.s32 $0x8, s23;
	v30 =	vld [tilespmem:s5+$0x20];
	[tilespmem:v11+s22+$0x0] =	vst.idx.msk $0xffff, v26;
	v26 =	vor.u32 $0x2, v29;
	v11 =	vor.u32 $0x6, v16;
	v15 =	vor.u32 $0x7, v15  }
0x202: {  	v28 =	vor.u32 $0x4, v28;
	v20 =	vor.u32 $0x7, v20;
	s16 =	sand.u32 $0x78, s23;
	s2 =	sshrl.u32 s23, $0x1;
	s6 =	sshll.u32 s23, $0x6;
	v16 =	vld [tilespmem:s15+$0x20];
	[tilespmem:v19+s22+$0x0] =	vst.idx.msk $0xffff, v24;
	v19 =	vor.u32 $0x5, v21  }
0x203: {  	v3 =	vadd.s32 v3, v12;
	v12 =	vor.u32 $0x2, v17;
	v21 =	vmov s16;
	s8 =	sand.u32 $0x7FFFFFC0, s2;
	s6 =	sand.u32 $0x3FFFE000, s6;
	s13 =	sor.u32 $0x1, s16;
	[tilespmem:v18+s22+$0x0] =	vst.idx.msk $0xffff, v25;
	v17 =	vld [tilespmem:s0+$0x20]  }
0x204: {  	s11 =	sor.u32 $0x3, s16;
	s2 =	sor.u32 $0x7, s16;
	v18 =	vmov s8;
	v21 =	vshrl.u32 v21, $0x3;
	s7 =	sor.u32 $0x30, s8;
	v24 =	vmov s13;
	v25 =	vld [tilespmem:s14+$0x20];
	[tilespmem:v23+s22+$0x0] =	vst.idx.msk $0xffff, v27  }
0x205: {  	s26 =	sor.u32 $0x5, s16;
	s28 =	sor.u32 $0x6, s16;
	v18 =	vmul.u32 $0x88, v18;
	v23 =	vmov s7;
	v24 =	vshrl.u32 v24, $0x3;
	s7 =	sor.u32 $0x2, s16;
	v27 =	vld [tilespmem:s9+$0x20];
	[tilespmem:v22+s22+$0x0] =	vst.idx.msk $0xffff, v7  }
0x206: {  	s12 =	sadd.s32 $0x5900, s6;
	s6 =	sor.u32 $0x20, s8;
	s29 =	sshll.u32 s13, $0x6;
	v22 =	vmov s26;
	v7 =	vshll.u32 v24, v1;
	v24 =	vmov s28;
	[tilespmem:v5+s22+$0x0] =	vst.idx.msk $0xffff, v30;
	v5 =	vld [tilespmem:s10+$0x30]  }
0x207: {  	s8 =	sor.u32 $0x10, s8;
	s13 =	sshll.u32 s26, $0x6;
	v29 =	vmov s6;
	v22 =	vshrl.u32 v22, $0x3;
	s10 =	sshll.u32 s28, $0x6;
	v18 =	vbroadcast v18, $0x0;
	v30 =	vld [tilespmem:s5+$0x30];
	[tilespmem:v4+s22+$0x0] =	vst.idx.msk $0xffff, v10  }
0x208: {  	p0 =	slt.u32 s23, $0xF8;
	v10 =	vbroadcast v7, $0x0;
	v4 =	vshll.u32 v22, v1;
	v22 =	vshrl.u32 v24, $0x3;
	[tilespmem:v12+s22+$0x0] =	vst.idx.msk $0xffff, v16;
	v12 =	vld [tilespmem:s1+$0x20]  }
0x209: {  	v21 =	vshll.u32 v21, v1;
	v7 =	vbroadcast v4, $0x0;
	v18 =	vadd.s32 v0, v18;
	[tilespmem:v8+s22+$0x0] =	vst.idx.msk $0xffff, v25;
	v4 =	vld [tilespmem:s25+$0x20]  }
0x20a: {  	v24 =	vmov s7;
	s5 =	sor.u32 $0x4, s16;
	v8 =	vmov s8;
	v16 =	vadd.s32 v10, v18;
	v25 =	vld [tilespmem:s14+$0x30];
	[tilespmem:v9+s22+$0x0] =	vst.idx.msk $0xffff, v27  }
0x20b: {  	s6 =	sshll.u32 s5, $0x6;
	v8 =	vmul.u32 $0x88, v8;
	s14 =	sadd.s32 s29, s12;
	v9 =	vmov s5;
	v27 =	vadd.s32 v7, v18;
	v31 =	vld [tilespmem:s15+$0x30];
	[tilespmem:v28+s22+$0x0] =	vst.idx.msk $0xffff, v5  }
0x20c: {  	v5 =	vor.u32 $0x1, v16;
	v16 =	vshrl.u32 v24, $0x3;
	v24 =	vmov s2;
	v28 =	vld [tilespmem:s9+$0x30];
	[tilespmem:v13+s22+$0x0] =	vst.idx.msk $0xffff, v17  }
0x20d: {  	v9 =	vshrl.u32 v9, $0x3;
	v8 =	vbroadcast v8, $0x0;
	v13 =	vshll.u32 v16, v1;
	v17 =	vld [tilespmem:s0+$0x30];
	[tilespmem:v14+s22+$0x0] =	vst.idx.msk $0xffff, v12  }
0x20e: {  	v16 =	vshll.u32 v22, v1;
	v13 =	vbroadcast v13, $0x0;
	v14 =	vor.u32 $0x5, v27;
	v12 =	vld [tilespmem:s14+$0x0];
	[tilespmem:v20+s22+$0x0] =	vst.idx.msk $0xffff, v4  }
0x20f: {  	s0 =	sshll.u32 s7, $0x6;
	v16 =	vbroadcast v16, $0x0;
	v4 =	vmov s11;
	v20 =	vshrl.u32 v24, $0x3;
	[tilespmem:v3+s22+$0x0] =	vst.idx.msk $0xffff, v30;
	v22 =	vld [tilespmem:s25+$0x30]  }
0x210: {  	v9 =	vshll.u32 v9, v1;
	s15 =	sadd.s32 s0, s12;
	v3 =	vadd.s32 v13, v18;
	v4 =	vshrl.u32 v4, $0x3;
	[tilespmem:v26+s22+$0x0] =	vst.idx.msk $0xffff, v31;
	v24 =	vld [tilespmem:s1+$0x30]  }
0x211: {  	v8 =	vadd.s32 v0, v8;
	v30 =	vadd.s32 v16, v18;
	v27 =	vor.u32 $0x2, v3;
	v26 =	vld [tilespmem:s15+$0x0];
	[tilespmem:v6+s22+$0x0] =	vst.idx.msk $0xffff, v28  }
0x212: {  	v6 =	vadd.s32 v13, v8;
	v28 =	vbroadcast v9, $0x0;
	v9 =	vshll.u32 v20, v1;
	[tilespmem:v19+s22+$0x0] =	vst.idx.msk $0xffff, v17  }
0x213: {  	s0 =	sshll.u32 s16, $0x6;
	v3 =	vbroadcast v21, $0x0;
	v4 =	vshll.u32 v4, v1;
	v17 =	vmul.u32 $0x88, v29;
	[tilespmem:v2+s22+$0x0] =	vst.idx.msk $0xffff, v25  }
0x214: {  	s5 =	sadd.s32 s0, s12;
	v20 =	vadd.s32 v28, v8;
	v2 =	vadd.s32 v16, v8;
	v25 =	vbroadcast v9, $0x0;
	[tilespmem:v15+s22+$0x0] =	vst.idx.msk $0xffff, v22  }
0x215: {  	v31 =	vbroadcast v4, $0x0;
	v19 =	vadd.s32 v28, v18;
	v15 =	vadd.s32 v3, v18;
	v9 =	vld [tilespmem:s5+$0x0];
	[tilespmem:v11+s22+$0x0] =	vst.idx.msk $0xffff, v24  }
0x216: {  	s1 =	sadd.s32 s10, s12;
	v4 =	vor.u32 $0x6, v2;
	v11 =	vbroadcast v17, $0x0;
	v17 =	vor.u32 $0x6, v30;
	[tilespmem:v27+s22+$0x0] =	vst.idx.msk $0xffff, v26  }
0x217: {  	s10 =	sadd.s32 s6, s12;
	v21 =	vadd.s32 v31, v18;
	v2 =	vmul.u32 $0x88, v23;
	v22 =	vadd.s32 v31, v8;
	v23 =	vld [tilespmem:s1+$0x0]  }
0x218: {  	s2 =	sshll.u32 s2, $0x6;
	s0 =	sadd.s32 s13, s12;
	v24 =	vor.u32 $0x4, v19;
	v18 =	vadd.s32 v25, v18;
	v27 =	vadd.s32 v0, v11;
	v11 =	vld [tilespmem:s10+$0x0]  }
0x219: {  	s25 =	sadd.s32 s2, s12;
	s6 =	sshll.u32 s11, $0x6;
	v30 =	vadd.s32 v3, v8;
	v32 =	vor.u32 $0x7, v18;
	v29 =	vadd.s32 v28, v27;
	[tilespmem:v5+s22+$0x0] =	vst.idx.msk $0xffff, v12;
	v26 =	vld [tilespmem:s0+$0x0]  }
0x21a: {  	s9 =	sadd.s32 s6, s12;
	v2 =	vbroadcast v2, $0x0;
	v5 =	vadd.s32 v3, v27;
	v12 =	vadd.s32 v10, v8;
	[tilespmem:v15+s22+$0x0] =	vst.idx.msk $0xffff, v9;
	v9 =	vld [tilespmem:s14+$0x10]  }
0x21b: {  	v21 =	vor.u32 $0x3, v21;
	v18 =	vadd.s32 v7, v8;
	v15 =	vor.u32 $0x1, v12;
	v33 =	vld [tilespmem:s9+$0x0]  }
0x21c: {  	v19 =	vor.u32 $0x5, v18;
	v12 =	vadd.s32 v0, v2;
	v34 =	vld [tilespmem:s5+$0x10];
	[tilespmem:v17+s22+$0x0] =	vst.idx.msk $0xffff, v23;
	v23 =	vadd.s32 v25, v8  }
0x21d: {  	v18 =	vor.u32 $0x3, v22;
	v2 =	vadd.s32 v10, v12;
	v17 =	vadd.s32 v13, v27;
	[tilespmem:v24+s22+$0x0] =	vst.idx.msk $0xffff, v11;
	v35 =	vld [tilespmem:s25+$0x0]  }
0x21e: {  	v37 =	vor.u32 $0x4, v20;
	v20 =	vadd.s32 v25, v27;
	v2 =	vor.u32 $0x1, v2;
	v36 =	vld [tilespmem:s10+$0x10];
	[tilespmem:v14+s22+$0x0] =	vst.idx.msk $0xffff, v26  }
0x21f: {  	v8 =	vadd.s32 v10, v27;
	v11 =	vor.u32 $0x2, v6;
	v14 =	vadd.s32 v16, v27;
	v24 =	vld [tilespmem:s0+$0x10]  }
.Ltmp1:
0x220: {  	v8 =	vor.u32 $0x1, v8;
	v6 =	vadd.s32 v31, v27;
	v26 =	vld [tilespmem:s15+$0x10];
	[tilespmem:v21+s22+$0x0] =	vst.idx.msk $0xffff, v33;
	v21 =	vadd.s32 v7, v12;
	(pc) =	sbr.rel @p0 .LBB2_5-.Ltmp1, $4  }
0x221: {  	v23 =	vor.u32 $0x7, v23;
	[tilespmem:v15+s22+$0x0] =	vst.idx.msk $0xffff, v9;
	v9 =	vor.u32 $0x3, v6;
	v10 =	vld [tilespmem:s1+$0x10];
	v15 =	vadd.s32 v25, v12  }
0x222: {  	v22 =	vor.u32 $0x4, v29;
	v28 =	vadd.s32 v28, v12;
	v6 =	vadd.s32 v7, v27;
	v25 =	vld [tilespmem:s9+$0x10];
	[tilespmem:v32+s22+$0x0] =	vst.idx.msk $0xffff, v35  }
0x223: {  	v29 =	vadd.s32 v13, v12;
	v7 =	vadd.s32 v31, v12;
	v13 =	vor.u32 $0x5, v6;
	[tilespmem:v37+s22+$0x0] =	vst.idx.msk $0xffff, v36;
	v27 =	vld [tilespmem:s25+$0x10]  }
0x224: {  	v16 =	vadd.s32 v16, v12;
	v14 =	vor.u32 $0x6, v14;
	v6 =	vor.u32 $0x3, v7;
	[tilespmem:v30+s22+$0x0] =	vst.idx.msk $0xffff, v34;
	v7 =	vld [tilespmem:s10+$0x20]  }
0x225: {  	_ =	sdelay $0x3  }
0x226: {  	[tilespmem:v11+s22+$0x0] =	vst.idx.msk $0xffff, v26  }
0x227: {  	v30 =	vld [tilespmem:s5+$0x20];
	[tilespmem:v19+s22+$0x0] =	vst.idx.msk $0xffff, v24  }
0x228: {  	v49 =	vld [tilespmem:s14+$0x20];
	[tilespmem:v4+s22+$0x0] =	vst.idx.msk $0xffff, v10  }
0x229: {  	v17 =	vor.u32 $0x2, v17;
	v11 =	vld [tilespmem:s15+$0x20];
	[tilespmem:v18+s22+$0x0] =	vst.idx.msk $0xffff, v25  }
0x22a: {  	v52 =	vld [tilespmem:s0+$0x20];
	[tilespmem:v23+s22+$0x0] =	vst.idx.msk $0xffff, v27  }
0x22b: {  	v4 =	vld [tilespmem:s1+$0x20];
	[tilespmem:v22+s22+$0x0] =	vst.idx.msk $0xffff, v7  }
0x22c: {  	v50 =	vld [tilespmem:s9+$0x20];
	[tilespmem:v5+s22+$0x0] =	vst.idx.msk $0xffff, v30  }
0x22d: {  	v53 =	vor.u32 $0x7, v20;
	v54 =	vld [tilespmem:s25+$0x20];
	[tilespmem:v8+s22+$0x0] =	vst.idx.msk $0xffff, v49  }
0x22e: {  	v51 =	vor.u32 $0x4, v28;
	v7 =	vld [tilespmem:s10+$0x30];
	[tilespmem:v17+s22+$0x0] =	vst.idx.msk $0xffff, v11  }
0x22f: {  	v3 =	vadd.s32 v3, v12;
	v55 =	vld [tilespmem:s5+$0x30];
	[tilespmem:v13+s22+$0x0] =	vst.idx.msk $0xffff, v52  }
0x230: {  	v60 =	vld [tilespmem:s14+$0x30];
	[tilespmem:v14+s22+$0x0] =	vst.idx.msk $0xffff, v4  }
0x231: {  	v57 =	vor.u32 $0x2, v29;
	v56 =	vld [tilespmem:s15+$0x30];
	[tilespmem:v9+s22+$0x0] =	vst.idx.msk $0xffff, v50  }
0x232: {  	v59 =	vor.u32 $0x5, v21;
	v5 =	vld [tilespmem:s0+$0x30];
	[tilespmem:v53+s22+$0x0] =	vst.idx.msk $0xffff, v54  }
0x233: {  	v58 =	vld [tilespmem:s9+$0x30];
	[tilespmem:v51+s22+$0x0] =	vst.idx.msk $0xffff, v7  }
0x234: {  	[tilespmem:v3+s22+$0x0] =	vst.idx.msk $0xffff, v55  }
0x235: {  	[tilespmem:v2+s22+$0x0] =	vst.idx.msk $0xffff, v60  }
0x236: {  	v62 =	vor.u32 $0x6, v16;
	v63 =	vld [tilespmem:s1+$0x30];
	[tilespmem:v57+s22+$0x0] =	vst.idx.msk $0xffff, v56  }
0x237: {  	v61 =	vor.u32 $0x7, v15;
	v3 =	vld [tilespmem:s25+$0x30];
	[tilespmem:v59+s22+$0x0] =	vst.idx.msk $0xffff, v5  }
0x238: {  	[tilespmem:v6+s22+$0x0] =	vst.idx.msk $0xffff, v58  }
0x239: {  	s28 =	sshll.u32 s17, $0x13;
	s6 =	rddreg [dreg:$0x4]  }
0x23a: {  	s0 =	sor.u32 s6, s28  }
0x23b: {  	s5 =	rddreg [dreg:$0x1];
	[tilespmem:v62+s22+$0x0] =	vst.idx.msk $0xffff, v63;
	s0 =	sshrl.u32 s0, $0x3  }
0x23c: {  	[tilespmem:v61+s22+$0x0] =	vst.idx.msk $0xffff, v3;
	s29 =	sadd.s32 s5, s0  }
0x23d: {  	[hbm4b:s29+s3] =	stream.linear.scatter [tilespmem:s22], [sflag:$0x5], $0x80, $0x38;
	[tilespmem:$0x12100] =	vst v63  }
0x23e: {  	s7 =	simm.s32 $0xDD88;
	s2 =	sadd.s32 $0x10, s29  }
0x23f: {  	[hbm4b:s2+s3] =	stream.linear.scatter [tilespmem:s7], [sflag:$0x5], $0x80, $0x38;
	[tilespmem:$0x12100] =	vst v63  }
0x240: {  	s8 =	simm.s32 $0xDE10;
	s7 =	sadd.s32 $0x20, s29  }
0x241: {  	[hbm4b:s7+s3] =	stream.linear.scatter [tilespmem:s8], [sflag:$0x5], $0x80, $0x38;
	[tilespmem:$0x12100] =	vst v63  }
0x242: {  	s10 =	simm.s32 $0xDE98;
	s9 =	sadd.s32 $0x30, s29  }
0x243: {  	[hbm4b:s9+s3] =	stream.linear.scatter [tilespmem:s10], [sflag:$0x5], $0x80, $0x38;
	[tilespmem:$0x12100] =	vst v63  }
0x244: {  	s12 =	simm.s32 $0xDF20;
	s11 =	sadd.s32 $0x40, s29  }
0x245: {  	[hbm4b:s11+s3] =	stream.linear.scatter [tilespmem:s12], [sflag:$0x5], $0x80, $0x38;
	[tilespmem:$0x12100] =	vst v63  }
0x246: {  	s14 =	simm.s32 $0xDFA8;
	s13 =	sadd.s32 $0x50, s29  }
0x247: {  	[hbm4b:s13+s3] =	stream.linear.scatter [tilespmem:s14], [sflag:$0x5], $0x80, $0x38;
	[tilespmem:$0x12100] =	vst v63  }
0x248: {  	s16 =	simm.s32 $0xE030;
	s15 =	sadd.s32 $0x60, s29  }
0x249: {  	[hbm4b:s15+s3] =	stream.linear.scatter [tilespmem:s16], [sflag:$0x5], $0x80, $0x38;
	[tilespmem:$0x12100] =	vst v63  }
0x24a: {  	s17 =	simm.s32 $0xE0B8;
	s1 =	sadd.s32 $0x70, s29;
	s7 =	rddreg [dreg:$0x5]  }
0x24b: {  	[hbm4b:s1+s3] =	stream.linear.scatter [tilespmem:s17], [sflag:$0x5], $0x80, $0x38;
	[tilespmem:$0x12100] =	vst v63  }
0x24c: {  	s25 =	simm.s32 $0xE140;
	s23 =	sadd.s32 s0, s7  }
0x24d: {  	[hbm4b:s23+s3] =	stream.linear.scatter [tilespmem:s25], [sflag:$0x5], $0x80, $0x38;
	[tilespmem:$0x12100] =	vst v63  }
0x24e: {  	s8 =	simm.s32 $0xE1C8;
	s26 =	sadd.s32 $0x10, s23  }
0x24f: {  	[hbm4b:s26+s3] =	stream.linear.scatter [tilespmem:s8], [sflag:$0x5], $0x80, $0x38;
	[tilespmem:$0x12100] =	vst v63  }
0x250: {  	s29 =	simm.s32 $0xE250;
	s28 =	sadd.s32 $0x20, s23  }
0x251: {  	[hbm4b:s28+s3] =	stream.linear.scatter [tilespmem:s29], [sflag:$0x5], $0x80, $0x38;
	[tilespmem:$0x12100] =	vst v63  }
0x252: {  	s9 =	simm.s32 $0xE2D8;
	s8 =	sadd.s32 $0x30, s23  }
0x253: {  	[hbm4b:s8+s3] =	stream.linear.scatter [tilespmem:s9], [sflag:$0x5], $0x80, $0x38;
	[tilespmem:$0x12100] =	vst v63  }
0x254: {  	s10 =	sadd.s32 $0x40, s23;
	s11 =	simm.s32 $0xE360  }
0x255: {  	[hbm4b:s10+s3] =	stream.linear.scatter [tilespmem:s11], [sflag:$0x5], $0x80, $0x38;
	[tilespmem:$0x12100] =	vst v63  }
0x256: {  	s12 =	sadd.s32 $0x50, s23;
	s13 =	simm.s32 $0xE3E8  }
0x257: {  	[hbm4b:s12+s3] =	stream.linear.scatter [tilespmem:s13], [sflag:$0x5], $0x80, $0x38;
	[tilespmem:$0x12100] =	vst v63  }
0x258: {  	s14 =	sadd.s32 $0x60, s23;
	s15 =	simm.s32 $0xE470  }
0x259: {  	[hbm4b:s14+s3] =	stream.linear.scatter [tilespmem:s15], [sflag:$0x5], $0x80, $0x38;
	[tilespmem:$0x12100] =	vst v63  }
0x25a: {  	s16 =	simm.s32 $0xE4F8;
	s1 =	sadd.s32 $0x70, s23;
	s8 =	rddreg [dreg:$0x6]  }
0x25b: {  	[hbm4b:s1+s3] =	stream.linear.scatter [tilespmem:s16], [sflag:$0x5], $0x80, $0x38;
	[tilespmem:$0x12100] =	vst v63  }
0x25c: {  	s23 =	simm.s32 $0xE580;
	s17 =	sadd.s32 s0, s8  }
0x25d: {  	[hbm4b:s17+s3] =	stream.linear.scatter [tilespmem:s23], [sflag:$0x5], $0x80, $0x38;
	[tilespmem:$0x12100] =	vst v63  }
0x25e: {  	s26 =	simm.s32 $0xE608;
	s25 =	sadd.s32 $0x10, s17  }
0x25f: {  	[hbm4b:s25+s3] =	stream.linear.scatter [tilespmem:s26], [sflag:$0x5], $0x80, $0x38;
	[tilespmem:$0x12100] =	vst v63  }
0x260: {  	s29 =	simm.s32 $0xE690;
	s28 =	sadd.s32 $0x20, s17  }
0x261: {  	[hbm4b:s28+s3] =	stream.linear.scatter [tilespmem:s29], [sflag:$0x5], $0x80, $0x38;
	[tilespmem:$0x12100] =	vst v63  }
0x262: {  	s9 =	sadd.s32 $0x30, s17;
	s10 =	simm.s32 $0xE718  }
0x263: {  	[hbm4b:s9+s3] =	stream.linear.scatter [tilespmem:s10], [sflag:$0x5], $0x80, $0x38;
	[tilespmem:$0x12100] =	vst v63  }
0x264: {  	s11 =	sadd.s32 $0x40, s17;
	s12 =	simm.s32 $0xE7A0  }
0x265: {  	[hbm4b:s11+s3] =	stream.linear.scatter [tilespmem:s12], [sflag:$0x5], $0x80, $0x38;
	[tilespmem:$0x12100] =	vst v63  }
0x266: {  	s13 =	sadd.s32 $0x50, s17;
	s14 =	simm.s32 $0xE828  }
0x267: {  	[hbm4b:s13+s3] =	stream.linear.scatter [tilespmem:s14], [sflag:$0x5], $0x80, $0x38;
	[tilespmem:$0x12100] =	vst v63  }
0x268: {  	s15 =	sadd.s32 $0x60, s17;
	s16 =	simm.s32 $0xE8B0  }
0x269: {  	[hbm4b:s15+s3] =	stream.linear.scatter [tilespmem:s16], [sflag:$0x5], $0x80, $0x38;
	[tilespmem:$0x12100] =	vst v63  }
0x26a: {  	s1 =	sadd.s32 $0x70, s17;
	s17 =	simm.s32 $0xE938;
	s9 =	rddreg [dreg:$0x18]  }
0x26b: {  	[hbm4b:s1+s3] =	stream.linear.scatter [tilespmem:s17], [sflag:$0x5], $0x80, $0x38;
	[tilespmem:$0x12100] =	vst v63  }
0x26c: {  	s23 =	simm.s32 $0xE9C0;
	s1 =	sadd.s32 s0, s9  }
0x26d: {  	[hbm4b:s1+s3] =	stream.linear.scatter [tilespmem:s23], [sflag:$0x5], $0x80, $0x38;
	[tilespmem:$0x12100] =	vst v63  }
0x26e: {  	s26 =	simm.s32 $0xEA48;
	s25 =	sadd.s32 $0x10, s1  }
0x26f: {  	[hbm4b:s25+s3] =	stream.linear.scatter [tilespmem:s26], [sflag:$0x5], $0x80, $0x38;
	[tilespmem:$0x12100] =	vst v63  }
0x270: {  	s29 =	simm.s32 $0xEAD0;
	s28 =	sadd.s32 $0x20, s1  }
0x271: {  	[hbm4b:s28+s3] =	stream.linear.scatter [tilespmem:s29], [sflag:$0x5], $0x80, $0x38;
	[tilespmem:$0x12100] =	vst v63  }
0x272: {  	s11 =	simm.s32 $0xEB58;
	s10 =	sadd.s32 $0x30, s1  }
0x273: {  	[hbm4b:s10+s3] =	stream.linear.scatter [tilespmem:s11], [sflag:$0x5], $0x80, $0x38;
	[tilespmem:$0x12100] =	vst v63  }
0x274: {  	s13 =	simm.s32 $0xEBE0;
	s12 =	sadd.s32 $0x40, s1  }
0x275: {  	[hbm4b:s12+s3] =	stream.linear.scatter [tilespmem:s13], [sflag:$0x5], $0x80, $0x38;
	[tilespmem:$0x12100] =	vst v63  }
0x276: {  	s15 =	simm.s32 $0xEC68;
	s14 =	sadd.s32 $0x50, s1  }
0x277: {  	[hbm4b:s14+s3] =	stream.linear.scatter [tilespmem:s15], [sflag:$0x5], $0x80, $0x38;
	[tilespmem:$0x12100] =	vst v63  }
0x278: {  	s17 =	simm.s32 $0xECF0;
	s16 =	sadd.s32 $0x60, s1  }
0x279: {  	[hbm4b:s16+s3] =	stream.linear.scatter [tilespmem:s17], [sflag:$0x5], $0x80, $0x38;
	[tilespmem:$0x12100] =	vst v63  }
0x27a: {  	s1 =	sadd.s32 $0x70, s1;
	s23 =	simm.s32 $0xED78;
	s10 =	rddreg [dreg:$0x19]  }
0x27b: {  	[hbm4b:s1+s3] =	stream.linear.scatter [tilespmem:s23], [sflag:$0x5], $0x80, $0x38;
	[tilespmem:$0x12100] =	vst v63  }
0x27c: {  	s25 =	simm.s32 $0xEE00;
	s1 =	sadd.s32 s0, s10  }
0x27d: {  	[hbm4b:s1+s3] =	stream.linear.scatter [tilespmem:s25], [sflag:$0x5], $0x80, $0x38;
	[tilespmem:$0x12100] =	vst v63  }
0x27e: {  	s11 =	simm.s32 $0xEE88;
	s26 =	sadd.s32 $0x10, s1  }
0x27f: {  	[hbm4b:s26+s3] =	stream.linear.scatter [tilespmem:s11], [sflag:$0x5], $0x80, $0x38;
	[tilespmem:$0x12100] =	vst v63  }
0x280: {  	s29 =	simm.s32 $0xEF10;
	s28 =	sadd.s32 $0x20, s1  }
0x281: {  	[hbm4b:s28+s3] =	stream.linear.scatter [tilespmem:s29], [sflag:$0x5], $0x80, $0x38;
	[tilespmem:$0x12100] =	vst v63  }
0x282: {  	s13 =	simm.s32 $0xEF98;
	s12 =	sadd.s32 $0x30, s1  }
0x283: {  	[hbm4b:s12+s3] =	stream.linear.scatter [tilespmem:s13], [sflag:$0x5], $0x80, $0x38;
	[tilespmem:$0x12100] =	vst v63  }
0x284: {  	s15 =	simm.s32 $0xF020;
	s14 =	sadd.s32 $0x40, s1  }
0x285: {  	[hbm4b:s14+s3] =	stream.linear.scatter [tilespmem:s15], [sflag:$0x5], $0x80, $0x38;
	[tilespmem:$0x12100] =	vst v63  }
0x286: {  	s17 =	simm.s32 $0xF0A8;
	s16 =	sadd.s32 $0x50, s1  }
0x287: {  	[hbm4b:s16+s3] =	stream.linear.scatter [tilespmem:s17], [sflag:$0x5], $0x80, $0x38;
	[tilespmem:$0x12100] =	vst v63  }
0x288: {  	s23 =	sadd.s32 $0x60, s1;
	s25 =	simm.s32 $0xF130  }
0x289: {  	[hbm4b:s23+s3] =	stream.linear.scatter [tilespmem:s25], [sflag:$0x5], $0x80, $0x38;
	[tilespmem:$0x12100] =	vst v63  }
0x28a: {  	s1 =	sadd.s32 $0x70, s1;
	s26 =	simm.s32 $0xF1B8;
	s11 =	rddreg [dreg:$0x1a]  }
0x28b: {  	[hbm4b:s1+s3] =	stream.linear.scatter [tilespmem:s26], [sflag:$0x5], $0x80, $0x38;
	[tilespmem:$0x12100] =	vst v63  }
0x28c: {  	s28 =	simm.s32 $0xF240;
	s1 =	sadd.s32 s0, s11  }
0x28d: {  	[hbm4b:s1+s3] =	stream.linear.scatter [tilespmem:s28], [sflag:$0x5], $0x80, $0x38;
	[tilespmem:$0x12100] =	vst v63  }
0x28e: {  	s12 =	simm.s32 $0xF2C8;
	s29 =	sadd.s32 $0x10, s1  }
0x28f: {  	[hbm4b:s29+s3] =	stream.linear.scatter [tilespmem:s12], [sflag:$0x5], $0x80, $0x38;
	[tilespmem:$0x12100] =	vst v63  }
0x290: {  	s14 =	simm.s32 $0xF350;
	s13 =	sadd.s32 $0x20, s1  }
0x291: {  	[hbm4b:s13+s3] =	stream.linear.scatter [tilespmem:s14], [sflag:$0x5], $0x80, $0x38;
	[tilespmem:$0x12100] =	vst v63  }
0x292: {  	s16 =	simm.s32 $0xF3D8;
	s15 =	sadd.s32 $0x30, s1  }
0x293: {  	[hbm4b:s15+s3] =	stream.linear.scatter [tilespmem:s16], [sflag:$0x5], $0x80, $0x38;
	[tilespmem:$0x12100] =	vst v63  }
0x294: {  	s23 =	simm.s32 $0xF460;
	s17 =	sadd.s32 $0x40, s1  }
0x295: {  	[hbm4b:s17+s3] =	stream.linear.scatter [tilespmem:s23], [sflag:$0x5], $0x80, $0x38;
	[tilespmem:$0x12100] =	vst v63  }
0x296: {  	s26 =	simm.s32 $0xF4E8;
	s25 =	sadd.s32 $0x50, s1  }
0x297: {  	[hbm4b:s25+s3] =	stream.linear.scatter [tilespmem:s26], [sflag:$0x5], $0x80, $0x38;
	[tilespmem:$0x12100] =	vst v63  }
0x298: {  	s28 =	sadd.s32 $0x60, s1;
	s29 =	simm.s32 $0xF570  }
0x299: {  	[hbm4b:s28+s3] =	stream.linear.scatter [tilespmem:s29], [sflag:$0x5], $0x80, $0x38;
	[tilespmem:$0x12100] =	vst v63  }
0x29a: {  	s1 =	sadd.s32 $0x70, s1;
	s13 =	simm.s32 $0xF5F8  }
0x29b: {  	[hbm4b:s1+s3] =	stream.linear.scatter [tilespmem:s13], [sflag:$0x5], $0x80, $0x38;
	[tilespmem:$0x12100] =	vst v63  }
0x29c: {  	s14 =	simm.s32 $0xF680;
	s1 =	sadd.s32 s0, s30  }
0x29d: {  	[hbm4b:s1+s3] =	stream.linear.scatter [tilespmem:s14], [sflag:$0x5], $0x80, $0x38;
	[tilespmem:$0x12100] =	vst v63  }
0x29e: {  	s16 =	simm.s32 $0xF708;
	s15 =	sadd.s32 $0x10, s1  }
0x29f: {  	[hbm4b:s15+s3] =	stream.linear.scatter [tilespmem:s16], [sflag:$0x5], $0x80, $0x38;
	[tilespmem:$0x12100] =	vst v63  }
0x2a0: {  	s23 =	simm.s32 $0xF790;
	s17 =	sadd.s32 $0x20, s1  }
0x2a1: {  	[hbm4b:s17+s3] =	stream.linear.scatter [tilespmem:s23], [sflag:$0x5], $0x80, $0x38;
	[tilespmem:$0x12100] =	vst v63  }
0x2a2: {  	s26 =	simm.s32 $0xF818;
	s25 =	sadd.s32 $0x30, s1  }
0x2a3: {  	[hbm4b:s25+s3] =	stream.linear.scatter [tilespmem:s26], [sflag:$0x5], $0x80, $0x38;
	[tilespmem:$0x12100] =	vst v63  }
0x2a4: {  	s29 =	simm.s32 $0xF8A0;
	s28 =	sadd.s32 $0x40, s1  }
0x2a5: {  	[hbm4b:s28+s3] =	stream.linear.scatter [tilespmem:s29], [sflag:$0x5], $0x80, $0x38;
	[tilespmem:$0x12100] =	vst v63  }
0x2a6: {  	s13 =	sadd.s32 $0x50, s1;
	s14 =	simm.s32 $0xF928  }
0x2a7: {  	[hbm4b:s13+s3] =	stream.linear.scatter [tilespmem:s14], [sflag:$0x5], $0x80, $0x38;
	[tilespmem:$0x12100] =	vst v63  }
0x2a8: {  	s15 =	sadd.s32 $0x60, s1;
	s16 =	simm.s32 $0xF9B0  }
0x2a9: {  	[hbm4b:s15+s3] =	stream.linear.scatter [tilespmem:s16], [sflag:$0x5], $0x80, $0x38;
	[tilespmem:$0x12100] =	vst v63  }
0x2aa: {  	s1 =	sadd.s32 $0x70, s1;
	s17 =	simm.s32 $0xFA38  }
0x2ab: {  	[hbm4b:s1+s3] =	stream.linear.scatter [tilespmem:s17], [sflag:$0x5], $0x80, $0x38;
	[tilespmem:$0x12100] =	vst v63  }
0x2ac: {  	s0 =	sadd.s32 s0, s31;
	s23 =	simm.s32 $0xFAC0  }
0x2ad: {  	[hbm4b:s0+s3] =	stream.linear.scatter [tilespmem:s23], [sflag:$0x5], $0x80, $0x38;
	[tilespmem:$0x12100] =	vst v63  }
0x2ae: {  	s25 =	sadd.s32 $0x10, s0;
	s26 =	simm.s32 $0xFB48  }
0x2af: {  	[hbm4b:s25+s3] =	stream.linear.scatter [tilespmem:s26], [sflag:$0x5], $0x80, $0x38;
	[tilespmem:$0x12100] =	vst v63  }
0x2b0: {  	s28 =	sadd.s32 $0x20, s0;
	s29 =	simm.s32 $0xFBD0  }
0x2b1: {  	[hbm4b:s28+s3] =	stream.linear.scatter [tilespmem:s29], [sflag:$0x5], $0x80, $0x38;
	[tilespmem:$0x12100] =	vst v63  }
0x2b2: {  	s12 =	simm.s32 $0xFC58;
	s2 =	sadd.s32 $0x30, s0  }
0x2b3: {  	[hbm4b:s2+s3] =	stream.linear.scatter [tilespmem:s12], [sflag:$0x5], $0x80, $0x38;
	[tilespmem:$0x12100] =	vst v63  }
0x2b4: {  	s13 =	sadd.s32 $0x40, s0;
	s14 =	simm.s32 $0xFCE0  }
0x2b5: {  	[hbm4b:s13+s3] =	stream.linear.scatter [tilespmem:s14], [sflag:$0x5], $0x80, $0x38;
	[tilespmem:$0x12100] =	vst v63  }
0x2b6: {  	s15 =	sadd.s32 $0x50, s0;
	s16 =	simm.s32 $0xFD68  }
0x2b7: {  	[hbm4b:s15+s3] =	stream.linear.scatter [tilespmem:s16], [sflag:$0x5], $0x80, $0x38;
	[tilespmem:$0x12100] =	vst v63  }
0x2b8: {  	s17 =	sadd.s32 $0x60, s0;
	s23 =	simm.s32 $0xFDF0  }
0x2b9: {  	[hbm4b:s17+s3] =	stream.linear.scatter [tilespmem:s23], [sflag:$0x5], $0x80, $0x38;
	[tilespmem:$0x12100] =	vst v63  }
0x2ba: {  	s0 =	sadd.s32 $0x70, s0;
	s25 =	simm.s32 $0xFE78;
	s26 =	sshll.u32 s20, $0x12  }
0x2bb: {  	[hbm4b:s0+s3] =	stream.linear.scatter [tilespmem:s25], [sflag:$0x5], $0x80, $0x38;
	[tilespmem:$0x12100] =	vst v63  }
0x2bc: {  	s0 =	sor.u32 s6, s26  }
0x2bd: {  	s0 =	sshrl.u32 s0, $0x3  }
0x2be: {  	s29 =	simm.s32 $0xFF00;
	s28 =	sadd.s32 s5, s0  }
0x2bf: {  	[hbm4b:s28+s3] =	stream.linear.scatter [tilespmem:s29], [sflag:$0x5], $0x80, $0x38;
	[tilespmem:$0x12100] =	vst v63  }
0x2c0: {  	s6 =	simm.s32 $0xFF88;
	s5 =	sadd.s32 $0x10, s28  }
0x2c1: {  	[hbm4b:s5+s3] =	stream.linear.scatter [tilespmem:s6], [sflag:$0x5], $0x80, $0x38;
	[tilespmem:$0x12100] =	vst v63  }
0x2c2: {  	s13 =	simm.s32 $0x10010;
	s12 =	sadd.s32 $0x20, s28  }
0x2c3: {  	[hbm4b:s12+s3] =	stream.linear.scatter [tilespmem:s13], [sflag:$0x5], $0x80, $0x38;
	[tilespmem:$0x12100] =	vst v63  }
0x2c4: {  	s15 =	simm.s32 $0x10098;
	s14 =	sadd.s32 $0x30, s28  }
0x2c5: {  	[hbm4b:s14+s3] =	stream.linear.scatter [tilespmem:s15], [sflag:$0x5], $0x80, $0x38;
	[tilespmem:$0x12100] =	vst v63  }
0x2c6: {  	s17 =	simm.s32 $0x10120;
	s16 =	sadd.s32 $0x40, s28  }
0x2c7: {  	[hbm4b:s16+s3] =	stream.linear.scatter [tilespmem:s17], [sflag:$0x5], $0x80, $0x38;
	[tilespmem:$0x12100] =	vst v63  }
0x2c8: {  	s23 =	simm.s32 $0x101A8;
	s20 =	sadd.s32 $0x50, s28  }
0x2c9: {  	[hbm4b:s20+s3] =	stream.linear.scatter [tilespmem:s23], [sflag:$0x5], $0x80, $0x38;
	[tilespmem:$0x12100] =	vst v63  }
0x2ca: {  	s26 =	simm.s32 $0x10230;
	s25 =	sadd.s32 $0x60, s28  }
0x2cb: {  	[hbm4b:s25+s3] =	stream.linear.scatter [tilespmem:s26], [sflag:$0x5], $0x80, $0x38;
	[tilespmem:$0x12100] =	vst v63  }
0x2cc: {  	s1 =	sadd.s32 $0x70, s28;
	s28 =	simm.s32 $0x102B8  }
0x2cd: {  	[hbm4b:s1+s3] =	stream.linear.scatter [tilespmem:s28], [sflag:$0x5], $0x80, $0x38;
	[tilespmem:$0x12100] =	vst v63  }
0x2ce: {  	s29 =	sadd.s32 s0, s7;
	s5 =	simm.s32 $0x10340  }
0x2cf: {  	[hbm4b:s29+s3] =	stream.linear.scatter [tilespmem:s5], [sflag:$0x5], $0x80, $0x38;
	[tilespmem:$0x12100] =	vst v63  }
0x2d0: {  	s7 =	simm.s32 $0x103C8;
	s6 =	sadd.s32 $0x10, s29  }
0x2d1: {  	[hbm4b:s6+s3] =	stream.linear.scatter [tilespmem:s7], [sflag:$0x5], $0x80, $0x38;
	[tilespmem:$0x12100] =	vst v63  }
0x2d2: {  	s12 =	sadd.s32 $0x20, s29;
	s13 =	simm.s32 $0x10450  }
0x2d3: {  	[hbm4b:s12+s3] =	stream.linear.scatter [tilespmem:s13], [sflag:$0x5], $0x80, $0x38;
	[tilespmem:$0x12100] =	vst v63  }
0x2d4: {  	s14 =	sadd.s32 $0x30, s29;
	s15 =	simm.s32 $0x104D8  }
0x2d5: {  	[hbm4b:s14+s3] =	stream.linear.scatter [tilespmem:s15], [sflag:$0x5], $0x80, $0x38;
	[tilespmem:$0x12100] =	vst v63  }
0x2d6: {  	s16 =	sadd.s32 $0x40, s29;
	s17 =	simm.s32 $0x10560  }
0x2d7: {  	[hbm4b:s16+s3] =	stream.linear.scatter [tilespmem:s17], [sflag:$0x5], $0x80, $0x38;
	[tilespmem:$0x12100] =	vst v63  }
0x2d8: {  	s20 =	sadd.s32 $0x50, s29;
	s23 =	simm.s32 $0x105E8  }
0x2d9: {  	[hbm4b:s20+s3] =	stream.linear.scatter [tilespmem:s23], [sflag:$0x5], $0x80, $0x38;
	[tilespmem:$0x12100] =	vst v63  }
0x2da: {  	s25 =	sadd.s32 $0x60, s29;
	s26 =	simm.s32 $0x10670  }
0x2db: {  	[hbm4b:s25+s3] =	stream.linear.scatter [tilespmem:s26], [sflag:$0x5], $0x80, $0x38;
	[tilespmem:$0x12100] =	vst v63  }
0x2dc: {  	s1 =	sadd.s32 $0x70, s29;
	s28 =	simm.s32 $0x106F8  }
0x2dd: {  	[hbm4b:s1+s3] =	stream.linear.scatter [tilespmem:s28], [sflag:$0x5], $0x80, $0x38;
	[tilespmem:$0x12100] =	vst v63  }
0x2de: {  	s29 =	sadd.s32 s0, s8;
	s5 =	simm.s32 $0x10780  }
0x2df: {  	[hbm4b:s29+s3] =	stream.linear.scatter [tilespmem:s5], [sflag:$0x5], $0x80, $0x38;
	[tilespmem:$0x12100] =	vst v63  }
0x2e0: {  	s6 =	sadd.s32 $0x10, s29;
	s7 =	simm.s32 $0x10808  }
0x2e1: {  	[hbm4b:s6+s3] =	stream.linear.scatter [tilespmem:s7], [sflag:$0x5], $0x80, $0x38;
	[tilespmem:$0x12100] =	vst v63  }
0x2e2: {  	s8 =	sadd.s32 $0x20, s29;
	s12 =	simm.s32 $0x10890  }
0x2e3: {  	[hbm4b:s8+s3] =	stream.linear.scatter [tilespmem:s12], [sflag:$0x5], $0x80, $0x38;
	[tilespmem:$0x12100] =	vst v63  }
0x2e4: {  	s13 =	sadd.s32 $0x30, s29;
	s14 =	simm.s32 $0x10918  }
0x2e5: {  	[hbm4b:s13+s3] =	stream.linear.scatter [tilespmem:s14], [sflag:$0x5], $0x80, $0x38;
	[tilespmem:$0x12100] =	vst v63  }
0x2e6: {  	s15 =	sadd.s32 $0x40, s29;
	s16 =	simm.s32 $0x109A0  }
0x2e7: {  	[hbm4b:s15+s3] =	stream.linear.scatter [tilespmem:s16], [sflag:$0x5], $0x80, $0x38;
	[tilespmem:$0x12100] =	vst v63  }
0x2e8: {  	s17 =	sadd.s32 $0x50, s29;
	s20 =	simm.s32 $0x10A28  }
0x2e9: {  	[hbm4b:s17+s3] =	stream.linear.scatter [tilespmem:s20], [sflag:$0x5], $0x80, $0x38;
	[tilespmem:$0x12100] =	vst v63  }
0x2ea: {  	s23 =	sadd.s32 $0x60, s29;
	s25 =	simm.s32 $0x10AB0  }
0x2eb: {  	[hbm4b:s23+s3] =	stream.linear.scatter [tilespmem:s25], [sflag:$0x5], $0x80, $0x38;
	[tilespmem:$0x12100] =	vst v63  }
0x2ec: {  	s26 =	simm.s32 $0x10B38;
	s1 =	sadd.s32 $0x70, s29  }
0x2ed: {  	[hbm4b:s1+s3] =	stream.linear.scatter [tilespmem:s26], [sflag:$0x5], $0x80, $0x38;
	[tilespmem:$0x12100] =	vst v63  }
0x2ee: {  	s28 =	sadd.s32 s0, s9;
	s29 =	simm.s32 $0x10BC0  }
0x2ef: {  	[hbm4b:s28+s3] =	stream.linear.scatter [tilespmem:s29], [sflag:$0x5], $0x80, $0x38;
	[tilespmem:$0x12100] =	vst v63  }
0x2f0: {  	s5 =	sadd.s32 $0x10, s28;
	s6 =	simm.s32 $0x10C48  }
0x2f1: {  	[hbm4b:s5+s3] =	stream.linear.scatter [tilespmem:s6], [sflag:$0x5], $0x80, $0x38;
	[tilespmem:$0x12100] =	vst v63  }
0x2f2: {  	s7 =	sadd.s32 $0x20, s28;
	s8 =	simm.s32 $0x10CD0  }
0x2f3: {  	[hbm4b:s7+s3] =	stream.linear.scatter [tilespmem:s8], [sflag:$0x5], $0x80, $0x38;
	[tilespmem:$0x12100] =	vst v63  }
0x2f4: {  	s9 =	sadd.s32 $0x30, s28;
	s12 =	simm.s32 $0x10D58  }
0x2f5: {  	[hbm4b:s9+s3] =	stream.linear.scatter [tilespmem:s12], [sflag:$0x5], $0x80, $0x38;
	[tilespmem:$0x12100] =	vst v63  }
0x2f6: {  	s13 =	sadd.s32 $0x40, s28;
	s14 =	simm.s32 $0x10DE0  }
0x2f7: {  	[hbm4b:s13+s3] =	stream.linear.scatter [tilespmem:s14], [sflag:$0x5], $0x80, $0x38;
	[tilespmem:$0x12100] =	vst v63  }
0x2f8: {  	s15 =	sadd.s32 $0x50, s28;
	s16 =	simm.s32 $0x10E68  }
0x2f9: {  	[hbm4b:s15+s3] =	stream.linear.scatter [tilespmem:s16], [sflag:$0x5], $0x80, $0x38;
	[tilespmem:$0x12100] =	vst v63  }
0x2fa: {  	s17 =	sadd.s32 $0x60, s28;
	s20 =	simm.s32 $0x10EF0  }
0x2fb: {  	[hbm4b:s17+s3] =	stream.linear.scatter [tilespmem:s20], [sflag:$0x5], $0x80, $0x38;
	[tilespmem:$0x12100] =	vst v63  }
0x2fc: {  	s23 =	simm.s32 $0x10F78;
	s1 =	sadd.s32 $0x70, s28  }
0x2fd: {  	[hbm4b:s1+s3] =	stream.linear.scatter [tilespmem:s23], [sflag:$0x5], $0x80, $0x38;
	[tilespmem:$0x12100] =	vst v63  }
0x2fe: {  	s25 =	sadd.s32 s0, s10;
	s26 =	simm.s32 $0x11000  }
0x2ff: {  	[hbm4b:s25+s3] =	stream.linear.scatter [tilespmem:s26], [sflag:$0x5], $0x80, $0x38;
	[tilespmem:$0x12100] =	vst v63  }
0x300: {  	s28 =	sadd.s32 $0x10, s25;
	s29 =	simm.s32 $0x11088  }
0x301: {  	[hbm4b:s28+s3] =	stream.linear.scatter [tilespmem:s29], [sflag:$0x5], $0x80, $0x38;
	[tilespmem:$0x12100] =	vst v63  }
0x302: {  	s6 =	sadd.s32 $0x20, s25;
	s7 =	simm.s32 $0x11110  }
0x303: {  	[hbm4b:s6+s3] =	stream.linear.scatter [tilespmem:s7], [sflag:$0x5], $0x80, $0x38;
	[tilespmem:$0x12100] =	vst v63  }
0x304: {  	s8 =	sadd.s32 $0x30, s25;
	s9 =	simm.s32 $0x11198  }
0x305: {  	[hbm4b:s8+s3] =	stream.linear.scatter [tilespmem:s9], [sflag:$0x5], $0x80, $0x38;
	[tilespmem:$0x12100] =	vst v63  }
0x306: {  	s10 =	sadd.s32 $0x40, s25;
	s12 =	simm.s32 $0x11220  }
0x307: {  	[hbm4b:s10+s3] =	stream.linear.scatter [tilespmem:s12], [sflag:$0x5], $0x80, $0x38;
	[tilespmem:$0x12100] =	vst v63  }
0x308: {  	s13 =	sadd.s32 $0x50, s25;
	s14 =	simm.s32 $0x112A8  }
0x309: {  	[hbm4b:s13+s3] =	stream.linear.scatter [tilespmem:s14], [sflag:$0x5], $0x80, $0x38;
	[tilespmem:$0x12100] =	vst v63  }
0x30a: {  	s15 =	sadd.s32 $0x60, s25;
	s16 =	simm.s32 $0x11330  }
0x30b: {  	[hbm4b:s15+s3] =	stream.linear.scatter [tilespmem:s16], [sflag:$0x5], $0x80, $0x38;
	[tilespmem:$0x12100] =	vst v63  }
0x30c: {  	s17 =	simm.s32 $0x113B8;
	s1 =	sadd.s32 $0x70, s25  }
0x30d: {  	[hbm4b:s1+s3] =	stream.linear.scatter [tilespmem:s17], [sflag:$0x5], $0x80, $0x38;
	[tilespmem:$0x12100] =	vst v63  }
0x30e: {  	s20 =	sadd.s32 s0, s11;
	s23 =	simm.s32 $0x11440  }
0x30f: {  	[hbm4b:s20+s3] =	stream.linear.scatter [tilespmem:s23], [sflag:$0x5], $0x80, $0x38;
	[tilespmem:$0x12100] =	vst v63  }
0x310: {  	s25 =	sadd.s32 $0x10, s20;
	s26 =	simm.s32 $0x114C8  }
0x311: {  	[hbm4b:s25+s3] =	stream.linear.scatter [tilespmem:s26], [sflag:$0x5], $0x80, $0x38;
	[tilespmem:$0x12100] =	vst v63  }
0x312: {  	s28 =	sadd.s32 $0x20, s20;
	s29 =	simm.s32 $0x11550  }
0x313: {  	[hbm4b:s28+s3] =	stream.linear.scatter [tilespmem:s29], [sflag:$0x5], $0x80, $0x38;
	[tilespmem:$0x12100] =	vst v63  }
0x314: {  	s5 =	sadd.s32 $0x30, s20;
	s6 =	simm.s32 $0x115D8  }
0x315: {  	[hbm4b:s5+s3] =	stream.linear.scatter [tilespmem:s6], [sflag:$0x5], $0x80, $0x38;
	[tilespmem:$0x12100] =	vst v63  }
0x316: {  	s7 =	sadd.s32 $0x40, s20;
	s8 =	simm.s32 $0x11660  }
0x317: {  	[hbm4b:s7+s3] =	stream.linear.scatter [tilespmem:s8], [sflag:$0x5], $0x80, $0x38;
	[tilespmem:$0x12100] =	vst v63  }
0x318: {  	s9 =	sadd.s32 $0x50, s20;
	s10 =	simm.s32 $0x116E8  }
0x319: {  	[hbm4b:s9+s3] =	stream.linear.scatter [tilespmem:s10], [sflag:$0x5], $0x80, $0x38;
	[tilespmem:$0x12100] =	vst v63  }
0x31a: {  	s11 =	sadd.s32 $0x60, s20;
	s12 =	simm.s32 $0x11770  }
0x31b: {  	[hbm4b:s11+s3] =	stream.linear.scatter [tilespmem:s12], [sflag:$0x5], $0x80, $0x38;
	[tilespmem:$0x12100] =	vst v63  }
0x31c: {  	s13 =	simm.s32 $0x117F8;
	s1 =	sadd.s32 $0x70, s20  }
0x31d: {  	[hbm4b:s1+s3] =	stream.linear.scatter [tilespmem:s13], [sflag:$0x5], $0x80, $0x38;
	[tilespmem:$0x12100] =	vst v63  }
0x31e: {  	s14 =	sadd.s32 s0, s30;
	s15 =	simm.s32 $0x11880  }
0x31f: {  	[hbm4b:s14+s3] =	stream.linear.scatter [tilespmem:s15], [sflag:$0x5], $0x80, $0x38;
	[tilespmem:$0x12100] =	vst v63  }
0x320: {  	s16 =	sadd.s32 $0x10, s14;
	s17 =	simm.s32 $0x11908  }
0x321: {  	[hbm4b:s16+s3] =	stream.linear.scatter [tilespmem:s17], [sflag:$0x5], $0x80, $0x38;
	[tilespmem:$0x12100] =	vst v63  }
0x322: {  	s20 =	sadd.s32 $0x20, s14;
	s23 =	simm.s32 $0x11990  }
0x323: {  	[hbm4b:s20+s3] =	stream.linear.scatter [tilespmem:s23], [sflag:$0x5], $0x80, $0x38;
	[tilespmem:$0x12100] =	vst v63  }
0x324: {  	s25 =	sadd.s32 $0x30, s14;
	s26 =	simm.s32 $0x11A18  }
0x325: {  	[hbm4b:s25+s3] =	stream.linear.scatter [tilespmem:s26], [sflag:$0x5], $0x80, $0x38;
	[tilespmem:$0x12100] =	vst v63  }
0x326: {  	s28 =	sadd.s32 $0x40, s14;
	s29 =	simm.s32 $0x11AA0  }
0x327: {  	[hbm4b:s28+s3] =	stream.linear.scatter [tilespmem:s29], [sflag:$0x5], $0x80, $0x38;
	[tilespmem:$0x12100] =	vst v63  }
0x328: {  	s5 =	sadd.s32 $0x50, s14;
	s6 =	simm.s32 $0x11B28  }
0x329: {  	[hbm4b:s5+s3] =	stream.linear.scatter [tilespmem:s6], [sflag:$0x5], $0x80, $0x38;
	[tilespmem:$0x12100] =	vst v63  }
0x32a: {  	s7 =	sadd.s32 $0x60, s14;
	s8 =	simm.s32 $0x11BB0  }
0x32b: {  	[hbm4b:s7+s3] =	stream.linear.scatter [tilespmem:s8], [sflag:$0x5], $0x80, $0x38;
	[tilespmem:$0x12100] =	vst v63  }
0x32c: {  	s9 =	simm.s32 $0x11C38;
	s1 =	sadd.s32 $0x70, s14  }
0x32d: {  	[hbm4b:s1+s3] =	stream.linear.scatter [tilespmem:s9], [sflag:$0x5], $0x80, $0x38;
	[tilespmem:$0x12100] =	vst v63  }
0x32e: {  	s0 =	sadd.s32 s0, s31;
	s10 =	simm.s32 $0x11CC0  }
0x32f: {  	[hbm4b:s0+s3] =	stream.linear.scatter [tilespmem:s10], [sflag:$0x5], $0x80, $0x38;
	[tilespmem:$0x12100] =	vst v63  }
0x330: {  	s11 =	sadd.s32 $0x10, s0;
	s12 =	simm.s32 $0x11D48  }
0x331: {  	[hbm4b:s11+s3] =	stream.linear.scatter [tilespmem:s12], [sflag:$0x5], $0x80, $0x38;
	[tilespmem:$0x12100] =	vst v63  }
0x332: {  	s13 =	sadd.s32 $0x20, s0;
	s14 =	simm.s32 $0x11DD0  }
0x333: {  	[hbm4b:s13+s3] =	stream.linear.scatter [tilespmem:s14], [sflag:$0x5], $0x80, $0x38;
	[tilespmem:$0x12100] =	vst v63  }
0x334: {  	s15 =	sadd.s32 $0x30, s0;
	s16 =	simm.s32 $0x11E58  }
0x335: {  	[hbm4b:s15+s3] =	stream.linear.scatter [tilespmem:s16], [sflag:$0x5], $0x80, $0x38;
	[tilespmem:$0x12100] =	vst v63  }
0x336: {  	s24 =	sadd.s32 $0x1, s24;
	s17 =	sadd.s32 $0x40, s0;
	s20 =	simm.s32 $0x11EE0  }
0x337: {  	[hbm4b:s17+s3] =	stream.linear.scatter [tilespmem:s20], [sflag:$0x5], $0x80, $0x38;
	[tilespmem:$0x12100] =	vst v63  }
0x338: {  	p0 =	sne.s32 s24, $0xC;
	s23 =	sadd.s32 $0x50, s0;
	s25 =	simm.s32 $0x11F68  }
0x339: {  	[hbm4b:s23+s3] =	stream.linear.scatter [tilespmem:s25], [sflag:$0x5], $0x80, $0x38;
	[tilespmem:$0x12100] =	vst v63  }
.Ltmp2:
0x33a: {  	_ = 	snop;
	(pc) =	sbr.rel @p0 .LBB2_2-.Ltmp2, $4  }
0x33b: {  	s26 =	sadd.s32 $0x60, s0;
	s28 =	simm.s32 $0x11FF0  }
0x33c: {  	[hbm4b:s26+s3] =	stream.linear.scatter [tilespmem:s28], [sflag:$0x5], $0x80, $0x38;
	[tilespmem:$0x12100] =	vst v63  }
0x33d: {  	s29 =	simm.s32 $0x12078;
	s0 =	sadd.s32 $0x70, s0  }
0x33e: {  	[hbm4b:s0+s3] =	stream.linear.scatter [tilespmem:s29], [sflag:$0x5], $0x80, $0x38;
	[tilespmem:$0x12100] =	vst v63  }
0x33f: {  	_ =	swait.ge [sflag:s18], $0x2000  }
0x340: {  	[sflag:s18] =	ssyncset.done $0x0  }
0x341: {  	[sflag:s18] =	ssyncadd.s32 $0xFFFFE000  }
0x342: {  	_ =	swait.ge [sflag:s18], $0x2000  }
0x343: {  	[sflag:s18] =	ssyncset.done $0x0  }
0x344: {  	s26 =	simm.s32 $0x4;
	[sflag:s18] =	ssyncadd.s32 $0xFFFFE000  }
0x345: {  	_ =	swait.ge [sflag:s26], $0x400  }
0x346: {  	[sflag:s26] =	ssyncset.done $0x0  }
0x347: {  	[sflag:s26] =	ssyncadd.s32 $0xFFFFFC00  }
0x348: {  	_ =	swait.ge [sflag:s26], $0x400  }
0x349: {  	[sflag:s26] =	ssyncset.done $0x0  }
0x34a: {  	[sflag:s26] =	ssyncadd.s32 $0xFFFFFC00  }
0x34b: {  	_ =	swait.ge [sflag:s26], $0x400  }
0x34c: {  	[sflag:s26] =	ssyncset.done $0x0  }
0x34d: {  	[sflag:s26] =	ssyncadd.s32 $0xFFFFFC00  }
0x34e: {  	_ =	swait.ge [sflag:s26], $0x400  }
0x34f: {  	[sflag:s26] =	ssyncset.done $0x0  }
0x350: {  	[sflag:s26] =	ssyncadd.s32 $0xFFFFFC00  }
0x351: {  	_ =	swait.ge [sflag:s26], $0x400  }
0x352: {  	[sflag:s26] =	ssyncset.done $0x0  }
0x353: {  	[sflag:s26] =	ssyncadd.s32 $0xFFFFFC00  }
0x354: {  	_ =	swait.ge [sflag:s26], $0x400  }
0x355: {  	[sflag:s26] =	ssyncset.done $0x0  }
0x356: {  	[sflag:s26] =	ssyncadd.s32 $0xFFFFFC00  }
0x357: {  	_ =	swait.ge [sflag:s26], $0x400  }
0x358: {  	[sflag:s26] =	ssyncset.done $0x0  }
0x359: {  	[sflag:s26] =	ssyncadd.s32 $0xFFFFFC00  }
0x35a: {  	_ =	swait.ge [sflag:s26], $0x400  }
0x35b: {  	[sflag:s26] =	ssyncset.done $0x0  }
0x35c: {  	[sflag:s26] =	ssyncadd.s32 $0xFFFFFC00  }
0x35d: {  	_ =	swait.ge [sflag:s26], $0x400  }
0x35e: {  	[sflag:s26] =	ssyncset.done $0x0  }
0x35f: {  	[sflag:s26] =	ssyncadd.s32 $0xFFFFFC00  }
0x360: {  	_ =	swait.ge [sflag:s26], $0x400  }
0x361: {  	s17 =	simm.s32 $0x0;
	[sflag:s26] =	ssyncset.done $0x0  }
0x362: {  	s0 =	simm.s32 $0x0;
	s1 =	sand.u32 $0x78, s17;
	[sflag:s26] =	ssyncadd.s32 $0xFFFFFC00  }
0x363: {  	s2 =	sand.u32 $0x7FFFFFC0, s0;
	s6 =	sor.u32 $0x1, s1;
	_ =	swait.ge [sflag:s26], $0x400  }
0x364: {  	v2 =	vmov s1;
	v3 =	vmov s2;
	s0 =	sor.u32 $0x30, s2;
	s16 =	sor.u32 $0x5, s1;
	[sflag:s26] =	ssyncset.done $0x0  }
0x365: {  	s5 =	sor.u32 $0x6, s1;
	s7 =	sor.u32 $0x20, s2;
	v2 =	vshrl.u32 v2, $0x3;
	v4 =	vmov s6;
	v3 =	vmul.u32 $0x88, v3;
	[sflag:s26] =	ssyncadd.s32 $0xFFFFFC00  }
0x366: {  	s20 =	sor.u32 $0x2, s1;
	s8 =	sor.u32 $0x4, s1;
	v5 =	vmov s0;
	v6 =	vmov s16;
	v7 =	vmov s5;
	_ =	swait.ge [sflag:s26], $0x400  }
0x367: {  	v8 =	vmov s7;
	v11 =	vmov s20;
	v12 =	vmov s8;
	[sflag:s26] =	ssyncset.done $0x0  }
0x368: {  	v4 =	vshrl.u32 v4, $0x3;
	v6 =	vshrl.u32 v6, $0x3;
	v7 =	vshrl.u32 v7, $0x3;
	[sflag:s26] =	ssyncadd.s32 $0xFFFFFC00  }
0x369: {  	v12 =	vshrl.u32 v12, $0x3;
	v4 =	vshll.u32 v4, v1;
	v3 =	vbroadcast v3, $0x0;
	_ =	swait.ge [sflag:s26], $0x400  }
0x36a: {  	v12 =	vshll.u32 v12, v1;
	v9 =	vbroadcast v4, $0x0;
	v4 =	vshll.u32 v6, v1;
	[sflag:s26] =	ssyncset.done $0x0  }
0x36b: {  	s2 =	sor.u32 $0x10, s2;
	v27 =	vbroadcast v12, $0x0;
	v10 =	vadd.s32 v0, v3;
	v6 =	vbroadcast v4, $0x0;
	[sflag:s26] =	ssyncadd.s32 $0xFFFFFC00  }
0x36c: {  	v2 =	vshll.u32 v2, v1;
	v3 =	vmov s2;
	v4 =	vadd.s32 v9, v10;
	_ =	swait.ge [sflag:s26], $0x400  }
0x36d: {  	s23 =	sor.u32 $0x7, s1;
	v3 =	vmul.u32 $0x88, v3;
	v23 =	vadd.s32 v27, v10;
	v13 =	vadd.s32 v6, v10;
	[sflag:s26] =	ssyncset.done $0x0  }
0x36e: {  	v14 =	vor.u32 $0x1, v4;
	v4 =	vshrl.u32 v11, $0x3;
	v11 =	vmov s23;
	[sflag:s26] =	ssyncadd.s32 $0xFFFFFC00  }
0x36f: {  	v23 =	vor.u32 $0x4, v23;
	v3 =	vbroadcast v3, $0x0;
	v4 =	vshll.u32 v4, v1;
	_ =	swait.ge [sflag:s26], $0x400  }
0x370: {  	s9 =	sor.u32 $0x3, s1;
	v13 =	vor.u32 $0x5, v13;
	v16 =	vbroadcast v4, $0x0;
	v4 =	vshll.u32 v7, v1;
	[sflag:s26] =	ssyncset.done $0x0  }
0x371: {  	s10 =	simm.s32 $0x0;
	v7 =	vmov s9;
	v30 =	vbroadcast v4, $0x0;
	v4 =	vshrl.u32 v11, $0x3;
	[sflag:s26] =	ssyncadd.s32 $0xFFFFFC00  }
0x372: {  	s10 =	sand.u32 $0x3FFFE000, s10;
	v7 =	vshrl.u32 v7, $0x3;
	v15 =	vadd.s32 v0, v3;
	v3 =	vbroadcast v2, $0x0;
	_ =	swait.ge [sflag:s26], $0x400  }
0x373: {  	s11 =	sor.u32 $0x1900, s10;
	s6 =	sshll.u32 s6, $0x6;
	v2 =	vmul.u32 $0x88, v8;
	v11 =	vadd.s32 v16, v10;
	v21 =	vadd.s32 v16, v15;
	[sflag:s26] =	ssyncset.done $0x0  }
0x374: {  	s24 =	sshll.u32 s20, $0x6;
	s14 =	sadd.s32 s6, s11;
	v4 =	vshll.u32 v4, v1;
	v7 =	vshll.u32 v7, v1;
	v20 =	vadd.s32 v27, v15;
	[sflag:s26] =	ssyncadd.s32 $0xFFFFFC00  }
0x375: {  	s1 =	sshll.u32 s1, $0x6;
	s15 =	sadd.s32 s24, s11;
	v11 =	vor.u32 $0x2, v11;
	v17 =	vadd.s32 v30, v10;
	v12 =	vadd.s32 v30, v15;
	v8 =	vld [tilespmem:s14+$0x0]  }
0x376: {  	s25 =	sshll.u32 s5, $0x6;
	s5 =	sadd.s32 s1, s11;
	v22 =	vbroadcast v4, $0x0;
	v19 =	vadd.s32 v3, v10;
	v7 =	vbroadcast v7, $0x0;
	v18 =	vld [tilespmem:s15+$0x0]  }
0x377: {  	s28 =	sshll.u32 s8, $0x6;
	s1 =	sadd.s32 s25, s11;
	v2 =	vbroadcast v2, $0x0;
	v31 =	vadd.s32 v3, v15;
	v25 =	vor.u32 $0x6, v17;
	v24 =	vld [tilespmem:s5+$0x0]  }
0x378: {  	s29 =	sshll.u32 s9, $0x6;
	s10 =	sadd.s32 s28, s11;
	v4 =	vor.u32 $0x6, v12;
	v12 =	vmul.u32 $0x88, v5;
	v17 =	vadd.s32 v7, v10;
	v28 =	vld [tilespmem:s1+$0x0]  }
0x379: {  	s2 =	sshll.u32 s23, $0x6;
	s9 =	sadd.s32 s29, s11;
	v26 =	vadd.s32 v7, v15;
	v29 =	vadd.s32 v0, v2;
	v5 =	vadd.s32 v22, v10;
	v2 =	vld [tilespmem:s10+$0x0]  }
0x37a: {  	s0 =	sshll.u32 s16, $0x6;
	s20 =	sadd.s32 s2, s11;
	v32 =	vor.u32 $0x7, v5;
	v5 =	vadd.s32 v3, v29;
	v10 =	vbroadcast v12, $0x0;
	v35 =	vld [tilespmem:s9+$0x0]  }
0x37b: {  	s0 =	sadd.s32 s0, s11;
	v12 =	vadd.s32 v9, v15;
	v36 =	vor.u32 $0x3, v17;
	v17 =	vadd.s32 v6, v15;
	v38 =	vld [tilespmem:s20+$0x0];
	[tilespmem:v14+s19+$0x0] =	vst.idx.msk $0xffff, v8  }
0x37c: {  	v40 =	vor.u32 $0x4, v20;
	v15 =	vadd.s32 v22, v15;
	v20 =	vadd.s32 v22, v29;
	v8 =	vld [tilespmem:s0+$0x0];
	[tilespmem:v19+s19+$0x0] =	vst.idx.msk $0xffff, v24  }
0x37d: {  	v41 =	vadd.s32 v30, v29;
	v34 =	vor.u32 $0x1, v12;
	v12 =	vadd.s32 v0, v10;
	[tilespmem:v11+s19+$0x0] =	vst.idx.msk $0xffff, v18;
	v33 =	vld [tilespmem:s14+$0x10]  }
0x37e: {  	v10 =	vadd.s32 v9, v12;
	v14 =	vadd.s32 v27, v29;
	[tilespmem:v23+s19+$0x0] =	vst.idx.msk $0xffff, v2;
	v37 =	vld [tilespmem:s5+$0x10]  }
0x37f: {  	v19 =	vor.u32 $0x5, v17;
	v17 =	vadd.s32 v16, v29;
	v18 =	vor.u32 $0x3, v26;
	[tilespmem:v25+s19+$0x0] =	vst.idx.msk $0xffff, v28;
	v39 =	vld [tilespmem:s10+$0x10]  }
0x380: {  	v2 =	vor.u32 $0x1, v10;
	v11 =	vor.u32 $0x2, v21;
	[tilespmem:v36+s19+$0x0] =	vst.idx.msk $0xffff, v35;
	v21 =	vadd.s32 v6, v12;
	v26 =	vld [tilespmem:s15+$0x10]  }
0x381: {  	v23 =	vor.u32 $0x7, v15;
	v15 =	vadd.s32 v22, v12;
	v28 =	vadd.s32 v27, v12;
	v10 =	vld [tilespmem:s1+$0x10];
	[tilespmem:v13+s19+$0x0] =	vst.idx.msk $0xffff, v8  }
0x382: {  	v6 =	vadd.s32 v6, v29;
	[tilespmem:v32+s19+$0x0] =	vst.idx.msk $0xffff, v38;
	v22 =	vor.u32 $0x4, v14;
	v8 =	vadd.s32 v9, v29;
	v24 =	vld [tilespmem:s0+$0x10]  }
0x383: {  	v25 =	vld [tilespmem:s9+$0x10];
	v14 =	vor.u32 $0x6, v41;
	v9 =	vadd.s32 v7, v29;
	v29 =	vadd.s32 v16, v12;
	[tilespmem:v34+s19+$0x0] =	vst.idx.msk $0xffff, v33  }
0x384: {  	v27 =	vld [tilespmem:s20+$0x10];
	v7 =	vadd.s32 v7, v12;
	v13 =	vor.u32 $0x5, v6;
	v16 =	vadd.s32 v30, v12;
	[tilespmem:v40+s19+$0x0] =	vst.idx.msk $0xffff, v39  }
0x385: {  	v8 =	vor.u32 $0x1, v8;
	v9 =	vor.u32 $0x3, v9;
	[tilespmem:v31+s19+$0x0] =	vst.idx.msk $0xffff, v37;
	v6 =	vor.u32 $0x3, v7;
	v7 =	vld [tilespmem:s10+$0x20]  }
.LBB2_8:
0x386: {  	s17 =	sadd.s32 $0x8, s17;
	v30 =	vld [tilespmem:s5+$0x20];
	[tilespmem:v11+s19+$0x0] =	vst.idx.msk $0xffff, v26;
	v26 =	vor.u32 $0x2, v29;
	v11 =	vor.u32 $0x6, v16;
	v15 =	vor.u32 $0x7, v15  }
0x387: {  	v28 =	vor.u32 $0x4, v28;
	v20 =	vor.u32 $0x7, v20;
	s16 =	sand.u32 $0x78, s17;
	s2 =	sshrl.u32 s17, $0x1;
	s6 =	sshll.u32 s17, $0x6;
	v16 =	vld [tilespmem:s15+$0x20];
	[tilespmem:v19+s19+$0x0] =	vst.idx.msk $0xffff, v24;
	v19 =	vor.u32 $0x5, v21  }
0x388: {  	v3 =	vadd.s32 v3, v12;
	v12 =	vor.u32 $0x2, v17;
	v21 =	vmov s16;
	s8 =	sand.u32 $0x7FFFFFC0, s2;
	s6 =	sand.u32 $0x3FFFE000, s6;
	s13 =	sor.u32 $0x1, s16;
	[tilespmem:v18+s19+$0x0] =	vst.idx.msk $0xffff, v25;
	v17 =	vld [tilespmem:s0+$0x20]  }
0x389: {  	s11 =	sor.u32 $0x3, s16;
	s2 =	sor.u32 $0x7, s16;
	v18 =	vmov s8;
	v21 =	vshrl.u32 v21, $0x3;
	s7 =	sor.u32 $0x30, s8;
	v24 =	vmov s13;
	v25 =	vld [tilespmem:s14+$0x20];
	[tilespmem:v23+s19+$0x0] =	vst.idx.msk $0xffff, v27  }
0x38a: {  	s23 =	sor.u32 $0x5, s16;
	s24 =	sor.u32 $0x6, s16;
	v18 =	vmul.u32 $0x88, v18;
	v23 =	vmov s7;
	v24 =	vshrl.u32 v24, $0x3;
	s7 =	sor.u32 $0x2, s16;
	v27 =	vld [tilespmem:s9+$0x20];
	[tilespmem:v22+s19+$0x0] =	vst.idx.msk $0xffff, v7  }
0x38b: {  	s12 =	sor.u32 $0x1900, s6;
	s6 =	sor.u32 $0x20, s8;
	s25 =	sshll.u32 s13, $0x6;
	v22 =	vmov s23;
	v7 =	vshll.u32 v24, v1;
	v24 =	vmov s24;
	[tilespmem:v5+s19+$0x0] =	vst.idx.msk $0xffff, v30;
	v5 =	vld [tilespmem:s10+$0x30]  }
0x38c: {  	s8 =	sor.u32 $0x10, s8;
	s13 =	sshll.u32 s23, $0x6;
	v29 =	vmov s6;
	v22 =	vshrl.u32 v22, $0x3;
	s10 =	sshll.u32 s24, $0x6;
	v18 =	vbroadcast v18, $0x0;
	v30 =	vld [tilespmem:s5+$0x30];
	[tilespmem:v4+s19+$0x0] =	vst.idx.msk $0xffff, v10  }
0x38d: {  	p0 =	slt.u32 s17, $0xF8;
	v10 =	vbroadcast v7, $0x0;
	v4 =	vshll.u32 v22, v1;
	v22 =	vshrl.u32 v24, $0x3;
	[tilespmem:v12+s19+$0x0] =	vst.idx.msk $0xffff, v16;
	v12 =	vld [tilespmem:s1+$0x20]  }
0x38e: {  	v21 =	vshll.u32 v21, v1;
	v7 =	vbroadcast v4, $0x0;
	v18 =	vadd.s32 v0, v18;
	[tilespmem:v8+s19+$0x0] =	vst.idx.msk $0xffff, v25;
	v4 =	vld [tilespmem:s20+$0x20]  }
0x38f: {  	v24 =	vmov s7;
	s5 =	sor.u32 $0x4, s16;
	v8 =	vmov s8;
	v16 =	vadd.s32 v10, v18;
	v25 =	vld [tilespmem:s14+$0x30];
	[tilespmem:v9+s19+$0x0] =	vst.idx.msk $0xffff, v27  }
0x390: {  	s6 =	sshll.u32 s5, $0x6;
	v8 =	vmul.u32 $0x88, v8;
	s14 =	sadd.s32 s25, s12;
	v9 =	vmov s5;
	v27 =	vadd.s32 v7, v18;
	v31 =	vld [tilespmem:s15+$0x30];
	[tilespmem:v28+s19+$0x0] =	vst.idx.msk $0xffff, v5  }
0x391: {  	v5 =	vor.u32 $0x1, v16;
	v16 =	vshrl.u32 v24, $0x3;
	v24 =	vmov s2;
	v28 =	vld [tilespmem:s9+$0x30];
	[tilespmem:v13+s19+$0x0] =	vst.idx.msk $0xffff, v17  }
0x392: {  	v9 =	vshrl.u32 v9, $0x3;
	v8 =	vbroadcast v8, $0x0;
	v13 =	vshll.u32 v16, v1;
	v17 =	vld [tilespmem:s0+$0x30];
	[tilespmem:v14+s19+$0x0] =	vst.idx.msk $0xffff, v12  }
0x393: {  	v16 =	vshll.u32 v22, v1;
	v13 =	vbroadcast v13, $0x0;
	v14 =	vor.u32 $0x5, v27;
	v12 =	vld [tilespmem:s14+$0x0];
	[tilespmem:v20+s19+$0x0] =	vst.idx.msk $0xffff, v4  }
0x394: {  	s0 =	sshll.u32 s7, $0x6;
	v16 =	vbroadcast v16, $0x0;
	v4 =	vmov s11;
	v20 =	vshrl.u32 v24, $0x3;
	[tilespmem:v3+s19+$0x0] =	vst.idx.msk $0xffff, v30;
	v22 =	vld [tilespmem:s20+$0x30]  }
0x395: {  	v9 =	vshll.u32 v9, v1;
	s15 =	sadd.s32 s0, s12;
	v3 =	vadd.s32 v13, v18;
	v4 =	vshrl.u32 v4, $0x3;
	[tilespmem:v26+s19+$0x0] =	vst.idx.msk $0xffff, v31;
	v24 =	vld [tilespmem:s1+$0x30]  }
0x396: {  	v8 =	vadd.s32 v0, v8;
	v30 =	vadd.s32 v16, v18;
	v27 =	vor.u32 $0x2, v3;
	v26 =	vld [tilespmem:s15+$0x0];
	[tilespmem:v6+s19+$0x0] =	vst.idx.msk $0xffff, v28  }
0x397: {  	v6 =	vadd.s32 v13, v8;
	v28 =	vbroadcast v9, $0x0;
	v9 =	vshll.u32 v20, v1;
	[tilespmem:v19+s19+$0x0] =	vst.idx.msk $0xffff, v17  }
0x398: {  	s0 =	sshll.u32 s16, $0x6;
	v3 =	vbroadcast v21, $0x0;
	v4 =	vshll.u32 v4, v1;
	v17 =	vmul.u32 $0x88, v29;
	[tilespmem:v2+s19+$0x0] =	vst.idx.msk $0xffff, v25  }
0x399: {  	s5 =	sadd.s32 s0, s12;
	v20 =	vadd.s32 v28, v8;
	v2 =	vadd.s32 v16, v8;
	v25 =	vbroadcast v9, $0x0;
	[tilespmem:v15+s19+$0x0] =	vst.idx.msk $0xffff, v22  }
0x39a: {  	v31 =	vbroadcast v4, $0x0;
	v19 =	vadd.s32 v28, v18;
	v15 =	vadd.s32 v3, v18;
	v9 =	vld [tilespmem:s5+$0x0];
	[tilespmem:v11+s19+$0x0] =	vst.idx.msk $0xffff, v24  }
0x39b: {  	s1 =	sadd.s32 s10, s12;
	v4 =	vor.u32 $0x6, v2;
	v11 =	vbroadcast v17, $0x0;
	v17 =	vor.u32 $0x6, v30;
	[tilespmem:v27+s19+$0x0] =	vst.idx.msk $0xffff, v26  }
0x39c: {  	s10 =	sadd.s32 s6, s12;
	v21 =	vadd.s32 v31, v18;
	v2 =	vmul.u32 $0x88, v23;
	v22 =	vadd.s32 v31, v8;
	v23 =	vld [tilespmem:s1+$0x0]  }
0x39d: {  	s2 =	sshll.u32 s2, $0x6;
	s0 =	sadd.s32 s13, s12;
	v24 =	vor.u32 $0x4, v19;
	v18 =	vadd.s32 v25, v18;
	v27 =	vadd.s32 v0, v11;
	v11 =	vld [tilespmem:s10+$0x0]  }
0x39e: {  	s20 =	sadd.s32 s2, s12;
	s6 =	sshll.u32 s11, $0x6;
	v30 =	vadd.s32 v3, v8;
	v32 =	vor.u32 $0x7, v18;
	v29 =	vadd.s32 v28, v27;
	[tilespmem:v5+s19+$0x0] =	vst.idx.msk $0xffff, v12;
	v26 =	vld [tilespmem:s0+$0x0]  }
0x39f: {  	s9 =	sadd.s32 s6, s12;
	v2 =	vbroadcast v2, $0x0;
	v5 =	vadd.s32 v3, v27;
	v12 =	vadd.s32 v10, v8;
	[tilespmem:v15+s19+$0x0] =	vst.idx.msk $0xffff, v9;
	v9 =	vld [tilespmem:s14+$0x10]  }
0x3a0: {  	v21 =	vor.u32 $0x3, v21;
	v18 =	vadd.s32 v7, v8;
	v15 =	vor.u32 $0x1, v12;
	v33 =	vld [tilespmem:s9+$0x0]  }
0x3a1: {  	v19 =	vor.u32 $0x5, v18;
	v12 =	vadd.s32 v0, v2;
	v34 =	vld [tilespmem:s5+$0x10];
	[tilespmem:v17+s19+$0x0] =	vst.idx.msk $0xffff, v23;
	v23 =	vadd.s32 v25, v8  }
0x3a2: {  	v18 =	vor.u32 $0x3, v22;
	v2 =	vadd.s32 v10, v12;
	v17 =	vadd.s32 v13, v27;
	[tilespmem:v24+s19+$0x0] =	vst.idx.msk $0xffff, v11;
	v35 =	vld [tilespmem:s20+$0x0]  }
0x3a3: {  	v37 =	vor.u32 $0x4, v20;
	v20 =	vadd.s32 v25, v27;
	v2 =	vor.u32 $0x1, v2;
	v36 =	vld [tilespmem:s10+$0x10];
	[tilespmem:v14+s19+$0x0] =	vst.idx.msk $0xffff, v26  }
0x3a4: {  	v8 =	vadd.s32 v10, v27;
	v11 =	vor.u32 $0x2, v6;
	v14 =	vadd.s32 v16, v27;
	v24 =	vld [tilespmem:s0+$0x10]  }
.Ltmp3:
0x3a5: {  	v8 =	vor.u32 $0x1, v8;
	v6 =	vadd.s32 v31, v27;
	v26 =	vld [tilespmem:s15+$0x10];
	[tilespmem:v21+s19+$0x0] =	vst.idx.msk $0xffff, v33;
	v21 =	vadd.s32 v7, v12;
	(pc) =	sbr.rel @p0 .LBB2_8-.Ltmp3, $4  }
0x3a6: {  	v23 =	vor.u32 $0x7, v23;
	[tilespmem:v15+s19+$0x0] =	vst.idx.msk $0xffff, v9;
	v9 =	vor.u32 $0x3, v6;
	v10 =	vld [tilespmem:s1+$0x10];
	v15 =	vadd.s32 v25, v12  }
0x3a7: {  	v22 =	vor.u32 $0x4, v29;
	v28 =	vadd.s32 v28, v12;
	v6 =	vadd.s32 v7, v27;
	v25 =	vld [tilespmem:s9+$0x10];
	[tilespmem:v32+s19+$0x0] =	vst.idx.msk $0xffff, v35  }
0x3a8: {  	v29 =	vadd.s32 v13, v12;
	v7 =	vadd.s32 v31, v12;
	v13 =	vor.u32 $0x5, v6;
	[tilespmem:v37+s19+$0x0] =	vst.idx.msk $0xffff, v36;
	v27 =	vld [tilespmem:s20+$0x10]  }
0x3a9: {  	v16 =	vadd.s32 v16, v12;
	v14 =	vor.u32 $0x6, v14;
	v6 =	vor.u32 $0x3, v7;
	[tilespmem:v30+s19+$0x0] =	vst.idx.msk $0xffff, v34;
	v7 =	vld [tilespmem:s10+$0x20]  }
0x3aa: {  	_ =	sdelay $0x3  }
0x3ab: {  	[tilespmem:v11+s19+$0x0] =	vst.idx.msk $0xffff, v26  }
0x3ac: {  	v30 =	vld [tilespmem:s5+$0x20];
	[tilespmem:v19+s19+$0x0] =	vst.idx.msk $0xffff, v24  }
0x3ad: {  	v50 =	vld [tilespmem:s14+$0x20];
	[tilespmem:v4+s19+$0x0] =	vst.idx.msk $0xffff, v10  }
0x3ae: {  	v17 =	vor.u32 $0x2, v17;
	v11 =	vld [tilespmem:s15+$0x20];
	[tilespmem:v18+s19+$0x0] =	vst.idx.msk $0xffff, v25  }
0x3af: {  	v53 =	vld [tilespmem:s0+$0x20];
	[tilespmem:v23+s19+$0x0] =	vst.idx.msk $0xffff, v27  }
0x3b0: {  	v4 =	vld [tilespmem:s1+$0x20];
	[tilespmem:v22+s19+$0x0] =	vst.idx.msk $0xffff, v7  }
0x3b1: {  	v51 =	vld [tilespmem:s9+$0x20];
	[tilespmem:v5+s19+$0x0] =	vst.idx.msk $0xffff, v30  }
0x3b2: {  	v54 =	vor.u32 $0x7, v20;
	v55 =	vld [tilespmem:s20+$0x20];
	[tilespmem:v8+s19+$0x0] =	vst.idx.msk $0xffff, v50  }
0x3b3: {  	v52 =	vor.u32 $0x4, v28;
	v7 =	vld [tilespmem:s10+$0x30];
	[tilespmem:v17+s19+$0x0] =	vst.idx.msk $0xffff, v11  }
0x3b4: {  	v3 =	vadd.s32 v3, v12;
	v56 =	vld [tilespmem:s5+$0x30];
	[tilespmem:v13+s19+$0x0] =	vst.idx.msk $0xffff, v53  }
0x3b5: {  	v61 =	vld [tilespmem:s14+$0x30];
	[tilespmem:v14+s19+$0x0] =	vst.idx.msk $0xffff, v4  }
0x3b6: {  	v58 =	vor.u32 $0x2, v29;
	v57 =	vld [tilespmem:s15+$0x30];
	[tilespmem:v9+s19+$0x0] =	vst.idx.msk $0xffff, v51  }
0x3b7: {  	v60 =	vor.u32 $0x5, v21;
	v5 =	vld [tilespmem:s0+$0x30];
	[tilespmem:v54+s19+$0x0] =	vst.idx.msk $0xffff, v55  }
0x3b8: {  	v59 =	vld [tilespmem:s9+$0x30];
	[tilespmem:v52+s19+$0x0] =	vst.idx.msk $0xffff, v7  }
0x3b9: {  	v62 =	vor.u32 $0x7, v15;
	v8 =	vld [tilespmem:s20+$0x30];
	[tilespmem:v3+s19+$0x0] =	vst.idx.msk $0xffff, v56  }
0x3ba: {  	v63 =	vld [tilespmem:s1+$0x30];
	v3 =	vor.u32 $0x6, v16;
	[tilespmem:v2+s19+$0x0] =	vst.idx.msk $0xffff, v61  }
0x3bb: {  	[tilespmem:v58+s19+$0x0] =	vst.idx.msk $0xffff, v57  }
0x3bc: {  	[tilespmem:v60+s19+$0x0] =	vst.idx.msk $0xffff, v5  }
0x3bd: {  	[tilespmem:v6+s19+$0x0] =	vst.idx.msk $0xffff, v59  }
0x3be: {  	[tilespmem:v62+s19+$0x0] =	vst.idx.msk $0xffff, v8  }
0x3bf: {  	[tilespmem:v3+s19+$0x0] =	vst.idx.msk $0xffff, v63  }
0x3c0: {  	s8 =	rddreg [dreg:$0x7]  }
0x3c1: {  	[hbm4b:s8+s3] =	stream.linear.scatter [tilespmem:s19], [sflag:$0x4], $0x80, $0x38;
	[tilespmem:$0x12100] =	vst v63  }
0x3c2: {  	s2 =	simm.s32 $0x9988;
	s9 =	sadd.s32 $0x10, s8  }
0x3c3: {  	[hbm4b:s9+s3] =	stream.linear.scatter [tilespmem:s2], [sflag:$0x4], $0x80, $0x38;
	[tilespmem:$0x12100] =	vst v63  }
0x3c4: {  	s11 =	simm.s32 $0x9A10;
	s10 =	sadd.s32 $0x20, s8  }
0x3c5: {  	[hbm4b:s10+s3] =	stream.linear.scatter [tilespmem:s11], [sflag:$0x4], $0x80, $0x38;
	[tilespmem:$0x12100] =	vst v63  }
0x3c6: {  	s13 =	simm.s32 $0x9A98;
	s12 =	sadd.s32 $0x30, s8  }
0x3c7: {  	[hbm4b:s12+s3] =	stream.linear.scatter [tilespmem:s13], [sflag:$0x4], $0x80, $0x38;
	[tilespmem:$0x12100] =	vst v63  }
0x3c8: {  	s15 =	simm.s32 $0x9B20;
	s14 =	sadd.s32 $0x40, s8  }
0x3c9: {  	[hbm4b:s14+s3] =	stream.linear.scatter [tilespmem:s15], [sflag:$0x4], $0x80, $0x38;
	[tilespmem:$0x12100] =	vst v63  }
0x3ca: {  	s17 =	simm.s32 $0x9BA8;
	s16 =	sadd.s32 $0x50, s8  }
0x3cb: {  	[hbm4b:s16+s3] =	stream.linear.scatter [tilespmem:s17], [sflag:$0x4], $0x80, $0x38;
	[tilespmem:$0x12100] =	vst v63  }
0x3cc: {  	s23 =	simm.s32 $0x9C30;
	s20 =	sadd.s32 $0x60, s8  }
0x3cd: {  	[hbm4b:s20+s3] =	stream.linear.scatter [tilespmem:s23], [sflag:$0x4], $0x80, $0x38;
	[tilespmem:$0x12100] =	vst v63  }
0x3ce: {  	s25 =	simm.s32 $0x9CB8;
	s24 =	sadd.s32 $0x70, s8  }
0x3cf: {  	[hbm4b:s24+s3] =	stream.linear.scatter [tilespmem:s25], [sflag:$0x4], $0x80, $0x38;
	[tilespmem:$0x12100] =	vst v63  }
0x3d0: {  	s29 =	simm.s32 $0x9D40;
	s28 =	rddreg [dreg:$0x8]  }
0x3d1: {  	[hbm4b:s28+s3] =	stream.linear.scatter [tilespmem:s29], [sflag:$0x4], $0x80, $0x38;
	[tilespmem:$0x12100] =	vst v63  }
0x3d2: {  	s5 =	simm.s32 $0x9DC8;
	s2 =	sadd.s32 $0x10, s28  }
0x3d3: {  	[hbm4b:s2+s3] =	stream.linear.scatter [tilespmem:s5], [sflag:$0x4], $0x80, $0x38;
	[tilespmem:$0x12100] =	vst v63  }
0x3d4: {  	s7 =	simm.s32 $0x9E50;
	s6 =	sadd.s32 $0x20, s28  }
0x3d5: {  	[hbm4b:s6+s3] =	stream.linear.scatter [tilespmem:s7], [sflag:$0x4], $0x80, $0x38;
	[tilespmem:$0x12100] =	vst v63  }
0x3d6: {  	s8 =	sadd.s32 $0x30, s28;
	s9 =	simm.s32 $0x9ED8  }
0x3d7: {  	[hbm4b:s8+s3] =	stream.linear.scatter [tilespmem:s9], [sflag:$0x4], $0x80, $0x38;
	[tilespmem:$0x12100] =	vst v63  }
0x3d8: {  	s10 =	sadd.s32 $0x40, s28;
	s11 =	simm.s32 $0x9F60  }
0x3d9: {  	[hbm4b:s10+s3] =	stream.linear.scatter [tilespmem:s11], [sflag:$0x4], $0x80, $0x38;
	[tilespmem:$0x12100] =	vst v63  }
0x3da: {  	s12 =	sadd.s32 $0x50, s28;
	s13 =	simm.s32 $0x9FE8  }
0x3db: {  	[hbm4b:s12+s3] =	stream.linear.scatter [tilespmem:s13], [sflag:$0x4], $0x80, $0x38;
	[tilespmem:$0x12100] =	vst v63  }
0x3dc: {  	s14 =	sadd.s32 $0x60, s28;
	s15 =	simm.s32 $0xA070  }
0x3dd: {  	[hbm4b:s14+s3] =	stream.linear.scatter [tilespmem:s15], [sflag:$0x4], $0x80, $0x38;
	[tilespmem:$0x12100] =	vst v63  }
0x3de: {  	s16 =	sadd.s32 $0x70, s28;
	s17 =	simm.s32 $0xA0F8  }
0x3df: {  	[hbm4b:s16+s3] =	stream.linear.scatter [tilespmem:s17], [sflag:$0x4], $0x80, $0x38;
	[tilespmem:$0x12100] =	vst v63  }
0x3e0: {  	s20 =	rddreg [dreg:$0x9];
	s23 =	simm.s32 $0xA180  }
0x3e1: {  	[hbm4b:s20+s3] =	stream.linear.scatter [tilespmem:s23], [sflag:$0x4], $0x80, $0x38;
	[tilespmem:$0x12100] =	vst v63  }
0x3e2: {  	s24 =	sadd.s32 $0x10, s20;
	s25 =	simm.s32 $0xA208  }
0x3e3: {  	[hbm4b:s24+s3] =	stream.linear.scatter [tilespmem:s25], [sflag:$0x4], $0x80, $0x38;
	[tilespmem:$0x12100] =	vst v63  }
0x3e4: {  	s28 =	sadd.s32 $0x20, s20;
	s29 =	simm.s32 $0xA290  }
0x3e5: {  	[hbm4b:s28+s3] =	stream.linear.scatter [tilespmem:s29], [sflag:$0x4], $0x80, $0x38;
	[tilespmem:$0x12100] =	vst v63  }
0x3e6: {  	s2 =	sadd.s32 $0x30, s20;
	s5 =	simm.s32 $0xA318  }
0x3e7: {  	[hbm4b:s2+s3] =	stream.linear.scatter [tilespmem:s5], [sflag:$0x4], $0x80, $0x38;
	[tilespmem:$0x12100] =	vst v63  }
0x3e8: {  	s6 =	sadd.s32 $0x40, s20;
	s7 =	simm.s32 $0xA3A0  }
0x3e9: {  	[hbm4b:s6+s3] =	stream.linear.scatter [tilespmem:s7], [sflag:$0x4], $0x80, $0x38;
	[tilespmem:$0x12100] =	vst v63  }
0x3ea: {  	s8 =	sadd.s32 $0x50, s20;
	s9 =	simm.s32 $0xA428  }
0x3eb: {  	[hbm4b:s8+s3] =	stream.linear.scatter [tilespmem:s9], [sflag:$0x4], $0x80, $0x38;
	[tilespmem:$0x12100] =	vst v63  }
0x3ec: {  	s10 =	sadd.s32 $0x60, s20;
	s11 =	simm.s32 $0xA4B0  }
0x3ed: {  	[hbm4b:s10+s3] =	stream.linear.scatter [tilespmem:s11], [sflag:$0x4], $0x80, $0x38;
	[tilespmem:$0x12100] =	vst v63  }
0x3ee: {  	s12 =	sadd.s32 $0x70, s20;
	s13 =	simm.s32 $0xA538  }
0x3ef: {  	[hbm4b:s12+s3] =	stream.linear.scatter [tilespmem:s13], [sflag:$0x4], $0x80, $0x38;
	[tilespmem:$0x12100] =	vst v63  }
0x3f0: {  	s14 =	rddreg [dreg:$0xa];
	s15 =	simm.s32 $0xA5C0  }
0x3f1: {  	[hbm4b:s14+s3] =	stream.linear.scatter [tilespmem:s15], [sflag:$0x4], $0x80, $0x38;
	[tilespmem:$0x12100] =	vst v63  }
0x3f2: {  	s16 =	sadd.s32 $0x10, s14;
	s17 =	simm.s32 $0xA648  }
0x3f3: {  	[hbm4b:s16+s3] =	stream.linear.scatter [tilespmem:s17], [sflag:$0x4], $0x80, $0x38;
	[tilespmem:$0x12100] =	vst v63  }
0x3f4: {  	s20 =	sadd.s32 $0x20, s14;
	s23 =	simm.s32 $0xA6D0  }
0x3f5: {  	[hbm4b:s20+s3] =	stream.linear.scatter [tilespmem:s23], [sflag:$0x4], $0x80, $0x38;
	[tilespmem:$0x12100] =	vst v63  }
0x3f6: {  	s24 =	sadd.s32 $0x30, s14;
	s25 =	simm.s32 $0xA758  }
0x3f7: {  	[hbm4b:s24+s3] =	stream.linear.scatter [tilespmem:s25], [sflag:$0x4], $0x80, $0x38;
	[tilespmem:$0x12100] =	vst v63  }
0x3f8: {  	s28 =	sadd.s32 $0x40, s14;
	s29 =	simm.s32 $0xA7E0  }
0x3f9: {  	[hbm4b:s28+s3] =	stream.linear.scatter [tilespmem:s29], [sflag:$0x4], $0x80, $0x38;
	[tilespmem:$0x12100] =	vst v63  }
0x3fa: {  	s2 =	sadd.s32 $0x50, s14;
	s5 =	simm.s32 $0xA868  }
0x3fb: {  	[hbm4b:s2+s3] =	stream.linear.scatter [tilespmem:s5], [sflag:$0x4], $0x80, $0x38;
	[tilespmem:$0x12100] =	vst v63  }
0x3fc: {  	s6 =	sadd.s32 $0x60, s14;
	s7 =	simm.s32 $0xA8F0  }
0x3fd: {  	[hbm4b:s6+s3] =	stream.linear.scatter [tilespmem:s7], [sflag:$0x4], $0x80, $0x38;
	[tilespmem:$0x12100] =	vst v63  }
0x3fe: {  	s8 =	sadd.s32 $0x70, s14;
	s9 =	simm.s32 $0xA978  }
0x3ff: {  	[hbm4b:s8+s3] =	stream.linear.scatter [tilespmem:s9], [sflag:$0x4], $0x80, $0x38;
	[tilespmem:$0x12100] =	vst v63  }
0x400: {  	s10 =	rddreg [dreg:$0xb];
	s11 =	simm.s32 $0xAA00  }
0x401: {  	[hbm4b:s10+s3] =	stream.linear.scatter [tilespmem:s11], [sflag:$0x4], $0x80, $0x38;
	[tilespmem:$0x12100] =	vst v63  }
0x402: {  	s12 =	sadd.s32 $0x10, s10;
	s13 =	simm.s32 $0xAA88  }
0x403: {  	[hbm4b:s12+s3] =	stream.linear.scatter [tilespmem:s13], [sflag:$0x4], $0x80, $0x38;
	[tilespmem:$0x12100] =	vst v63  }
0x404: {  	s14 =	sadd.s32 $0x20, s10;
	s15 =	simm.s32 $0xAB10  }
0x405: {  	[hbm4b:s14+s3] =	stream.linear.scatter [tilespmem:s15], [sflag:$0x4], $0x80, $0x38;
	[tilespmem:$0x12100] =	vst v63  }
0x406: {  	s16 =	sadd.s32 $0x30, s10;
	s17 =	simm.s32 $0xAB98  }
0x407: {  	[hbm4b:s16+s3] =	stream.linear.scatter [tilespmem:s17], [sflag:$0x4], $0x80, $0x38;
	[tilespmem:$0x12100] =	vst v63  }
0x408: {  	s20 =	sadd.s32 $0x40, s10;
	s23 =	simm.s32 $0xAC20  }
0x409: {  	[hbm4b:s20+s3] =	stream.linear.scatter [tilespmem:s23], [sflag:$0x4], $0x80, $0x38;
	[tilespmem:$0x12100] =	vst v63  }
0x40a: {  	s24 =	sadd.s32 $0x50, s10;
	s25 =	simm.s32 $0xACA8  }
0x40b: {  	[hbm4b:s24+s3] =	stream.linear.scatter [tilespmem:s25], [sflag:$0x4], $0x80, $0x38;
	[tilespmem:$0x12100] =	vst v63  }
0x40c: {  	s28 =	sadd.s32 $0x60, s10;
	s29 =	simm.s32 $0xAD30  }
0x40d: {  	[hbm4b:s28+s3] =	stream.linear.scatter [tilespmem:s29], [sflag:$0x4], $0x80, $0x38;
	[tilespmem:$0x12100] =	vst v63  }
0x40e: {  	s2 =	sadd.s32 $0x70, s10;
	s5 =	simm.s32 $0xADB8  }
0x40f: {  	[hbm4b:s2+s3] =	stream.linear.scatter [tilespmem:s5], [sflag:$0x4], $0x80, $0x38;
	[tilespmem:$0x12100] =	vst v63  }
0x410: {  	s6 =	rddreg [dreg:$0xc];
	s7 =	simm.s32 $0xAE40  }
0x411: {  	[hbm4b:s6+s3] =	stream.linear.scatter [tilespmem:s7], [sflag:$0x4], $0x80, $0x38;
	[tilespmem:$0x12100] =	vst v63  }
0x412: {  	s8 =	sadd.s32 $0x10, s6;
	s9 =	simm.s32 $0xAEC8  }
0x413: {  	[hbm4b:s8+s3] =	stream.linear.scatter [tilespmem:s9], [sflag:$0x4], $0x80, $0x38;
	[tilespmem:$0x12100] =	vst v63  }
0x414: {  	s10 =	sadd.s32 $0x20, s6;
	s11 =	simm.s32 $0xAF50  }
0x415: {  	[hbm4b:s10+s3] =	stream.linear.scatter [tilespmem:s11], [sflag:$0x4], $0x80, $0x38;
	[tilespmem:$0x12100] =	vst v63  }
0x416: {  	s12 =	sadd.s32 $0x30, s6;
	s13 =	simm.s32 $0xAFD8  }
0x417: {  	[hbm4b:s12+s3] =	stream.linear.scatter [tilespmem:s13], [sflag:$0x4], $0x80, $0x38;
	[tilespmem:$0x12100] =	vst v63  }
0x418: {  	s14 =	sadd.s32 $0x40, s6;
	s15 =	simm.s32 $0xB060  }
0x419: {  	[hbm4b:s14+s3] =	stream.linear.scatter [tilespmem:s15], [sflag:$0x4], $0x80, $0x38;
	[tilespmem:$0x12100] =	vst v63  }
0x41a: {  	s16 =	sadd.s32 $0x50, s6;
	s17 =	simm.s32 $0xB0E8  }
0x41b: {  	[hbm4b:s16+s3] =	stream.linear.scatter [tilespmem:s17], [sflag:$0x4], $0x80, $0x38;
	[tilespmem:$0x12100] =	vst v63  }
0x41c: {  	s20 =	sadd.s32 $0x60, s6;
	s23 =	simm.s32 $0xB170  }
0x41d: {  	[hbm4b:s20+s3] =	stream.linear.scatter [tilespmem:s23], [sflag:$0x4], $0x80, $0x38;
	[tilespmem:$0x12100] =	vst v63  }
0x41e: {  	s24 =	sadd.s32 $0x70, s6;
	s25 =	simm.s32 $0xB1F8  }
0x41f: {  	[hbm4b:s24+s3] =	stream.linear.scatter [tilespmem:s25], [sflag:$0x4], $0x80, $0x38;
	[tilespmem:$0x12100] =	vst v63  }
0x420: {  	s28 =	rddreg [dreg:$0xd];
	s29 =	simm.s32 $0xB280  }
0x421: {  	[hbm4b:s28+s3] =	stream.linear.scatter [tilespmem:s29], [sflag:$0x4], $0x80, $0x38;
	[tilespmem:$0x12100] =	vst v63  }
0x422: {  	s2 =	sadd.s32 $0x10, s28;
	s5 =	simm.s32 $0xB308  }
0x423: {  	[hbm4b:s2+s3] =	stream.linear.scatter [tilespmem:s5], [sflag:$0x4], $0x80, $0x38;
	[tilespmem:$0x12100] =	vst v63  }
0x424: {  	s6 =	sadd.s32 $0x20, s28;
	s7 =	simm.s32 $0xB390  }
0x425: {  	[hbm4b:s6+s3] =	stream.linear.scatter [tilespmem:s7], [sflag:$0x4], $0x80, $0x38;
	[tilespmem:$0x12100] =	vst v63  }
0x426: {  	s8 =	sadd.s32 $0x30, s28;
	s9 =	simm.s32 $0xB418  }
0x427: {  	[hbm4b:s8+s3] =	stream.linear.scatter [tilespmem:s9], [sflag:$0x4], $0x80, $0x38;
	[tilespmem:$0x12100] =	vst v63  }
0x428: {  	s10 =	sadd.s32 $0x40, s28;
	s11 =	simm.s32 $0xB4A0  }
0x429: {  	[hbm4b:s10+s3] =	stream.linear.scatter [tilespmem:s11], [sflag:$0x4], $0x80, $0x38;
	[tilespmem:$0x12100] =	vst v63  }
0x42a: {  	s12 =	sadd.s32 $0x50, s28;
	s13 =	simm.s32 $0xB528  }
0x42b: {  	[hbm4b:s12+s3] =	stream.linear.scatter [tilespmem:s13], [sflag:$0x4], $0x80, $0x38;
	[tilespmem:$0x12100] =	vst v63  }
0x42c: {  	s14 =	sadd.s32 $0x60, s28;
	s15 =	simm.s32 $0xB5B0  }
0x42d: {  	[hbm4b:s14+s3] =	stream.linear.scatter [tilespmem:s15], [sflag:$0x4], $0x80, $0x38;
	[tilespmem:$0x12100] =	vst v63  }
0x42e: {  	s16 =	sadd.s32 $0x70, s28;
	s17 =	simm.s32 $0xB638  }
0x42f: {  	[hbm4b:s16+s3] =	stream.linear.scatter [tilespmem:s17], [sflag:$0x4], $0x80, $0x38;
	[tilespmem:$0x12100] =	vst v63  }
0x430: {  	s20 =	rddreg [dreg:$0xe];
	s23 =	simm.s32 $0xB6C0  }
0x431: {  	[hbm4b:s20+s3] =	stream.linear.scatter [tilespmem:s23], [sflag:$0x4], $0x80, $0x38;
	[tilespmem:$0x12100] =	vst v63  }
0x432: {  	s24 =	sadd.s32 $0x10, s20;
	s25 =	simm.s32 $0xB748  }
0x433: {  	[hbm4b:s24+s3] =	stream.linear.scatter [tilespmem:s25], [sflag:$0x4], $0x80, $0x38;
	[tilespmem:$0x12100] =	vst v63  }
0x434: {  	s28 =	sadd.s32 $0x20, s20;
	s29 =	simm.s32 $0xB7D0  }
0x435: {  	[hbm4b:s28+s3] =	stream.linear.scatter [tilespmem:s29], [sflag:$0x4], $0x80, $0x38;
	[tilespmem:$0x12100] =	vst v63  }
0x436: {  	s2 =	sadd.s32 $0x30, s20;
	s5 =	simm.s32 $0xB858  }
0x437: {  	[hbm4b:s2+s3] =	stream.linear.scatter [tilespmem:s5], [sflag:$0x4], $0x80, $0x38;
	[tilespmem:$0x12100] =	vst v63  }
0x438: {  	s6 =	sadd.s32 $0x40, s20;
	s7 =	simm.s32 $0xB8E0  }
0x439: {  	[hbm4b:s6+s3] =	stream.linear.scatter [tilespmem:s7], [sflag:$0x4], $0x80, $0x38;
	[tilespmem:$0x12100] =	vst v63  }
0x43a: {  	s8 =	sadd.s32 $0x50, s20;
	s9 =	simm.s32 $0xB968  }
0x43b: {  	[hbm4b:s8+s3] =	stream.linear.scatter [tilespmem:s9], [sflag:$0x4], $0x80, $0x38;
	[tilespmem:$0x12100] =	vst v63  }
0x43c: {  	s10 =	sadd.s32 $0x60, s20;
	s11 =	simm.s32 $0xB9F0  }
0x43d: {  	[hbm4b:s10+s3] =	stream.linear.scatter [tilespmem:s11], [sflag:$0x4], $0x80, $0x38;
	[tilespmem:$0x12100] =	vst v63  }
0x43e: {  	s12 =	sadd.s32 $0x70, s20;
	s13 =	simm.s32 $0xBA78  }
0x43f: {  	[hbm4b:s12+s3] =	stream.linear.scatter [tilespmem:s13], [sflag:$0x4], $0x80, $0x38;
	[tilespmem:$0x12100] =	vst v63  }
0x440: {  	s14 =	rddreg [dreg:$0xf];
	s15 =	simm.s32 $0xBB00  }
0x441: {  	[hbm4b:s14+s3] =	stream.linear.scatter [tilespmem:s15], [sflag:$0x4], $0x80, $0x38;
	[tilespmem:$0x12100] =	vst v63  }
0x442: {  	s16 =	sadd.s32 $0x10, s14;
	s17 =	simm.s32 $0xBB88  }
0x443: {  	[hbm4b:s16+s3] =	stream.linear.scatter [tilespmem:s17], [sflag:$0x4], $0x80, $0x38;
	[tilespmem:$0x12100] =	vst v63  }
0x444: {  	s20 =	sadd.s32 $0x20, s14;
	s23 =	simm.s32 $0xBC10  }
0x445: {  	[hbm4b:s20+s3] =	stream.linear.scatter [tilespmem:s23], [sflag:$0x4], $0x80, $0x38;
	[tilespmem:$0x12100] =	vst v63  }
0x446: {  	s24 =	sadd.s32 $0x30, s14;
	s25 =	simm.s32 $0xBC98  }
0x447: {  	[hbm4b:s24+s3] =	stream.linear.scatter [tilespmem:s25], [sflag:$0x4], $0x80, $0x38;
	[tilespmem:$0x12100] =	vst v63  }
0x448: {  	s28 =	sadd.s32 $0x40, s14;
	s29 =	simm.s32 $0xBD20  }
0x449: {  	[hbm4b:s28+s3] =	stream.linear.scatter [tilespmem:s29], [sflag:$0x4], $0x80, $0x38;
	[tilespmem:$0x12100] =	vst v63  }
0x44a: {  	s2 =	sadd.s32 $0x50, s14;
	s5 =	simm.s32 $0xBDA8  }
0x44b: {  	[hbm4b:s2+s3] =	stream.linear.scatter [tilespmem:s5], [sflag:$0x4], $0x80, $0x38;
	[tilespmem:$0x12100] =	vst v63  }
0x44c: {  	s6 =	sadd.s32 $0x60, s14;
	s7 =	simm.s32 $0xBE30  }
0x44d: {  	[hbm4b:s6+s3] =	stream.linear.scatter [tilespmem:s7], [sflag:$0x4], $0x80, $0x38;
	[tilespmem:$0x12100] =	vst v63  }
0x44e: {  	s8 =	sadd.s32 $0x70, s14;
	s9 =	simm.s32 $0xBEB8  }
0x44f: {  	[hbm4b:s8+s3] =	stream.linear.scatter [tilespmem:s9], [sflag:$0x4], $0x80, $0x38;
	[tilespmem:$0x12100] =	vst v63  }
0x450: {  	s10 =	rddreg [dreg:$0x10];
	s11 =	simm.s32 $0xBF40  }
0x451: {  	[hbm4b:s10+s3] =	stream.linear.scatter [tilespmem:s11], [sflag:$0x4], $0x80, $0x38;
	[tilespmem:$0x12100] =	vst v63  }
0x452: {  	s12 =	sadd.s32 $0x10, s10;
	s13 =	simm.s32 $0xBFC8  }
0x453: {  	[hbm4b:s12+s3] =	stream.linear.scatter [tilespmem:s13], [sflag:$0x4], $0x80, $0x38;
	[tilespmem:$0x12100] =	vst v63  }
0x454: {  	s14 =	sadd.s32 $0x20, s10;
	s15 =	simm.s32 $0xC050  }
0x455: {  	[hbm4b:s14+s3] =	stream.linear.scatter [tilespmem:s15], [sflag:$0x4], $0x80, $0x38;
	[tilespmem:$0x12100] =	vst v63  }
0x456: {  	s16 =	sadd.s32 $0x30, s10;
	s17 =	simm.s32 $0xC0D8  }
0x457: {  	[hbm4b:s16+s3] =	stream.linear.scatter [tilespmem:s17], [sflag:$0x4], $0x80, $0x38;
	[tilespmem:$0x12100] =	vst v63  }
0x458: {  	s20 =	sadd.s32 $0x40, s10;
	s23 =	simm.s32 $0xC160  }
0x459: {  	[hbm4b:s20+s3] =	stream.linear.scatter [tilespmem:s23], [sflag:$0x4], $0x80, $0x38;
	[tilespmem:$0x12100] =	vst v63  }
0x45a: {  	s24 =	sadd.s32 $0x50, s10;
	s25 =	simm.s32 $0xC1E8  }
0x45b: {  	[hbm4b:s24+s3] =	stream.linear.scatter [tilespmem:s25], [sflag:$0x4], $0x80, $0x38;
	[tilespmem:$0x12100] =	vst v63  }
0x45c: {  	s28 =	sadd.s32 $0x60, s10;
	s29 =	simm.s32 $0xC270  }
0x45d: {  	[hbm4b:s28+s3] =	stream.linear.scatter [tilespmem:s29], [sflag:$0x4], $0x80, $0x38;
	[tilespmem:$0x12100] =	vst v63  }
0x45e: {  	s2 =	sadd.s32 $0x70, s10;
	s5 =	simm.s32 $0xC2F8  }
0x45f: {  	[hbm4b:s2+s3] =	stream.linear.scatter [tilespmem:s5], [sflag:$0x4], $0x80, $0x38;
	[tilespmem:$0x12100] =	vst v63  }
0x460: {  	s6 =	rddreg [dreg:$0x11];
	s7 =	simm.s32 $0xC380  }
0x461: {  	[hbm4b:s6+s3] =	stream.linear.scatter [tilespmem:s7], [sflag:$0x4], $0x80, $0x38;
	[tilespmem:$0x12100] =	vst v63  }
0x462: {  	s8 =	sadd.s32 $0x10, s6;
	s9 =	simm.s32 $0xC408  }
0x463: {  	[hbm4b:s8+s3] =	stream.linear.scatter [tilespmem:s9], [sflag:$0x4], $0x80, $0x38;
	[tilespmem:$0x12100] =	vst v63  }
0x464: {  	s10 =	sadd.s32 $0x20, s6;
	s11 =	simm.s32 $0xC490  }
0x465: {  	[hbm4b:s10+s3] =	stream.linear.scatter [tilespmem:s11], [sflag:$0x4], $0x80, $0x38;
	[tilespmem:$0x12100] =	vst v63  }
0x466: {  	s12 =	sadd.s32 $0x30, s6;
	s13 =	simm.s32 $0xC518  }
0x467: {  	[hbm4b:s12+s3] =	stream.linear.scatter [tilespmem:s13], [sflag:$0x4], $0x80, $0x38;
	[tilespmem:$0x12100] =	vst v63  }
0x468: {  	s14 =	sadd.s32 $0x40, s6;
	s15 =	simm.s32 $0xC5A0  }
0x469: {  	[hbm4b:s14+s3] =	stream.linear.scatter [tilespmem:s15], [sflag:$0x4], $0x80, $0x38;
	[tilespmem:$0x12100] =	vst v63  }
0x46a: {  	s16 =	sadd.s32 $0x50, s6;
	s17 =	simm.s32 $0xC628  }
0x46b: {  	[hbm4b:s16+s3] =	stream.linear.scatter [tilespmem:s17], [sflag:$0x4], $0x80, $0x38;
	[tilespmem:$0x12100] =	vst v63  }
0x46c: {  	s20 =	sadd.s32 $0x60, s6;
	s23 =	simm.s32 $0xC6B0  }
0x46d: {  	[hbm4b:s20+s3] =	stream.linear.scatter [tilespmem:s23], [sflag:$0x4], $0x80, $0x38;
	[tilespmem:$0x12100] =	vst v63  }
0x46e: {  	s24 =	sadd.s32 $0x70, s6;
	s25 =	simm.s32 $0xC738  }
0x46f: {  	[hbm4b:s24+s3] =	stream.linear.scatter [tilespmem:s25], [sflag:$0x4], $0x80, $0x38;
	[tilespmem:$0x12100] =	vst v63  }
0x470: {  	s28 =	rddreg [dreg:$0x12];
	s29 =	simm.s32 $0xC7C0  }
0x471: {  	[hbm4b:s28+s3] =	stream.linear.scatter [tilespmem:s29], [sflag:$0x4], $0x80, $0x38;
	[tilespmem:$0x12100] =	vst v63  }
0x472: {  	s2 =	sadd.s32 $0x10, s28;
	s5 =	simm.s32 $0xC848  }
0x473: {  	[hbm4b:s2+s3] =	stream.linear.scatter [tilespmem:s5], [sflag:$0x4], $0x80, $0x38;
	[tilespmem:$0x12100] =	vst v63  }
0x474: {  	s6 =	sadd.s32 $0x20, s28;
	s7 =	simm.s32 $0xC8D0  }
0x475: {  	[hbm4b:s6+s3] =	stream.linear.scatter [tilespmem:s7], [sflag:$0x4], $0x80, $0x38;
	[tilespmem:$0x12100] =	vst v63  }
0x476: {  	s8 =	sadd.s32 $0x30, s28;
	s9 =	simm.s32 $0xC958  }
0x477: {  	[hbm4b:s8+s3] =	stream.linear.scatter [tilespmem:s9], [sflag:$0x4], $0x80, $0x38;
	[tilespmem:$0x12100] =	vst v63  }
0x478: {  	s10 =	sadd.s32 $0x40, s28;
	s11 =	simm.s32 $0xC9E0  }
0x479: {  	[hbm4b:s10+s3] =	stream.linear.scatter [tilespmem:s11], [sflag:$0x4], $0x80, $0x38;
	[tilespmem:$0x12100] =	vst v63  }
0x47a: {  	s12 =	sadd.s32 $0x50, s28;
	s13 =	simm.s32 $0xCA68  }
0x47b: {  	[hbm4b:s12+s3] =	stream.linear.scatter [tilespmem:s13], [sflag:$0x4], $0x80, $0x38;
	[tilespmem:$0x12100] =	vst v63  }
0x47c: {  	s14 =	sadd.s32 $0x60, s28;
	s15 =	simm.s32 $0xCAF0  }
0x47d: {  	[hbm4b:s14+s3] =	stream.linear.scatter [tilespmem:s15], [sflag:$0x4], $0x80, $0x38;
	[tilespmem:$0x12100] =	vst v63  }
0x47e: {  	s16 =	sadd.s32 $0x70, s28;
	s17 =	simm.s32 $0xCB78  }
0x47f: {  	[hbm4b:s16+s3] =	stream.linear.scatter [tilespmem:s17], [sflag:$0x4], $0x80, $0x38;
	[tilespmem:$0x12100] =	vst v63  }
0x480: {  	s20 =	rddreg [dreg:$0x13];
	s23 =	simm.s32 $0xCC00  }
0x481: {  	[hbm4b:s20+s3] =	stream.linear.scatter [tilespmem:s23], [sflag:$0x4], $0x80, $0x38;
	[tilespmem:$0x12100] =	vst v63  }
0x482: {  	s24 =	sadd.s32 $0x10, s20;
	s25 =	simm.s32 $0xCC88  }
0x483: {  	[hbm4b:s24+s3] =	stream.linear.scatter [tilespmem:s25], [sflag:$0x4], $0x80, $0x38;
	[tilespmem:$0x12100] =	vst v63  }
0x484: {  	s28 =	sadd.s32 $0x20, s20;
	s29 =	simm.s32 $0xCD10  }
0x485: {  	[hbm4b:s28+s3] =	stream.linear.scatter [tilespmem:s29], [sflag:$0x4], $0x80, $0x38;
	[tilespmem:$0x12100] =	vst v63  }
0x486: {  	s2 =	sadd.s32 $0x30, s20;
	s5 =	simm.s32 $0xCD98  }
0x487: {  	[hbm4b:s2+s3] =	stream.linear.scatter [tilespmem:s5], [sflag:$0x4], $0x80, $0x38;
	[tilespmem:$0x12100] =	vst v63  }
0x488: {  	s6 =	sadd.s32 $0x40, s20;
	s7 =	simm.s32 $0xCE20  }
0x489: {  	[hbm4b:s6+s3] =	stream.linear.scatter [tilespmem:s7], [sflag:$0x4], $0x80, $0x38;
	[tilespmem:$0x12100] =	vst v63  }
0x48a: {  	s8 =	sadd.s32 $0x50, s20;
	s9 =	simm.s32 $0xCEA8  }
0x48b: {  	[hbm4b:s8+s3] =	stream.linear.scatter [tilespmem:s9], [sflag:$0x4], $0x80, $0x38;
	[tilespmem:$0x12100] =	vst v63  }
0x48c: {  	s10 =	sadd.s32 $0x60, s20;
	s11 =	simm.s32 $0xCF30  }
0x48d: {  	[hbm4b:s10+s3] =	stream.linear.scatter [tilespmem:s11], [sflag:$0x4], $0x80, $0x38;
	[tilespmem:$0x12100] =	vst v63  }
0x48e: {  	s12 =	sadd.s32 $0x70, s20;
	s13 =	simm.s32 $0xCFB8  }
0x48f: {  	[hbm4b:s12+s3] =	stream.linear.scatter [tilespmem:s13], [sflag:$0x4], $0x80, $0x38;
	[tilespmem:$0x12100] =	vst v63  }
0x490: {  	s14 =	rddreg [dreg:$0x14];
	s15 =	simm.s32 $0xD040  }
0x491: {  	[hbm4b:s14+s3] =	stream.linear.scatter [tilespmem:s15], [sflag:$0x4], $0x80, $0x38;
	[tilespmem:$0x12100] =	vst v63  }
0x492: {  	s16 =	sadd.s32 $0x10, s14;
	s17 =	simm.s32 $0xD0C8  }
0x493: {  	[hbm4b:s16+s3] =	stream.linear.scatter [tilespmem:s17], [sflag:$0x4], $0x80, $0x38;
	[tilespmem:$0x12100] =	vst v63  }
0x494: {  	s20 =	sadd.s32 $0x20, s14;
	s23 =	simm.s32 $0xD150  }
0x495: {  	[hbm4b:s20+s3] =	stream.linear.scatter [tilespmem:s23], [sflag:$0x4], $0x80, $0x38;
	[tilespmem:$0x12100] =	vst v63  }
0x496: {  	s24 =	sadd.s32 $0x30, s14;
	s25 =	simm.s32 $0xD1D8  }
0x497: {  	[hbm4b:s24+s3] =	stream.linear.scatter [tilespmem:s25], [sflag:$0x4], $0x80, $0x38;
	[tilespmem:$0x12100] =	vst v63  }
0x498: {  	s28 =	sadd.s32 $0x40, s14;
	s29 =	simm.s32 $0xD260  }
0x499: {  	[hbm4b:s28+s3] =	stream.linear.scatter [tilespmem:s29], [sflag:$0x4], $0x80, $0x38;
	[tilespmem:$0x12100] =	vst v63  }
0x49a: {  	s2 =	sadd.s32 $0x50, s14;
	s5 =	simm.s32 $0xD2E8  }
0x49b: {  	[hbm4b:s2+s3] =	stream.linear.scatter [tilespmem:s5], [sflag:$0x4], $0x80, $0x38;
	[tilespmem:$0x12100] =	vst v63  }
0x49c: {  	s6 =	sadd.s32 $0x60, s14;
	s7 =	simm.s32 $0xD370  }
0x49d: {  	[hbm4b:s6+s3] =	stream.linear.scatter [tilespmem:s7], [sflag:$0x4], $0x80, $0x38;
	[tilespmem:$0x12100] =	vst v63  }
0x49e: {  	s8 =	sadd.s32 $0x70, s14;
	s9 =	simm.s32 $0xD3F8  }
0x49f: {  	[hbm4b:s8+s3] =	stream.linear.scatter [tilespmem:s9], [sflag:$0x4], $0x80, $0x38;
	[tilespmem:$0x12100] =	vst v63  }
0x4a0: {  	s10 =	rddreg [dreg:$0x15];
	s11 =	simm.s32 $0xD480  }
0x4a1: {  	[hbm4b:s10+s3] =	stream.linear.scatter [tilespmem:s11], [sflag:$0x4], $0x80, $0x38;
	[tilespmem:$0x12100] =	vst v63  }
0x4a2: {  	s12 =	sadd.s32 $0x10, s10;
	s13 =	simm.s32 $0xD508  }
0x4a3: {  	[hbm4b:s12+s3] =	stream.linear.scatter [tilespmem:s13], [sflag:$0x4], $0x80, $0x38;
	[tilespmem:$0x12100] =	vst v63  }
0x4a4: {  	s14 =	sadd.s32 $0x20, s10;
	s15 =	simm.s32 $0xD590  }
0x4a5: {  	[hbm4b:s14+s3] =	stream.linear.scatter [tilespmem:s15], [sflag:$0x4], $0x80, $0x38;
	[tilespmem:$0x12100] =	vst v63  }
0x4a6: {  	s16 =	sadd.s32 $0x30, s10;
	s17 =	simm.s32 $0xD618  }
0x4a7: {  	[hbm4b:s16+s3] =	stream.linear.scatter [tilespmem:s17], [sflag:$0x4], $0x80, $0x38;
	[tilespmem:$0x12100] =	vst v63  }
0x4a8: {  	s20 =	sadd.s32 $0x40, s10;
	s23 =	simm.s32 $0xD6A0  }
0x4a9: {  	[hbm4b:s20+s3] =	stream.linear.scatter [tilespmem:s23], [sflag:$0x4], $0x80, $0x38;
	[tilespmem:$0x12100] =	vst v63  }
0x4aa: {  	s24 =	sadd.s32 $0x50, s10;
	s25 =	simm.s32 $0xD728  }
0x4ab: {  	[hbm4b:s24+s3] =	stream.linear.scatter [tilespmem:s25], [sflag:$0x4], $0x80, $0x38;
	[tilespmem:$0x12100] =	vst v63  }
0x4ac: {  	s28 =	sadd.s32 $0x60, s10;
	s29 =	simm.s32 $0xD7B0  }
0x4ad: {  	[hbm4b:s28+s3] =	stream.linear.scatter [tilespmem:s29], [sflag:$0x4], $0x80, $0x38;
	[tilespmem:$0x12100] =	vst v63  }
0x4ae: {  	s1 =	sadd.s32 $0x70, s10;
	s2 =	simm.s32 $0xD838  }
0x4af: {  	[hbm4b:s1+s3] =	stream.linear.scatter [tilespmem:s2], [sflag:$0x4], $0x80, $0x38;
	[tilespmem:$0x12100] =	vst v63  }
0x4b0: {  	s5 =	rddreg [dreg:$0x16];
	s6 =	simm.s32 $0xD8C0  }
0x4b1: {  	[hbm4b:s5+s3] =	stream.linear.scatter [tilespmem:s6], [sflag:$0x4], $0x80, $0x38;
	[tilespmem:$0x12100] =	vst v63  }
0x4b2: {  	s7 =	sadd.s32 $0x10, s5;
	s8 =	simm.s32 $0xD948  }
0x4b3: {  	[hbm4b:s7+s3] =	stream.linear.scatter [tilespmem:s8], [sflag:$0x4], $0x80, $0x38;
	[tilespmem:$0x12100] =	vst v63  }
0x4b4: {  	s9 =	sadd.s32 $0x20, s5;
	s10 =	simm.s32 $0xD9D0  }
0x4b5: {  	[hbm4b:s9+s3] =	stream.linear.scatter [tilespmem:s10], [sflag:$0x4], $0x80, $0x38;
	[tilespmem:$0x12100] =	vst v63  }
0x4b6: {  	s11 =	sadd.s32 $0x30, s5;
	s12 =	simm.s32 $0xDA58  }
0x4b7: {  	[hbm4b:s11+s3] =	stream.linear.scatter [tilespmem:s12], [sflag:$0x4], $0x80, $0x38;
	[tilespmem:$0x12100] =	vst v63  }
0x4b8: {  	s13 =	sadd.s32 $0x40, s5;
	s14 =	simm.s32 $0xDAE0  }
0x4b9: {  	[hbm4b:s13+s3] =	stream.linear.scatter [tilespmem:s14], [sflag:$0x4], $0x80, $0x38;
	[tilespmem:$0x12100] =	vst v63  }
0x4ba: {  	s15 =	sadd.s32 $0x50, s5;
	s16 =	simm.s32 $0xDB68  }
0x4bb: {  	[hbm4b:s15+s3] =	stream.linear.scatter [tilespmem:s16], [sflag:$0x4], $0x80, $0x38;
	[tilespmem:$0x12100] =	vst v63  }
0x4bc: {  	s17 =	sadd.s32 $0x60, s5;
	s20 =	simm.s32 $0xDBF0  }
0x4bd: {  	[hbm4b:s17+s3] =	stream.linear.scatter [tilespmem:s20], [sflag:$0x4], $0x80, $0x38;
	[tilespmem:$0x12100] =	vst v63  }
0x4be: {  	s23 =	sadd.s32 $0x70, s5;
	s24 =	simm.s32 $0xDC78;
	s25 =	simm.s32 $0x5  }
0x4bf: {  	[hbm4b:s23+s3] =	stream.linear.scatter [tilespmem:s24], [sflag:$0x4], $0x80, $0x38;
	[tilespmem:$0x12100] =	vst v63  }
0x4c0: {  	_ =	swait.ge [sflag:s25], $0x400  }
0x4c1: {  	[sflag:s25] =	ssyncset.done $0x0  }
0x4c2: {  	[sflag:s25] =	ssyncadd.s32 $0xFFFFFC00  }
0x4c3: {  	_ =	swait.ge [sflag:s25], $0x400  }
0x4c4: {  	[sflag:s25] =	ssyncset.done $0x0  }
0x4c5: {  	[sflag:s25] =	ssyncadd.s32 $0xFFFFFC00  }
0x4c6: {  	_ =	swait.ge [sflag:s25], $0x400  }
0x4c7: {  	[sflag:s25] =	ssyncset.done $0x0  }
0x4c8: {  	[sflag:s25] =	ssyncadd.s32 $0xFFFFFC00  }
0x4c9: {  	_ =	swait.ge [sflag:s25], $0x400  }
0x4ca: {  	[sflag:s25] =	ssyncset.done $0x0  }
0x4cb: {  	[sflag:s25] =	ssyncadd.s32 $0xFFFFFC00  }
0x4cc: {  	_ =	swait.ge [sflag:s25], $0x400  }
0x4cd: {  	[sflag:s25] =	ssyncset.done $0x0  }
0x4ce: {  	[sflag:s25] =	ssyncadd.s32 $0xFFFFFC00  }
0x4cf: {  	_ =	swait.ge [sflag:s25], $0x400  }
0x4d0: {  	[sflag:s25] =	ssyncset.done $0x0  }
0x4d1: {  	[sflag:s25] =	ssyncadd.s32 $0xFFFFFC00  }
0x4d2: {  	_ =	swait.ge [sflag:s25], $0x400  }
0x4d3: {  	[sflag:s25] =	ssyncset.done $0x0  }
0x4d4: {  	[sflag:s25] =	ssyncadd.s32 $0xFFFFFC00  }
0x4d5: {  	_ =	swait.ge [sflag:s25], $0x400  }
0x4d6: {  	[sflag:s25] =	ssyncset.done $0x0  }
0x4d7: {  	[sflag:s25] =	ssyncadd.s32 $0xFFFFFC00  }
0x4d8: {  	_ =	swait.ge [sflag:s25], $0x400  }
0x4d9: {  	[sflag:s25] =	ssyncset.done $0x0  }
0x4da: {  	[sflag:s25] =	ssyncadd.s32 $0xFFFFFC00  }
0x4db: {  	_ =	swait.ge [sflag:s25], $0x400  }
0x4dc: {  	[sflag:s25] =	ssyncset.done $0x0  }
0x4dd: {  	[sflag:s25] =	ssyncadd.s32 $0xFFFFFC00  }
0x4de: {  	_ =	swait.ge [sflag:s25], $0x400  }
0x4df: {  	[sflag:s25] =	ssyncset.done $0x0  }
0x4e0: {  	[sflag:s25] =	ssyncadd.s32 $0xFFFFFC00  }
0x4e1: {  	_ =	swait.ge [sflag:s25], $0x400  }
0x4e2: {  	[sflag:s25] =	ssyncset.done $0x0  }
0x4e3: {  	[sflag:s25] =	ssyncadd.s32 $0xFFFFFC00  }
0x4e4: {  	_ =	swait.ge [sflag:s25], $0x400  }
0x4e5: {  	[sflag:s25] =	ssyncset.done $0x0  }
0x4e6: {  	[sflag:s25] =	ssyncadd.s32 $0xFFFFFC00  }
0x4e7: {  	_ =	swait.ge [sflag:s25], $0x400  }
0x4e8: {  	[sflag:s25] =	ssyncset.done $0x0  }
0x4e9: {  	[sflag:s25] =	ssyncadd.s32 $0xFFFFFC00  }
0x4ea: {  	_ =	swait.ge [sflag:s25], $0x400  }
0x4eb: {  	[sflag:s25] =	ssyncset.done $0x0  }
0x4ec: {  	[sflag:s25] =	ssyncadd.s32 $0xFFFFFC00  }
0x4ed: {  	_ =	swait.ge [sflag:s25], $0x400  }
0x4ee: {  	[sflag:s25] =	ssyncset.done $0x0  }
0x4ef: {  	[sflag:s25] =	ssyncadd.s32 $0xFFFFFC00  }
0x4f0: {  	_ =	swait.ge [sflag:s26], $0x400  }
0x4f1: {  	[sflag:s26] =	ssyncset.done $0x0  }
0x4f2: {  	[sflag:s26] =	ssyncadd.s32 $0xFFFFFC00  }
0x4f3: {  	_ =	swait.ge [sflag:s26], $0x400  }
0x4f4: {  	[sflag:s26] =	ssyncset.done $0x0  }
0x4f5: {  	[sflag:s26] =	ssyncadd.s32 $0xFFFFFC00  }
0x4f6: {  	_ =	swait.ge [sflag:s26], $0x400  }
0x4f7: {  	[sflag:s26] =	ssyncset.done $0x0  }
0x4f8: {  	[sflag:s26] =	ssyncadd.s32 $0xFFFFFC00  }
0x4f9: {  	_ =	swait.ge [sflag:s26], $0x400  }
0x4fa: {  	[sflag:s26] =	ssyncset.done $0x0  }
0x4fb: {  	[sflag:s26] =	ssyncadd.s32 $0xFFFFFC00  }
0x4fc: {  	_ =	swait.ge [sflag:s26], $0x400  }
0x4fd: {  	[sflag:s26] =	ssyncset.done $0x0  }
0x4fe: {  	[sflag:s26] =	ssyncadd.s32 $0xFFFFFC00  }
0x4ff: {  	_ =	swait.ge [sflag:s26], $0x400  }
0x500: {  	[sflag:s26] =	ssyncset.done $0x0  }
0x501: {  	[sflag:s26] =	ssyncadd.s32 $0xFFFFFC00  }
0x502: {  	_ =	swait.ge [sflag:s26], $0x400  }
0x503: {  	[sflag:s26] =	ssyncset.done $0x0  }
0x504: {  	[sflag:s26] =	ssyncadd.s32 $0xFFFFFC00  }
0x505: {  	_ =	swait.ge [sflag:s26], $0x400  }
0x506: {  	[sflag:s26] =	ssyncset.done $0x0  }
0x507: {  	[sflag:s26] =	ssyncadd.s32 $0xFFFFFC00  }
0x508: {  	_ =	swait.ge [sflag:s26], $0x400  }
0x509: {  	[sflag:s26] =	ssyncset.done $0x0  }
0x50a: {  	[sflag:s26] =	ssyncadd.s32 $0xFFFFFC00  }
0x50b: {  	_ =	swait.ge [sflag:s26], $0x400  }
0x50c: {  	[sflag:s26] =	ssyncset.done $0x0  }
0x50d: {  	[sflag:s26] =	ssyncadd.s32 $0xFFFFFC00  }
0x50e: {  	_ =	swait.ge [sflag:s26], $0x400  }
0x50f: {  	[sflag:s26] =	ssyncset.done $0x0  }
0x510: {  	[sflag:s26] =	ssyncadd.s32 $0xFFFFFC00  }
0x511: {  	_ =	swait.ge [sflag:s26], $0x400  }
0x512: {  	[sflag:s26] =	ssyncset.done $0x0  }
0x513: {  	[sflag:s26] =	ssyncadd.s32 $0xFFFFFC00  }
0x514: {  	_ =	swait.ge [sflag:s26], $0x400  }
0x515: {  	[sflag:s26] =	ssyncset.done $0x0  }
0x516: {  	[sflag:s26] =	ssyncadd.s32 $0xFFFFFC00  }
0x517: {  	_ =	swait.ge [sflag:s26], $0x400  }
0x518: {  	[sflag:s26] =	ssyncset.done $0x0  }
0x519: {  	[sflag:s26] =	ssyncadd.s32 $0xFFFFFC00  }
0x51a: {  	_ =	swait.ge [sflag:s26], $0x400  }
0x51b: {  	[sflag:s26] =	ssyncset.done $0x0  }
0x51c: {  	[sflag:s26] =	ssyncadd.s32 $0xFFFFFC00  }
0x51d: {  	_ =	swait.ge [sflag:s26], $0x400  }
0x51e: {  	s28 =	sld [smem:$0x7FA];
	_ =	sdelay $0x2  }
0x51f: {  	s29 =	rddreg [dreg:$0x17];
	s1 =	sadd.s32 $0x1, s28  }
0x520: {  	p0 =	sne.s32 s1, s29  }
.Ltmp4:
0x521: {  	_ = 	snop;
	(pc) =	sbr.rel @p0 .LBB2_1-.Ltmp4, $3  }
0x522: {  	_ =	sdelay $0x1  }
0x523: {  	[sflag:s26] =	ssyncset.done $0x0  }
0x524: {  	[sflag:s26] =	ssyncadd.s32 $0xFFFFFC00  }
0x525: {  	_ =	sfence.sel $0x180000  }
0x526: {  	[bflag:$0x0] =	sbarrier.arrive $0xFFFF  }
0x527: {  	_ =	strace $0x90000047  }
0x528: {  	s0 =	stileid.u32;
	[bflag:$0x2] =	sbarrier.arrive $0xFFFF  }
0x529: {  	p0 =	sne.s32 s0, $0x0;
	s0 =	rddreg [dreg:$0x2]  }
0x52a: {  	s0 =	sadd.s32 @!p0 $0x100000, s0  }
0x52b: {  	[sflag:s0] =	ssyncadd.tile.s32 @!p0 $0x1;
	_ =	shalt  }
.Lfunc_end2:
_tile_overlayer_lowered:
.L_overlay_start_2:
0x52c: {  	(tag) =	ssettag $0x2  }
0x52d: {  	s0 =	rddreg [dreg:$0x0];
	s2 =	stileid.u32  }
0x52e: {  	s1 =	rddreg [dreg:$0x1];
	p0 =	sne.s32 s2, $0x0  }
0x52f: {  	s3 =	rddreg [dreg:$0x2];
	[bflag:$0x3] =	sbarrier.arrive $0xFFFF;
	s2 =	simm.s32 @!p0 $0x1C06  }
0x530: {  	[timem:s3], [sflag:s2] =	dma.local @!p0 [hbm:s0], s1  }
0x531: {  	s0 =	simm.s32 @!p0 $0x6  }
0x532: {  	_ =	swait.ge @!p0 [sflag:s0], s1  }
0x533: {  	s1 =	ssub.s32 @!p0 $0x0, s1;
	[sflag:s0] =	ssyncset.done @!p0 $0x0  }
0x534: {  	[sflag:s0] =	ssyncadd.s32 @!p0 s1  }
0x535: {  	[bflag:$0x3] =	sbarrier.arrive $0xFFFF  }
0x536: {  	_ =	shalt  }

</sc_bundles>
